<compile_context>
chip_gen: v7x
topology: tpu7x:2x2x1
jax: 0.10.2.dev20260603
libtpu: 0.0.44.dev20260713+nightly
codegen_flags: <defaults>
</compile_context>

<pallas_src>
import functools

import jax
import jax.numpy as jnp
from jax import lax
from jax.experimental import pallas as pl
from jax.experimental.pallas import tpu as pltpu
from jax.experimental.pallas import tpu_sc as plsc

N = 262144
RES = 512
RANK = 48
OUT = 32

NC = 2
NS = 16
NW = NC * NS
L = 16

B = 64
PTS_PER_W = N // NW
CHUNKS = PTS_PER_W // B
P2 = RES * RES
NSLOT = 18
TAB_ROWS = 3 * P2 + 3 * RES


def _sc_body(xs, ys, zs, params, table, vm_out,
             xv, yv, zv, pv, idx_v, wbuf, rows_v, vm_v, sem):
    wid = lax.axis_index("c") * NS + lax.axis_index("s")
    base0 = wid * PTS_PER_W

    pltpu.sync_copy(params, pv)
    c0 = pv[0, pl.ds(0, L)]
    c1 = pv[1, pl.ds(0, L)]
    c2 = pv[2, pl.ds(0, L)]
    ih0 = pv[3, pl.ds(0, L)]
    ih1 = pv[4, pl.ds(0, L)]
    ih2 = pv[5, pl.ds(0, L)]

    def chunk(t, carry):
        base = base0 + t * B
        pltpu.sync_copy(xs.at[pl.ds(base, B)], xv)
        pltpu.sync_copy(ys.at[pl.ds(base, B)], yv)
        pltpu.sync_copy(zs.at[pl.ds(base, B)], zv)

        for g in range(B // L):
            sl = pl.ds(g * L, L)
            x = (xv[sl] - c0) * ih0
            y = (yv[sl] - c1) * ih1
            z = (zv[sl] - c2) * ih2
            linf = jnp.maximum(jnp.maximum(jnp.abs(x), jnp.abs(y)),
                               jnp.abs(z))
            inv = 1.0 / jnp.maximum(linf, 1.0)
            scale = (2.0 - inv) * inv
            big = linf > 1.0
            x = jnp.clip(jnp.where(big, x * scale, x), -1.0, 1.0)
            y = jnp.clip(jnp.where(big, y * scale, y), -1.0, 1.0)
            z = jnp.clip(jnp.where(big, z * scale, z), -1.0, 1.0)

            for p, (gx, gy, gl) in enumerate(((x, y, z), (x, z, y),
                                              (y, z, x))):
                fx = (gx + 1.0) * (0.5 * (RES - 1))
                fy = (gy + 1.0) * (0.5 * (RES - 1))
                x0 = fx.astype(jnp.int32)
                y0 = fy.astype(jnp.int32)
                wx1 = fx - x0.astype(jnp.float32)
                wy1 = fy - y0.astype(jnp.float32)
                wx0 = 1.0 - wx1
                wy0 = 1.0 - wy1
                x1 = jnp.minimum(x0 + 1, RES - 1)
                y1 = jnp.minimum(y0 + 1, RES - 1)
                pb = p * P2
                r0 = y0 * RES + pb
                r1 = y1 * RES + pb
                s = p * 4
                idx_v[s + 0, sl] = r0 + x0
                idx_v[s + 1, sl] = r0 + x1
                idx_v[s + 2, sl] = r1 + x0
                idx_v[s + 3, sl] = r1 + x1
                wbuf[s + 0, sl] = wy0 * wx0
                wbuf[s + 1, sl] = wy0 * wx1
                wbuf[s + 2, sl] = wy1 * wx0
                wbuf[s + 3, sl] = wy1 * wx1

                fl = (gl + 1.0) * (0.5 * (RES - 1))
                l0 = fl.astype(jnp.int32)
                wl1 = fl - l0.astype(jnp.float32)
                lb = 3 * P2 + p * RES
                sl2 = 12 + 2 * p
                idx_v[sl2, sl] = l0 + lb
                idx_v[sl2 + 1, sl] = jnp.minimum(l0 + 1, RES - 1) + lb
                wbuf[sl2, sl] = 1.0 - wl1
                wbuf[sl2 + 1, sl] = wl1

        cps = [pltpu.async_copy(table.at[idx_v.at[s]],
                                rows_v.at[pl.ds(s * B, B)], sem)
               for s in range(NSLOT)]
        for cp in cps:
            cp.wait()

        for g in range(B // L):
            sl = pl.ds(g * L, L)
            bvec = lax.iota(jnp.int32, L) + g * L
            rowv = [bvec + s * B for s in range(NSLOT)]
            wv = [wbuf[s, sl] for s in range(NSLOT)]

            def body(r, carry, rowv=rowv, wv=wv, bvec=bvec):
                rs = jnp.full((L,), r, jnp.int32)
                acc = jnp.zeros((L,), jnp.float32)
                for p in range(3):
                    s = p * 4
                    pvv = wv[s] * plsc.load_gather(rows_v, [rowv[s], rs])
                    for c in range(1, 4):
                        pvv = pvv + wv[s + c] * plsc.load_gather(
                            rows_v, [rowv[s + c], rs])
                    s2 = 12 + 2 * p
                    lvv = (wv[s2] * plsc.load_gather(rows_v, [rowv[s2], rs])
                           + wv[s2 + 1] * plsc.load_gather(
                               rows_v, [rowv[s2 + 1], rs]))
                    acc = acc + pvv * lvv
                plsc.store_scatter(vm_v, [bvec, rs], acc)
                return carry

            lax.fori_loop(0, RANK, body, 0)

        pltpu.sync_copy(vm_v, vm_out.at[pl.ds(base, B)])
        return carry

    lax.fori_loop(0, CHUNKS, chunk, 0)


def _sc_gather_combine(xs, ys, zs, params, table):
    mesh = plsc.VectorSubcoreMesh(core_axis_name="c", subcore_axis_name="s")
    f = pl.kernel(
        _sc_body,
        out_type=jax.ShapeDtypeStruct((N, RANK), jnp.float32),
        compiler_params=pltpu.CompilerParams(needs_layout_passes=False,
                                             use_tc_tiling_on_sc=False),
        mesh=mesh,
        scratch_types=[
            pltpu.VMEM((B,), jnp.float32),
            pltpu.VMEM((B,), jnp.float32),
            pltpu.VMEM((B,), jnp.float32),
            pltpu.VMEM((6, L), jnp.float32),
            pltpu.VMEM((NSLOT, B), jnp.int32),
            pltpu.VMEM((NSLOT, B), jnp.float32),
            pltpu.VMEM((NSLOT * B, RANK), jnp.float32),
            pltpu.VMEM((B, RANK), jnp.float32),
            pltpu.SemaphoreType.DMA,
        ],
    )
    return f(xs, ys, zs, params, table)


def _proj_body(vm_ref, w_ref, b_ref, o_ref):
    o_ref[...] = jnp.dot(vm_ref[...], w_ref[...],
                         preferred_element_type=jnp.float32) + b_ref[...]


def _project(vm_feat, w_t, b_row):
    blk = 2048
    return pl.pallas_call(
        _proj_body,
        grid=(N // blk,),
        in_specs=[
            pl.BlockSpec((blk, RANK), lambda i: (i, 0)),
            pl.BlockSpec((RANK, OUT), lambda i: (0, 0)),
            pl.BlockSpec((1, OUT), lambda i: (0, 0)),
        ],
        out_specs=pl.BlockSpec((blk, OUT), lambda i: (i, 0)),
        out_shape=jax.ShapeDtypeStruct((N, OUT), jnp.float32),
    )(vm_feat, w_t, b_row)


def kernel(coordinates, aabb, plane_xy, plane_xz, plane_yz,
           line_z, line_y, line_x, proj_w, proj_b):
    table = jnp.concatenate([
        plane_xy.transpose(1, 2, 0).reshape(P2, RANK),
        plane_xz.transpose(1, 2, 0).reshape(P2, RANK),
        plane_yz.transpose(1, 2, 0).reshape(P2, RANK),
        line_z.T, line_y.T, line_x.T,
    ], axis=0)
    xs = coordinates[:, 0]
    ys = coordinates[:, 1]
    zs = coordinates[:, 2]
    amin = aabb[:3]
    amax = aabb[3:]
    center = (amin + amax) * 0.5
    inv_half = 1.0 / jnp.clip((amax - amin) * 0.5, 1e-6, None)
    params = jnp.tile(jnp.concatenate([center, inv_half])[:, None], (1, L))

    vm_feat = _sc_gather_combine(xs, ys, zs, params, table)
    return _project(vm_feat, proj_w.T, proj_b.reshape(1, OUT))

# --- scband reference (transcript-rebuilt; emitter-appended) ---
"""Pipeline reference for scband-geo-encoder-3478923509786 (READ-ONLY COPY).

The authoritative reference and input builder live on the scoring server;
editing this copy changes nothing except your own understanding.
"""

import jax, jax.numpy as jnp
import numpy as np

N = 262144
RES = 512
RANK = 48
OUT = 32
SCALE = 0.1


def setup_inputs(seed: int = 0) -> dict:
    key = jax.random.key(seed)
    ks = jax.random.split(key, 10)
    coordinates = jax.random.normal(ks[0], (N, 3), dtype=jnp.float32)
    aabb = jnp.arange(6, dtype=jnp.float32)
    plane_xy = jax.random.normal(ks[1], (RANK, RES, RES), dtype=jnp.float32) * SCALE
    plane_xz = jax.random.normal(ks[2], (RANK, RES, RES), dtype=jnp.float32) * SCALE
    plane_yz = jax.random.normal(ks[3], (RANK, RES, RES), dtype=jnp.float32) * SCALE
    line_z = jax.random.normal(ks[4], (RANK, RES), dtype=jnp.float32) * SCALE
    line_y = jax.random.normal(ks[5], (RANK, RES), dtype=jnp.float32) * SCALE
    line_x = jax.random.normal(ks[6], (RANK, RES), dtype=jnp.float32) * SCALE
    proj_w = jax.random.normal(ks[7], (OUT, RANK), dtype=jnp.float32) * SCALE
    proj_b = jnp.zeros((OUT,), dtype=jnp.float32)
    return {
        'coordinates': coordinates, 'aabb': aabb,
        'plane_xy': plane_xy, 'plane_xz': plane_xz, 'plane_yz': plane_yz,
        'line_z': line_z, 'line_y': line_y, 'line_x': line_x,
        'proj_w': proj_w, 'proj_b': proj_b,
    }


def _contract_linf(xyz, aabb):
    amin = aabb[:3]
    amax = aabb[3:]
    center = (amin + amax) * 0.5
    half = jnp.clip((amax - amin) * 0.5, 1e-06, None)
    x = (xyz - center) / half
    linf = jnp.max(jnp.abs(x), axis=-1, keepdims=True)
    safe = jnp.maximum(linf, 1.0)
    scale = (2.0 - 1.0 / safe) / safe
    x = jnp.where(linf > 1.0, x * scale, x)
    return jnp.clip(x, -1.0, 1.0)


def _sample2d(img, gx, gy):
    # img: [R, H, W]; gx samples width, gy samples height; align_corners=True bilinear
    _, H, W = img.shape
    ix = (gx + 1.0) * 0.5 * (W - 1)
    iy = (gy + 1.0) * 0.5 * (H - 1)
    ix0 = jnp.floor(ix)
    iy0 = jnp.floor(iy)
    wx1 = ix - ix0
    wy1 = iy - iy0
    wx0 = 1.0 - wx1
    wy0 = 1.0 - wy1
    ix0i = jnp.clip(ix0.astype(jnp.int32), 0, W - 1)
    ix1i = jnp.clip(ix0i + 1, 0, W - 1)
    iy0i = jnp.clip(iy0.astype(jnp.int32), 0, H - 1)
    iy1i = jnp.clip(iy0i + 1, 0, H - 1)
    v00 = img[:, iy0i, ix0i]
    v01 = img[:, iy0i, ix1i]
    v10 = img[:, iy1i, ix0i]
    v11 = img[:, iy1i, ix1i]
    return v00 * (wy0 * wx0) + v01 * (wy0 * wx1) + v10 * (wy1 * wx0) + v11 * (wy1 * wx1)


def _sample1d(line, g):
    # line: [R, L]; linear interp along L (equivalent to grid_sample on [1,R,L,1] with x=0)
    _, L = line.shape
    iy = (g + 1.0) * 0.5 * (L - 1)
    iy0 = jnp.floor(iy)
    w1 = iy - iy0
    i0 = jnp.clip(iy0.astype(jnp.int32), 0, L - 1)
    i1 = jnp.clip(i0 + 1, 0, L - 1)
    return line[:, i0] * (1.0 - w1) + line[:, i1] * w1


def reference(coordinates, aabb, plane_xy, plane_xz, plane_yz, line_z, line_y, line_x, proj_w, proj_b):
    c = _contract_linf(coordinates, aabb)
    vm_xy = _sample2d(plane_xy, c[:, 0], c[:, 1]) * _sample1d(line_z, c[:, 2])
    vm_xz = _sample2d(plane_xz, c[:, 0], c[:, 2]) * _sample1d(line_y, c[:, 1])
    vm_yz = _sample2d(plane_yz, c[:, 1], c[:, 2]) * _sample1d(line_x, c[:, 0])
    vm_feat = (vm_xy + vm_xz + vm_yz).T  # [N, RANK]
    return vm_feat @ proj_w.T + proj_b

if __name__ == "__main__":
    import jax
    _d = setup_inputs()
    print(jax.jit(kernel)(*tuple(_d.values())))

</pallas_src>

<mosaic_0001>
#map = affine_map<(d0, d1) -> (0)>
#map1 = affine_map<(d0, d1) -> (0, 0)>
module attributes {stable_mosaic.version = 14 : i64} {
  func.func @_sc_body(%arg0: i32, %arg1: i32, %arg2: memref<262144xf32, #tpu.memory_space<hbm>>, %arg3: memref<262144xf32, #tpu.memory_space<hbm>>, %arg4: memref<262144xf32, #tpu.memory_space<hbm>>, %arg5: memref<6x16xf32, #tpu.memory_space<hbm>>, %arg6: memref<787968x48xf32, #tpu.memory_space<hbm>>, %arg7: memref<262144x48xf32, #tpu.memory_space<hbm>>, %arg8: memref<64xf32, #tpu.memory_space<vmem>>, %arg9: memref<64xf32, #tpu.memory_space<vmem>>, %arg10: memref<64xf32, #tpu.memory_space<vmem>>, %arg11: memref<6x16xf32, #tpu.memory_space<vmem>>, %arg12: memref<18x64xi32, #tpu.memory_space<vmem>>, %arg13: memref<18x64xf32, #tpu.memory_space<vmem>>, %arg14: memref<1152x48xf32, #tpu.memory_space<vmem>>, %arg15: memref<64x48xf32, #tpu.memory_space<vmem>>, %arg16: memref<!tpu.dma_semaphore, #tpu.memory_space<semaphore_mem>>) attributes {dimension_semantics = [#tpu.dimension_semantics<core_parallel>, #tpu.dimension_semantics<subcore_parallel>], iteration_bounds = array<i64: 2, 16>, scalar_prefetch = 0 : i64, scratch_operands = 9 : i64, tpu.core_type = #tpu.core_type<sc_vector_subcore>, window_params = [{transform_indices = #map}, {transform_indices = #map}, {transform_indices = #map}, {transform_indices = #map1}, {transform_indices = #map1}, {transform_indices = #map1}]} {
    %mul3A = arith.constant 16 : i32
    %mul3A_0 = arith.muli %arg0, %mul3A : i32
    %add3A = arith.addi %mul3A_0, %arg1 : i32
    %mul3A_1 = arith.constant 8192 : i32
    %mul3A_2 = arith.muli %add3A, %mul3A_1 : i32
    "tpu.region"() ({
      %run_scoped3A = tpu.sem_alloc : memref<!tpu.dma_semaphore, #tpu.memory_space<semaphore_mem>>
      tpu.enqueue_dma source(%arg5 : memref<6x16xf32, #tpu.memory_space<hbm>>) target(%arg11 : memref<6x16xf32, #tpu.memory_space<vmem>>) target_semaphore(%run_scoped3A : memref<!tpu.dma_semaphore, #tpu.memory_space<semaphore_mem>>)
      tpu.wait_dma2 semaphore(%run_scoped3A : memref<!tpu.dma_semaphore, #tpu.memory_space<semaphore_mem>>) src(%arg5 : memref<6x16xf32, #tpu.memory_space<hbm>>) dst(%arg11 : memref<6x16xf32, #tpu.memory_space<vmem>>)
      tpu.yield
    }) : () -> ()
    %get3A = arith.constant 0 : i32
    %get3A_3 = arith.index_cast %get3A : i32 to index
    %get3A_4 = arith.constant 0 : index
    %get3A_5 = tpu.vector_load %arg11[%get3A_3, %get3A_4] {strides = array<i32>} : memref<6x16xf32, #tpu.memory_space<vmem>>, vector<16xf32>,
    %get3A_6 = arith.constant 1 : i32
    %get3A_7 = arith.index_cast %get3A_6 : i32 to index
    %get3A_8 = arith.constant 0 : index
    %get3A_9 = tpu.vector_load %arg11[%get3A_7, %get3A_8] {strides = array<i32>} : memref<6x16xf32, #tpu.memory_space<vmem>>, vector<16xf32>,
    %get3A_10 = arith.constant 2 : i32
    %get3A_11 = arith.index_cast %get3A_10 : i32 to index
    %get3A_12 = arith.constant 0 : index
    %get3A_13 = tpu.vector_load %arg11[%get3A_11, %get3A_12] {strides = array<i32>} : memref<6x16xf32, #tpu.memory_space<vmem>>, vector<16xf32>,
    %get3A_14 = arith.constant 3 : i32
    %get3A_15 = arith.index_cast %get3A_14 : i32 to index
    %get3A_16 = arith.constant 0 : index
    %get3A_17 = tpu.vector_load %arg11[%get3A_15, %get3A_16] {strides = array<i32>} : memref<6x16xf32, #tpu.memory_space<vmem>>, vector<16xf32>,
    %get3A_18 = arith.constant 4 : i32
    %get3A_19 = arith.index_cast %get3A_18 : i32 to index
    %get3A_20 = arith.constant 0 : index
    %get3A_21 = tpu.vector_load %arg11[%get3A_19, %get3A_20] {strides = array<i32>} : memref<6x16xf32, #tpu.memory_space<vmem>>, vector<16xf32>,
    %get3A_22 = arith.constant 5 : i32
    %get3A_23 = arith.index_cast %get3A_22 : i32 to index
    %get3A_24 = arith.constant 0 : index
    %get3A_25 = tpu.vector_load %arg11[%get3A_23, %get3A_24] {strides = array<i32>} : memref<6x16xf32, #tpu.memory_space<vmem>>, vector<16xf32>,
    %scan3A = arith.constant 0 : i32
    %scan3A_26 = arith.constant 0 : i32
    %scan3A_27 = arith.constant 128 : i32
    %scan3A_28 = arith.addi %scan3A_26, %scan3A_27 : i32
    %scan3A_29 = arith.constant 1 : i32
    scf.for %scan3A_31 = %scan3A_26 to %scan3A_28 step %scan3A_29  : i32 {
      %mul3A_32 = arith.constant 64 : i32
      %mul3A_33 = arith.muli %scan3A_31, %mul3A_32 : i32
      %add3A_34 = arith.addi %mul3A_2, %mul3A_33 : i32
      "tpu.region"() ({
        %run_scoped3A = tpu.sem_alloc : memref<!tpu.dma_semaphore, #tpu.memory_space<semaphore_mem>>
        %dma_start3A_2678 = tpu.memref_slice %arg2[%add3A_34] : memref<262144xf32, #tpu.memory_space<hbm>> -> memref<64xf32, #tpu.memory_space<hbm>>
        %dma_start3A_2679 = tpu.memref_slice %arg2[%add3A_34] : memref<262144xf32, #tpu.memory_space<hbm>> -> memref<64xf32, #tpu.memory_space<hbm>>
        tpu.enqueue_dma source(%dma_start3A_2679 : memref<64xf32, #tpu.memory_space<hbm>>) target(%arg8 : memref<64xf32, #tpu.memory_space<vmem>>) target_semaphore(%run_scoped3A : memref<!tpu.dma_semaphore, #tpu.memory_space<semaphore_mem>>)
        %dma_wait3A_2680 = tpu.memref_slice %arg2[%add3A_34] : memref<262144xf32, #tpu.memory_space<hbm>> -> memref<64xf32, #tpu.memory_space<hbm>>
        %dma_wait3A_2681 = tpu.memref_slice %arg2[%add3A_34] : memref<262144xf32, #tpu.memory_space<hbm>> -> memref<64xf32, #tpu.memory_space<hbm>>
        tpu.wait_dma2 semaphore(%run_scoped3A : memref<!tpu.dma_semaphore, #tpu.memory_space<semaphore_mem>>) src(%dma_wait3A_2681 : memref<64xf32, #tpu.memory_space<hbm>>) dst(%arg8 : memref<64xf32, #tpu.memory_space<vmem>>)
        tpu.yield
      }) : () -> ()
      "tpu.region"() ({
        %run_scoped3A = tpu.sem_alloc : memref<!tpu.dma_semaphore, #tpu.memory_space<semaphore_mem>>
        %dma_start3A_2678 = tpu.memref_slice %arg3[%add3A_34] : memref<262144xf32, #tpu.memory_space<hbm>> -> memref<64xf32, #tpu.memory_space<hbm>>
        %dma_start3A_2679 = tpu.memref_slice %arg3[%add3A_34] : memref<262144xf32, #tpu.memory_space<hbm>> -> memref<64xf32, #tpu.memory_space<hbm>>
        tpu.enqueue_dma source(%dma_start3A_2679 : memref<64xf32, #tpu.memory_space<hbm>>) target(%arg9 : memref<64xf32, #tpu.memory_space<vmem>>) target_semaphore(%run_scoped3A : memref<!tpu.dma_semaphore, #tpu.memory_space<semaphore_mem>>)
        %dma_wait3A_2680 = tpu.memref_slice %arg3[%add3A_34] : memref<262144xf32, #tpu.memory_space<hbm>> -> memref<64xf32, #tpu.memory_space<hbm>>
        %dma_wait3A_2681 = tpu.memref_slice %arg3[%add3A_34] : memref<262144xf32, #tpu.memory_space<hbm>> -> memref<64xf32, #tpu.memory_space<hbm>>
        tpu.wait_dma2 semaphore(%run_scoped3A : memref<!tpu.dma_semaphore, #tpu.memory_space<semaphore_mem>>) src(%dma_wait3A_2681 : memref<64xf32, #tpu.memory_space<hbm>>) dst(%arg9 : memref<64xf32, #tpu.memory_space<vmem>>)
        tpu.yield
      }) : () -> ()
      "tpu.region"() ({
        %run_scoped3A = tpu.sem_alloc : memref<!tpu.dma_semaphore, #tpu.memory_space<semaphore_mem>>
        %dma_start3A_2678 = tpu.memref_slice %arg4[%add3A_34] : memref<262144xf32, #tpu.memory_space<hbm>> -> memref<64xf32, #tpu.memory_space<hbm>>
        %dma_start3A_2679 = tpu.memref_slice %arg4[%add3A_34] : memref<262144xf32, #tpu.memory_space<hbm>> -> memref<64xf32, #tpu.memory_space<hbm>>
        tpu.enqueue_dma source(%dma_start3A_2679 : memref<64xf32, #tpu.memory_space<hbm>>) target(%arg10 : memref<64xf32, #tpu.memory_space<vmem>>) target_semaphore(%run_scoped3A : memref<!tpu.dma_semaphore, #tpu.memory_space<semaphore_mem>>)
        %dma_wait3A_2680 = tpu.memref_slice %arg4[%add3A_34] : memref<262144xf32, #tpu.memory_space<hbm>> -> memref<64xf32, #tpu.memory_space<hbm>>
        %dma_wait3A_2681 = tpu.memref_slice %arg4[%add3A_34] : memref<262144xf32, #tpu.memory_space<hbm>> -> memref<64xf32, #tpu.memory_space<hbm>>
        tpu.wait_dma2 semaphore(%run_scoped3A : memref<!tpu.dma_semaphore, #tpu.memory_space<semaphore_mem>>) src(%dma_wait3A_2681 : memref<64xf32, #tpu.memory_space<hbm>>) dst(%arg10 : memref<64xf32, #tpu.memory_space<vmem>>)
        tpu.yield
      }) : () -> ()
      %get3A_35 = arith.constant 0 : index
      %get3A_36 = tpu.vector_load %arg8[%get3A_35] {strides = array<i32>} : memref<64xf32, #tpu.memory_space<vmem>>, vector<16xf32>,
      %sub3A = arith.subf %get3A_36, %get3A_5 : vector<16xf32>
      %mul3A_37 = arith.mulf %sub3A, %get3A_17 : vector<16xf32>
      %get3A_38 = arith.constant 0 : index
      %get3A_39 = tpu.vector_load %arg9[%get3A_38] {strides = array<i32>} : memref<64xf32, #tpu.memory_space<vmem>>, vector<16xf32>,
      %sub3A_40 = arith.subf %get3A_39, %get3A_9 : vector<16xf32>
      %mul3A_41 = arith.mulf %sub3A_40, %get3A_21 : vector<16xf32>
      %get3A_42 = arith.constant 0 : index
      %get3A_43 = tpu.vector_load %arg10[%get3A_42] {strides = array<i32>} : memref<64xf32, #tpu.memory_space<vmem>>, vector<16xf32>,
      %sub3A_44 = arith.subf %get3A_43, %get3A_13 : vector<16xf32>
      %mul3A_45 = arith.mulf %sub3A_44, %get3A_25 : vector<16xf32>
      %abs3A = math.absf %mul3A_37 : vector<16xf32>
      %abs3A_46 = math.absf %mul3A_41 : vector<16xf32>
      %max3A = arith.maximumf %abs3A, %abs3A_46 : vector<16xf32>
      %abs3A_47 = math.absf %mul3A_45 : vector<16xf32>
      %max3A_48 = arith.maximumf %max3A, %abs3A_47 : vector<16xf32>
      %max3A_49 = arith.constant 1.000000e+00 : f32
      %max3A_50 = vector.broadcast %max3A_49 : f32 to vector<16xf32>
      %max3A_51 = arith.maximumf %max3A_48, %max3A_50 : vector<16xf32>
      %div3A = arith.constant 1.000000e+00 : f32
      %div3A_52 = vector.broadcast %div3A : f32 to vector<16xf32>
      %div3A_53 = arith.divf %div3A_52, %max3A_51 : vector<16xf32>
      %sub3A_54 = arith.constant 2.000000e+00 : f32
      %sub3A_55 = vector.broadcast %sub3A_54 : f32 to vector<16xf32>
      %sub3A_56 = arith.subf %sub3A_55, %div3A_53 : vector<16xf32>
      %mul3A_57 = arith.mulf %sub3A_56, %div3A_53 : vector<16xf32>
      %gt3A = arith.constant 1.000000e+00 : f32
      %gt3A_58 = vector.broadcast %gt3A : f32 to vector<16xf32>
      %gt3A_59 = arith.cmpf ogt, %max3A_48, %gt3A_58 : vector<16xf32>
      %mul3A_60 = arith.mulf %mul3A_37, %mul3A_57 : vector<16xf32>
      %select_n3A = arith.select %gt3A_59, %mul3A_60, %mul3A_37 : vector<16xi1>, vector<16xf32>
      %jit3A = arith.constant -1.000000e+00 : f32
      %jit3A_61 = arith.constant 1.000000e+00 : f32
      %max3A_62 = vector.broadcast %jit3A : f32 to vector<16xf32>
      %max3A_63 = arith.maximumf %max3A_62, %select_n3A : vector<16xf32>
      %min3A = vector.broadcast %jit3A_61 : f32 to vector<16xf32>
      %min3A_64 = arith.minimumf %min3A, %max3A_63 : vector<16xf32>
      %mul3A_65 = arith.mulf %mul3A_41, %mul3A_57 : vector<16xf32>
      %select_n3A_66 = arith.select %gt3A_59, %mul3A_65, %mul3A_41 : vector<16xi1>, vector<16xf32>
      %jit3A_67 = arith.constant -1.000000e+00 : f32
      %jit3A_68 = arith.constant 1.000000e+00 : f32
      %max3A_69 = vector.broadcast %jit3A_67 : f32 to vector<16xf32>
      %max3A_70 = arith.maximumf %max3A_69, %select_n3A_66 : vector<16xf32>
      %min3A_71 = vector.broadcast %jit3A_68 : f32 to vector<16xf32>
      %min3A_72 = arith.minimumf %min3A_71, %max3A_70 : vector<16xf32>
      %mul3A_73 = arith.mulf %mul3A_45, %mul3A_57 : vector<16xf32>
      %select_n3A_74 = arith.select %gt3A_59, %mul3A_73, %mul3A_45 : vector<16xi1>, vector<16xf32>
      %jit3A_75 = arith.constant -1.000000e+00 : f32
      %jit3A_76 = arith.constant 1.000000e+00 : f32
      %max3A_77 = vector.broadcast %jit3A_75 : f32 to vector<16xf32>
      %max3A_78 = arith.maximumf %max3A_77, %select_n3A_74 : vector<16xf32>
      %min3A_79 = vector.broadcast %jit3A_76 : f32 to vector<16xf32>
      %min3A_80 = arith.minimumf %min3A_79, %max3A_78 : vector<16xf32>
      %add3A_81 = arith.constant 1.000000e+00 : f32
      %add3A_82 = vector.broadcast %add3A_81 : f32 to vector<16xf32>
      %add3A_83 = arith.addf %min3A_64, %add3A_82 : vector<16xf32>
      %mul3A_84 = arith.constant 2.555000e+02 : f32
      %mul3A_85 = vector.broadcast %mul3A_84 : f32 to vector<16xf32>
      %mul3A_86 = arith.mulf %add3A_83, %mul3A_85 : vector<16xf32>
      %add3A_87 = arith.constant 1.000000e+00 : f32
      %add3A_88 = vector.broadcast %add3A_87 : f32 to vector<16xf32>
      %add3A_89 = arith.addf %min3A_72, %add3A_88 : vector<16xf32>
      %mul3A_90 = arith.constant 2.555000e+02 : f32
      %mul3A_91 = vector.broadcast %mul3A_90 : f32 to vector<16xf32>
      %mul3A_92 = arith.mulf %add3A_89, %mul3A_91 : vector<16xf32>
      %convert_element_type3A = arith.fptosi %mul3A_86 : vector<16xf32> to vector<16xi32>
      %convert_element_type3A_93 = arith.fptosi %mul3A_92 : vector<16xf32> to vector<16xi32>
      %convert_element_type3A_94 = arith.sitofp %convert_element_type3A : vector<16xi32> to vector<16xf32>
      %sub3A_95 = arith.subf %mul3A_86, %convert_element_type3A_94 : vector<16xf32>
      %convert_element_type3A_96 = arith.sitofp %convert_element_type3A_93 : vector<16xi32> to vector<16xf32>
      %sub3A_97 = arith.subf %mul3A_92, %convert_element_type3A_96 : vector<16xf32>
      %sub3A_98 = arith.constant 1.000000e+00 : f32
      %sub3A_99 = vector.broadcast %sub3A_98 : f32 to vector<16xf32>
      %sub3A_100 = arith.subf %sub3A_99, %sub3A_95 : vector<16xf32>
      %sub3A_101 = arith.constant 1.000000e+00 : f32
      %sub3A_102 = vector.broadcast %sub3A_101 : f32 to vector<16xf32>
      %sub3A_103 = arith.subf %sub3A_102, %sub3A_97 : vector<16xf32>
      %add3A_104 = arith.constant 1 : i32
      %add3A_105 = vector.broadcast %add3A_104 : i32 to vector<16xi32>
      %add3A_106 = arith.addi %convert_element_type3A, %add3A_105 : vector<16xi32>
      %min3A_107 = arith.constant 511 : i32
      %min3A_108 = vector.broadcast %min3A_107 : i32 to vector<16xi32>
      %min3A_109 = arith.minsi %add3A_106, %min3A_108 : vector<16xi32>
      %add3A_110 = arith.constant 1 : i32
      %add3A_111 = vector.broadcast %add3A_110 : i32 to vector<16xi32>
      %add3A_112 = arith.addi %convert_element_type3A_93, %add3A_111 : vector<16xi32>
      %min3A_113 = arith.constant 511 : i32
      %min3A_114 = vector.broadcast %min3A_113 : i32 to vector<16xi32>
      %min3A_115 = arith.minsi %add3A_112, %min3A_114 : vector<16xi32>
      %mul3A_116 = arith.constant 512 : i32
      %mul3A_117 = vector.broadcast %mul3A_116 : i32 to vector<16xi32>
      %mul3A_118 = arith.muli %convert_element_type3A_93, %mul3A_117 : vector<16xi32>
      %add3A_119 = arith.constant 0 : i32
      %add3A_120 = vector.broadcast %add3A_119 : i32 to vector<16xi32>
      %add3A_121 = arith.addi %mul3A_118, %add3A_120 : vector<16xi32>
      %mul3A_122 = arith.constant 512 : i32
      %mul3A_123 = vector.broadcast %mul3A_122 : i32 to vector<16xi32>
      %mul3A_124 = arith.muli %min3A_115, %mul3A_123 : vector<16xi32>
      %add3A_125 = arith.constant 0 : i32
      %add3A_126 = vector.broadcast %add3A_125 : i32 to vector<16xi32>
      %add3A_127 = arith.addi %mul3A_124, %add3A_126 : vector<16xi32>
      %add3A_128 = arith.addi %add3A_121, %convert_element_type3A : vector<16xi32>
      %swap3A = arith.constant 0 : i32
      %swap3A_129 = arith.index_cast %swap3A : i32 to index
      %swap3A_130 = arith.constant 0 : index
      %swap3A_131 = tpu.vector_load %arg12[%swap3A_129, %swap3A_130] {strides = array<i32>} : memref<18x64xi32, #tpu.memory_space<vmem>>, vector<16xi32>,
      tpu.vector_store %arg12[%swap3A_129, %swap3A_130], %add3A_128 {strides = array<i32>} : memref<18x64xi32, #tpu.memory_space<vmem>>, vector<16xi32>,
      %add3A_132 = arith.addi %add3A_121, %min3A_109 : vector<16xi32>
      %swap3A_133 = arith.constant 1 : i32
      %swap3A_134 = arith.index_cast %swap3A_133 : i32 to index
      %swap3A_135 = arith.constant 0 : index
      %swap3A_136 = tpu.vector_load %arg12[%swap3A_134, %swap3A_135] {strides = array<i32>} : memref<18x64xi32, #tpu.memory_space<vmem>>, vector<16xi32>,
      tpu.vector_store %arg12[%swap3A_134, %swap3A_135], %add3A_132 {strides = array<i32>} : memref<18x64xi32, #tpu.memory_space<vmem>>, vector<16xi32>,
      %add3A_137 = arith.addi %add3A_127, %convert_element_type3A : vector<16xi32>
      %swap3A_138 = arith.constant 2 : i32
      %swap3A_139 = arith.index_cast %swap3A_138 : i32 to index
      %swap3A_140 = arith.constant 0 : index
      %swap3A_141 = tpu.vector_load %arg12[%swap3A_139, %swap3A_140] {strides = array<i32>} : memref<18x64xi32, #tpu.memory_space<vmem>>, vector<16xi32>,
      tpu.vector_store %arg12[%swap3A_139, %swap3A_140], %add3A_137 {strides = array<i32>} : memref<18x64xi32, #tpu.memory_space<vmem>>, vector<16xi32>,
      %add3A_142 = arith.addi %add3A_127, %min3A_109 : vector<16xi32>
      %swap3A_143 = arith.constant 3 : i32
      %swap3A_144 = arith.index_cast %swap3A_143 : i32 to index
      %swap3A_145 = arith.constant 0 : index
      %swap3A_146 = tpu.vector_load %arg12[%swap3A_144, %swap3A_145] {strides = array<i32>} : memref<18x64xi32, #tpu.memory_space<vmem>>, vector<16xi32>,
      tpu.vector_store %arg12[%swap3A_144, %swap3A_145], %add3A_142 {strides = array<i32>} : memref<18x64xi32, #tpu.memory_space<vmem>>, vector<16xi32>,
      %mul3A_147 = arith.mulf %sub3A_103, %sub3A_100 : vector<16xf32>
      %swap3A_148 = arith.constant 0 : i32
      %swap3A_149 = arith.index_cast %swap3A_148 : i32 to index
      %swap3A_150 = arith.constant 0 : index
      %swap3A_151 = tpu.vector_load %arg13[%swap3A_149, %swap3A_150] {strides = array<i32>} : memref<18x64xf32, #tpu.memory_space<vmem>>, vector<16xf32>,
      tpu.vector_store %arg13[%swap3A_149, %swap3A_150], %mul3A_147 {strides = array<i32>} : memref<18x64xf32, #tpu.memory_space<vmem>>, vector<16xf32>,
      %mul3A_152 = arith.mulf %sub3A_103, %sub3A_95 : vector<16xf32>
      %swap3A_153 = arith.constant 1 : i32
      %swap3A_154 = arith.index_cast %swap3A_153 : i32 to index
      %swap3A_155 = arith.constant 0 : index
      %swap3A_156 = tpu.vector_load %arg13[%swap3A_154, %swap3A_155] {strides = array<i32>} : memref<18x64xf32, #tpu.memory_space<vmem>>, vector<16xf32>,
      tpu.vector_store %arg13[%swap3A_154, %swap3A_155], %mul3A_152 {strides = array<i32>} : memref<18x64xf32, #tpu.memory_space<vmem>>, vector<16xf32>,
      %mul3A_157 = arith.mulf %sub3A_97, %sub3A_100 : vector<16xf32>
      %swap3A_158 = arith.constant 2 : i32
      %swap3A_159 = arith.index_cast %swap3A_158 : i32 to index
      %swap3A_160 = arith.constant 0 : index
      %swap3A_161 = tpu.vector_load %arg13[%swap3A_159, %swap3A_160] {strides = array<i32>} : memref<18x64xf32, #tpu.memory_space<vmem>>, vector<16xf32>,
      tpu.vector_store %arg13[%swap3A_159, %swap3A_160], %mul3A_157 {strides = array<i32>} : memref<18x64xf32, #tpu.memory_space<vmem>>, vector<16xf32>,
      %mul3A_162 = arith.mulf %sub3A_97, %sub3A_95 : vector<16xf32>
      %swap3A_163 = arith.constant 3 : i32
      %swap3A_164 = arith.index_cast %swap3A_163 : i32 to index
      %swap3A_165 = arith.constant 0 : index
      %swap3A_166 = tpu.vector_load %arg13[%swap3A_164, %swap3A_165] {strides = array<i32>} : memref<18x64xf32, #tpu.memory_space<vmem>>, vector<16xf32>,
      tpu.vector_store %arg13[%swap3A_164, %swap3A_165], %mul3A_162 {strides = array<i32>} : memref<18x64xf32, #tpu.memory_space<vmem>>, vector<16xf32>,
      %add3A_167 = arith.constant 1.000000e+00 : f32
      %add3A_168 = vector.broadcast %add3A_167 : f32 to vector<16xf32>
      %add3A_169 = arith.addf %min3A_80, %add3A_168 : vector<16xf32>
      %mul3A_170 = arith.constant 2.555000e+02 : f32
      %mul3A_171 = vector.broadcast %mul3A_170 : f32 to vector<16xf32>
      %mul3A_172 = arith.mulf %add3A_169, %mul3A_171 : vector<16xf32>
      %convert_element_type3A_173 = arith.fptosi %mul3A_172 : vector<16xf32> to vector<16xi32>
      %convert_element_type3A_174 = arith.sitofp %convert_element_type3A_173 : vector<16xi32> to vector<16xf32>
      %sub3A_175 = arith.subf %mul3A_172, %convert_element_type3A_174 : vector<16xf32>
      %add3A_176 = arith.constant 786432 : i32
      %add3A_177 = vector.broadcast %add3A_176 : i32 to vector<16xi32>
      %add3A_178 = arith.addi %convert_element_type3A_173, %add3A_177 : vector<16xi32>
      %swap3A_179 = arith.constant 12 : i32
      %swap3A_180 = arith.index_cast %swap3A_179 : i32 to index
      %swap3A_181 = arith.constant 0 : index
      %swap3A_182 = tpu.vector_load %arg12[%swap3A_180, %swap3A_181] {strides = array<i32>} : memref<18x64xi32, #tpu.memory_space<vmem>>, vector<16xi32>,
      tpu.vector_store %arg12[%swap3A_180, %swap3A_181], %add3A_178 {strides = array<i32>} : memref<18x64xi32, #tpu.memory_space<vmem>>, vector<16xi32>,
      %add3A_183 = arith.constant 1 : i32
      %add3A_184 = vector.broadcast %add3A_183 : i32 to vector<16xi32>
      %add3A_185 = arith.addi %convert_element_type3A_173, %add3A_184 : vector<16xi32>
      %min3A_186 = arith.constant 511 : i32
      %min3A_187 = vector.broadcast %min3A_186 : i32 to vector<16xi32>
      %min3A_188 = arith.minsi %add3A_185, %min3A_187 : vector<16xi32>
      %add3A_189 = arith.constant 786432 : i32
      %add3A_190 = vector.broadcast %add3A_189 : i32 to vector<16xi32>
      %add3A_191 = arith.addi %min3A_188, %add3A_190 : vector<16xi32>
      %swap3A_192 = arith.constant 13 : i32
      %swap3A_193 = arith.index_cast %swap3A_192 : i32 to index
      %swap3A_194 = arith.constant 0 : index
      %swap3A_195 = tpu.vector_load %arg12[%swap3A_193, %swap3A_194] {strides = array<i32>} : memref<18x64xi32, #tpu.memory_space<vmem>>, vector<16xi32>,
      tpu.vector_store %arg12[%swap3A_193, %swap3A_194], %add3A_191 {strides = array<i32>} : memref<18x64xi32, #tpu.memory_space<vmem>>, vector<16xi32>,
      %sub3A_196 = arith.constant 1.000000e+00 : f32
      %sub3A_197 = vector.broadcast %sub3A_196 : f32 to vector<16xf32>
      %sub3A_198 = arith.subf %sub3A_197, %sub3A_175 : vector<16xf32>
      %swap3A_199 = arith.constant 12 : i32
      %swap3A_200 = arith.index_cast %swap3A_199 : i32 to index
      %swap3A_201 = arith.constant 0 : index
      %swap3A_202 = tpu.vector_load %arg13[%swap3A_200, %swap3A_201] {strides = array<i32>} : memref<18x64xf32, #tpu.memory_space<vmem>>, vector<16xf32>,
      tpu.vector_store %arg13[%swap3A_200, %swap3A_201], %sub3A_198 {strides = array<i32>} : memref<18x64xf32, #tpu.memory_space<vmem>>, vector<16xf32>,
      %swap3A_203 = arith.constant 13 : i32
      %swap3A_204 = arith.index_cast %swap3A_203 : i32 to index
      %swap3A_205 = arith.constant 0 : index
      %swap3A_206 = tpu.vector_load %arg13[%swap3A_204, %swap3A_205] {strides = array<i32>} : memref<18x64xf32, #tpu.memory_space<vmem>>, vector<16xf32>,
      tpu.vector_store %arg13[%swap3A_204, %swap3A_205], %sub3A_175 {strides = array<i32>} : memref<18x64xf32, #tpu.memory_space<vmem>>, vector<16xf32>,
      %add3A_207 = arith.constant 1.000000e+00 : f32
      %add3A_208 = vector.broadcast %add3A_207 : f32 to vector<16xf32>
      %add3A_209 = arith.addf %min3A_64, %add3A_208 : vector<16xf32>
      %mul3A_210 = arith.constant 2.555000e+02 : f32
      %mul3A_211 = vector.broadcast %mul3A_210 : f32 to vector<16xf32>
      %mul3A_212 = arith.mulf %add3A_209, %mul3A_211 : vector<16xf32>
      %add3A_213 = arith.constant 1.000000e+00 : f32
      %add3A_214 = vector.broadcast %add3A_213 : f32 to vector<16xf32>
      %add3A_215 = arith.addf %min3A_80, %add3A_214 : vector<16xf32>
      %mul3A_216 = arith.constant 2.555000e+02 : f32
      %mul3A_217 = vector.broadcast %mul3A_216 : f32 to vector<16xf32>
      %mul3A_218 = arith.mulf %add3A_215, %mul3A_217 : vector<16xf32>
      %convert_element_type3A_219 = arith.fptosi %mul3A_212 : vector<16xf32> to vector<16xi32>
      %convert_element_type3A_220 = arith.fptosi %mul3A_218 : vector<16xf32> to vector<16xi32>
      %convert_element_type3A_221 = arith.sitofp %convert_element_type3A_219 : vector<16xi32> to vector<16xf32>
      %sub3A_222 = arith.subf %mul3A_212, %convert_element_type3A_221 : vector<16xf32>
      %convert_element_type3A_223 = arith.sitofp %convert_element_type3A_220 : vector<16xi32> to vector<16xf32>
      %sub3A_224 = arith.subf %mul3A_218, %convert_element_type3A_223 : vector<16xf32>
      %sub3A_225 = arith.constant 1.000000e+00 : f32
      %sub3A_226 = vector.broadcast %sub3A_225 : f32 to vector<16xf32>
      %sub3A_227 = arith.subf %sub3A_226, %sub3A_222 : vector<16xf32>
      %sub3A_228 = arith.constant 1.000000e+00 : f32
      %sub3A_229 = vector.broadcast %sub3A_228 : f32 to vector<16xf32>
      %sub3A_230 = arith.subf %sub3A_229, %sub3A_224 : vector<16xf32>
      %add3A_231 = arith.constant 1 : i32
      %add3A_232 = vector.broadcast %add3A_231 : i32 to vector<16xi32>
      %add3A_233 = arith.addi %convert_element_type3A_219, %add3A_232 : vector<16xi32>
      %min3A_234 = arith.constant 511 : i32
      %min3A_235 = vector.broadcast %min3A_234 : i32 to vector<16xi32>
      %min3A_236 = arith.minsi %add3A_233, %min3A_235 : vector<16xi32>
      %add3A_237 = arith.constant 1 : i32
      %add3A_238 = vector.broadcast %add3A_237 : i32 to vector<16xi32>
      %add3A_239 = arith.addi %convert_element_type3A_220, %add3A_238 : vector<16xi32>
      %min3A_240 = arith.constant 511 : i32
      %min3A_241 = vector.broadcast %min3A_240 : i32 to vector<16xi32>
      %min3A_242 = arith.minsi %add3A_239, %min3A_241 : vector<16xi32>
      %mul3A_243 = arith.constant 512 : i32
      %mul3A_244 = vector.broadcast %mul3A_243 : i32 to vector<16xi32>
      %mul3A_245 = arith.muli %convert_element_type3A_220, %mul3A_244 : vector<16xi32>
      %add3A_246 = arith.constant 262144 : i32
      %add3A_247 = vector.broadcast %add3A_246 : i32 to vector<16xi32>
      %add3A_248 = arith.addi %mul3A_245, %add3A_247 : vector<16xi32>
      %mul3A_249 = arith.constant 512 : i32
      %mul3A_250 = vector.broadcast %mul3A_249 : i32 to vector<16xi32>
      %mul3A_251 = arith.muli %min3A_242, %mul3A_250 : vector<16xi32>
      %add3A_252 = arith.constant 262144 : i32
      %add3A_253 = vector.broadcast %add3A_252 : i32 to vector<16xi32>
      %add3A_254 = arith.addi %mul3A_251, %add3A_253 : vector<16xi32>
      %add3A_255 = arith.addi %add3A_248, %convert_element_type3A_219 : vector<16xi32>
      %swap3A_256 = arith.constant 4 : i32
      %swap3A_257 = arith.index_cast %swap3A_256 : i32 to index
      %swap3A_258 = arith.constant 0 : index
      %swap3A_259 = tpu.vector_load %arg12[%swap3A_257, %swap3A_258] {strides = array<i32>} : memref<18x64xi32, #tpu.memory_space<vmem>>, vector<16xi32>,
      tpu.vector_store %arg12[%swap3A_257, %swap3A_258], %add3A_255 {strides = array<i32>} : memref<18x64xi32, #tpu.memory_space<vmem>>, vector<16xi32>,
      %add3A_260 = arith.addi %add3A_248, %min3A_236 : vector<16xi32>
      %swap3A_261 = arith.constant 5 : i32
      %swap3A_262 = arith.index_cast %swap3A_261 : i32 to index
      %swap3A_263 = arith.constant 0 : index
      %swap3A_264 = tpu.vector_load %arg12[%swap3A_262, %swap3A_263] {strides = array<i32>} : memref<18x64xi32, #tpu.memory_space<vmem>>, vector<16xi32>,
      tpu.vector_store %arg12[%swap3A_262, %swap3A_263], %add3A_260 {strides = array<i32>} : memref<18x64xi32, #tpu.memory_space<vmem>>, vector<16xi32>,
      %add3A_265 = arith.addi %add3A_254, %convert_element_type3A_219 : vector<16xi32>
      %swap3A_266 = arith.constant 6 : i32
      %swap3A_267 = arith.index_cast %swap3A_266 : i32 to index
      %swap3A_268 = arith.constant 0 : index
      %swap3A_269 = tpu.vector_load %arg12[%swap3A_267, %swap3A_268] {strides = array<i32>} : memref<18x64xi32, #tpu.memory_space<vmem>>, vector<16xi32>,
      tpu.vector_store %arg12[%swap3A_267, %swap3A_268], %add3A_265 {strides = array<i32>} : memref<18x64xi32, #tpu.memory_space<vmem>>, vector<16xi32>,
      %add3A_270 = arith.addi %add3A_254, %min3A_236 : vector<16xi32>
      %swap3A_271 = arith.constant 7 : i32
      %swap3A_272 = arith.index_cast %swap3A_271 : i32 to index
      %swap3A_273 = arith.constant 0 : index
      %swap3A_274 = tpu.vector_load %arg12[%swap3A_272, %swap3A_273] {strides = array<i32>} : memref<18x64xi32, #tpu.memory_space<vmem>>, vector<16xi32>,
      tpu.vector_store %arg12[%swap3A_272, %swap3A_273], %add3A_270 {strides = array<i32>} : memref<18x64xi32, #tpu.memory_space<vmem>>, vector<16xi32>,
      %mul3A_275 = arith.mulf %sub3A_230, %sub3A_227 : vector<16xf32>
      %swap3A_276 = arith.constant 4 : i32
      %swap3A_277 = arith.index_cast %swap3A_276 : i32 to index
      %swap3A_278 = arith.constant 0 : index
      %swap3A_279 = tpu.vector_load %arg13[%swap3A_277, %swap3A_278] {strides = array<i32>} : memref<18x64xf32, #tpu.memory_space<vmem>>, vector<16xf32>,
      tpu.vector_store %arg13[%swap3A_277, %swap3A_278], %mul3A_275 {strides = array<i32>} : memref<18x64xf32, #tpu.memory_space<vmem>>, vector<16xf32>,
      %mul3A_280 = arith.mulf %sub3A_230, %sub3A_222 : vector<16xf32>
      %swap3A_281 = arith.constant 5 : i32
      %swap3A_282 = arith.index_cast %swap3A_281 : i32 to index
      %swap3A_283 = arith.constant 0 : index
      %swap3A_284 = tpu.vector_load %arg13[%swap3A_282, %swap3A_283] {strides = array<i32>} : memref<18x64xf32, #tpu.memory_space<vmem>>, vector<16xf32>,
      tpu.vector_store %arg13[%swap3A_282, %swap3A_283], %mul3A_280 {strides = array<i32>} : memref<18x64xf32, #tpu.memory_space<vmem>>, vector<16xf32>,
      %mul3A_285 = arith.mulf %sub3A_224, %sub3A_227 : vector<16xf32>
      %swap3A_286 = arith.constant 6 : i32
      %swap3A_287 = arith.index_cast %swap3A_286 : i32 to index
      %swap3A_288 = arith.constant 0 : index
      %swap3A_289 = tpu.vector_load %arg13[%swap3A_287, %swap3A_288] {strides = array<i32>} : memref<18x64xf32, #tpu.memory_space<vmem>>, vector<16xf32>,
      tpu.vector_store %arg13[%swap3A_287, %swap3A_288], %mul3A_285 {strides = array<i32>} : memref<18x64xf32, #tpu.memory_space<vmem>>, vector<16xf32>,
      %mul3A_290 = arith.mulf %sub3A_224, %sub3A_222 : vector<16xf32>
      %swap3A_291 = arith.constant 7 : i32
      %swap3A_292 = arith.index_cast %swap3A_291 : i32 to index
      %swap3A_293 = arith.constant 0 : index
      %swap3A_294 = tpu.vector_load %arg13[%swap3A_292, %swap3A_293] {strides = array<i32>} : memref<18x64xf32, #tpu.memory_space<vmem>>, vector<16xf32>,
      tpu.vector_store %arg13[%swap3A_292, %swap3A_293], %mul3A_290 {strides = array<i32>} : memref<18x64xf32, #tpu.memory_space<vmem>>, vector<16xf32>,
      %add3A_295 = arith.constant 1.000000e+00 : f32
      %add3A_296 = vector.broadcast %add3A_295 : f32 to vector<16xf32>
      %add3A_297 = arith.addf %min3A_72, %add3A_296 : vector<16xf32>
      %mul3A_298 = arith.constant 2.555000e+02 : f32
      %mul3A_299 = vector.broadcast %mul3A_298 : f32 to vector<16xf32>
      %mul3A_300 = arith.mulf %add3A_297, %mul3A_299 : vector<16xf32>
      %convert_element_type3A_301 = arith.fptosi %mul3A_300 : vector<16xf32> to vector<16xi32>
      %convert_element_type3A_302 = arith.sitofp %convert_element_type3A_301 : vector<16xi32> to vector<16xf32>
      %sub3A_303 = arith.subf %mul3A_300, %convert_element_type3A_302 : vector<16xf32>
      %add3A_304 = arith.constant 786944 : i32
      %add3A_305 = vector.broadcast %add3A_304 : i32 to vector<16xi32>
      %add3A_306 = arith.addi %convert_element_type3A_301, %add3A_305 : vector<16xi32>
      %swap3A_307 = arith.constant 14 : i32
      %swap3A_308 = arith.index_cast %swap3A_307 : i32 to index
      %swap3A_309 = arith.constant 0 : index
      %swap3A_310 = tpu.vector_load %arg12[%swap3A_308, %swap3A_309] {strides = array<i32>} : memref<18x64xi32, #tpu.memory_space<vmem>>, vector<16xi32>,
      tpu.vector_store %arg12[%swap3A_308, %swap3A_309], %add3A_306 {strides = array<i32>} : memref<18x64xi32, #tpu.memory_space<vmem>>, vector<16xi32>,
      %add3A_311 = arith.constant 1 : i32
      %add3A_312 = vector.broadcast %add3A_311 : i32 to vector<16xi32>
      %add3A_313 = arith.addi %convert_element_type3A_301, %add3A_312 : vector<16xi32>
      %min3A_314 = arith.constant 511 : i32
      %min3A_315 = vector.broadcast %min3A_314 : i32 to vector<16xi32>
      %min3A_316 = arith.minsi %add3A_313, %min3A_315 : vector<16xi32>
      %add3A_317 = arith.constant 786944 : i32
      %add3A_318 = vector.broadcast %add3A_317 : i32 to vector<16xi32>
      %add3A_319 = arith.addi %min3A_316, %add3A_318 : vector<16xi32>
      %swap3A_320 = arith.constant 15 : i32
      %swap3A_321 = arith.index_cast %swap3A_320 : i32 to index
      %swap3A_322 = arith.constant 0 : index
      %swap3A_323 = tpu.vector_load %arg12[%swap3A_321, %swap3A_322] {strides = array<i32>} : memref<18x64xi32, #tpu.memory_space<vmem>>, vector<16xi32>,
      tpu.vector_store %arg12[%swap3A_321, %swap3A_322], %add3A_319 {strides = array<i32>} : memref<18x64xi32, #tpu.memory_space<vmem>>, vector<16xi32>,
      %sub3A_324 = arith.constant 1.000000e+00 : f32
      %sub3A_325 = vector.broadcast %sub3A_324 : f32 to vector<16xf32>
      %sub3A_326 = arith.subf %sub3A_325, %sub3A_303 : vector<16xf32>
      %swap3A_327 = arith.constant 14 : i32
      %swap3A_328 = arith.index_cast %swap3A_327 : i32 to index
      %swap3A_329 = arith.constant 0 : index
      %swap3A_330 = tpu.vector_load %arg13[%swap3A_328, %swap3A_329] {strides = array<i32>} : memref<18x64xf32, #tpu.memory_space<vmem>>, vector<16xf32>,
      tpu.vector_store %arg13[%swap3A_328, %swap3A_329], %sub3A_326 {strides = array<i32>} : memref<18x64xf32, #tpu.memory_space<vmem>>, vector<16xf32>,
      %swap3A_331 = arith.constant 15 : i32
      %swap3A_332 = arith.index_cast %swap3A_331 : i32 to index
      %swap3A_333 = arith.constant 0 : index
      %swap3A_334 = tpu.vector_load %arg13[%swap3A_332, %swap3A_333] {strides = array<i32>} : memref<18x64xf32, #tpu.memory_space<vmem>>, vector<16xf32>,
      tpu.vector_store %arg13[%swap3A_332, %swap3A_333], %sub3A_303 {strides = array<i32>} : memref<18x64xf32, #tpu.memory_space<vmem>>, vector<16xf32>,
      %add3A_335 = arith.constant 1.000000e+00 : f32
      %add3A_336 = vector.broadcast %add3A_335 : f32 to vector<16xf32>
      %add3A_337 = arith.addf %min3A_72, %add3A_336 : vector<16xf32>
      %mul3A_338 = arith.constant 2.555000e+02 : f32
      %mul3A_339 = vector.broadcast %mul3A_338 : f32 to vector<16xf32>
      %mul3A_340 = arith.mulf %add3A_337, %mul3A_339 : vector<16xf32>
      %add3A_341 = arith.constant 1.000000e+00 : f32
      %add3A_342 = vector.broadcast %add3A_341 : f32 to vector<16xf32>
      %add3A_343 = arith.addf %min3A_80, %add3A_342 : vector<16xf32>
      %mul3A_344 = arith.constant 2.555000e+02 : f32
      %mul3A_345 = vector.broadcast %mul3A_344 : f32 to vector<16xf32>
      %mul3A_346 = arith.mulf %add3A_343, %mul3A_345 : vector<16xf32>
      %convert_element_type3A_347 = arith.fptosi %mul3A_340 : vector<16xf32> to vector<16xi32>
      %convert_element_type3A_348 = arith.fptosi %mul3A_346 : vector<16xf32> to vector<16xi32>
      %convert_element_type3A_349 = arith.sitofp %convert_element_type3A_347 : vector<16xi32> to vector<16xf32>
      %sub3A_350 = arith.subf %mul3A_340, %convert_element_type3A_349 : vector<16xf32>
      %convert_element_type3A_351 = arith.sitofp %convert_element_type3A_348 : vector<16xi32> to vector<16xf32>
      %sub3A_352 = arith.subf %mul3A_346, %convert_element_type3A_351 : vector<16xf32>
      %sub3A_353 = arith.constant 1.000000e+00 : f32
      %sub3A_354 = vector.broadcast %sub3A_353 : f32 to vector<16xf32>
      %sub3A_355 = arith.subf %sub3A_354, %sub3A_350 : vector<16xf32>
      %sub3A_356 = arith.constant 1.000000e+00 : f32
      %sub3A_357 = vector.broadcast %sub3A_356 : f32 to vector<16xf32>
      %sub3A_358 = arith.subf %sub3A_357, %sub3A_352 : vector<16xf32>
      %add3A_359 = arith.constant 1 : i32
      %add3A_360 = vector.broadcast %add3A_359 : i32 to vector<16xi32>
      %add3A_361 = arith.addi %convert_element_type3A_347, %add3A_360 : vector<16xi32>
      %min3A_362 = arith.constant 511 : i32
      %min3A_363 = vector.broadcast %min3A_362 : i32 to vector<16xi32>
      %min3A_364 = arith.minsi %add3A_361, %min3A_363 : vector<16xi32>
      %add3A_365 = arith.constant 1 : i32
      %add3A_366 = vector.broadcast %add3A_365 : i32 to vector<16xi32>
      %add3A_367 = arith.addi %convert_element_type3A_348, %add3A_366 : vector<16xi32>
      %min3A_368 = arith.constant 511 : i32
      %min3A_369 = vector.broadcast %min3A_368 : i32 to vector<16xi32>
      %min3A_370 = arith.minsi %add3A_367, %min3A_369 : vector<16xi32>
      %mul3A_371 = arith.constant 512 : i32
      %mul3A_372 = vector.broadcast %mul3A_371 : i32 to vector<16xi32>
      %mul3A_373 = arith.muli %convert_element_type3A_348, %mul3A_372 : vector<16xi32>
      %add3A_374 = arith.constant 524288 : i32
      %add3A_375 = vector.broadcast %add3A_374 : i32 to vector<16xi32>
      %add3A_376 = arith.addi %mul3A_373, %add3A_375 : vector<16xi32>
      %mul3A_377 = arith.constant 512 : i32
      %mul3A_378 = vector.broadcast %mul3A_377 : i32 to vector<16xi32>
      %mul3A_379 = arith.muli %min3A_370, %mul3A_378 : vector<16xi32>
      %add3A_380 = arith.constant 524288 : i32
      %add3A_381 = vector.broadcast %add3A_380 : i32 to vector<16xi32>
      %add3A_382 = arith.addi %mul3A_379, %add3A_381 : vector<16xi32>
      %add3A_383 = arith.addi %add3A_376, %convert_element_type3A_347 : vector<16xi32>
      %swap3A_384 = arith.constant 8 : i32
      %swap3A_385 = arith.index_cast %swap3A_384 : i32 to index
      %swap3A_386 = arith.constant 0 : index
      %swap3A_387 = tpu.vector_load %arg12[%swap3A_385, %swap3A_386] {strides = array<i32>} : memref<18x64xi32, #tpu.memory_space<vmem>>, vector<16xi32>,
      tpu.vector_store %arg12[%swap3A_385, %swap3A_386], %add3A_383 {strides = array<i32>} : memref<18x64xi32, #tpu.memory_space<vmem>>, vector<16xi32>,
      %add3A_388 = arith.addi %add3A_376, %min3A_364 : vector<16xi32>
      %swap3A_389 = arith.constant 9 : i32
      %swap3A_390 = arith.index_cast %swap3A_389 : i32 to index
      %swap3A_391 = arith.constant 0 : index
      %swap3A_392 = tpu.vector_load %arg12[%swap3A_390, %swap3A_391] {strides = array<i32>} : memref<18x64xi32, #tpu.memory_space<vmem>>, vector<16xi32>,
      tpu.vector_store %arg12[%swap3A_390, %swap3A_391], %add3A_388 {strides = array<i32>} : memref<18x64xi32, #tpu.memory_space<vmem>>, vector<16xi32>,
      %add3A_393 = arith.addi %add3A_382, %convert_element_type3A_347 : vector<16xi32>
      %swap3A_394 = arith.constant 10 : i32
      %swap3A_395 = arith.index_cast %swap3A_394 : i32 to index
      %swap3A_396 = arith.constant 0 : index
      %swap3A_397 = tpu.vector_load %arg12[%swap3A_395, %swap3A_396] {strides = array<i32>} : memref<18x64xi32, #tpu.memory_space<vmem>>, vector<16xi32>,
      tpu.vector_store %arg12[%swap3A_395, %swap3A_396], %add3A_393 {strides = array<i32>} : memref<18x64xi32, #tpu.memory_space<vmem>>, vector<16xi32>,
      %add3A_398 = arith.addi %add3A_382, %min3A_364 : vector<16xi32>
      %swap3A_399 = arith.constant 11 : i32
      %swap3A_400 = arith.index_cast %swap3A_399 : i32 to index
      %swap3A_401 = arith.constant 0 : index
      %swap3A_402 = tpu.vector_load %arg12[%swap3A_400, %swap3A_401] {strides = array<i32>} : memref<18x64xi32, #tpu.memory_space<vmem>>, vector<16xi32>,
      tpu.vector_store %arg12[%swap3A_400, %swap3A_401], %add3A_398 {strides = array<i32>} : memref<18x64xi32, #tpu.memory_space<vmem>>, vector<16xi32>,
      %mul3A_403 = arith.mulf %sub3A_358, %sub3A_355 : vector<16xf32>
      %swap3A_404 = arith.constant 8 : i32
      %swap3A_405 = arith.index_cast %swap3A_404 : i32 to index
      %swap3A_406 = arith.constant 0 : index
      %swap3A_407 = tpu.vector_load %arg13[%swap3A_405, %swap3A_406] {strides = array<i32>} : memref<18x64xf32, #tpu.memory_space<vmem>>, vector<16xf32>,
      tpu.vector_store %arg13[%swap3A_405, %swap3A_406], %mul3A_403 {strides = array<i32>} : memref<18x64xf32, #tpu.memory_space<vmem>>, vector<16xf32>,
      %mul3A_408 = arith.mulf %sub3A_358, %sub3A_350 : vector<16xf32>
      %swap3A_409 = arith.constant 9 : i32
      %swap3A_410 = arith.index_cast %swap3A_409 : i32 to index
      %swap3A_411 = arith.constant 0 : index
      %swap3A_412 = tpu.vector_load %arg13[%swap3A_410, %swap3A_411] {strides = array<i32>} : memref<18x64xf32, #tpu.memory_space<vmem>>, vector<16xf32>,
      tpu.vector_store %arg13[%swap3A_410, %swap3A_411], %mul3A_408 {strides = array<i32>} : memref<18x64xf32, #tpu.memory_space<vmem>>, vector<16xf32>,
      %mul3A_413 = arith.mulf %sub3A_352, %sub3A_355 : vector<16xf32>
      %swap3A_414 = arith.constant 10 : i32
      %swap3A_415 = arith.index_cast %swap3A_414 : i32 to index
      %swap3A_416 = arith.constant 0 : index
      %swap3A_417 = tpu.vector_load %arg13[%swap3A_415, %swap3A_416] {strides = array<i32>} : memref<18x64xf32, #tpu.memory_space<vmem>>, vector<16xf32>,
      tpu.vector_store %arg13[%swap3A_415, %swap3A_416], %mul3A_413 {strides = array<i32>} : memref<18x64xf32, #tpu.memory_space<vmem>>, vector<16xf32>,
      %mul3A_418 = arith.mulf %sub3A_352, %sub3A_350 : vector<16xf32>
      %swap3A_419 = arith.constant 11 : i32
      %swap3A_420 = arith.index_cast %swap3A_419 : i32 to index
      %swap3A_421 = arith.constant 0 : index
      %swap3A_422 = tpu.vector_load %arg13[%swap3A_420, %swap3A_421] {strides = array<i32>} : memref<18x64xf32, #tpu.memory_space<vmem>>, vector<16xf32>,
      tpu.vector_store %arg13[%swap3A_420, %swap3A_421], %mul3A_418 {strides = array<i32>} : memref<18x64xf32, #tpu.memory_space<vmem>>, vector<16xf32>,
      %add3A_423 = arith.constant 1.000000e+00 : f32
      %add3A_424 = vector.broadcast %add3A_423 : f32 to vector<16xf32>
      %add3A_425 = arith.addf %min3A_64, %add3A_424 : vector<16xf32>
      %mul3A_426 = arith.constant 2.555000e+02 : f32
      %mul3A_427 = vector.broadcast %mul3A_426 : f32 to vector<16xf32>
      %mul3A_428 = arith.mulf %add3A_425, %mul3A_427 : vector<16xf32>
      %convert_element_type3A_429 = arith.fptosi %mul3A_428 : vector<16xf32> to vector<16xi32>
      %convert_element_type3A_430 = arith.sitofp %convert_element_type3A_429 : vector<16xi32> to vector<16xf32>
      %sub3A_431 = arith.subf %mul3A_428, %convert_element_type3A_430 : vector<16xf32>
      %add3A_432 = arith.constant 787456 : i32
      %add3A_433 = vector.broadcast %add3A_432 : i32 to vector<16xi32>
      %add3A_434 = arith.addi %convert_element_type3A_429, %add3A_433 : vector<16xi32>
      %swap3A_435 = arith.constant 16 : i32
      %swap3A_436 = arith.index_cast %swap3A_435 : i32 to index
      %swap3A_437 = arith.constant 0 : index
      %swap3A_438 = tpu.vector_load %arg12[%swap3A_436, %swap3A_437] {strides = array<i32>} : memref<18x64xi32, #tpu.memory_space<vmem>>, vector<16xi32>,
      tpu.vector_store %arg12[%swap3A_436, %swap3A_437], %add3A_434 {strides = array<i32>} : memref<18x64xi32, #tpu.memory_space<vmem>>, vector<16xi32>,
      %add3A_439 = arith.constant 1 : i32
      %add3A_440 = vector.broadcast %add3A_439 : i32 to vector<16xi32>
      %add3A_441 = arith.addi %convert_element_type3A_429, %add3A_440 : vector<16xi32>
      %min3A_442 = arith.constant 511 : i32
      %min3A_443 = vector.broadcast %min3A_442 : i32 to vector<16xi32>
      %min3A_444 = arith.minsi %add3A_441, %min3A_443 : vector<16xi32>
      %add3A_445 = arith.constant 787456 : i32
      %add3A_446 = vector.broadcast %add3A_445 : i32 to vector<16xi32>
      %add3A_447 = arith.addi %min3A_444, %add3A_446 : vector<16xi32>
      %swap3A_448 = arith.constant 17 : i32
      %swap3A_449 = arith.index_cast %swap3A_448 : i32 to index
      %swap3A_450 = arith.constant 0 : index
      %swap3A_451 = tpu.vector_load %arg12[%swap3A_449, %swap3A_450] {strides = array<i32>} : memref<18x64xi32, #tpu.memory_space<vmem>>, vector<16xi32>,
      tpu.vector_store %arg12[%swap3A_449, %swap3A_450], %add3A_447 {strides = array<i32>} : memref<18x64xi32, #tpu.memory_space<vmem>>, vector<16xi32>,
      %sub3A_452 = arith.constant 1.000000e+00 : f32
      %sub3A_453 = vector.broadcast %sub3A_452 : f32 to vector<16xf32>
      %sub3A_454 = arith.subf %sub3A_453, %sub3A_431 : vector<16xf32>
      %swap3A_455 = arith.constant 16 : i32
      %swap3A_456 = arith.index_cast %swap3A_455 : i32 to index
      %swap3A_457 = arith.constant 0 : index
      %swap3A_458 = tpu.vector_load %arg13[%swap3A_456, %swap3A_457] {strides = array<i32>} : memref<18x64xf32, #tpu.memory_space<vmem>>, vector<16xf32>,
      tpu.vector_store %arg13[%swap3A_456, %swap3A_457], %sub3A_454 {strides = array<i32>} : memref<18x64xf32, #tpu.memory_space<vmem>>, vector<16xf32>,
      %swap3A_459 = arith.constant 17 : i32
      %swap3A_460 = arith.index_cast %swap3A_459 : i32 to index
      %swap3A_461 = arith.constant 0 : index
      %swap3A_462 = tpu.vector_load %arg13[%swap3A_460, %swap3A_461] {strides = array<i32>} : memref<18x64xf32, #tpu.memory_space<vmem>>, vector<16xf32>,
      tpu.vector_store %arg13[%swap3A_460, %swap3A_461], %sub3A_431 {strides = array<i32>} : memref<18x64xf32, #tpu.memory_space<vmem>>, vector<16xf32>,
      %get3A_463 = arith.constant 16 : index
      %get3A_464 = tpu.vector_load %arg8[%get3A_463] {strides = array<i32>} : memref<64xf32, #tpu.memory_space<vmem>>, vector<16xf32>,
      %sub3A_465 = arith.subf %get3A_464, %get3A_5 : vector<16xf32>
      %mul3A_466 = arith.mulf %sub3A_465, %get3A_17 : vector<16xf32>
      %get3A_467 = arith.constant 16 : index
      %get3A_468 = tpu.vector_load %arg9[%get3A_467] {strides = array<i32>} : memref<64xf32, #tpu.memory_space<vmem>>, vector<16xf32>,
      %sub3A_469 = arith.subf %get3A_468, %get3A_9 : vector<16xf32>
      %mul3A_470 = arith.mulf %sub3A_469, %get3A_21 : vector<16xf32>
      %get3A_471 = arith.constant 16 : index
      %get3A_472 = tpu.vector_load %arg10[%get3A_471] {strides = array<i32>} : memref<64xf32, #tpu.memory_space<vmem>>, vector<16xf32>,
      %sub3A_473 = arith.subf %get3A_472, %get3A_13 : vector<16xf32>
      %mul3A_474 = arith.mulf %sub3A_473, %get3A_25 : vector<16xf32>
      %abs3A_475 = math.absf %mul3A_466 : vector<16xf32>
      %abs3A_476 = math.absf %mul3A_470 : vector<16xf32>
      %max3A_477 = arith.maximumf %abs3A_475, %abs3A_476 : vector<16xf32>
      %abs3A_478 = math.absf %mul3A_474 : vector<16xf32>
      %max3A_479 = arith.maximumf %max3A_477, %abs3A_478 : vector<16xf32>
      %max3A_480 = arith.constant 1.000000e+00 : f32
      %max3A_481 = vector.broadcast %max3A_480 : f32 to vector<16xf32>
      %max3A_482 = arith.maximumf %max3A_479, %max3A_481 : vector<16xf32>
      %div3A_483 = arith.constant 1.000000e+00 : f32
      %div3A_484 = vector.broadcast %div3A_483 : f32 to vector<16xf32>
      %div3A_485 = arith.divf %div3A_484, %max3A_482 : vector<16xf32>
      %sub3A_486 = arith.constant 2.000000e+00 : f32
      %sub3A_487 = vector.broadcast %sub3A_486 : f32 to vector<16xf32>
      %sub3A_488 = arith.subf %sub3A_487, %div3A_485 : vector<16xf32>
      %mul3A_489 = arith.mulf %sub3A_488, %div3A_485 : vector<16xf32>
      %gt3A_490 = arith.constant 1.000000e+00 : f32
      %gt3A_491 = vector.broadcast %gt3A_490 : f32 to vector<16xf32>
      %gt3A_492 = arith.cmpf ogt, %max3A_479, %gt3A_491 : vector<16xf32>
      %mul3A_493 = arith.mulf %mul3A_466, %mul3A_489 : vector<16xf32>
      %select_n3A_494 = arith.select %gt3A_492, %mul3A_493, %mul3A_466 : vector<16xi1>, vector<16xf32>
      %jit3A_495 = arith.constant -1.000000e+00 : f32
      %jit3A_496 = arith.constant 1.000000e+00 : f32
      %max3A_497 = vector.broadcast %jit3A_495 : f32 to vector<16xf32>
      %max3A_498 = arith.maximumf %max3A_497, %select_n3A_494 : vector<16xf32>
      %min3A_499 = vector.broadcast %jit3A_496 : f32 to vector<16xf32>
      %min3A_500 = arith.minimumf %min3A_499, %max3A_498 : vector<16xf32>
      %mul3A_501 = arith.mulf %mul3A_470, %mul3A_489 : vector<16xf32>
      %select_n3A_502 = arith.select %gt3A_492, %mul3A_501, %mul3A_470 : vector<16xi1>, vector<16xf32>
      %jit3A_503 = arith.constant -1.000000e+00 : f32
      %jit3A_504 = arith.constant 1.000000e+00 : f32
      %max3A_505 = vector.broadcast %jit3A_503 : f32 to vector<16xf32>
      %max3A_506 = arith.maximumf %max3A_505, %select_n3A_502 : vector<16xf32>
      %min3A_507 = vector.broadcast %jit3A_504 : f32 to vector<16xf32>
      %min3A_508 = arith.minimumf %min3A_507, %max3A_506 : vector<16xf32>
      %mul3A_509 = arith.mulf %mul3A_474, %mul3A_489 : vector<16xf32>
      %select_n3A_510 = arith.select %gt3A_492, %mul3A_509, %mul3A_474 : vector<16xi1>, vector<16xf32>
      %jit3A_511 = arith.constant -1.000000e+00 : f32
      %jit3A_512 = arith.constant 1.000000e+00 : f32
      %max3A_513 = vector.broadcast %jit3A_511 : f32 to vector<16xf32>
      %max3A_514 = arith.maximumf %max3A_513, %select_n3A_510 : vector<16xf32>
      %min3A_515 = vector.broadcast %jit3A_512 : f32 to vector<16xf32>
      %min3A_516 = arith.minimumf %min3A_515, %max3A_514 : vector<16xf32>
      %add3A_517 = arith.constant 1.000000e+00 : f32
      %add3A_518 = vector.broadcast %add3A_517 : f32 to vector<16xf32>
      %add3A_519 = arith.addf %min3A_500, %add3A_518 : vector<16xf32>
      %mul3A_520 = arith.constant 2.555000e+02 : f32
      %mul3A_521 = vector.broadcast %mul3A_520 : f32 to vector<16xf32>
      %mul3A_522 = arith.mulf %add3A_519, %mul3A_521 : vector<16xf32>
      %add3A_523 = arith.constant 1.000000e+00 : f32
      %add3A_524 = vector.broadcast %add3A_523 : f32 to vector<16xf32>
      %add3A_525 = arith.addf %min3A_508, %add3A_524 : vector<16xf32>
      %mul3A_526 = arith.constant 2.555000e+02 : f32
      %mul3A_527 = vector.broadcast %mul3A_526 : f32 to vector<16xf32>
      %mul3A_528 = arith.mulf %add3A_525, %mul3A_527 : vector<16xf32>
      %convert_element_type3A_529 = arith.fptosi %mul3A_522 : vector<16xf32> to vector<16xi32>
      %convert_element_type3A_530 = arith.fptosi %mul3A_528 : vector<16xf32> to vector<16xi32>
      %convert_element_type3A_531 = arith.sitofp %convert_element_type3A_529 : vector<16xi32> to vector<16xf32>
      %sub3A_532 = arith.subf %mul3A_522, %convert_element_type3A_531 : vector<16xf32>
      %convert_element_type3A_533 = arith.sitofp %convert_element_type3A_530 : vector<16xi32> to vector<16xf32>
      %sub3A_534 = arith.subf %mul3A_528, %convert_element_type3A_533 : vector<16xf32>
      %sub3A_535 = arith.constant 1.000000e+00 : f32
      %sub3A_536 = vector.broadcast %sub3A_535 : f32 to vector<16xf32>
      %sub3A_537 = arith.subf %sub3A_536, %sub3A_532 : vector<16xf32>
      %sub3A_538 = arith.constant 1.000000e+00 : f32
      %sub3A_539 = vector.broadcast %sub3A_538 : f32 to vector<16xf32>
      %sub3A_540 = arith.subf %sub3A_539, %sub3A_534 : vector<16xf32>
      %add3A_541 = arith.constant 1 : i32
      %add3A_542 = vector.broadcast %add3A_541 : i32 to vector<16xi32>
      %add3A_543 = arith.addi %convert_element_type3A_529, %add3A_542 : vector<16xi32>
      %min3A_544 = arith.constant 511 : i32
      %min3A_545 = vector.broadcast %min3A_544 : i32 to vector<16xi32>
      %min3A_546 = arith.minsi %add3A_543, %min3A_545 : vector<16xi32>
      %add3A_547 = arith.constant 1 : i32
      %add3A_548 = vector.broadcast %add3A_547 : i32 to vector<16xi32>
      %add3A_549 = arith.addi %convert_element_type3A_530, %add3A_548 : vector<16xi32>
      %min3A_550 = arith.constant 511 : i32
      %min3A_551 = vector.broadcast %min3A_550 : i32 to vector<16xi32>
      %min3A_552 = arith.minsi %add3A_549, %min3A_551 : vector<16xi32>
      %mul3A_553 = arith.constant 512 : i32
      %mul3A_554 = vector.broadcast %mul3A_553 : i32 to vector<16xi32>
      %mul3A_555 = arith.muli %convert_element_type3A_530, %mul3A_554 : vector<16xi32>
      %add3A_556 = arith.constant 0 : i32
      %add3A_557 = vector.broadcast %add3A_556 : i32 to vector<16xi32>
      %add3A_558 = arith.addi %mul3A_555, %add3A_557 : vector<16xi32>
      %mul3A_559 = arith.constant 512 : i32
      %mul3A_560 = vector.broadcast %mul3A_559 : i32 to vector<16xi32>
      %mul3A_561 = arith.muli %min3A_552, %mul3A_560 : vector<16xi32>
      %add3A_562 = arith.constant 0 : i32
      %add3A_563 = vector.broadcast %add3A_562 : i32 to vector<16xi32>
      %add3A_564 = arith.addi %mul3A_561, %add3A_563 : vector<16xi32>
      %add3A_565 = arith.addi %add3A_558, %convert_element_type3A_529 : vector<16xi32>
      %swap3A_566 = arith.constant 0 : i32
      %swap3A_567 = arith.index_cast %swap3A_566 : i32 to index
      %swap3A_568 = arith.constant 16 : index
      %swap3A_569 = tpu.vector_load %arg12[%swap3A_567, %swap3A_568] {strides = array<i32>} : memref<18x64xi32, #tpu.memory_space<vmem>>, vector<16xi32>,
      tpu.vector_store %arg12[%swap3A_567, %swap3A_568], %add3A_565 {strides = array<i32>} : memref<18x64xi32, #tpu.memory_space<vmem>>, vector<16xi32>,
      %add3A_570 = arith.addi %add3A_558, %min3A_546 : vector<16xi32>
      %swap3A_571 = arith.constant 1 : i32
      %swap3A_572 = arith.index_cast %swap3A_571 : i32 to index
      %swap3A_573 = arith.constant 16 : index
      %swap3A_574 = tpu.vector_load %arg12[%swap3A_572, %swap3A_573] {strides = array<i32>} : memref<18x64xi32, #tpu.memory_space<vmem>>, vector<16xi32>,
      tpu.vector_store %arg12[%swap3A_572, %swap3A_573], %add3A_570 {strides = array<i32>} : memref<18x64xi32, #tpu.memory_space<vmem>>, vector<16xi32>,
      %add3A_575 = arith.addi %add3A_564, %convert_element_type3A_529 : vector<16xi32>
      %swap3A_576 = arith.constant 2 : i32
      %swap3A_577 = arith.index_cast %swap3A_576 : i32 to index
      %swap3A_578 = arith.constant 16 : index
      %swap3A_579 = tpu.vector_load %arg12[%swap3A_577, %swap3A_578] {strides = array<i32>} : memref<18x64xi32, #tpu.memory_space<vmem>>, vector<16xi32>,
      tpu.vector_store %arg12[%swap3A_577, %swap3A_578], %add3A_575 {strides = array<i32>} : memref<18x64xi32, #tpu.memory_space<vmem>>, vector<16xi32>,
      %add3A_580 = arith.addi %add3A_564, %min3A_546 : vector<16xi32>
      %swap3A_581 = arith.constant 3 : i32
      %swap3A_582 = arith.index_cast %swap3A_581 : i32 to index
      %swap3A_583 = arith.constant 16 : index
      %swap3A_584 = tpu.vector_load %arg12[%swap3A_582, %swap3A_583] {strides = array<i32>} : memref<18x64xi32, #tpu.memory_space<vmem>>, vector<16xi32>,
      tpu.vector_store %arg12[%swap3A_582, %swap3A_583], %add3A_580 {strides = array<i32>} : memref<18x64xi32, #tpu.memory_space<vmem>>, vector<16xi32>,
      %mul3A_585 = arith.mulf %sub3A_540, %sub3A_537 : vector<16xf32>
      %swap3A_586 = arith.constant 0 : i32
      %swap3A_587 = arith.index_cast %swap3A_586 : i32 to index
      %swap3A_588 = arith.constant 16 : index
      %swap3A_589 = tpu.vector_load %arg13[%swap3A_587, %swap3A_588] {strides = array<i32>} : memref<18x64xf32, #tpu.memory_space<vmem>>, vector<16xf32>,
      tpu.vector_store %arg13[%swap3A_587, %swap3A_588], %mul3A_585 {strides = array<i32>} : memref<18x64xf32, #tpu.memory_space<vmem>>, vector<16xf32>,
      %mul3A_590 = arith.mulf %sub3A_540, %sub3A_532 : vector<16xf32>
      %swap3A_591 = arith.constant 1 : i32
      %swap3A_592 = arith.index_cast %swap3A_591 : i32 to index
      %swap3A_593 = arith.constant 16 : index
      %swap3A_594 = tpu.vector_load %arg13[%swap3A_592, %swap3A_593] {strides = array<i32>} : memref<18x64xf32, #tpu.memory_space<vmem>>, vector<16xf32>,
      tpu.vector_store %arg13[%swap3A_592, %swap3A_593], %mul3A_590 {strides = array<i32>} : memref<18x64xf32, #tpu.memory_space<vmem>>, vector<16xf32>,
      %mul3A_595 = arith.mulf %sub3A_534, %sub3A_537 : vector<16xf32>
      %swap3A_596 = arith.constant 2 : i32
      %swap3A_597 = arith.index_cast %swap3A_596 : i32 to index
      %swap3A_598 = arith.constant 16 : index
      %swap3A_599 = tpu.vector_load %arg13[%swap3A_597, %swap3A_598] {strides = array<i32>} : memref<18x64xf32, #tpu.memory_space<vmem>>, vector<16xf32>,
      tpu.vector_store %arg13[%swap3A_597, %swap3A_598], %mul3A_595 {strides = array<i32>} : memref<18x64xf32, #tpu.memory_space<vmem>>, vector<16xf32>,
      %mul3A_600 = arith.mulf %sub3A_534, %sub3A_532 : vector<16xf32>
      %swap3A_601 = arith.constant 3 : i32
      %swap3A_602 = arith.index_cast %swap3A_601 : i32 to index
      %swap3A_603 = arith.constant 16 : index
      %swap3A_604 = tpu.vector_load %arg13[%swap3A_602, %swap3A_603] {strides = array<i32>} : memref<18x64xf32, #tpu.memory_space<vmem>>, vector<16xf32>,
      tpu.vector_store %arg13[%swap3A_602, %swap3A_603], %mul3A_600 {strides = array<i32>} : memref<18x64xf32, #tpu.memory_space<vmem>>, vector<16xf32>,
      %add3A_605 = arith.constant 1.000000e+00 : f32
      %add3A_606 = vector.broadcast %add3A_605 : f32 to vector<16xf32>
      %add3A_607 = arith.addf %min3A_516, %add3A_606 : vector<16xf32>
      %mul3A_608 = arith.constant 2.555000e+02 : f32
      %mul3A_609 = vector.broadcast %mul3A_608 : f32 to vector<16xf32>
      %mul3A_610 = arith.mulf %add3A_607, %mul3A_609 : vector<16xf32>
      %convert_element_type3A_611 = arith.fptosi %mul3A_610 : vector<16xf32> to vector<16xi32>
      %convert_element_type3A_612 = arith.sitofp %convert_element_type3A_611 : vector<16xi32> to vector<16xf32>
      %sub3A_613 = arith.subf %mul3A_610, %convert_element_type3A_612 : vector<16xf32>
      %add3A_614 = arith.constant 786432 : i32
      %add3A_615 = vector.broadcast %add3A_614 : i32 to vector<16xi32>
      %add3A_616 = arith.addi %convert_element_type3A_611, %add3A_615 : vector<16xi32>
      %swap3A_617 = arith.constant 12 : i32
      %swap3A_618 = arith.index_cast %swap3A_617 : i32 to index
      %swap3A_619 = arith.constant 16 : index
      %swap3A_620 = tpu.vector_load %arg12[%swap3A_618, %swap3A_619] {strides = array<i32>} : memref<18x64xi32, #tpu.memory_space<vmem>>, vector<16xi32>,
      tpu.vector_store %arg12[%swap3A_618, %swap3A_619], %add3A_616 {strides = array<i32>} : memref<18x64xi32, #tpu.memory_space<vmem>>, vector<16xi32>,
      %add3A_621 = arith.constant 1 : i32
      %add3A_622 = vector.broadcast %add3A_621 : i32 to vector<16xi32>
      %add3A_623 = arith.addi %convert_element_type3A_611, %add3A_622 : vector<16xi32>
      %min3A_624 = arith.constant 511 : i32
      %min3A_625 = vector.broadcast %min3A_624 : i32 to vector<16xi32>
      %min3A_626 = arith.minsi %add3A_623, %min3A_625 : vector<16xi32>
      %add3A_627 = arith.constant 786432 : i32
      %add3A_628 = vector.broadcast %add3A_627 : i32 to vector<16xi32>
      %add3A_629 = arith.addi %min3A_626, %add3A_628 : vector<16xi32>
      %swap3A_630 = arith.constant 13 : i32
      %swap3A_631 = arith.index_cast %swap3A_630 : i32 to index
      %swap3A_632 = arith.constant 16 : index
      %swap3A_633 = tpu.vector_load %arg12[%swap3A_631, %swap3A_632] {strides = array<i32>} : memref<18x64xi32, #tpu.memory_space<vmem>>, vector<16xi32>,
      tpu.vector_store %arg12[%swap3A_631, %swap3A_632], %add3A_629 {strides = array<i32>} : memref<18x64xi32, #tpu.memory_space<vmem>>, vector<16xi32>,
      %sub3A_634 = arith.constant 1.000000e+00 : f32
      %sub3A_635 = vector.broadcast %sub3A_634 : f32 to vector<16xf32>
      %sub3A_636 = arith.subf %sub3A_635, %sub3A_613 : vector<16xf32>
      %swap3A_637 = arith.constant 12 : i32
      %swap3A_638 = arith.index_cast %swap3A_637 : i32 to index
      %swap3A_639 = arith.constant 16 : index
      %swap3A_640 = tpu.vector_load %arg13[%swap3A_638, %swap3A_639] {strides = array<i32>} : memref<18x64xf32, #tpu.memory_space<vmem>>, vector<16xf32>,
      tpu.vector_store %arg13[%swap3A_638, %swap3A_639], %sub3A_636 {strides = array<i32>} : memref<18x64xf32, #tpu.memory_space<vmem>>, vector<16xf32>,
      %swap3A_641 = arith.constant 13 : i32
      %swap3A_642 = arith.index_cast %swap3A_641 : i32 to index
      %swap3A_643 = arith.constant 16 : index
      %swap3A_644 = tpu.vector_load %arg13[%swap3A_642, %swap3A_643] {strides = array<i32>} : memref<18x64xf32, #tpu.memory_space<vmem>>, vector<16xf32>,
      tpu.vector_store %arg13[%swap3A_642, %swap3A_643], %sub3A_613 {strides = array<i32>} : memref<18x64xf32, #tpu.memory_space<vmem>>, vector<16xf32>,
      %add3A_645 = arith.constant 1.000000e+00 : f32
      %add3A_646 = vector.broadcast %add3A_645 : f32 to vector<16xf32>
      %add3A_647 = arith.addf %min3A_500, %add3A_646 : vector<16xf32>
      %mul3A_648 = arith.constant 2.555000e+02 : f32
      %mul3A_649 = vector.broadcast %mul3A_648 : f32 to vector<16xf32>
      %mul3A_650 = arith.mulf %add3A_647, %mul3A_649 : vector<16xf32>
      %add3A_651 = arith.constant 1.000000e+00 : f32
      %add3A_652 = vector.broadcast %add3A_651 : f32 to vector<16xf32>
      %add3A_653 = arith.addf %min3A_516, %add3A_652 : vector<16xf32>
      %mul3A_654 = arith.constant 2.555000e+02 : f32
      %mul3A_655 = vector.broadcast %mul3A_654 : f32 to vector<16xf32>
      %mul3A_656 = arith.mulf %add3A_653, %mul3A_655 : vector<16xf32>
      %convert_element_type3A_657 = arith.fptosi %mul3A_650 : vector<16xf32> to vector<16xi32>
      %convert_element_type3A_658 = arith.fptosi %mul3A_656 : vector<16xf32> to vector<16xi32>
      %convert_element_type3A_659 = arith.sitofp %convert_element_type3A_657 : vector<16xi32> to vector<16xf32>
      %sub3A_660 = arith.subf %mul3A_650, %convert_element_type3A_659 : vector<16xf32>
      %convert_element_type3A_661 = arith.sitofp %convert_element_type3A_658 : vector<16xi32> to vector<16xf32>
      %sub3A_662 = arith.subf %mul3A_656, %convert_element_type3A_661 : vector<16xf32>
      %sub3A_663 = arith.constant 1.000000e+00 : f32
      %sub3A_664 = vector.broadcast %sub3A_663 : f32 to vector<16xf32>
      %sub3A_665 = arith.subf %sub3A_664, %sub3A_660 : vector<16xf32>
      %sub3A_666 = arith.constant 1.000000e+00 : f32
      %sub3A_667 = vector.broadcast %sub3A_666 : f32 to vector<16xf32>
      %sub3A_668 = arith.subf %sub3A_667, %sub3A_662 : vector<16xf32>
      %add3A_669 = arith.constant 1 : i32
      %add3A_670 = vector.broadcast %add3A_669 : i32 to vector<16xi32>
      %add3A_671 = arith.addi %convert_element_type3A_657, %add3A_670 : vector<16xi32>
      %min3A_672 = arith.constant 511 : i32
      %min3A_673 = vector.broadcast %min3A_672 : i32 to vector<16xi32>
      %min3A_674 = arith.minsi %add3A_671, %min3A_673 : vector<16xi32>
      %add3A_675 = arith.constant 1 : i32
      %add3A_676 = vector.broadcast %add3A_675 : i32 to vector<16xi32>
      %add3A_677 = arith.addi %convert_element_type3A_658, %add3A_676 : vector<16xi32>
      %min3A_678 = arith.constant 511 : i32
      %min3A_679 = vector.broadcast %min3A_678 : i32 to vector<16xi32>
      %min3A_680 = arith.minsi %add3A_677, %min3A_679 : vector<16xi32>
      %mul3A_681 = arith.constant 512 : i32
      %mul3A_682 = vector.broadcast %mul3A_681 : i32 to vector<16xi32>
      %mul3A_683 = arith.muli %convert_element_type3A_658, %mul3A_682 : vector<16xi32>
      %add3A_684 = arith.constant 262144 : i32
      %add3A_685 = vector.broadcast %add3A_684 : i32 to vector<16xi32>
      %add3A_686 = arith.addi %mul3A_683, %add3A_685 : vector<16xi32>
      %mul3A_687 = arith.constant 512 : i32
      %mul3A_688 = vector.broadcast %mul3A_687 : i32 to vector<16xi32>
      %mul3A_689 = arith.muli %min3A_680, %mul3A_688 : vector<16xi32>
      %add3A_690 = arith.constant 262144 : i32
      %add3A_691 = vector.broadcast %add3A_690 : i32 to vector<16xi32>
      %add3A_692 = arith.addi %mul3A_689, %add3A_691 : vector<16xi32>
      %add3A_693 = arith.addi %add3A_686, %convert_element_type3A_657 : vector<16xi32>
      %swap3A_694 = arith.constant 4 : i32
      %swap3A_695 = arith.index_cast %swap3A_694 : i32 to index
      %swap3A_696 = arith.constant 16 : index
      %swap3A_697 = tpu.vector_load %arg12[%swap3A_695, %swap3A_696] {strides = array<i32>} : memref<18x64xi32, #tpu.memory_space<vmem>>, vector<16xi32>,
      tpu.vector_store %arg12[%swap3A_695, %swap3A_696], %add3A_693 {strides = array<i32>} : memref<18x64xi32, #tpu.memory_space<vmem>>, vector<16xi32>,
      %add3A_698 = arith.addi %add3A_686, %min3A_674 : vector<16xi32>
      %swap3A_699 = arith.constant 5 : i32
      %swap3A_700 = arith.index_cast %swap3A_699 : i32 to index
      %swap3A_701 = arith.constant 16 : index
      %swap3A_702 = tpu.vector_load %arg12[%swap3A_700, %swap3A_701] {strides = array<i32>} : memref<18x64xi32, #tpu.memory_space<vmem>>, vector<16xi32>,
      tpu.vector_store %arg12[%swap3A_700, %swap3A_701], %add3A_698 {strides = array<i32>} : memref<18x64xi32, #tpu.memory_space<vmem>>, vector<16xi32>,
      %add3A_703 = arith.addi %add3A_692, %convert_element_type3A_657 : vector<16xi32>
      %swap3A_704 = arith.constant 6 : i32
      %swap3A_705 = arith.index_cast %swap3A_704 : i32 to index
      %swap3A_706 = arith.constant 16 : index
      %swap3A_707 = tpu.vector_load %arg12[%swap3A_705, %swap3A_706] {strides = array<i32>} : memref<18x64xi32, #tpu.memory_space<vmem>>, vector<16xi32>,
      tpu.vector_store %arg12[%swap3A_705, %swap3A_706], %add3A_703 {strides = array<i32>} : memref<18x64xi32, #tpu.memory_space<vmem>>, vector<16xi32>,
      %add3A_708 = arith.addi %add3A_692, %min3A_674 : vector<16xi32>
      %swap3A_709 = arith.constant 7 : i32
      %swap3A_710 = arith.index_cast %swap3A_709 : i32 to index
      %swap3A_711 = arith.constant 16 : index
      %swap3A_712 = tpu.vector_load %arg12[%swap3A_710, %swap3A_711] {strides = array<i32>} : memref<18x64xi32, #tpu.memory_space<vmem>>, vector<16xi32>,
      tpu.vector_store %arg12[%swap3A_710, %swap3A_711], %add3A_708 {strides = array<i32>} : memref<18x64xi32, #tpu.memory_space<vmem>>, vector<16xi32>,
      %mul3A_713 = arith.mulf %sub3A_668, %sub3A_665 : vector<16xf32>
      %swap3A_714 = arith.constant 4 : i32
      %swap3A_715 = arith.index_cast %swap3A_714 : i32 to index
      %swap3A_716 = arith.constant 16 : index
      %swap3A_717 = tpu.vector_load %arg13[%swap3A_715, %swap3A_716] {strides = array<i32>} : memref<18x64xf32, #tpu.memory_space<vmem>>, vector<16xf32>,
      tpu.vector_store %arg13[%swap3A_715, %swap3A_716], %mul3A_713 {strides = array<i32>} : memref<18x64xf32, #tpu.memory_space<vmem>>, vector<16xf32>,
      %mul3A_718 = arith.mulf %sub3A_668, %sub3A_660 : vector<16xf32>
      %swap3A_719 = arith.constant 5 : i32
      %swap3A_720 = arith.index_cast %swap3A_719 : i32 to index
      %swap3A_721 = arith.constant 16 : index
      %swap3A_722 = tpu.vector_load %arg13[%swap3A_720, %swap3A_721] {strides = array<i32>} : memref<18x64xf32, #tpu.memory_space<vmem>>, vector<16xf32>,
      tpu.vector_store %arg13[%swap3A_720, %swap3A_721], %mul3A_718 {strides = array<i32>} : memref<18x64xf32, #tpu.memory_space<vmem>>, vector<16xf32>,
      %mul3A_723 = arith.mulf %sub3A_662, %sub3A_665 : vector<16xf32>
      %swap3A_724 = arith.constant 6 : i32
      %swap3A_725 = arith.index_cast %swap3A_724 : i32 to index
      %swap3A_726 = arith.constant 16 : index
      %swap3A_727 = tpu.vector_load %arg13[%swap3A_725, %swap3A_726] {strides = array<i32>} : memref<18x64xf32, #tpu.memory_space<vmem>>, vector<16xf32>,
      tpu.vector_store %arg13[%swap3A_725, %swap3A_726], %mul3A_723 {strides = array<i32>} : memref<18x64xf32, #tpu.memory_space<vmem>>, vector<16xf32>,
      %mul3A_728 = arith.mulf %sub3A_662, %sub3A_660 : vector<16xf32>
      %swap3A_729 = arith.constant 7 : i32
      %swap3A_730 = arith.index_cast %swap3A_729 : i32 to index
      %swap3A_731 = arith.constant 16 : index
      %swap3A_732 = tpu.vector_load %arg13[%swap3A_730, %swap3A_731] {strides = array<i32>} : memref<18x64xf32, #tpu.memory_space<vmem>>, vector<16xf32>,
      tpu.vector_store %arg13[%swap3A_730, %swap3A_731], %mul3A_728 {strides = array<i32>} : memref<18x64xf32, #tpu.memory_space<vmem>>, vector<16xf32>,
      %add3A_733 = arith.constant 1.000000e+00 : f32
      %add3A_734 = vector.broadcast %add3A_733 : f32 to vector<16xf32>
      %add3A_735 = arith.addf %min3A_508, %add3A_734 : vector<16xf32>
      %mul3A_736 = arith.constant 2.555000e+02 : f32
      %mul3A_737 = vector.broadcast %mul3A_736 : f32 to vector<16xf32>
      %mul3A_738 = arith.mulf %add3A_735, %mul3A_737 : vector<16xf32>
      %convert_element_type3A_739 = arith.fptosi %mul3A_738 : vector<16xf32> to vector<16xi32>
      %convert_element_type3A_740 = arith.sitofp %convert_element_type3A_739 : vector<16xi32> to vector<16xf32>
      %sub3A_741 = arith.subf %mul3A_738, %convert_element_type3A_740 : vector<16xf32>
      %add3A_742 = arith.constant 786944 : i32
      %add3A_743 = vector.broadcast %add3A_742 : i32 to vector<16xi32>
      %add3A_744 = arith.addi %convert_element_type3A_739, %add3A_743 : vector<16xi32>
      %swap3A_745 = arith.constant 14 : i32
      %swap3A_746 = arith.index_cast %swap3A_745 : i32 to index
      %swap3A_747 = arith.constant 16 : index
      %swap3A_748 = tpu.vector_load %arg12[%swap3A_746, %swap3A_747] {strides = array<i32>} : memref<18x64xi32, #tpu.memory_space<vmem>>, vector<16xi32>,
      tpu.vector_store %arg12[%swap3A_746, %swap3A_747], %add3A_744 {strides = array<i32>} : memref<18x64xi32, #tpu.memory_space<vmem>>, vector<16xi32>,
      %add3A_749 = arith.constant 1 : i32
      %add3A_750 = vector.broadcast %add3A_749 : i32 to vector<16xi32>
      %add3A_751 = arith.addi %convert_element_type3A_739, %add3A_750 : vector<16xi32>
      %min3A_752 = arith.constant 511 : i32
      %min3A_753 = vector.broadcast %min3A_752 : i32 to vector<16xi32>
      %min3A_754 = arith.minsi %add3A_751, %min3A_753 : vector<16xi32>
      %add3A_755 = arith.constant 786944 : i32
      %add3A_756 = vector.broadcast %add3A_755 : i32 to vector<16xi32>
      %add3A_757 = arith.addi %min3A_754, %add3A_756 : vector<16xi32>
      %swap3A_758 = arith.constant 15 : i32
      %swap3A_759 = arith.index_cast %swap3A_758 : i32 to index
      %swap3A_760 = arith.constant 16 : index
      %swap3A_761 = tpu.vector_load %arg12[%swap3A_759, %swap3A_760] {strides = array<i32>} : memref<18x64xi32, #tpu.memory_space<vmem>>, vector<16xi32>,
      tpu.vector_store %arg12[%swap3A_759, %swap3A_760], %add3A_757 {strides = array<i32>} : memref<18x64xi32, #tpu.memory_space<vmem>>, vector<16xi32>,
      %sub3A_762 = arith.constant 1.000000e+00 : f32
      %sub3A_763 = vector.broadcast %sub3A_762 : f32 to vector<16xf32>
      %sub3A_764 = arith.subf %sub3A_763, %sub3A_741 : vector<16xf32>
      %swap3A_765 = arith.constant 14 : i32
      %swap3A_766 = arith.index_cast %swap3A_765 : i32 to index
      %swap3A_767 = arith.constant 16 : index
      %swap3A_768 = tpu.vector_load %arg13[%swap3A_766, %swap3A_767] {strides = array<i32>} : memref<18x64xf32, #tpu.memory_space<vmem>>, vector<16xf32>,
      tpu.vector_store %arg13[%swap3A_766, %swap3A_767], %sub3A_764 {strides = array<i32>} : memref<18x64xf32, #tpu.memory_space<vmem>>, vector<16xf32>,
      %swap3A_769 = arith.constant 15 : i32
      %swap3A_770 = arith.index_cast %swap3A_769 : i32 to index
      %swap3A_771 = arith.constant 16 : index
      %swap3A_772 = tpu.vector_load %arg13[%swap3A_770, %swap3A_771] {strides = array<i32>} : memref<18x64xf32, #tpu.memory_space<vmem>>, vector<16xf32>,
      tpu.vector_store %arg13[%swap3A_770, %swap3A_771], %sub3A_741 {strides = array<i32>} : memref<18x64xf32, #tpu.memory_space<vmem>>, vector<16xf32>,
      %add3A_773 = arith.constant 1.000000e+00 : f32
      %add3A_774 = vector.broadcast %add3A_773 : f32 to vector<16xf32>
      %add3A_775 = arith.addf %min3A_508, %add3A_774 : vector<16xf32>
      %mul3A_776 = arith.constant 2.555000e+02 : f32
      %mul3A_777 = vector.broadcast %mul3A_776 : f32 to vector<16xf32>
      %mul3A_778 = arith.mulf %add3A_775, %mul3A_777 : vector<16xf32>
      %add3A_779 = arith.constant 1.000000e+00 : f32
      %add3A_780 = vector.broadcast %add3A_779 : f32 to vector<16xf32>
      %add3A_781 = arith.addf %min3A_516, %add3A_780 : vector<16xf32>
      %mul3A_782 = arith.constant 2.555000e+02 : f32
      %mul3A_783 = vector.broadcast %mul3A_782 : f32 to vector<16xf32>
      %mul3A_784 = arith.mulf %add3A_781, %mul3A_783 : vector<16xf32>
      %convert_element_type3A_785 = arith.fptosi %mul3A_778 : vector<16xf32> to vector<16xi32>
      %convert_element_type3A_786 = arith.fptosi %mul3A_784 : vector<16xf32> to vector<16xi32>
      %convert_element_type3A_787 = arith.sitofp %convert_element_type3A_785 : vector<16xi32> to vector<16xf32>
      %sub3A_788 = arith.subf %mul3A_778, %convert_element_type3A_787 : vector<16xf32>
      %convert_element_type3A_789 = arith.sitofp %convert_element_type3A_786 : vector<16xi32> to vector<16xf32>
      %sub3A_790 = arith.subf %mul3A_784, %convert_element_type3A_789 : vector<16xf32>
      %sub3A_791 = arith.constant 1.000000e+00 : f32
      %sub3A_792 = vector.broadcast %sub3A_791 : f32 to vector<16xf32>
      %sub3A_793 = arith.subf %sub3A_792, %sub3A_788 : vector<16xf32>
      %sub3A_794 = arith.constant 1.000000e+00 : f32
      %sub3A_795 = vector.broadcast %sub3A_794 : f32 to vector<16xf32>
      %sub3A_796 = arith.subf %sub3A_795, %sub3A_790 : vector<16xf32>
      %add3A_797 = arith.constant 1 : i32
      %add3A_798 = vector.broadcast %add3A_797 : i32 to vector<16xi32>
      %add3A_799 = arith.addi %convert_element_type3A_785, %add3A_798 : vector<16xi32>
      %min3A_800 = arith.constant 511 : i32
      %min3A_801 = vector.broadcast %min3A_800 : i32 to vector<16xi32>
      %min3A_802 = arith.minsi %add3A_799, %min3A_801 : vector<16xi32>
      %add3A_803 = arith.constant 1 : i32
      %add3A_804 = vector.broadcast %add3A_803 : i32 to vector<16xi32>
      %add3A_805 = arith.addi %convert_element_type3A_786, %add3A_804 : vector<16xi32>
      %min3A_806 = arith.constant 511 : i32
      %min3A_807 = vector.broadcast %min3A_806 : i32 to vector<16xi32>
      %min3A_808 = arith.minsi %add3A_805, %min3A_807 : vector<16xi32>
      %mul3A_809 = arith.constant 512 : i32
      %mul3A_810 = vector.broadcast %mul3A_809 : i32 to vector<16xi32>
      %mul3A_811 = arith.muli %convert_element_type3A_786, %mul3A_810 : vector<16xi32>
      %add3A_812 = arith.constant 524288 : i32
      %add3A_813 = vector.broadcast %add3A_812 : i32 to vector<16xi32>
      %add3A_814 = arith.addi %mul3A_811, %add3A_813 : vector<16xi32>
      %mul3A_815 = arith.constant 512 : i32
      %mul3A_816 = vector.broadcast %mul3A_815 : i32 to vector<16xi32>
      %mul3A_817 = arith.muli %min3A_808, %mul3A_816 : vector<16xi32>
      %add3A_818 = arith.constant 524288 : i32
      %add3A_819 = vector.broadcast %add3A_818 : i32 to vector<16xi32>
      %add3A_820 = arith.addi %mul3A_817, %add3A_819 : vector<16xi32>
      %add3A_821 = arith.addi %add3A_814, %convert_element_type3A_785 : vector<16xi32>
      %swap3A_822 = arith.constant 8 : i32
      %swap3A_823 = arith.index_cast %swap3A_822 : i32 to index
      %swap3A_824 = arith.constant 16 : index
      %swap3A_825 = tpu.vector_load %arg12[%swap3A_823, %swap3A_824] {strides = array<i32>} : memref<18x64xi32, #tpu.memory_space<vmem>>, vector<16xi32>,
      tpu.vector_store %arg12[%swap3A_823, %swap3A_824], %add3A_821 {strides = array<i32>} : memref<18x64xi32, #tpu.memory_space<vmem>>, vector<16xi32>,
      %add3A_826 = arith.addi %add3A_814, %min3A_802 : vector<16xi32>
      %swap3A_827 = arith.constant 9 : i32
      %swap3A_828 = arith.index_cast %swap3A_827 : i32 to index
      %swap3A_829 = arith.constant 16 : index
      %swap3A_830 = tpu.vector_load %arg12[%swap3A_828, %swap3A_829] {strides = array<i32>} : memref<18x64xi32, #tpu.memory_space<vmem>>, vector<16xi32>,
      tpu.vector_store %arg12[%swap3A_828, %swap3A_829], %add3A_826 {strides = array<i32>} : memref<18x64xi32, #tpu.memory_space<vmem>>, vector<16xi32>,
      %add3A_831 = arith.addi %add3A_820, %convert_element_type3A_785 : vector<16xi32>
      %swap3A_832 = arith.constant 10 : i32
      %swap3A_833 = arith.index_cast %swap3A_832 : i32 to index
      %swap3A_834 = arith.constant 16 : index
      %swap3A_835 = tpu.vector_load %arg12[%swap3A_833, %swap3A_834] {strides = array<i32>} : memref<18x64xi32, #tpu.memory_space<vmem>>, vector<16xi32>,
      tpu.vector_store %arg12[%swap3A_833, %swap3A_834], %add3A_831 {strides = array<i32>} : memref<18x64xi32, #tpu.memory_space<vmem>>, vector<16xi32>,
      %add3A_836 = arith.addi %add3A_820, %min3A_802 : vector<16xi32>
      %swap3A_837 = arith.constant 11 : i32
      %swap3A_838 = arith.index_cast %swap3A_837 : i32 to index
      %swap3A_839 = arith.constant 16 : index
      %swap3A_840 = tpu.vector_load %arg12[%swap3A_838, %swap3A_839] {strides = array<i32>} : memref<18x64xi32, #tpu.memory_space<vmem>>, vector<16xi32>,
      tpu.vector_store %arg12[%swap3A_838, %swap3A_839], %add3A_836 {strides = array<i32>} : memref<18x64xi32, #tpu.memory_space<vmem>>, vector<16xi32>,
      %mul3A_841 = arith.mulf %sub3A_796, %sub3A_793 : vector<16xf32>
      %swap3A_842 = arith.constant 8 : i32
      %swap3A_843 = arith.index_cast %swap3A_842 : i32 to index
      %swap3A_844 = arith.constant 16 : index
      %swap3A_845 = tpu.vector_load %arg13[%swap3A_843, %swap3A_844] {strides = array<i32>} : memref<18x64xf32, #tpu.memory_space<vmem>>, vector<16xf32>,
      tpu.vector_store %arg13[%swap3A_843, %swap3A_844], %mul3A_841 {strides = array<i32>} : memref<18x64xf32, #tpu.memory_space<vmem>>, vector<16xf32>,
      %mul3A_846 = arith.mulf %sub3A_796, %sub3A_788 : vector<16xf32>
      %swap3A_847 = arith.constant 9 : i32
      %swap3A_848 = arith.index_cast %swap3A_847 : i32 to index
      %swap3A_849 = arith.constant 16 : index
      %swap3A_850 = tpu.vector_load %arg13[%swap3A_848, %swap3A_849] {strides = array<i32>} : memref<18x64xf32, #tpu.memory_space<vmem>>, vector<16xf32>,
      tpu.vector_store %arg13[%swap3A_848, %swap3A_849], %mul3A_846 {strides = array<i32>} : memref<18x64xf32, #tpu.memory_space<vmem>>, vector<16xf32>,
      %mul3A_851 = arith.mulf %sub3A_790, %sub3A_793 : vector<16xf32>
      %swap3A_852 = arith.constant 10 : i32
      %swap3A_853 = arith.index_cast %swap3A_852 : i32 to index
      %swap3A_854 = arith.constant 16 : index
      %swap3A_855 = tpu.vector_load %arg13[%swap3A_853, %swap3A_854] {strides = array<i32>} : memref<18x64xf32, #tpu.memory_space<vmem>>, vector<16xf32>,
      tpu.vector_store %arg13[%swap3A_853, %swap3A_854], %mul3A_851 {strides = array<i32>} : memref<18x64xf32, #tpu.memory_space<vmem>>, vector<16xf32>,
      %mul3A_856 = arith.mulf %sub3A_790, %sub3A_788 : vector<16xf32>
      %swap3A_857 = arith.constant 11 : i32
      %swap3A_858 = arith.index_cast %swap3A_857 : i32 to index
      %swap3A_859 = arith.constant 16 : index
      %swap3A_860 = tpu.vector_load %arg13[%swap3A_858, %swap3A_859] {strides = array<i32>} : memref<18x64xf32, #tpu.memory_space<vmem>>, vector<16xf32>,
      tpu.vector_store %arg13[%swap3A_858, %swap3A_859], %mul3A_856 {strides = array<i32>} : memref<18x64xf32, #tpu.memory_space<vmem>>, vector<16xf32>,
      %add3A_861 = arith.constant 1.000000e+00 : f32
      %add3A_862 = vector.broadcast %add3A_861 : f32 to vector<16xf32>
      %add3A_863 = arith.addf %min3A_500, %add3A_862 : vector<16xf32>
      %mul3A_864 = arith.constant 2.555000e+02 : f32
      %mul3A_865 = vector.broadcast %mul3A_864 : f32 to vector<16xf32>
      %mul3A_866 = arith.mulf %add3A_863, %mul3A_865 : vector<16xf32>
      %convert_element_type3A_867 = arith.fptosi %mul3A_866 : vector<16xf32> to vector<16xi32>
      %convert_element_type3A_868 = arith.sitofp %convert_element_type3A_867 : vector<16xi32> to vector<16xf32>
      %sub3A_869 = arith.subf %mul3A_866, %convert_element_type3A_868 : vector<16xf32>
      %add3A_870 = arith.constant 787456 : i32
      %add3A_871 = vector.broadcast %add3A_870 : i32 to vector<16xi32>
      %add3A_872 = arith.addi %convert_element_type3A_867, %add3A_871 : vector<16xi32>
      %swap3A_873 = arith.constant 16 : i32
      %swap3A_874 = arith.index_cast %swap3A_873 : i32 to index
      %swap3A_875 = arith.constant 16 : index
      %swap3A_876 = tpu.vector_load %arg12[%swap3A_874, %swap3A_875] {strides = array<i32>} : memref<18x64xi32, #tpu.memory_space<vmem>>, vector<16xi32>,
      tpu.vector_store %arg12[%swap3A_874, %swap3A_875], %add3A_872 {strides = array<i32>} : memref<18x64xi32, #tpu.memory_space<vmem>>, vector<16xi32>,
      %add3A_877 = arith.constant 1 : i32
      %add3A_878 = vector.broadcast %add3A_877 : i32 to vector<16xi32>
      %add3A_879 = arith.addi %convert_element_type3A_867, %add3A_878 : vector<16xi32>
      %min3A_880 = arith.constant 511 : i32
      %min3A_881 = vector.broadcast %min3A_880 : i32 to vector<16xi32>
      %min3A_882 = arith.minsi %add3A_879, %min3A_881 : vector<16xi32>
      %add3A_883 = arith.constant 787456 : i32
      %add3A_884 = vector.broadcast %add3A_883 : i32 to vector<16xi32>
      %add3A_885 = arith.addi %min3A_882, %add3A_884 : vector<16xi32>
      %swap3A_886 = arith.constant 17 : i32
      %swap3A_887 = arith.index_cast %swap3A_886 : i32 to index
      %swap3A_888 = arith.constant 16 : index
      %swap3A_889 = tpu.vector_load %arg12[%swap3A_887, %swap3A_888] {strides = array<i32>} : memref<18x64xi32, #tpu.memory_space<vmem>>, vector<16xi32>,
      tpu.vector_store %arg12[%swap3A_887, %swap3A_888], %add3A_885 {strides = array<i32>} : memref<18x64xi32, #tpu.memory_space<vmem>>, vector<16xi32>,
      %sub3A_890 = arith.constant 1.000000e+00 : f32
      %sub3A_891 = vector.broadcast %sub3A_890 : f32 to vector<16xf32>
      %sub3A_892 = arith.subf %sub3A_891, %sub3A_869 : vector<16xf32>
      %swap3A_893 = arith.constant 16 : i32
      %swap3A_894 = arith.index_cast %swap3A_893 : i32 to index
      %swap3A_895 = arith.constant 16 : index
      %swap3A_896 = tpu.vector_load %arg13[%swap3A_894, %swap3A_895] {strides = array<i32>} : memref<18x64xf32, #tpu.memory_space<vmem>>, vector<16xf32>,
      tpu.vector_store %arg13[%swap3A_894, %swap3A_895], %sub3A_892 {strides = array<i32>} : memref<18x64xf32, #tpu.memory_space<vmem>>, vector<16xf32>,
      %swap3A_897 = arith.constant 17 : i32
      %swap3A_898 = arith.index_cast %swap3A_897 : i32 to index
      %swap3A_899 = arith.constant 16 : index
      %swap3A_900 = tpu.vector_load %arg13[%swap3A_898, %swap3A_899] {strides = array<i32>} : memref<18x64xf32, #tpu.memory_space<vmem>>, vector<16xf32>,
      tpu.vector_store %arg13[%swap3A_898, %swap3A_899], %sub3A_869 {strides = array<i32>} : memref<18x64xf32, #tpu.memory_space<vmem>>, vector<16xf32>,
      %get3A_901 = arith.constant 32 : index
      %get3A_902 = tpu.vector_load %arg8[%get3A_901] {strides = array<i32>} : memref<64xf32, #tpu.memory_space<vmem>>, vector<16xf32>,
      %sub3A_903 = arith.subf %get3A_902, %get3A_5 : vector<16xf32>
      %mul3A_904 = arith.mulf %sub3A_903, %get3A_17 : vector<16xf32>
      %get3A_905 = arith.constant 32 : index
      %get3A_906 = tpu.vector_load %arg9[%get3A_905] {strides = array<i32>} : memref<64xf32, #tpu.memory_space<vmem>>, vector<16xf32>,
      %sub3A_907 = arith.subf %get3A_906, %get3A_9 : vector<16xf32>
      %mul3A_908 = arith.mulf %sub3A_907, %get3A_21 : vector<16xf32>
      %get3A_909 = arith.constant 32 : index
      %get3A_910 = tpu.vector_load %arg10[%get3A_909] {strides = array<i32>} : memref<64xf32, #tpu.memory_space<vmem>>, vector<16xf32>,
      %sub3A_911 = arith.subf %get3A_910, %get3A_13 : vector<16xf32>
      %mul3A_912 = arith.mulf %sub3A_911, %get3A_25 : vector<16xf32>
      %abs3A_913 = math.absf %mul3A_904 : vector<16xf32>
      %abs3A_914 = math.absf %mul3A_908 : vector<16xf32>
      %max3A_915 = arith.maximumf %abs3A_913, %abs3A_914 : vector<16xf32>
      %abs3A_916 = math.absf %mul3A_912 : vector<16xf32>
      %max3A_917 = arith.maximumf %max3A_915, %abs3A_916 : vector<16xf32>
      %max3A_918 = arith.constant 1.000000e+00 : f32
      %max3A_919 = vector.broadcast %max3A_918 : f32 to vector<16xf32>
      %max3A_920 = arith.maximumf %max3A_917, %max3A_919 : vector<16xf32>
      %div3A_921 = arith.constant 1.000000e+00 : f32
      %div3A_922 = vector.broadcast %div3A_921 : f32 to vector<16xf32>
      %div3A_923 = arith.divf %div3A_922, %max3A_920 : vector<16xf32>
      %sub3A_924 = arith.constant 2.000000e+00 : f32
      %sub3A_925 = vector.broadcast %sub3A_924 : f32 to vector<16xf32>
      %sub3A_926 = arith.subf %sub3A_925, %div3A_923 : vector<16xf32>
      %mul3A_927 = arith.mulf %sub3A_926, %div3A_923 : vector<16xf32>
      %gt3A_928 = arith.constant 1.000000e+00 : f32
      %gt3A_929 = vector.broadcast %gt3A_928 : f32 to vector<16xf32>
      %gt3A_930 = arith.cmpf ogt, %max3A_917, %gt3A_929 : vector<16xf32>
      %mul3A_931 = arith.mulf %mul3A_904, %mul3A_927 : vector<16xf32>
      %select_n3A_932 = arith.select %gt3A_930, %mul3A_931, %mul3A_904 : vector<16xi1>, vector<16xf32>
      %jit3A_933 = arith.constant -1.000000e+00 : f32
      %jit3A_934 = arith.constant 1.000000e+00 : f32
      %max3A_935 = vector.broadcast %jit3A_933 : f32 to vector<16xf32>
      %max3A_936 = arith.maximumf %max3A_935, %select_n3A_932 : vector<16xf32>
      %min3A_937 = vector.broadcast %jit3A_934 : f32 to vector<16xf32>
      %min3A_938 = arith.minimumf %min3A_937, %max3A_936 : vector<16xf32>
      %mul3A_939 = arith.mulf %mul3A_908, %mul3A_927 : vector<16xf32>
      %select_n3A_940 = arith.select %gt3A_930, %mul3A_939, %mul3A_908 : vector<16xi1>, vector<16xf32>
      %jit3A_941 = arith.constant -1.000000e+00 : f32
      %jit3A_942 = arith.constant 1.000000e+00 : f32
      %max3A_943 = vector.broadcast %jit3A_941 : f32 to vector<16xf32>
      %max3A_944 = arith.maximumf %max3A_943, %select_n3A_940 : vector<16xf32>
      %min3A_945 = vector.broadcast %jit3A_942 : f32 to vector<16xf32>
      %min3A_946 = arith.minimumf %min3A_945, %max3A_944 : vector<16xf32>
      %mul3A_947 = arith.mulf %mul3A_912, %mul3A_927 : vector<16xf32>
      %select_n3A_948 = arith.select %gt3A_930, %mul3A_947, %mul3A_912 : vector<16xi1>, vector<16xf32>
      %jit3A_949 = arith.constant -1.000000e+00 : f32
      %jit3A_950 = arith.constant 1.000000e+00 : f32
      %max3A_951 = vector.broadcast %jit3A_949 : f32 to vector<16xf32>
      %max3A_952 = arith.maximumf %max3A_951, %select_n3A_948 : vector<16xf32>
      %min3A_953 = vector.broadcast %jit3A_950 : f32 to vector<16xf32>
      %min3A_954 = arith.minimumf %min3A_953, %max3A_952 : vector<16xf32>
      %add3A_955 = arith.constant 1.000000e+00 : f32
      %add3A_956 = vector.broadcast %add3A_955 : f32 to vector<16xf32>
      %add3A_957 = arith.addf %min3A_938, %add3A_956 : vector<16xf32>
      %mul3A_958 = arith.constant 2.555000e+02 : f32
      %mul3A_959 = vector.broadcast %mul3A_958 : f32 to vector<16xf32>
      %mul3A_960 = arith.mulf %add3A_957, %mul3A_959 : vector<16xf32>
      %add3A_961 = arith.constant 1.000000e+00 : f32
      %add3A_962 = vector.broadcast %add3A_961 : f32 to vector<16xf32>
      %add3A_963 = arith.addf %min3A_946, %add3A_962 : vector<16xf32>
      %mul3A_964 = arith.constant 2.555000e+02 : f32
      %mul3A_965 = vector.broadcast %mul3A_964 : f32 to vector<16xf32>
      %mul3A_966 = arith.mulf %add3A_963, %mul3A_965 : vector<16xf32>
      %convert_element_type3A_967 = arith.fptosi %mul3A_960 : vector<16xf32> to vector<16xi32>
      %convert_element_type3A_968 = arith.fptosi %mul3A_966 : vector<16xf32> to vector<16xi32>
      %convert_element_type3A_969 = arith.sitofp %convert_element_type3A_967 : vector<16xi32> to vector<16xf32>
      %sub3A_970 = arith.subf %mul3A_960, %convert_element_type3A_969 : vector<16xf32>
      %convert_element_type3A_971 = arith.sitofp %convert_element_type3A_968 : vector<16xi32> to vector<16xf32>
      %sub3A_972 = arith.subf %mul3A_966, %convert_element_type3A_971 : vector<16xf32>
      %sub3A_973 = arith.constant 1.000000e+00 : f32
      %sub3A_974 = vector.broadcast %sub3A_973 : f32 to vector<16xf32>
      %sub3A_975 = arith.subf %sub3A_974, %sub3A_970 : vector<16xf32>
      %sub3A_976 = arith.constant 1.000000e+00 : f32
      %sub3A_977 = vector.broadcast %sub3A_976 : f32 to vector<16xf32>
      %sub3A_978 = arith.subf %sub3A_977, %sub3A_972 : vector<16xf32>
      %add3A_979 = arith.constant 1 : i32
      %add3A_980 = vector.broadcast %add3A_979 : i32 to vector<16xi32>
      %add3A_981 = arith.addi %convert_element_type3A_967, %add3A_980 : vector<16xi32>
      %min3A_982 = arith.constant 511 : i32
      %min3A_983 = vector.broadcast %min3A_982 : i32 to vector<16xi32>
      %min3A_984 = arith.minsi %add3A_981, %min3A_983 : vector<16xi32>
      %add3A_985 = arith.constant 1 : i32
      %add3A_986 = vector.broadcast %add3A_985 : i32 to vector<16xi32>
      %add3A_987 = arith.addi %convert_element_type3A_968, %add3A_986 : vector<16xi32>
      %min3A_988 = arith.constant 511 : i32
      %min3A_989 = vector.broadcast %min3A_988 : i32 to vector<16xi32>
      %min3A_990 = arith.minsi %add3A_987, %min3A_989 : vector<16xi32>
      %mul3A_991 = arith.constant 512 : i32
      %mul3A_992 = vector.broadcast %mul3A_991 : i32 to vector<16xi32>
      %mul3A_993 = arith.muli %convert_element_type3A_968, %mul3A_992 : vector<16xi32>
      %add3A_994 = arith.constant 0 : i32
      %add3A_995 = vector.broadcast %add3A_994 : i32 to vector<16xi32>
      %add3A_996 = arith.addi %mul3A_993, %add3A_995 : vector<16xi32>
      %mul3A_997 = arith.constant 512 : i32
      %mul3A_998 = vector.broadcast %mul3A_997 : i32 to vector<16xi32>
      %mul3A_999 = arith.muli %min3A_990, %mul3A_998 : vector<16xi32>
      %add3A_1000 = arith.constant 0 : i32
      %add3A_1001 = vector.broadcast %add3A_1000 : i32 to vector<16xi32>
      %add3A_1002 = arith.addi %mul3A_999, %add3A_1001 : vector<16xi32>
      %add3A_1003 = arith.addi %add3A_996, %convert_element_type3A_967 : vector<16xi32>
      %swap3A_1004 = arith.constant 0 : i32
      %swap3A_1005 = arith.index_cast %swap3A_1004 : i32 to index
      %swap3A_1006 = arith.constant 32 : index
      %swap3A_1007 = tpu.vector_load %arg12[%swap3A_1005, %swap3A_1006] {strides = array<i32>} : memref<18x64xi32, #tpu.memory_space<vmem>>, vector<16xi32>,
      tpu.vector_store %arg12[%swap3A_1005, %swap3A_1006], %add3A_1003 {strides = array<i32>} : memref<18x64xi32, #tpu.memory_space<vmem>>, vector<16xi32>,
      %add3A_1008 = arith.addi %add3A_996, %min3A_984 : vector<16xi32>
      %swap3A_1009 = arith.constant 1 : i32
      %swap3A_1010 = arith.index_cast %swap3A_1009 : i32 to index
      %swap3A_1011 = arith.constant 32 : index
      %swap3A_1012 = tpu.vector_load %arg12[%swap3A_1010, %swap3A_1011] {strides = array<i32>} : memref<18x64xi32, #tpu.memory_space<vmem>>, vector<16xi32>,
      tpu.vector_store %arg12[%swap3A_1010, %swap3A_1011], %add3A_1008 {strides = array<i32>} : memref<18x64xi32, #tpu.memory_space<vmem>>, vector<16xi32>,
      %add3A_1013 = arith.addi %add3A_1002, %convert_element_type3A_967 : vector<16xi32>
      %swap3A_1014 = arith.constant 2 : i32
      %swap3A_1015 = arith.index_cast %swap3A_1014 : i32 to index
      %swap3A_1016 = arith.constant 32 : index
      %swap3A_1017 = tpu.vector_load %arg12[%swap3A_1015, %swap3A_1016] {strides = array<i32>} : memref<18x64xi32, #tpu.memory_space<vmem>>, vector<16xi32>,
      tpu.vector_store %arg12[%swap3A_1015, %swap3A_1016], %add3A_1013 {strides = array<i32>} : memref<18x64xi32, #tpu.memory_space<vmem>>, vector<16xi32>,
      %add3A_1018 = arith.addi %add3A_1002, %min3A_984 : vector<16xi32>
      %swap3A_1019 = arith.constant 3 : i32
      %swap3A_1020 = arith.index_cast %swap3A_1019 : i32 to index
      %swap3A_1021 = arith.constant 32 : index
      %swap3A_1022 = tpu.vector_load %arg12[%swap3A_1020, %swap3A_1021] {strides = array<i32>} : memref<18x64xi32, #tpu.memory_space<vmem>>, vector<16xi32>,
      tpu.vector_store %arg12[%swap3A_1020, %swap3A_1021], %add3A_1018 {strides = array<i32>} : memref<18x64xi32, #tpu.memory_space<vmem>>, vector<16xi32>,
      %mul3A_1023 = arith.mulf %sub3A_978, %sub3A_975 : vector<16xf32>
      %swap3A_1024 = arith.constant 0 : i32
      %swap3A_1025 = arith.index_cast %swap3A_1024 : i32 to index
      %swap3A_1026 = arith.constant 32 : index
      %swap3A_1027 = tpu.vector_load %arg13[%swap3A_1025, %swap3A_1026] {strides = array<i32>} : memref<18x64xf32, #tpu.memory_space<vmem>>, vector<16xf32>,
      tpu.vector_store %arg13[%swap3A_1025, %swap3A_1026], %mul3A_1023 {strides = array<i32>} : memref<18x64xf32, #tpu.memory_space<vmem>>, vector<16xf32>,
      %mul3A_1028 = arith.mulf %sub3A_978, %sub3A_970 : vector<16xf32>
      %swap3A_1029 = arith.constant 1 : i32
      %swap3A_1030 = arith.index_cast %swap3A_1029 : i32 to index
      %swap3A_1031 = arith.constant 32 : index
      %swap3A_1032 = tpu.vector_load %arg13[%swap3A_1030, %swap3A_1031] {strides = array<i32>} : memref<18x64xf32, #tpu.memory_space<vmem>>, vector<16xf32>,
      tpu.vector_store %arg13[%swap3A_1030, %swap3A_1031], %mul3A_1028 {strides = array<i32>} : memref<18x64xf32, #tpu.memory_space<vmem>>, vector<16xf32>,
      %mul3A_1033 = arith.mulf %sub3A_972, %sub3A_975 : vector<16xf32>
      %swap3A_1034 = arith.constant 2 : i32
      %swap3A_1035 = arith.index_cast %swap3A_1034 : i32 to index
      %swap3A_1036 = arith.constant 32 : index
      %swap3A_1037 = tpu.vector_load %arg13[%swap3A_1035, %swap3A_1036] {strides = array<i32>} : memref<18x64xf32, #tpu.memory_space<vmem>>, vector<16xf32>,
      tpu.vector_store %arg13[%swap3A_1035, %swap3A_1036], %mul3A_1033 {strides = array<i32>} : memref<18x64xf32, #tpu.memory_space<vmem>>, vector<16xf32>,
      %mul3A_1038 = arith.mulf %sub3A_972, %sub3A_970 : vector<16xf32>
      %swap3A_1039 = arith.constant 3 : i32
      %swap3A_1040 = arith.index_cast %swap3A_1039 : i32 to index
      %swap3A_1041 = arith.constant 32 : index
      %swap3A_1042 = tpu.vector_load %arg13[%swap3A_1040, %swap3A_1041] {strides = array<i32>} : memref<18x64xf32, #tpu.memory_space<vmem>>, vector<16xf32>,
      tpu.vector_store %arg13[%swap3A_1040, %swap3A_1041], %mul3A_1038 {strides = array<i32>} : memref<18x64xf32, #tpu.memory_space<vmem>>, vector<16xf32>,
      %add3A_1043 = arith.constant 1.000000e+00 : f32
      %add3A_1044 = vector.broadcast %add3A_1043 : f32 to vector<16xf32>
      %add3A_1045 = arith.addf %min3A_954, %add3A_1044 : vector<16xf32>
      %mul3A_1046 = arith.constant 2.555000e+02 : f32
      %mul3A_1047 = vector.broadcast %mul3A_1046 : f32 to vector<16xf32>
      %mul3A_1048 = arith.mulf %add3A_1045, %mul3A_1047 : vector<16xf32>
      %convert_element_type3A_1049 = arith.fptosi %mul3A_1048 : vector<16xf32> to vector<16xi32>
      %convert_element_type3A_1050 = arith.sitofp %convert_element_type3A_1049 : vector<16xi32> to vector<16xf32>
      %sub3A_1051 = arith.subf %mul3A_1048, %convert_element_type3A_1050 : vector<16xf32>
      %add3A_1052 = arith.constant 786432 : i32
      %add3A_1053 = vector.broadcast %add3A_1052 : i32 to vector<16xi32>
      %add3A_1054 = arith.addi %convert_element_type3A_1049, %add3A_1053 : vector<16xi32>
      %swap3A_1055 = arith.constant 12 : i32
      %swap3A_1056 = arith.index_cast %swap3A_1055 : i32 to index
      %swap3A_1057 = arith.constant 32 : index
      %swap3A_1058 = tpu.vector_load %arg12[%swap3A_1056, %swap3A_1057] {strides = array<i32>} : memref<18x64xi32, #tpu.memory_space<vmem>>, vector<16xi32>,
      tpu.vector_store %arg12[%swap3A_1056, %swap3A_1057], %add3A_1054 {strides = array<i32>} : memref<18x64xi32, #tpu.memory_space<vmem>>, vector<16xi32>,
      %add3A_1059 = arith.constant 1 : i32
      %add3A_1060 = vector.broadcast %add3A_1059 : i32 to vector<16xi32>
      %add3A_1061 = arith.addi %convert_element_type3A_1049, %add3A_1060 : vector<16xi32>
      %min3A_1062 = arith.constant 511 : i32
      %min3A_1063 = vector.broadcast %min3A_1062 : i32 to vector<16xi32>
      %min3A_1064 = arith.minsi %add3A_1061, %min3A_1063 : vector<16xi32>
      %add3A_1065 = arith.constant 786432 : i32
      %add3A_1066 = vector.broadcast %add3A_1065 : i32 to vector<16xi32>
      %add3A_1067 = arith.addi %min3A_1064, %add3A_1066 : vector<16xi32>
      %swap3A_1068 = arith.constant 13 : i32
      %swap3A_1069 = arith.index_cast %swap3A_1068 : i32 to index
      %swap3A_1070 = arith.constant 32 : index
      %swap3A_1071 = tpu.vector_load %arg12[%swap3A_1069, %swap3A_1070] {strides = array<i32>} : memref<18x64xi32, #tpu.memory_space<vmem>>, vector<16xi32>,
      tpu.vector_store %arg12[%swap3A_1069, %swap3A_1070], %add3A_1067 {strides = array<i32>} : memref<18x64xi32, #tpu.memory_space<vmem>>, vector<16xi32>,
      %sub3A_1072 = arith.constant 1.000000e+00 : f32
      %sub3A_1073 = vector.broadcast %sub3A_1072 : f32 to vector<16xf32>
      %sub3A_1074 = arith.subf %sub3A_1073, %sub3A_1051 : vector<16xf32>
      %swap3A_1075 = arith.constant 12 : i32
      %swap3A_1076 = arith.index_cast %swap3A_1075 : i32 to index
      %swap3A_1077 = arith.constant 32 : index
      %swap3A_1078 = tpu.vector_load %arg13[%swap3A_1076, %swap3A_1077] {strides = array<i32>} : memref<18x64xf32, #tpu.memory_space<vmem>>, vector<16xf32>,
      tpu.vector_store %arg13[%swap3A_1076, %swap3A_1077], %sub3A_1074 {strides = array<i32>} : memref<18x64xf32, #tpu.memory_space<vmem>>, vector<16xf32>,
      %swap3A_1079 = arith.constant 13 : i32
      %swap3A_1080 = arith.index_cast %swap3A_1079 : i32 to index
      %swap3A_1081 = arith.constant 32 : index
      %swap3A_1082 = tpu.vector_load %arg13[%swap3A_1080, %swap3A_1081] {strides = array<i32>} : memref<18x64xf32, #tpu.memory_space<vmem>>, vector<16xf32>,
      tpu.vector_store %arg13[%swap3A_1080, %swap3A_1081], %sub3A_1051 {strides = array<i32>} : memref<18x64xf32, #tpu.memory_space<vmem>>, vector<16xf32>,
      %add3A_1083 = arith.constant 1.000000e+00 : f32
      %add3A_1084 = vector.broadcast %add3A_1083 : f32 to vector<16xf32>
      %add3A_1085 = arith.addf %min3A_938, %add3A_1084 : vector<16xf32>
      %mul3A_1086 = arith.constant 2.555000e+02 : f32
      %mul3A_1087 = vector.broadcast %mul3A_1086 : f32 to vector<16xf32>
      %mul3A_1088 = arith.mulf %add3A_1085, %mul3A_1087 : vector<16xf32>
      %add3A_1089 = arith.constant 1.000000e+00 : f32
      %add3A_1090 = vector.broadcast %add3A_1089 : f32 to vector<16xf32>
      %add3A_1091 = arith.addf %min3A_954, %add3A_1090 : vector<16xf32>
      %mul3A_1092 = arith.constant 2.555000e+02 : f32
      %mul3A_1093 = vector.broadcast %mul3A_1092 : f32 to vector<16xf32>
      %mul3A_1094 = arith.mulf %add3A_1091, %mul3A_1093 : vector<16xf32>
      %convert_element_type3A_1095 = arith.fptosi %mul3A_1088 : vector<16xf32> to vector<16xi32>
      %convert_element_type3A_1096 = arith.fptosi %mul3A_1094 : vector<16xf32> to vector<16xi32>
      %convert_element_type3A_1097 = arith.sitofp %convert_element_type3A_1095 : vector<16xi32> to vector<16xf32>
      %sub3A_1098 = arith.subf %mul3A_1088, %convert_element_type3A_1097 : vector<16xf32>
      %convert_element_type3A_1099 = arith.sitofp %convert_element_type3A_1096 : vector<16xi32> to vector<16xf32>
      %sub3A_1100 = arith.subf %mul3A_1094, %convert_element_type3A_1099 : vector<16xf32>
      %sub3A_1101 = arith.constant 1.000000e+00 : f32
      %sub3A_1102 = vector.broadcast %sub3A_1101 : f32 to vector<16xf32>
      %sub3A_1103 = arith.subf %sub3A_1102, %sub3A_1098 : vector<16xf32>
      %sub3A_1104 = arith.constant 1.000000e+00 : f32
      %sub3A_1105 = vector.broadcast %sub3A_1104 : f32 to vector<16xf32>
      %sub3A_1106 = arith.subf %sub3A_1105, %sub3A_1100 : vector<16xf32>
      %add3A_1107 = arith.constant 1 : i32
      %add3A_1108 = vector.broadcast %add3A_1107 : i32 to vector<16xi32>
      %add3A_1109 = arith.addi %convert_element_type3A_1095, %add3A_1108 : vector<16xi32>
      %min3A_1110 = arith.constant 511 : i32
      %min3A_1111 = vector.broadcast %min3A_1110 : i32 to vector<16xi32>
      %min3A_1112 = arith.minsi %add3A_1109, %min3A_1111 : vector<16xi32>
      %add3A_1113 = arith.constant 1 : i32
      %add3A_1114 = vector.broadcast %add3A_1113 : i32 to vector<16xi32>
      %add3A_1115 = arith.addi %convert_element_type3A_1096, %add3A_1114 : vector<16xi32>
      %min3A_1116 = arith.constant 511 : i32
      %min3A_1117 = vector.broadcast %min3A_1116 : i32 to vector<16xi32>
      %min3A_1118 = arith.minsi %add3A_1115, %min3A_1117 : vector<16xi32>
      %mul3A_1119 = arith.constant 512 : i32
      %mul3A_1120 = vector.broadcast %mul3A_1119 : i32 to vector<16xi32>
      %mul3A_1121 = arith.muli %convert_element_type3A_1096, %mul3A_1120 : vector<16xi32>
      %add3A_1122 = arith.constant 262144 : i32
      %add3A_1123 = vector.broadcast %add3A_1122 : i32 to vector<16xi32>
      %add3A_1124 = arith.addi %mul3A_1121, %add3A_1123 : vector<16xi32>
      %mul3A_1125 = arith.constant 512 : i32
      %mul3A_1126 = vector.broadcast %mul3A_1125 : i32 to vector<16xi32>
      %mul3A_1127 = arith.muli %min3A_1118, %mul3A_1126 : vector<16xi32>
      %add3A_1128 = arith.constant 262144 : i32
      %add3A_1129 = vector.broadcast %add3A_1128 : i32 to vector<16xi32>
      %add3A_1130 = arith.addi %mul3A_1127, %add3A_1129 : vector<16xi32>
      %add3A_1131 = arith.addi %add3A_1124, %convert_element_type3A_1095 : vector<16xi32>
      %swap3A_1132 = arith.constant 4 : i32
      %swap3A_1133 = arith.index_cast %swap3A_1132 : i32 to index
      %swap3A_1134 = arith.constant 32 : index
      %swap3A_1135 = tpu.vector_load %arg12[%swap3A_1133, %swap3A_1134] {strides = array<i32>} : memref<18x64xi32, #tpu.memory_space<vmem>>, vector<16xi32>,
      tpu.vector_store %arg12[%swap3A_1133, %swap3A_1134], %add3A_1131 {strides = array<i32>} : memref<18x64xi32, #tpu.memory_space<vmem>>, vector<16xi32>,
      %add3A_1136 = arith.addi %add3A_1124, %min3A_1112 : vector<16xi32>
      %swap3A_1137 = arith.constant 5 : i32
      %swap3A_1138 = arith.index_cast %swap3A_1137 : i32 to index
      %swap3A_1139 = arith.constant 32 : index
      %swap3A_1140 = tpu.vector_load %arg12[%swap3A_1138, %swap3A_1139] {strides = array<i32>} : memref<18x64xi32, #tpu.memory_space<vmem>>, vector<16xi32>,
      tpu.vector_store %arg12[%swap3A_1138, %swap3A_1139], %add3A_1136 {strides = array<i32>} : memref<18x64xi32, #tpu.memory_space<vmem>>, vector<16xi32>,
      %add3A_1141 = arith.addi %add3A_1130, %convert_element_type3A_1095 : vector<16xi32>
      %swap3A_1142 = arith.constant 6 : i32
      %swap3A_1143 = arith.index_cast %swap3A_1142 : i32 to index
      %swap3A_1144 = arith.constant 32 : index
      %swap3A_1145 = tpu.vector_load %arg12[%swap3A_1143, %swap3A_1144] {strides = array<i32>} : memref<18x64xi32, #tpu.memory_space<vmem>>, vector<16xi32>,
      tpu.vector_store %arg12[%swap3A_1143, %swap3A_1144], %add3A_1141 {strides = array<i32>} : memref<18x64xi32, #tpu.memory_space<vmem>>, vector<16xi32>,
      %add3A_1146 = arith.addi %add3A_1130, %min3A_1112 : vector<16xi32>
      %swap3A_1147 = arith.constant 7 : i32
      %swap3A_1148 = arith.index_cast %swap3A_1147 : i32 to index
      %swap3A_1149 = arith.constant 32 : index
      %swap3A_1150 = tpu.vector_load %arg12[%swap3A_1148, %swap3A_1149] {strides = array<i32>} : memref<18x64xi32, #tpu.memory_space<vmem>>, vector<16xi32>,
      tpu.vector_store %arg12[%swap3A_1148, %swap3A_1149], %add3A_1146 {strides = array<i32>} : memref<18x64xi32, #tpu.memory_space<vmem>>, vector<16xi32>,
      %mul3A_1151 = arith.mulf %sub3A_1106, %sub3A_1103 : vector<16xf32>
      %swap3A_1152 = arith.constant 4 : i32
      %swap3A_1153 = arith.index_cast %swap3A_1152 : i32 to index
      %swap3A_1154 = arith.constant 32 : index
      %swap3A_1155 = tpu.vector_load %arg13[%swap3A_1153, %swap3A_1154] {strides = array<i32>} : memref<18x64xf32, #tpu.memory_space<vmem>>, vector<16xf32>,
      tpu.vector_store %arg13[%swap3A_1153, %swap3A_1154], %mul3A_1151 {strides = array<i32>} : memref<18x64xf32, #tpu.memory_space<vmem>>, vector<16xf32>,
      %mul3A_1156 = arith.mulf %sub3A_1106, %sub3A_1098 : vector<16xf32>
      %swap3A_1157 = arith.constant 5 : i32
      %swap3A_1158 = arith.index_cast %swap3A_1157 : i32 to index
      %swap3A_1159 = arith.constant 32 : index
      %swap3A_1160 = tpu.vector_load %arg13[%swap3A_1158, %swap3A_1159] {strides = array<i32>} : memref<18x64xf32, #tpu.memory_space<vmem>>, vector<16xf32>,
      tpu.vector_store %arg13[%swap3A_1158, %swap3A_1159], %mul3A_1156 {strides = array<i32>} : memref<18x64xf32, #tpu.memory_space<vmem>>, vector<16xf32>,
      %mul3A_1161 = arith.mulf %sub3A_1100, %sub3A_1103 : vector<16xf32>
      %swap3A_1162 = arith.constant 6 : i32
      %swap3A_1163 = arith.index_cast %swap3A_1162 : i32 to index
      %swap3A_1164 = arith.constant 32 : index
      %swap3A_1165 = tpu.vector_load %arg13[%swap3A_1163, %swap3A_1164] {strides = array<i32>} : memref<18x64xf32, #tpu.memory_space<vmem>>, vector<16xf32>,
      tpu.vector_store %arg13[%swap3A_1163, %swap3A_1164], %mul3A_1161 {strides = array<i32>} : memref<18x64xf32, #tpu.memory_space<vmem>>, vector<16xf32>,
      %mul3A_1166 = arith.mulf %sub3A_1100, %sub3A_1098 : vector<16xf32>
      %swap3A_1167 = arith.constant 7 : i32
      %swap3A_1168 = arith.index_cast %swap3A_1167 : i32 to index
      %swap3A_1169 = arith.constant 32 : index
      %swap3A_1170 = tpu.vector_load %arg13[%swap3A_1168, %swap3A_1169] {strides = array<i32>} : memref<18x64xf32, #tpu.memory_space<vmem>>, vector<16xf32>,
      tpu.vector_store %arg13[%swap3A_1168, %swap3A_1169], %mul3A_1166 {strides = array<i32>} : memref<18x64xf32, #tpu.memory_space<vmem>>, vector<16xf32>,
      %add3A_1171 = arith.constant 1.000000e+00 : f32
      %add3A_1172 = vector.broadcast %add3A_1171 : f32 to vector<16xf32>
      %add3A_1173 = arith.addf %min3A_946, %add3A_1172 : vector<16xf32>
      %mul3A_1174 = arith.constant 2.555000e+02 : f32
      %mul3A_1175 = vector.broadcast %mul3A_1174 : f32 to vector<16xf32>
      %mul3A_1176 = arith.mulf %add3A_1173, %mul3A_1175 : vector<16xf32>
      %convert_element_type3A_1177 = arith.fptosi %mul3A_1176 : vector<16xf32> to vector<16xi32>
      %convert_element_type3A_1178 = arith.sitofp %convert_element_type3A_1177 : vector<16xi32> to vector<16xf32>
      %sub3A_1179 = arith.subf %mul3A_1176, %convert_element_type3A_1178 : vector<16xf32>
      %add3A_1180 = arith.constant 786944 : i32
      %add3A_1181 = vector.broadcast %add3A_1180 : i32 to vector<16xi32>
      %add3A_1182 = arith.addi %convert_element_type3A_1177, %add3A_1181 : vector<16xi32>
      %swap3A_1183 = arith.constant 14 : i32
      %swap3A_1184 = arith.index_cast %swap3A_1183 : i32 to index
      %swap3A_1185 = arith.constant 32 : index
      %swap3A_1186 = tpu.vector_load %arg12[%swap3A_1184, %swap3A_1185] {strides = array<i32>} : memref<18x64xi32, #tpu.memory_space<vmem>>, vector<16xi32>,
      tpu.vector_store %arg12[%swap3A_1184, %swap3A_1185], %add3A_1182 {strides = array<i32>} : memref<18x64xi32, #tpu.memory_space<vmem>>, vector<16xi32>,
      %add3A_1187 = arith.constant 1 : i32
      %add3A_1188 = vector.broadcast %add3A_1187 : i32 to vector<16xi32>
      %add3A_1189 = arith.addi %convert_element_type3A_1177, %add3A_1188 : vector<16xi32>
      %min3A_1190 = arith.constant 511 : i32
      %min3A_1191 = vector.broadcast %min3A_1190 : i32 to vector<16xi32>
      %min3A_1192 = arith.minsi %add3A_1189, %min3A_1191 : vector<16xi32>
      %add3A_1193 = arith.constant 786944 : i32
      %add3A_1194 = vector.broadcast %add3A_1193 : i32 to vector<16xi32>
      %add3A_1195 = arith.addi %min3A_1192, %add3A_1194 : vector<16xi32>
      %swap3A_1196 = arith.constant 15 : i32
      %swap3A_1197 = arith.index_cast %swap3A_1196 : i32 to index
      %swap3A_1198 = arith.constant 32 : index
      %swap3A_1199 = tpu.vector_load %arg12[%swap3A_1197, %swap3A_1198] {strides = array<i32>} : memref<18x64xi32, #tpu.memory_space<vmem>>, vector<16xi32>,
      tpu.vector_store %arg12[%swap3A_1197, %swap3A_1198], %add3A_1195 {strides = array<i32>} : memref<18x64xi32, #tpu.memory_space<vmem>>, vector<16xi32>,
      %sub3A_1200 = arith.constant 1.000000e+00 : f32
      %sub3A_1201 = vector.broadcast %sub3A_1200 : f32 to vector<16xf32>
      %sub3A_1202 = arith.subf %sub3A_1201, %sub3A_1179 : vector<16xf32>
      %swap3A_1203 = arith.constant 14 : i32
      %swap3A_1204 = arith.index_cast %swap3A_1203 : i32 to index
      %swap3A_1205 = arith.constant 32 : index
      %swap3A_1206 = tpu.vector_load %arg13[%swap3A_1204, %swap3A_1205] {strides = array<i32>} : memref<18x64xf32, #tpu.memory_space<vmem>>, vector<16xf32>,
      tpu.vector_store %arg13[%swap3A_1204, %swap3A_1205], %sub3A_1202 {strides = array<i32>} : memref<18x64xf32, #tpu.memory_space<vmem>>, vector<16xf32>,
      %swap3A_1207 = arith.constant 15 : i32
      %swap3A_1208 = arith.index_cast %swap3A_1207 : i32 to index
      %swap3A_1209 = arith.constant 32 : index
      %swap3A_1210 = tpu.vector_load %arg13[%swap3A_1208, %swap3A_1209] {strides = array<i32>} : memref<18x64xf32, #tpu.memory_space<vmem>>, vector<16xf32>,
      tpu.vector_store %arg13[%swap3A_1208, %swap3A_1209], %sub3A_1179 {strides = array<i32>} : memref<18x64xf32, #tpu.memory_space<vmem>>, vector<16xf32>,
      %add3A_1211 = arith.constant 1.000000e+00 : f32
      %add3A_1212 = vector.broadcast %add3A_1211 : f32 to vector<16xf32>
      %add3A_1213 = arith.addf %min3A_946, %add3A_1212 : vector<16xf32>
      %mul3A_1214 = arith.constant 2.555000e+02 : f32
      %mul3A_1215 = vector.broadcast %mul3A_1214 : f32 to vector<16xf32>
      %mul3A_1216 = arith.mulf %add3A_1213, %mul3A_1215 : vector<16xf32>
      %add3A_1217 = arith.constant 1.000000e+00 : f32
      %add3A_1218 = vector.broadcast %add3A_1217 : f32 to vector<16xf32>
      %add3A_1219 = arith.addf %min3A_954, %add3A_1218 : vector<16xf32>
      %mul3A_1220 = arith.constant 2.555000e+02 : f32
      %mul3A_1221 = vector.broadcast %mul3A_1220 : f32 to vector<16xf32>
      %mul3A_1222 = arith.mulf %add3A_1219, %mul3A_1221 : vector<16xf32>
      %convert_element_type3A_1223 = arith.fptosi %mul3A_1216 : vector<16xf32> to vector<16xi32>
      %convert_element_type3A_1224 = arith.fptosi %mul3A_1222 : vector<16xf32> to vector<16xi32>
      %convert_element_type3A_1225 = arith.sitofp %convert_element_type3A_1223 : vector<16xi32> to vector<16xf32>
      %sub3A_1226 = arith.subf %mul3A_1216, %convert_element_type3A_1225 : vector<16xf32>
      %convert_element_type3A_1227 = arith.sitofp %convert_element_type3A_1224 : vector<16xi32> to vector<16xf32>
      %sub3A_1228 = arith.subf %mul3A_1222, %convert_element_type3A_1227 : vector<16xf32>
      %sub3A_1229 = arith.constant 1.000000e+00 : f32
      %sub3A_1230 = vector.broadcast %sub3A_1229 : f32 to vector<16xf32>
      %sub3A_1231 = arith.subf %sub3A_1230, %sub3A_1226 : vector<16xf32>
      %sub3A_1232 = arith.constant 1.000000e+00 : f32
      %sub3A_1233 = vector.broadcast %sub3A_1232 : f32 to vector<16xf32>
      %sub3A_1234 = arith.subf %sub3A_1233, %sub3A_1228 : vector<16xf32>
      %add3A_1235 = arith.constant 1 : i32
      %add3A_1236 = vector.broadcast %add3A_1235 : i32 to vector<16xi32>
      %add3A_1237 = arith.addi %convert_element_type3A_1223, %add3A_1236 : vector<16xi32>
      %min3A_1238 = arith.constant 511 : i32
      %min3A_1239 = vector.broadcast %min3A_1238 : i32 to vector<16xi32>
      %min3A_1240 = arith.minsi %add3A_1237, %min3A_1239 : vector<16xi32>
      %add3A_1241 = arith.constant 1 : i32
      %add3A_1242 = vector.broadcast %add3A_1241 : i32 to vector<16xi32>
      %add3A_1243 = arith.addi %convert_element_type3A_1224, %add3A_1242 : vector<16xi32>
      %min3A_1244 = arith.constant 511 : i32
      %min3A_1245 = vector.broadcast %min3A_1244 : i32 to vector<16xi32>
      %min3A_1246 = arith.minsi %add3A_1243, %min3A_1245 : vector<16xi32>
      %mul3A_1247 = arith.constant 512 : i32
      %mul3A_1248 = vector.broadcast %mul3A_1247 : i32 to vector<16xi32>
      %mul3A_1249 = arith.muli %convert_element_type3A_1224, %mul3A_1248 : vector<16xi32>
      %add3A_1250 = arith.constant 524288 : i32
      %add3A_1251 = vector.broadcast %add3A_1250 : i32 to vector<16xi32>
      %add3A_1252 = arith.addi %mul3A_1249, %add3A_1251 : vector<16xi32>
      %mul3A_1253 = arith.constant 512 : i32
      %mul3A_1254 = vector.broadcast %mul3A_1253 : i32 to vector<16xi32>
      %mul3A_1255 = arith.muli %min3A_1246, %mul3A_1254 : vector<16xi32>
      %add3A_1256 = arith.constant 524288 : i32
      %add3A_1257 = vector.broadcast %add3A_1256 : i32 to vector<16xi32>
      %add3A_1258 = arith.addi %mul3A_1255, %add3A_1257 : vector<16xi32>
      %add3A_1259 = arith.addi %add3A_1252, %convert_element_type3A_1223 : vector<16xi32>
      %swap3A_1260 = arith.constant 8 : i32
      %swap3A_1261 = arith.index_cast %swap3A_1260 : i32 to index
      %swap3A_1262 = arith.constant 32 : index
      %swap3A_1263 = tpu.vector_load %arg12[%swap3A_1261, %swap3A_1262] {strides = array<i32>} : memref<18x64xi32, #tpu.memory_space<vmem>>, vector<16xi32>,
      tpu.vector_store %arg12[%swap3A_1261, %swap3A_1262], %add3A_1259 {strides = array<i32>} : memref<18x64xi32, #tpu.memory_space<vmem>>, vector<16xi32>,
      %add3A_1264 = arith.addi %add3A_1252, %min3A_1240 : vector<16xi32>
      %swap3A_1265 = arith.constant 9 : i32
      %swap3A_1266 = arith.index_cast %swap3A_1265 : i32 to index
      %swap3A_1267 = arith.constant 32 : index
      %swap3A_1268 = tpu.vector_load %arg12[%swap3A_1266, %swap3A_1267] {strides = array<i32>} : memref<18x64xi32, #tpu.memory_space<vmem>>, vector<16xi32>,
      tpu.vector_store %arg12[%swap3A_1266, %swap3A_1267], %add3A_1264 {strides = array<i32>} : memref<18x64xi32, #tpu.memory_space<vmem>>, vector<16xi32>,
      %add3A_1269 = arith.addi %add3A_1258, %convert_element_type3A_1223 : vector<16xi32>
      %swap3A_1270 = arith.constant 10 : i32
      %swap3A_1271 = arith.index_cast %swap3A_1270 : i32 to index
      %swap3A_1272 = arith.constant 32 : index
      %swap3A_1273 = tpu.vector_load %arg12[%swap3A_1271, %swap3A_1272] {strides = array<i32>} : memref<18x64xi32, #tpu.memory_space<vmem>>, vector<16xi32>,
      tpu.vector_store %arg12[%swap3A_1271, %swap3A_1272], %add3A_1269 {strides = array<i32>} : memref<18x64xi32, #tpu.memory_space<vmem>>, vector<16xi32>,
      %add3A_1274 = arith.addi %add3A_1258, %min3A_1240 : vector<16xi32>
      %swap3A_1275 = arith.constant 11 : i32
      %swap3A_1276 = arith.index_cast %swap3A_1275 : i32 to index
      %swap3A_1277 = arith.constant 32 : index
      %swap3A_1278 = tpu.vector_load %arg12[%swap3A_1276, %swap3A_1277] {strides = array<i32>} : memref<18x64xi32, #tpu.memory_space<vmem>>, vector<16xi32>,
      tpu.vector_store %arg12[%swap3A_1276, %swap3A_1277], %add3A_1274 {strides = array<i32>} : memref<18x64xi32, #tpu.memory_space<vmem>>, vector<16xi32>,
      %mul3A_1279 = arith.mulf %sub3A_1234, %sub3A_1231 : vector<16xf32>
      %swap3A_1280 = arith.constant 8 : i32
      %swap3A_1281 = arith.index_cast %swap3A_1280 : i32 to index
      %swap3A_1282 = arith.constant 32 : index
      %swap3A_1283 = tpu.vector_load %arg13[%swap3A_1281, %swap3A_1282] {strides = array<i32>} : memref<18x64xf32, #tpu.memory_space<vmem>>, vector<16xf32>,
      tpu.vector_store %arg13[%swap3A_1281, %swap3A_1282], %mul3A_1279 {strides = array<i32>} : memref<18x64xf32, #tpu.memory_space<vmem>>, vector<16xf32>,
      %mul3A_1284 = arith.mulf %sub3A_1234, %sub3A_1226 : vector<16xf32>
      %swap3A_1285 = arith.constant 9 : i32
      %swap3A_1286 = arith.index_cast %swap3A_1285 : i32 to index
      %swap3A_1287 = arith.constant 32 : index
      %swap3A_1288 = tpu.vector_load %arg13[%swap3A_1286, %swap3A_1287] {strides = array<i32>} : memref<18x64xf32, #tpu.memory_space<vmem>>, vector<16xf32>,
      tpu.vector_store %arg13[%swap3A_1286, %swap3A_1287], %mul3A_1284 {strides = array<i32>} : memref<18x64xf32, #tpu.memory_space<vmem>>, vector<16xf32>,
      %mul3A_1289 = arith.mulf %sub3A_1228, %sub3A_1231 : vector<16xf32>
      %swap3A_1290 = arith.constant 10 : i32
      %swap3A_1291 = arith.index_cast %swap3A_1290 : i32 to index
      %swap3A_1292 = arith.constant 32 : index
      %swap3A_1293 = tpu.vector_load %arg13[%swap3A_1291, %swap3A_1292] {strides = array<i32>} : memref<18x64xf32, #tpu.memory_space<vmem>>, vector<16xf32>,
      tpu.vector_store %arg13[%swap3A_1291, %swap3A_1292], %mul3A_1289 {strides = array<i32>} : memref<18x64xf32, #tpu.memory_space<vmem>>, vector<16xf32>,
      %mul3A_1294 = arith.mulf %sub3A_1228, %sub3A_1226 : vector<16xf32>
      %swap3A_1295 = arith.constant 11 : i32
      %swap3A_1296 = arith.index_cast %swap3A_1295 : i32 to index
      %swap3A_1297 = arith.constant 32 : index
      %swap3A_1298 = tpu.vector_load %arg13[%swap3A_1296, %swap3A_1297] {strides = array<i32>} : memref<18x64xf32, #tpu.memory_space<vmem>>, vector<16xf32>,
      tpu.vector_store %arg13[%swap3A_1296, %swap3A_1297], %mul3A_1294 {strides = array<i32>} : memref<18x64xf32, #tpu.memory_space<vmem>>, vector<16xf32>,
      %add3A_1299 = arith.constant 1.000000e+00 : f32
      %add3A_1300 = vector.broadcast %add3A_1299 : f32 to vector<16xf32>
      %add3A_1301 = arith.addf %min3A_938, %add3A_1300 : vector<16xf32>
      %mul3A_1302 = arith.constant 2.555000e+02 : f32
      %mul3A_1303 = vector.broadcast %mul3A_1302 : f32 to vector<16xf32>
      %mul3A_1304 = arith.mulf %add3A_1301, %mul3A_1303 : vector<16xf32>
      %convert_element_type3A_1305 = arith.fptosi %mul3A_1304 : vector<16xf32> to vector<16xi32>
      %convert_element_type3A_1306 = arith.sitofp %convert_element_type3A_1305 : vector<16xi32> to vector<16xf32>
      %sub3A_1307 = arith.subf %mul3A_1304, %convert_element_type3A_1306 : vector<16xf32>
      %add3A_1308 = arith.constant 787456 : i32
      %add3A_1309 = vector.broadcast %add3A_1308 : i32 to vector<16xi32>
      %add3A_1310 = arith.addi %convert_element_type3A_1305, %add3A_1309 : vector<16xi32>
      %swap3A_1311 = arith.constant 16 : i32
      %swap3A_1312 = arith.index_cast %swap3A_1311 : i32 to index
      %swap3A_1313 = arith.constant 32 : index
      %swap3A_1314 = tpu.vector_load %arg12[%swap3A_1312, %swap3A_1313] {strides = array<i32>} : memref<18x64xi32, #tpu.memory_space<vmem>>, vector<16xi32>,
      tpu.vector_store %arg12[%swap3A_1312, %swap3A_1313], %add3A_1310 {strides = array<i32>} : memref<18x64xi32, #tpu.memory_space<vmem>>, vector<16xi32>,
      %add3A_1315 = arith.constant 1 : i32
      %add3A_1316 = vector.broadcast %add3A_1315 : i32 to vector<16xi32>
      %add3A_1317 = arith.addi %convert_element_type3A_1305, %add3A_1316 : vector<16xi32>
      %min3A_1318 = arith.constant 511 : i32
      %min3A_1319 = vector.broadcast %min3A_1318 : i32 to vector<16xi32>
      %min3A_1320 = arith.minsi %add3A_1317, %min3A_1319 : vector<16xi32>
      %add3A_1321 = arith.constant 787456 : i32
      %add3A_1322 = vector.broadcast %add3A_1321 : i32 to vector<16xi32>
      %add3A_1323 = arith.addi %min3A_1320, %add3A_1322 : vector<16xi32>
      %swap3A_1324 = arith.constant 17 : i32
      %swap3A_1325 = arith.index_cast %swap3A_1324 : i32 to index
      %swap3A_1326 = arith.constant 32 : index
      %swap3A_1327 = tpu.vector_load %arg12[%swap3A_1325, %swap3A_1326] {strides = array<i32>} : memref<18x64xi32, #tpu.memory_space<vmem>>, vector<16xi32>,
      tpu.vector_store %arg12[%swap3A_1325, %swap3A_1326], %add3A_1323 {strides = array<i32>} : memref<18x64xi32, #tpu.memory_space<vmem>>, vector<16xi32>,
      %sub3A_1328 = arith.constant 1.000000e+00 : f32
      %sub3A_1329 = vector.broadcast %sub3A_1328 : f32 to vector<16xf32>
      %sub3A_1330 = arith.subf %sub3A_1329, %sub3A_1307 : vector<16xf32>
      %swap3A_1331 = arith.constant 16 : i32
      %swap3A_1332 = arith.index_cast %swap3A_1331 : i32 to index
      %swap3A_1333 = arith.constant 32 : index
      %swap3A_1334 = tpu.vector_load %arg13[%swap3A_1332, %swap3A_1333] {strides = array<i32>} : memref<18x64xf32, #tpu.memory_space<vmem>>, vector<16xf32>,
      tpu.vector_store %arg13[%swap3A_1332, %swap3A_1333], %sub3A_1330 {strides = array<i32>} : memref<18x64xf32, #tpu.memory_space<vmem>>, vector<16xf32>,
      %swap3A_1335 = arith.constant 17 : i32
      %swap3A_1336 = arith.index_cast %swap3A_1335 : i32 to index
      %swap3A_1337 = arith.constant 32 : index
      %swap3A_1338 = tpu.vector_load %arg13[%swap3A_1336, %swap3A_1337] {strides = array<i32>} : memref<18x64xf32, #tpu.memory_space<vmem>>, vector<16xf32>,
      tpu.vector_store %arg13[%swap3A_1336, %swap3A_1337], %sub3A_1307 {strides = array<i32>} : memref<18x64xf32, #tpu.memory_space<vmem>>, vector<16xf32>,
      %get3A_1339 = arith.constant 48 : index
      %get3A_1340 = tpu.vector_load %arg8[%get3A_1339] {strides = array<i32>} : memref<64xf32, #tpu.memory_space<vmem>>, vector<16xf32>,
      %sub3A_1341 = arith.subf %get3A_1340, %get3A_5 : vector<16xf32>
      %mul3A_1342 = arith.mulf %sub3A_1341, %get3A_17 : vector<16xf32>
      %get3A_1343 = arith.constant 48 : index
      %get3A_1344 = tpu.vector_load %arg9[%get3A_1343] {strides = array<i32>} : memref<64xf32, #tpu.memory_space<vmem>>, vector<16xf32>,
      %sub3A_1345 = arith.subf %get3A_1344, %get3A_9 : vector<16xf32>
      %mul3A_1346 = arith.mulf %sub3A_1345, %get3A_21 : vector<16xf32>
      %get3A_1347 = arith.constant 48 : index
      %get3A_1348 = tpu.vector_load %arg10[%get3A_1347] {strides = array<i32>} : memref<64xf32, #tpu.memory_space<vmem>>, vector<16xf32>,
      %sub3A_1349 = arith.subf %get3A_1348, %get3A_13 : vector<16xf32>
      %mul3A_1350 = arith.mulf %sub3A_1349, %get3A_25 : vector<16xf32>
      %abs3A_1351 = math.absf %mul3A_1342 : vector<16xf32>
      %abs3A_1352 = math.absf %mul3A_1346 : vector<16xf32>
      %max3A_1353 = arith.maximumf %abs3A_1351, %abs3A_1352 : vector<16xf32>
      %abs3A_1354 = math.absf %mul3A_1350 : vector<16xf32>
      %max3A_1355 = arith.maximumf %max3A_1353, %abs3A_1354 : vector<16xf32>
      %max3A_1356 = arith.constant 1.000000e+00 : f32
      %max3A_1357 = vector.broadcast %max3A_1356 : f32 to vector<16xf32>
      %max3A_1358 = arith.maximumf %max3A_1355, %max3A_1357 : vector<16xf32>
      %div3A_1359 = arith.constant 1.000000e+00 : f32
      %div3A_1360 = vector.broadcast %div3A_1359 : f32 to vector<16xf32>
      %div3A_1361 = arith.divf %div3A_1360, %max3A_1358 : vector<16xf32>
      %sub3A_1362 = arith.constant 2.000000e+00 : f32
      %sub3A_1363 = vector.broadcast %sub3A_1362 : f32 to vector<16xf32>
      %sub3A_1364 = arith.subf %sub3A_1363, %div3A_1361 : vector<16xf32>
      %mul3A_1365 = arith.mulf %sub3A_1364, %div3A_1361 : vector<16xf32>
      %gt3A_1366 = arith.constant 1.000000e+00 : f32
      %gt3A_1367 = vector.broadcast %gt3A_1366 : f32 to vector<16xf32>
      %gt3A_1368 = arith.cmpf ogt, %max3A_1355, %gt3A_1367 : vector<16xf32>
      %mul3A_1369 = arith.mulf %mul3A_1342, %mul3A_1365 : vector<16xf32>
      %select_n3A_1370 = arith.select %gt3A_1368, %mul3A_1369, %mul3A_1342 : vector<16xi1>, vector<16xf32>
      %jit3A_1371 = arith.constant -1.000000e+00 : f32
      %jit3A_1372 = arith.constant 1.000000e+00 : f32
      %max3A_1373 = vector.broadcast %jit3A_1371 : f32 to vector<16xf32>
      %max3A_1374 = arith.maximumf %max3A_1373, %select_n3A_1370 : vector<16xf32>
      %min3A_1375 = vector.broadcast %jit3A_1372 : f32 to vector<16xf32>
      %min3A_1376 = arith.minimumf %min3A_1375, %max3A_1374 : vector<16xf32>
      %mul3A_1377 = arith.mulf %mul3A_1346, %mul3A_1365 : vector<16xf32>
      %select_n3A_1378 = arith.select %gt3A_1368, %mul3A_1377, %mul3A_1346 : vector<16xi1>, vector<16xf32>
      %jit3A_1379 = arith.constant -1.000000e+00 : f32
      %jit3A_1380 = arith.constant 1.000000e+00 : f32
      %max3A_1381 = vector.broadcast %jit3A_1379 : f32 to vector<16xf32>
      %max3A_1382 = arith.maximumf %max3A_1381, %select_n3A_1378 : vector<16xf32>
      %min3A_1383 = vector.broadcast %jit3A_1380 : f32 to vector<16xf32>
      %min3A_1384 = arith.minimumf %min3A_1383, %max3A_1382 : vector<16xf32>
      %mul3A_1385 = arith.mulf %mul3A_1350, %mul3A_1365 : vector<16xf32>
      %select_n3A_1386 = arith.select %gt3A_1368, %mul3A_1385, %mul3A_1350 : vector<16xi1>, vector<16xf32>
      %jit3A_1387 = arith.constant -1.000000e+00 : f32
      %jit3A_1388 = arith.constant 1.000000e+00 : f32
      %max3A_1389 = vector.broadcast %jit3A_1387 : f32 to vector<16xf32>
      %max3A_1390 = arith.maximumf %max3A_1389, %select_n3A_1386 : vector<16xf32>
      %min3A_1391 = vector.broadcast %jit3A_1388 : f32 to vector<16xf32>
      %min3A_1392 = arith.minimumf %min3A_1391, %max3A_1390 : vector<16xf32>
      %add3A_1393 = arith.constant 1.000000e+00 : f32
      %add3A_1394 = vector.broadcast %add3A_1393 : f32 to vector<16xf32>
      %add3A_1395 = arith.addf %min3A_1376, %add3A_1394 : vector<16xf32>
      %mul3A_1396 = arith.constant 2.555000e+02 : f32
      %mul3A_1397 = vector.broadcast %mul3A_1396 : f32 to vector<16xf32>
      %mul3A_1398 = arith.mulf %add3A_1395, %mul3A_1397 : vector<16xf32>
      %add3A_1399 = arith.constant 1.000000e+00 : f32
      %add3A_1400 = vector.broadcast %add3A_1399 : f32 to vector<16xf32>
      %add3A_1401 = arith.addf %min3A_1384, %add3A_1400 : vector<16xf32>
      %mul3A_1402 = arith.constant 2.555000e+02 : f32
      %mul3A_1403 = vector.broadcast %mul3A_1402 : f32 to vector<16xf32>
      %mul3A_1404 = arith.mulf %add3A_1401, %mul3A_1403 : vector<16xf32>
      %convert_element_type3A_1405 = arith.fptosi %mul3A_1398 : vector<16xf32> to vector<16xi32>
      %convert_element_type3A_1406 = arith.fptosi %mul3A_1404 : vector<16xf32> to vector<16xi32>
      %convert_element_type3A_1407 = arith.sitofp %convert_element_type3A_1405 : vector<16xi32> to vector<16xf32>
      %sub3A_1408 = arith.subf %mul3A_1398, %convert_element_type3A_1407 : vector<16xf32>
      %convert_element_type3A_1409 = arith.sitofp %convert_element_type3A_1406 : vector<16xi32> to vector<16xf32>
      %sub3A_1410 = arith.subf %mul3A_1404, %convert_element_type3A_1409 : vector<16xf32>
      %sub3A_1411 = arith.constant 1.000000e+00 : f32
      %sub3A_1412 = vector.broadcast %sub3A_1411 : f32 to vector<16xf32>
      %sub3A_1413 = arith.subf %sub3A_1412, %sub3A_1408 : vector<16xf32>
      %sub3A_1414 = arith.constant 1.000000e+00 : f32
      %sub3A_1415 = vector.broadcast %sub3A_1414 : f32 to vector<16xf32>
      %sub3A_1416 = arith.subf %sub3A_1415, %sub3A_1410 : vector<16xf32>
      %add3A_1417 = arith.constant 1 : i32
      %add3A_1418 = vector.broadcast %add3A_1417 : i32 to vector<16xi32>
      %add3A_1419 = arith.addi %convert_element_type3A_1405, %add3A_1418 : vector<16xi32>
      %min3A_1420 = arith.constant 511 : i32
      %min3A_1421 = vector.broadcast %min3A_1420 : i32 to vector<16xi32>
      %min3A_1422 = arith.minsi %add3A_1419, %min3A_1421 : vector<16xi32>
      %add3A_1423 = arith.constant 1 : i32
      %add3A_1424 = vector.broadcast %add3A_1423 : i32 to vector<16xi32>
      %add3A_1425 = arith.addi %convert_element_type3A_1406, %add3A_1424 : vector<16xi32>
      %min3A_1426 = arith.constant 511 : i32
      %min3A_1427 = vector.broadcast %min3A_1426 : i32 to vector<16xi32>
      %min3A_1428 = arith.minsi %add3A_1425, %min3A_1427 : vector<16xi32>
      %mul3A_1429 = arith.constant 512 : i32
      %mul3A_1430 = vector.broadcast %mul3A_1429 : i32 to vector<16xi32>
      %mul3A_1431 = arith.muli %convert_element_type3A_1406, %mul3A_1430 : vector<16xi32>
      %add3A_1432 = arith.constant 0 : i32
      %add3A_1433 = vector.broadcast %add3A_1432 : i32 to vector<16xi32>
      %add3A_1434 = arith.addi %mul3A_1431, %add3A_1433 : vector<16xi32>
      %mul3A_1435 = arith.constant 512 : i32
      %mul3A_1436 = vector.broadcast %mul3A_1435 : i32 to vector<16xi32>
      %mul3A_1437 = arith.muli %min3A_1428, %mul3A_1436 : vector<16xi32>
      %add3A_1438 = arith.constant 0 : i32
      %add3A_1439 = vector.broadcast %add3A_1438 : i32 to vector<16xi32>
      %add3A_1440 = arith.addi %mul3A_1437, %add3A_1439 : vector<16xi32>
      %add3A_1441 = arith.addi %add3A_1434, %convert_element_type3A_1405 : vector<16xi32>
      %swap3A_1442 = arith.constant 0 : i32
      %swap3A_1443 = arith.index_cast %swap3A_1442 : i32 to index
      %swap3A_1444 = arith.constant 48 : index
      %swap3A_1445 = tpu.vector_load %arg12[%swap3A_1443, %swap3A_1444] {strides = array<i32>} : memref<18x64xi32, #tpu.memory_space<vmem>>, vector<16xi32>,
      tpu.vector_store %arg12[%swap3A_1443, %swap3A_1444], %add3A_1441 {strides = array<i32>} : memref<18x64xi32, #tpu.memory_space<vmem>>, vector<16xi32>,
      %add3A_1446 = arith.addi %add3A_1434, %min3A_1422 : vector<16xi32>
      %swap3A_1447 = arith.constant 1 : i32
      %swap3A_1448 = arith.index_cast %swap3A_1447 : i32 to index
      %swap3A_1449 = arith.constant 48 : index
      %swap3A_1450 = tpu.vector_load %arg12[%swap3A_1448, %swap3A_1449] {strides = array<i32>} : memref<18x64xi32, #tpu.memory_space<vmem>>, vector<16xi32>,
      tpu.vector_store %arg12[%swap3A_1448, %swap3A_1449], %add3A_1446 {strides = array<i32>} : memref<18x64xi32, #tpu.memory_space<vmem>>, vector<16xi32>,
      %add3A_1451 = arith.addi %add3A_1440, %convert_element_type3A_1405 : vector<16xi32>
      %swap3A_1452 = arith.constant 2 : i32
      %swap3A_1453 = arith.index_cast %swap3A_1452 : i32 to index
      %swap3A_1454 = arith.constant 48 : index
      %swap3A_1455 = tpu.vector_load %arg12[%swap3A_1453, %swap3A_1454] {strides = array<i32>} : memref<18x64xi32, #tpu.memory_space<vmem>>, vector<16xi32>,
      tpu.vector_store %arg12[%swap3A_1453, %swap3A_1454], %add3A_1451 {strides = array<i32>} : memref<18x64xi32, #tpu.memory_space<vmem>>, vector<16xi32>,
      %add3A_1456 = arith.addi %add3A_1440, %min3A_1422 : vector<16xi32>
      %swap3A_1457 = arith.constant 3 : i32
      %swap3A_1458 = arith.index_cast %swap3A_1457 : i32 to index
      %swap3A_1459 = arith.constant 48 : index
      %swap3A_1460 = tpu.vector_load %arg12[%swap3A_1458, %swap3A_1459] {strides = array<i32>} : memref<18x64xi32, #tpu.memory_space<vmem>>, vector<16xi32>,
      tpu.vector_store %arg12[%swap3A_1458, %swap3A_1459], %add3A_1456 {strides = array<i32>} : memref<18x64xi32, #tpu.memory_space<vmem>>, vector<16xi32>,
      %mul3A_1461 = arith.mulf %sub3A_1416, %sub3A_1413 : vector<16xf32>
      %swap3A_1462 = arith.constant 0 : i32
      %swap3A_1463 = arith.index_cast %swap3A_1462 : i32 to index
      %swap3A_1464 = arith.constant 48 : index
      %swap3A_1465 = tpu.vector_load %arg13[%swap3A_1463, %swap3A_1464] {strides = array<i32>} : memref<18x64xf32, #tpu.memory_space<vmem>>, vector<16xf32>,
      tpu.vector_store %arg13[%swap3A_1463, %swap3A_1464], %mul3A_1461 {strides = array<i32>} : memref<18x64xf32, #tpu.memory_space<vmem>>, vector<16xf32>,
      %mul3A_1466 = arith.mulf %sub3A_1416, %sub3A_1408 : vector<16xf32>
      %swap3A_1467 = arith.constant 1 : i32
      %swap3A_1468 = arith.index_cast %swap3A_1467 : i32 to index
      %swap3A_1469 = arith.constant 48 : index
      %swap3A_1470 = tpu.vector_load %arg13[%swap3A_1468, %swap3A_1469] {strides = array<i32>} : memref<18x64xf32, #tpu.memory_space<vmem>>, vector<16xf32>,
      tpu.vector_store %arg13[%swap3A_1468, %swap3A_1469], %mul3A_1466 {strides = array<i32>} : memref<18x64xf32, #tpu.memory_space<vmem>>, vector<16xf32>,
      %mul3A_1471 = arith.mulf %sub3A_1410, %sub3A_1413 : vector<16xf32>
      %swap3A_1472 = arith.constant 2 : i32
      %swap3A_1473 = arith.index_cast %swap3A_1472 : i32 to index
      %swap3A_1474 = arith.constant 48 : index
      %swap3A_1475 = tpu.vector_load %arg13[%swap3A_1473, %swap3A_1474] {strides = array<i32>} : memref<18x64xf32, #tpu.memory_space<vmem>>, vector<16xf32>,
      tpu.vector_store %arg13[%swap3A_1473, %swap3A_1474], %mul3A_1471 {strides = array<i32>} : memref<18x64xf32, #tpu.memory_space<vmem>>, vector<16xf32>,
      %mul3A_1476 = arith.mulf %sub3A_1410, %sub3A_1408 : vector<16xf32>
      %swap3A_1477 = arith.constant 3 : i32
      %swap3A_1478 = arith.index_cast %swap3A_1477 : i32 to index
      %swap3A_1479 = arith.constant 48 : index
      %swap3A_1480 = tpu.vector_load %arg13[%swap3A_1478, %swap3A_1479] {strides = array<i32>} : memref<18x64xf32, #tpu.memory_space<vmem>>, vector<16xf32>,
      tpu.vector_store %arg13[%swap3A_1478, %swap3A_1479], %mul3A_1476 {strides = array<i32>} : memref<18x64xf32, #tpu.memory_space<vmem>>, vector<16xf32>,
      %add3A_1481 = arith.constant 1.000000e+00 : f32
      %add3A_1482 = vector.broadcast %add3A_1481 : f32 to vector<16xf32>
      %add3A_1483 = arith.addf %min3A_1392, %add3A_1482 : vector<16xf32>
      %mul3A_1484 = arith.constant 2.555000e+02 : f32
      %mul3A_1485 = vector.broadcast %mul3A_1484 : f32 to vector<16xf32>
      %mul3A_1486 = arith.mulf %add3A_1483, %mul3A_1485 : vector<16xf32>
      %convert_element_type3A_1487 = arith.fptosi %mul3A_1486 : vector<16xf32> to vector<16xi32>
      %convert_element_type3A_1488 = arith.sitofp %convert_element_type3A_1487 : vector<16xi32> to vector<16xf32>
      %sub3A_1489 = arith.subf %mul3A_1486, %convert_element_type3A_1488 : vector<16xf32>
      %add3A_1490 = arith.constant 786432 : i32
      %add3A_1491 = vector.broadcast %add3A_1490 : i32 to vector<16xi32>
      %add3A_1492 = arith.addi %convert_element_type3A_1487, %add3A_1491 : vector<16xi32>
      %swap3A_1493 = arith.constant 12 : i32
      %swap3A_1494 = arith.index_cast %swap3A_1493 : i32 to index
      %swap3A_1495 = arith.constant 48 : index
      %swap3A_1496 = tpu.vector_load %arg12[%swap3A_1494, %swap3A_1495] {strides = array<i32>} : memref<18x64xi32, #tpu.memory_space<vmem>>, vector<16xi32>,
      tpu.vector_store %arg12[%swap3A_1494, %swap3A_1495], %add3A_1492 {strides = array<i32>} : memref<18x64xi32, #tpu.memory_space<vmem>>, vector<16xi32>,
      %add3A_1497 = arith.constant 1 : i32
      %add3A_1498 = vector.broadcast %add3A_1497 : i32 to vector<16xi32>
      %add3A_1499 = arith.addi %convert_element_type3A_1487, %add3A_1498 : vector<16xi32>
      %min3A_1500 = arith.constant 511 : i32
      %min3A_1501 = vector.broadcast %min3A_1500 : i32 to vector<16xi32>
      %min3A_1502 = arith.minsi %add3A_1499, %min3A_1501 : vector<16xi32>
      %add3A_1503 = arith.constant 786432 : i32
      %add3A_1504 = vector.broadcast %add3A_1503 : i32 to vector<16xi32>
      %add3A_1505 = arith.addi %min3A_1502, %add3A_1504 : vector<16xi32>
      %swap3A_1506 = arith.constant 13 : i32
      %swap3A_1507 = arith.index_cast %swap3A_1506 : i32 to index
      %swap3A_1508 = arith.constant 48 : index
      %swap3A_1509 = tpu.vector_load %arg12[%swap3A_1507, %swap3A_1508] {strides = array<i32>} : memref<18x64xi32, #tpu.memory_space<vmem>>, vector<16xi32>,
      tpu.vector_store %arg12[%swap3A_1507, %swap3A_1508], %add3A_1505 {strides = array<i32>} : memref<18x64xi32, #tpu.memory_space<vmem>>, vector<16xi32>,
      %sub3A_1510 = arith.constant 1.000000e+00 : f32
      %sub3A_1511 = vector.broadcast %sub3A_1510 : f32 to vector<16xf32>
      %sub3A_1512 = arith.subf %sub3A_1511, %sub3A_1489 : vector<16xf32>
      %swap3A_1513 = arith.constant 12 : i32
      %swap3A_1514 = arith.index_cast %swap3A_1513 : i32 to index
      %swap3A_1515 = arith.constant 48 : index
      %swap3A_1516 = tpu.vector_load %arg13[%swap3A_1514, %swap3A_1515] {strides = array<i32>} : memref<18x64xf32, #tpu.memory_space<vmem>>, vector<16xf32>,
      tpu.vector_store %arg13[%swap3A_1514, %swap3A_1515], %sub3A_1512 {strides = array<i32>} : memref<18x64xf32, #tpu.memory_space<vmem>>, vector<16xf32>,
      %swap3A_1517 = arith.constant 13 : i32
      %swap3A_1518 = arith.index_cast %swap3A_1517 : i32 to index
      %swap3A_1519 = arith.constant 48 : index
      %swap3A_1520 = tpu.vector_load %arg13[%swap3A_1518, %swap3A_1519] {strides = array<i32>} : memref<18x64xf32, #tpu.memory_space<vmem>>, vector<16xf32>,
      tpu.vector_store %arg13[%swap3A_1518, %swap3A_1519], %sub3A_1489 {strides = array<i32>} : memref<18x64xf32, #tpu.memory_space<vmem>>, vector<16xf32>,
      %add3A_1521 = arith.constant 1.000000e+00 : f32
      %add3A_1522 = vector.broadcast %add3A_1521 : f32 to vector<16xf32>
      %add3A_1523 = arith.addf %min3A_1376, %add3A_1522 : vector<16xf32>
      %mul3A_1524 = arith.constant 2.555000e+02 : f32
      %mul3A_1525 = vector.broadcast %mul3A_1524 : f32 to vector<16xf32>
      %mul3A_1526 = arith.mulf %add3A_1523, %mul3A_1525 : vector<16xf32>
      %add3A_1527 = arith.constant 1.000000e+00 : f32
      %add3A_1528 = vector.broadcast %add3A_1527 : f32 to vector<16xf32>
      %add3A_1529 = arith.addf %min3A_1392, %add3A_1528 : vector<16xf32>
      %mul3A_1530 = arith.constant 2.555000e+02 : f32
      %mul3A_1531 = vector.broadcast %mul3A_1530 : f32 to vector<16xf32>
      %mul3A_1532 = arith.mulf %add3A_1529, %mul3A_1531 : vector<16xf32>
      %convert_element_type3A_1533 = arith.fptosi %mul3A_1526 : vector<16xf32> to vector<16xi32>
      %convert_element_type3A_1534 = arith.fptosi %mul3A_1532 : vector<16xf32> to vector<16xi32>
      %convert_element_type3A_1535 = arith.sitofp %convert_element_type3A_1533 : vector<16xi32> to vector<16xf32>
      %sub3A_1536 = arith.subf %mul3A_1526, %convert_element_type3A_1535 : vector<16xf32>
      %convert_element_type3A_1537 = arith.sitofp %convert_element_type3A_1534 : vector<16xi32> to vector<16xf32>
      %sub3A_1538 = arith.subf %mul3A_1532, %convert_element_type3A_1537 : vector<16xf32>
      %sub3A_1539 = arith.constant 1.000000e+00 : f32
      %sub3A_1540 = vector.broadcast %sub3A_1539 : f32 to vector<16xf32>
      %sub3A_1541 = arith.subf %sub3A_1540, %sub3A_1536 : vector<16xf32>
      %sub3A_1542 = arith.constant 1.000000e+00 : f32
      %sub3A_1543 = vector.broadcast %sub3A_1542 : f32 to vector<16xf32>
      %sub3A_1544 = arith.subf %sub3A_1543, %sub3A_1538 : vector<16xf32>
      %add3A_1545 = arith.constant 1 : i32
      %add3A_1546 = vector.broadcast %add3A_1545 : i32 to vector<16xi32>
      %add3A_1547 = arith.addi %convert_element_type3A_1533, %add3A_1546 : vector<16xi32>
      %min3A_1548 = arith.constant 511 : i32
      %min3A_1549 = vector.broadcast %min3A_1548 : i32 to vector<16xi32>
      %min3A_1550 = arith.minsi %add3A_1547, %min3A_1549 : vector<16xi32>
      %add3A_1551 = arith.constant 1 : i32
      %add3A_1552 = vector.broadcast %add3A_1551 : i32 to vector<16xi32>
      %add3A_1553 = arith.addi %convert_element_type3A_1534, %add3A_1552 : vector<16xi32>
      %min3A_1554 = arith.constant 511 : i32
      %min3A_1555 = vector.broadcast %min3A_1554 : i32 to vector<16xi32>
      %min3A_1556 = arith.minsi %add3A_1553, %min3A_1555 : vector<16xi32>
      %mul3A_1557 = arith.constant 512 : i32
      %mul3A_1558 = vector.broadcast %mul3A_1557 : i32 to vector<16xi32>
      %mul3A_1559 = arith.muli %convert_element_type3A_1534, %mul3A_1558 : vector<16xi32>
      %add3A_1560 = arith.constant 262144 : i32
      %add3A_1561 = vector.broadcast %add3A_1560 : i32 to vector<16xi32>
      %add3A_1562 = arith.addi %mul3A_1559, %add3A_1561 : vector<16xi32>
      %mul3A_1563 = arith.constant 512 : i32
      %mul3A_1564 = vector.broadcast %mul3A_1563 : i32 to vector<16xi32>
      %mul3A_1565 = arith.muli %min3A_1556, %mul3A_1564 : vector<16xi32>
      %add3A_1566 = arith.constant 262144 : i32
      %add3A_1567 = vector.broadcast %add3A_1566 : i32 to vector<16xi32>
      %add3A_1568 = arith.addi %mul3A_1565, %add3A_1567 : vector<16xi32>
      %add3A_1569 = arith.addi %add3A_1562, %convert_element_type3A_1533 : vector<16xi32>
      %swap3A_1570 = arith.constant 4 : i32
      %swap3A_1571 = arith.index_cast %swap3A_1570 : i32 to index
      %swap3A_1572 = arith.constant 48 : index
      %swap3A_1573 = tpu.vector_load %arg12[%swap3A_1571, %swap3A_1572] {strides = array<i32>} : memref<18x64xi32, #tpu.memory_space<vmem>>, vector<16xi32>,
      tpu.vector_store %arg12[%swap3A_1571, %swap3A_1572], %add3A_1569 {strides = array<i32>} : memref<18x64xi32, #tpu.memory_space<vmem>>, vector<16xi32>,
      %add3A_1574 = arith.addi %add3A_1562, %min3A_1550 : vector<16xi32>
      %swap3A_1575 = arith.constant 5 : i32
      %swap3A_1576 = arith.index_cast %swap3A_1575 : i32 to index
      %swap3A_1577 = arith.constant 48 : index
      %swap3A_1578 = tpu.vector_load %arg12[%swap3A_1576, %swap3A_1577] {strides = array<i32>} : memref<18x64xi32, #tpu.memory_space<vmem>>, vector<16xi32>,
      tpu.vector_store %arg12[%swap3A_1576, %swap3A_1577], %add3A_1574 {strides = array<i32>} : memref<18x64xi32, #tpu.memory_space<vmem>>, vector<16xi32>,
      %add3A_1579 = arith.addi %add3A_1568, %convert_element_type3A_1533 : vector<16xi32>
      %swap3A_1580 = arith.constant 6 : i32
      %swap3A_1581 = arith.index_cast %swap3A_1580 : i32 to index
      %swap3A_1582 = arith.constant 48 : index
      %swap3A_1583 = tpu.vector_load %arg12[%swap3A_1581, %swap3A_1582] {strides = array<i32>} : memref<18x64xi32, #tpu.memory_space<vmem>>, vector<16xi32>,
      tpu.vector_store %arg12[%swap3A_1581, %swap3A_1582], %add3A_1579 {strides = array<i32>} : memref<18x64xi32, #tpu.memory_space<vmem>>, vector<16xi32>,
      %add3A_1584 = arith.addi %add3A_1568, %min3A_1550 : vector<16xi32>
      %swap3A_1585 = arith.constant 7 : i32
      %swap3A_1586 = arith.index_cast %swap3A_1585 : i32 to index
      %swap3A_1587 = arith.constant 48 : index
      %swap3A_1588 = tpu.vector_load %arg12[%swap3A_1586, %swap3A_1587] {strides = array<i32>} : memref<18x64xi32, #tpu.memory_space<vmem>>, vector<16xi32>,
      tpu.vector_store %arg12[%swap3A_1586, %swap3A_1587], %add3A_1584 {strides = array<i32>} : memref<18x64xi32, #tpu.memory_space<vmem>>, vector<16xi32>,
      %mul3A_1589 = arith.mulf %sub3A_1544, %sub3A_1541 : vector<16xf32>
      %swap3A_1590 = arith.constant 4 : i32
      %swap3A_1591 = arith.index_cast %swap3A_1590 : i32 to index
      %swap3A_1592 = arith.constant 48 : index
      %swap3A_1593 = tpu.vector_load %arg13[%swap3A_1591, %swap3A_1592] {strides = array<i32>} : memref<18x64xf32, #tpu.memory_space<vmem>>, vector<16xf32>,
      tpu.vector_store %arg13[%swap3A_1591, %swap3A_1592], %mul3A_1589 {strides = array<i32>} : memref<18x64xf32, #tpu.memory_space<vmem>>, vector<16xf32>,
      %mul3A_1594 = arith.mulf %sub3A_1544, %sub3A_1536 : vector<16xf32>
      %swap3A_1595 = arith.constant 5 : i32
      %swap3A_1596 = arith.index_cast %swap3A_1595 : i32 to index
      %swap3A_1597 = arith.constant 48 : index
      %swap3A_1598 = tpu.vector_load %arg13[%swap3A_1596, %swap3A_1597] {strides = array<i32>} : memref<18x64xf32, #tpu.memory_space<vmem>>, vector<16xf32>,
      tpu.vector_store %arg13[%swap3A_1596, %swap3A_1597], %mul3A_1594 {strides = array<i32>} : memref<18x64xf32, #tpu.memory_space<vmem>>, vector<16xf32>,
      %mul3A_1599 = arith.mulf %sub3A_1538, %sub3A_1541 : vector<16xf32>
      %swap3A_1600 = arith.constant 6 : i32
      %swap3A_1601 = arith.index_cast %swap3A_1600 : i32 to index
      %swap3A_1602 = arith.constant 48 : index
      %swap3A_1603 = tpu.vector_load %arg13[%swap3A_1601, %swap3A_1602] {strides = array<i32>} : memref<18x64xf32, #tpu.memory_space<vmem>>, vector<16xf32>,
      tpu.vector_store %arg13[%swap3A_1601, %swap3A_1602], %mul3A_1599 {strides = array<i32>} : memref<18x64xf32, #tpu.memory_space<vmem>>, vector<16xf32>,
      %mul3A_1604 = arith.mulf %sub3A_1538, %sub3A_1536 : vector<16xf32>
      %swap3A_1605 = arith.constant 7 : i32
      %swap3A_1606 = arith.index_cast %swap3A_1605 : i32 to index
      %swap3A_1607 = arith.constant 48 : index
      %swap3A_1608 = tpu.vector_load %arg13[%swap3A_1606, %swap3A_1607] {strides = array<i32>} : memref<18x64xf32, #tpu.memory_space<vmem>>, vector<16xf32>,
      tpu.vector_store %arg13[%swap3A_1606, %swap3A_1607], %mul3A_1604 {strides = array<i32>} : memref<18x64xf32, #tpu.memory_space<vmem>>, vector<16xf32>,
      %add3A_1609 = arith.constant 1.000000e+00 : f32
      %add3A_1610 = vector.broadcast %add3A_1609 : f32 to vector<16xf32>
      %add3A_1611 = arith.addf %min3A_1384, %add3A_1610 : vector<16xf32>
      %mul3A_1612 = arith.constant 2.555000e+02 : f32
      %mul3A_1613 = vector.broadcast %mul3A_1612 : f32 to vector<16xf32>
      %mul3A_1614 = arith.mulf %add3A_1611, %mul3A_1613 : vector<16xf32>
      %convert_element_type3A_1615 = arith.fptosi %mul3A_1614 : vector<16xf32> to vector<16xi32>
      %convert_element_type3A_1616 = arith.sitofp %convert_element_type3A_1615 : vector<16xi32> to vector<16xf32>
      %sub3A_1617 = arith.subf %mul3A_1614, %convert_element_type3A_1616 : vector<16xf32>
      %add3A_1618 = arith.constant 786944 : i32
      %add3A_1619 = vector.broadcast %add3A_1618 : i32 to vector<16xi32>
      %add3A_1620 = arith.addi %convert_element_type3A_1615, %add3A_1619 : vector<16xi32>
      %swap3A_1621 = arith.constant 14 : i32
      %swap3A_1622 = arith.index_cast %swap3A_1621 : i32 to index
      %swap3A_1623 = arith.constant 48 : index
      %swap3A_1624 = tpu.vector_load %arg12[%swap3A_1622, %swap3A_1623] {strides = array<i32>} : memref<18x64xi32, #tpu.memory_space<vmem>>, vector<16xi32>,
      tpu.vector_store %arg12[%swap3A_1622, %swap3A_1623], %add3A_1620 {strides = array<i32>} : memref<18x64xi32, #tpu.memory_space<vmem>>, vector<16xi32>,
      %add3A_1625 = arith.constant 1 : i32
      %add3A_1626 = vector.broadcast %add3A_1625 : i32 to vector<16xi32>
      %add3A_1627 = arith.addi %convert_element_type3A_1615, %add3A_1626 : vector<16xi32>
      %min3A_1628 = arith.constant 511 : i32
      %min3A_1629 = vector.broadcast %min3A_1628 : i32 to vector<16xi32>
      %min3A_1630 = arith.minsi %add3A_1627, %min3A_1629 : vector<16xi32>
      %add3A_1631 = arith.constant 786944 : i32
      %add3A_1632 = vector.broadcast %add3A_1631 : i32 to vector<16xi32>
      %add3A_1633 = arith.addi %min3A_1630, %add3A_1632 : vector<16xi32>
      %swap3A_1634 = arith.constant 15 : i32
      %swap3A_1635 = arith.index_cast %swap3A_1634 : i32 to index
      %swap3A_1636 = arith.constant 48 : index
      %swap3A_1637 = tpu.vector_load %arg12[%swap3A_1635, %swap3A_1636] {strides = array<i32>} : memref<18x64xi32, #tpu.memory_space<vmem>>, vector<16xi32>,
      tpu.vector_store %arg12[%swap3A_1635, %swap3A_1636], %add3A_1633 {strides = array<i32>} : memref<18x64xi32, #tpu.memory_space<vmem>>, vector<16xi32>,
      %sub3A_1638 = arith.constant 1.000000e+00 : f32
      %sub3A_1639 = vector.broadcast %sub3A_1638 : f32 to vector<16xf32>
      %sub3A_1640 = arith.subf %sub3A_1639, %sub3A_1617 : vector<16xf32>
      %swap3A_1641 = arith.constant 14 : i32
      %swap3A_1642 = arith.index_cast %swap3A_1641 : i32 to index
      %swap3A_1643 = arith.constant 48 : index
      %swap3A_1644 = tpu.vector_load %arg13[%swap3A_1642, %swap3A_1643] {strides = array<i32>} : memref<18x64xf32, #tpu.memory_space<vmem>>, vector<16xf32>,
      tpu.vector_store %arg13[%swap3A_1642, %swap3A_1643], %sub3A_1640 {strides = array<i32>} : memref<18x64xf32, #tpu.memory_space<vmem>>, vector<16xf32>,
      %swap3A_1645 = arith.constant 15 : i32
      %swap3A_1646 = arith.index_cast %swap3A_1645 : i32 to index
      %swap3A_1647 = arith.constant 48 : index
      %swap3A_1648 = tpu.vector_load %arg13[%swap3A_1646, %swap3A_1647] {strides = array<i32>} : memref<18x64xf32, #tpu.memory_space<vmem>>, vector<16xf32>,
      tpu.vector_store %arg13[%swap3A_1646, %swap3A_1647], %sub3A_1617 {strides = array<i32>} : memref<18x64xf32, #tpu.memory_space<vmem>>, vector<16xf32>,
      %add3A_1649 = arith.constant 1.000000e+00 : f32
      %add3A_1650 = vector.broadcast %add3A_1649 : f32 to vector<16xf32>
      %add3A_1651 = arith.addf %min3A_1384, %add3A_1650 : vector<16xf32>
      %mul3A_1652 = arith.constant 2.555000e+02 : f32
      %mul3A_1653 = vector.broadcast %mul3A_1652 : f32 to vector<16xf32>
      %mul3A_1654 = arith.mulf %add3A_1651, %mul3A_1653 : vector<16xf32>
      %add3A_1655 = arith.constant 1.000000e+00 : f32
      %add3A_1656 = vector.broadcast %add3A_1655 : f32 to vector<16xf32>
      %add3A_1657 = arith.addf %min3A_1392, %add3A_1656 : vector<16xf32>
      %mul3A_1658 = arith.constant 2.555000e+02 : f32
      %mul3A_1659 = vector.broadcast %mul3A_1658 : f32 to vector<16xf32>
      %mul3A_1660 = arith.mulf %add3A_1657, %mul3A_1659 : vector<16xf32>
      %convert_element_type3A_1661 = arith.fptosi %mul3A_1654 : vector<16xf32> to vector<16xi32>
      %convert_element_type3A_1662 = arith.fptosi %mul3A_1660 : vector<16xf32> to vector<16xi32>
      %convert_element_type3A_1663 = arith.sitofp %convert_element_type3A_1661 : vector<16xi32> to vector<16xf32>
      %sub3A_1664 = arith.subf %mul3A_1654, %convert_element_type3A_1663 : vector<16xf32>
      %convert_element_type3A_1665 = arith.sitofp %convert_element_type3A_1662 : vector<16xi32> to vector<16xf32>
      %sub3A_1666 = arith.subf %mul3A_1660, %convert_element_type3A_1665 : vector<16xf32>
      %sub3A_1667 = arith.constant 1.000000e+00 : f32
      %sub3A_1668 = vector.broadcast %sub3A_1667 : f32 to vector<16xf32>
      %sub3A_1669 = arith.subf %sub3A_1668, %sub3A_1664 : vector<16xf32>
      %sub3A_1670 = arith.constant 1.000000e+00 : f32
      %sub3A_1671 = vector.broadcast %sub3A_1670 : f32 to vector<16xf32>
      %sub3A_1672 = arith.subf %sub3A_1671, %sub3A_1666 : vector<16xf32>
      %add3A_1673 = arith.constant 1 : i32
      %add3A_1674 = vector.broadcast %add3A_1673 : i32 to vector<16xi32>
      %add3A_1675 = arith.addi %convert_element_type3A_1661, %add3A_1674 : vector<16xi32>
      %min3A_1676 = arith.constant 511 : i32
      %min3A_1677 = vector.broadcast %min3A_1676 : i32 to vector<16xi32>
      %min3A_1678 = arith.minsi %add3A_1675, %min3A_1677 : vector<16xi32>
      %add3A_1679 = arith.constant 1 : i32
      %add3A_1680 = vector.broadcast %add3A_1679 : i32 to vector<16xi32>
      %add3A_1681 = arith.addi %convert_element_type3A_1662, %add3A_1680 : vector<16xi32>
      %min3A_1682 = arith.constant 511 : i32
      %min3A_1683 = vector.broadcast %min3A_1682 : i32 to vector<16xi32>
      %min3A_1684 = arith.minsi %add3A_1681, %min3A_1683 : vector<16xi32>
      %mul3A_1685 = arith.constant 512 : i32
      %mul3A_1686 = vector.broadcast %mul3A_1685 : i32 to vector<16xi32>
      %mul3A_1687 = arith.muli %convert_element_type3A_1662, %mul3A_1686 : vector<16xi32>
      %add3A_1688 = arith.constant 524288 : i32
      %add3A_1689 = vector.broadcast %add3A_1688 : i32 to vector<16xi32>
      %add3A_1690 = arith.addi %mul3A_1687, %add3A_1689 : vector<16xi32>
      %mul3A_1691 = arith.constant 512 : i32
      %mul3A_1692 = vector.broadcast %mul3A_1691 : i32 to vector<16xi32>
      %mul3A_1693 = arith.muli %min3A_1684, %mul3A_1692 : vector<16xi32>
      %add3A_1694 = arith.constant 524288 : i32
      %add3A_1695 = vector.broadcast %add3A_1694 : i32 to vector<16xi32>
      %add3A_1696 = arith.addi %mul3A_1693, %add3A_1695 : vector<16xi32>
      %add3A_1697 = arith.addi %add3A_1690, %convert_element_type3A_1661 : vector<16xi32>
      %swap3A_1698 = arith.constant 8 : i32
      %swap3A_1699 = arith.index_cast %swap3A_1698 : i32 to index
      %swap3A_1700 = arith.constant 48 : index
      %swap3A_1701 = tpu.vector_load %arg12[%swap3A_1699, %swap3A_1700] {strides = array<i32>} : memref<18x64xi32, #tpu.memory_space<vmem>>, vector<16xi32>,
      tpu.vector_store %arg12[%swap3A_1699, %swap3A_1700], %add3A_1697 {strides = array<i32>} : memref<18x64xi32, #tpu.memory_space<vmem>>, vector<16xi32>,
      %add3A_1702 = arith.addi %add3A_1690, %min3A_1678 : vector<16xi32>
      %swap3A_1703 = arith.constant 9 : i32
      %swap3A_1704 = arith.index_cast %swap3A_1703 : i32 to index
      %swap3A_1705 = arith.constant 48 : index
      %swap3A_1706 = tpu.vector_load %arg12[%swap3A_1704, %swap3A_1705] {strides = array<i32>} : memref<18x64xi32, #tpu.memory_space<vmem>>, vector<16xi32>,
      tpu.vector_store %arg12[%swap3A_1704, %swap3A_1705], %add3A_1702 {strides = array<i32>} : memref<18x64xi32, #tpu.memory_space<vmem>>, vector<16xi32>,
      %add3A_1707 = arith.addi %add3A_1696, %convert_element_type3A_1661 : vector<16xi32>
      %swap3A_1708 = arith.constant 10 : i32
      %swap3A_1709 = arith.index_cast %swap3A_1708 : i32 to index
      %swap3A_1710 = arith.constant 48 : index
      %swap3A_1711 = tpu.vector_load %arg12[%swap3A_1709, %swap3A_1710] {strides = array<i32>} : memref<18x64xi32, #tpu.memory_space<vmem>>, vector<16xi32>,
      tpu.vector_store %arg12[%swap3A_1709, %swap3A_1710], %add3A_1707 {strides = array<i32>} : memref<18x64xi32, #tpu.memory_space<vmem>>, vector<16xi32>,
      %add3A_1712 = arith.addi %add3A_1696, %min3A_1678 : vector<16xi32>
      %swap3A_1713 = arith.constant 11 : i32
      %swap3A_1714 = arith.index_cast %swap3A_1713 : i32 to index
      %swap3A_1715 = arith.constant 48 : index
      %swap3A_1716 = tpu.vector_load %arg12[%swap3A_1714, %swap3A_1715] {strides = array<i32>} : memref<18x64xi32, #tpu.memory_space<vmem>>, vector<16xi32>,
      tpu.vector_store %arg12[%swap3A_1714, %swap3A_1715], %add3A_1712 {strides = array<i32>} : memref<18x64xi32, #tpu.memory_space<vmem>>, vector<16xi32>,
      %mul3A_1717 = arith.mulf %sub3A_1672, %sub3A_1669 : vector<16xf32>
      %swap3A_1718 = arith.constant 8 : i32
      %swap3A_1719 = arith.index_cast %swap3A_1718 : i32 to index
      %swap3A_1720 = arith.constant 48 : index
      %swap3A_1721 = tpu.vector_load %arg13[%swap3A_1719, %swap3A_1720] {strides = array<i32>} : memref<18x64xf32, #tpu.memory_space<vmem>>, vector<16xf32>,
      tpu.vector_store %arg13[%swap3A_1719, %swap3A_1720], %mul3A_1717 {strides = array<i32>} : memref<18x64xf32, #tpu.memory_space<vmem>>, vector<16xf32>,
      %mul3A_1722 = arith.mulf %sub3A_1672, %sub3A_1664 : vector<16xf32>
      %swap3A_1723 = arith.constant 9 : i32
      %swap3A_1724 = arith.index_cast %swap3A_1723 : i32 to index
      %swap3A_1725 = arith.constant 48 : index
      %swap3A_1726 = tpu.vector_load %arg13[%swap3A_1724, %swap3A_1725] {strides = array<i32>} : memref<18x64xf32, #tpu.memory_space<vmem>>, vector<16xf32>,
      tpu.vector_store %arg13[%swap3A_1724, %swap3A_1725], %mul3A_1722 {strides = array<i32>} : memref<18x64xf32, #tpu.memory_space<vmem>>, vector<16xf32>,
      %mul3A_1727 = arith.mulf %sub3A_1666, %sub3A_1669 : vector<16xf32>
      %swap3A_1728 = arith.constant 10 : i32
      %swap3A_1729 = arith.index_cast %swap3A_1728 : i32 to index
      %swap3A_1730 = arith.constant 48 : index
      %swap3A_1731 = tpu.vector_load %arg13[%swap3A_1729, %swap3A_1730] {strides = array<i32>} : memref<18x64xf32, #tpu.memory_space<vmem>>, vector<16xf32>,
      tpu.vector_store %arg13[%swap3A_1729, %swap3A_1730], %mul3A_1727 {strides = array<i32>} : memref<18x64xf32, #tpu.memory_space<vmem>>, vector<16xf32>,
      %mul3A_1732 = arith.mulf %sub3A_1666, %sub3A_1664 : vector<16xf32>
      %swap3A_1733 = arith.constant 11 : i32
      %swap3A_1734 = arith.index_cast %swap3A_1733 : i32 to index
      %swap3A_1735 = arith.constant 48 : index
      %swap3A_1736 = tpu.vector_load %arg13[%swap3A_1734, %swap3A_1735] {strides = array<i32>} : memref<18x64xf32, #tpu.memory_space<vmem>>, vector<16xf32>,
      tpu.vector_store %arg13[%swap3A_1734, %swap3A_1735], %mul3A_1732 {strides = array<i32>} : memref<18x64xf32, #tpu.memory_space<vmem>>, vector<16xf32>,
      %add3A_1737 = arith.constant 1.000000e+00 : f32
      %add3A_1738 = vector.broadcast %add3A_1737 : f32 to vector<16xf32>
      %add3A_1739 = arith.addf %min3A_1376, %add3A_1738 : vector<16xf32>
      %mul3A_1740 = arith.constant 2.555000e+02 : f32
      %mul3A_1741 = vector.broadcast %mul3A_1740 : f32 to vector<16xf32>
      %mul3A_1742 = arith.mulf %add3A_1739, %mul3A_1741 : vector<16xf32>
      %convert_element_type3A_1743 = arith.fptosi %mul3A_1742 : vector<16xf32> to vector<16xi32>
      %convert_element_type3A_1744 = arith.sitofp %convert_element_type3A_1743 : vector<16xi32> to vector<16xf32>
      %sub3A_1745 = arith.subf %mul3A_1742, %convert_element_type3A_1744 : vector<16xf32>
      %add3A_1746 = arith.constant 787456 : i32
      %add3A_1747 = vector.broadcast %add3A_1746 : i32 to vector<16xi32>
      %add3A_1748 = arith.addi %convert_element_type3A_1743, %add3A_1747 : vector<16xi32>
      %swap3A_1749 = arith.constant 16 : i32
      %swap3A_1750 = arith.index_cast %swap3A_1749 : i32 to index
      %swap3A_1751 = arith.constant 48 : index
      %swap3A_1752 = tpu.vector_load %arg12[%swap3A_1750, %swap3A_1751] {strides = array<i32>} : memref<18x64xi32, #tpu.memory_space<vmem>>, vector<16xi32>,
      tpu.vector_store %arg12[%swap3A_1750, %swap3A_1751], %add3A_1748 {strides = array<i32>} : memref<18x64xi32, #tpu.memory_space<vmem>>, vector<16xi32>,
      %add3A_1753 = arith.constant 1 : i32
      %add3A_1754 = vector.broadcast %add3A_1753 : i32 to vector<16xi32>
      %add3A_1755 = arith.addi %convert_element_type3A_1743, %add3A_1754 : vector<16xi32>
      %min3A_1756 = arith.constant 511 : i32
      %min3A_1757 = vector.broadcast %min3A_1756 : i32 to vector<16xi32>
      %min3A_1758 = arith.minsi %add3A_1755, %min3A_1757 : vector<16xi32>
      %add3A_1759 = arith.constant 787456 : i32
      %add3A_1760 = vector.broadcast %add3A_1759 : i32 to vector<16xi32>
      %add3A_1761 = arith.addi %min3A_1758, %add3A_1760 : vector<16xi32>
      %swap3A_1762 = arith.constant 17 : i32
      %swap3A_1763 = arith.index_cast %swap3A_1762 : i32 to index
      %swap3A_1764 = arith.constant 48 : index
      %swap3A_1765 = tpu.vector_load %arg12[%swap3A_1763, %swap3A_1764] {strides = array<i32>} : memref<18x64xi32, #tpu.memory_space<vmem>>, vector<16xi32>,
      tpu.vector_store %arg12[%swap3A_1763, %swap3A_1764], %add3A_1761 {strides = array<i32>} : memref<18x64xi32, #tpu.memory_space<vmem>>, vector<16xi32>,
      %sub3A_1766 = arith.constant 1.000000e+00 : f32
      %sub3A_1767 = vector.broadcast %sub3A_1766 : f32 to vector<16xf32>
      %sub3A_1768 = arith.subf %sub3A_1767, %sub3A_1745 : vector<16xf32>
      %swap3A_1769 = arith.constant 16 : i32
      %swap3A_1770 = arith.index_cast %swap3A_1769 : i32 to index
      %swap3A_1771 = arith.constant 48 : index
      %swap3A_1772 = tpu.vector_load %arg13[%swap3A_1770, %swap3A_1771] {strides = array<i32>} : memref<18x64xf32, #tpu.memory_space<vmem>>, vector<16xf32>,
      tpu.vector_store %arg13[%swap3A_1770, %swap3A_1771], %sub3A_1768 {strides = array<i32>} : memref<18x64xf32, #tpu.memory_space<vmem>>, vector<16xf32>,
      %swap3A_1773 = arith.constant 17 : i32
      %swap3A_1774 = arith.index_cast %swap3A_1773 : i32 to index
      %swap3A_1775 = arith.constant 48 : index
      %swap3A_1776 = tpu.vector_load %arg13[%swap3A_1774, %swap3A_1775] {strides = array<i32>} : memref<18x64xf32, #tpu.memory_space<vmem>>, vector<16xf32>,
      tpu.vector_store %arg13[%swap3A_1774, %swap3A_1775], %sub3A_1745 {strides = array<i32>} : memref<18x64xf32, #tpu.memory_space<vmem>>, vector<16xf32>,
      %dma_start3A = arith.constant 0 : i32
      %dma_start3A_1777 = arith.constant 0 : i32
      %dma_start3A_1778 = arith.constant 0 : i32
      %dma_start3A_1779 = tpu.memref_slice %arg14[%dma_start3A_1777, %dma_start3A_1778] : memref<1152x48xf32, #tpu.memory_space<vmem>> -> memref<64x48xf32, #tpu.memory_space<vmem>>
      %dma_start3A_1780 = arith.constant 0 : i32
      %dma_start3A_1781 = tpu.memref_slice %arg12[%dma_start3A, %dma_start3A_1780] : memref<18x64xi32, #tpu.memory_space<vmem>> -> memref<1x64xi32, #tpu.memory_space<vmem>>
      %dma_start3A_1782 = tpu.memref_squeeze %dma_start3A_1781 : memref<1x64xi32, #tpu.memory_space<vmem>> -> memref<64xi32, #tpu.memory_space<vmem>>
      %dma_start3A_1783 = arith.constant 0 : i32
      %dma_start3A_1784 = arith.constant 0 : i32
      %dma_start3A_1785 = tpu.memref_slice %arg6[%dma_start3A_1783, %dma_start3A_1784] : memref<787968x48xf32, #tpu.memory_space<hbm>> -> memref<787968x48xf32, #tpu.memory_space<hbm>>
      tpu.enqueue_indirect_dma source(%dma_start3A_1785 : memref<787968x48xf32, #tpu.memory_space<hbm>>) target(%dma_start3A_1779 : memref<64x48xf32, #tpu.memory_space<vmem>>) offsets(%dma_start3A_1782 : memref<64xi32, #tpu.memory_space<vmem>>) semaphore(%arg16 : memref<!tpu.dma_semaphore, #tpu.memory_space<semaphore_mem>>)
      %dma_start3A_1786 = arith.constant 1 : i32
      %dma_start3A_1787 = arith.constant 64 : i32
      %dma_start3A_1788 = arith.constant 0 : i32
      %dma_start3A_1789 = tpu.memref_slice %arg14[%dma_start3A_1787, %dma_start3A_1788] : memref<1152x48xf32, #tpu.memory_space<vmem>> -> memref<64x48xf32, #tpu.memory_space<vmem>>
      %dma_start3A_1790 = arith.constant 0 : i32
      %dma_start3A_1791 = tpu.memref_slice %arg12[%dma_start3A_1786, %dma_start3A_1790] : memref<18x64xi32, #tpu.memory_space<vmem>> -> memref<1x64xi32, #tpu.memory_space<vmem>>
      %dma_start3A_1792 = tpu.memref_squeeze %dma_start3A_1791 : memref<1x64xi32, #tpu.memory_space<vmem>> -> memref<64xi32, #tpu.memory_space<vmem>>
      %dma_start3A_1793 = arith.constant 0 : i32
      %dma_start3A_1794 = arith.constant 0 : i32
      %dma_start3A_1795 = tpu.memref_slice %arg6[%dma_start3A_1793, %dma_start3A_1794] : memref<787968x48xf32, #tpu.memory_space<hbm>> -> memref<787968x48xf32, #tpu.memory_space<hbm>>
      tpu.enqueue_indirect_dma source(%dma_start3A_1795 : memref<787968x48xf32, #tpu.memory_space<hbm>>) target(%dma_start3A_1789 : memref<64x48xf32, #tpu.memory_space<vmem>>) offsets(%dma_start3A_1792 : memref<64xi32, #tpu.memory_space<vmem>>) semaphore(%arg16 : memref<!tpu.dma_semaphore, #tpu.memory_space<semaphore_mem>>)
      %dma_start3A_1796 = arith.constant 2 : i32
      %dma_start3A_1797 = arith.constant 128 : i32
      %dma_start3A_1798 = arith.constant 0 : i32
      %dma_start3A_1799 = tpu.memref_slice %arg14[%dma_start3A_1797, %dma_start3A_1798] : memref<1152x48xf32, #tpu.memory_space<vmem>> -> memref<64x48xf32, #tpu.memory_space<vmem>>
      %dma_start3A_1800 = arith.constant 0 : i32
      %dma_start3A_1801 = tpu.memref_slice %arg12[%dma_start3A_1796, %dma_start3A_1800] : memref<18x64xi32, #tpu.memory_space<vmem>> -> memref<1x64xi32, #tpu.memory_space<vmem>>
      %dma_start3A_1802 = tpu.memref_squeeze %dma_start3A_1801 : memref<1x64xi32, #tpu.memory_space<vmem>> -> memref<64xi32, #tpu.memory_space<vmem>>
      %dma_start3A_1803 = arith.constant 0 : i32
      %dma_start3A_1804 = arith.constant 0 : i32
      %dma_start3A_1805 = tpu.memref_slice %arg6[%dma_start3A_1803, %dma_start3A_1804] : memref<787968x48xf32, #tpu.memory_space<hbm>> -> memref<787968x48xf32, #tpu.memory_space<hbm>>
      tpu.enqueue_indirect_dma source(%dma_start3A_1805 : memref<787968x48xf32, #tpu.memory_space<hbm>>) target(%dma_start3A_1799 : memref<64x48xf32, #tpu.memory_space<vmem>>) offsets(%dma_start3A_1802 : memref<64xi32, #tpu.memory_space<vmem>>) semaphore(%arg16 : memref<!tpu.dma_semaphore, #tpu.memory_space<semaphore_mem>>)
      %dma_start3A_1806 = arith.constant 3 : i32
      %dma_start3A_1807 = arith.constant 192 : i32
      %dma_start3A_1808 = arith.constant 0 : i32
      %dma_start3A_1809 = tpu.memref_slice %arg14[%dma_start3A_1807, %dma_start3A_1808] : memref<1152x48xf32, #tpu.memory_space<vmem>> -> memref<64x48xf32, #tpu.memory_space<vmem>>
      %dma_start3A_1810 = arith.constant 0 : i32
      %dma_start3A_1811 = tpu.memref_slice %arg12[%dma_start3A_1806, %dma_start3A_1810] : memref<18x64xi32, #tpu.memory_space<vmem>> -> memref<1x64xi32, #tpu.memory_space<vmem>>
      %dma_start3A_1812 = tpu.memref_squeeze %dma_start3A_1811 : memref<1x64xi32, #tpu.memory_space<vmem>> -> memref<64xi32, #tpu.memory_space<vmem>>
      %dma_start3A_1813 = arith.constant 0 : i32
      %dma_start3A_1814 = arith.constant 0 : i32
      %dma_start3A_1815 = tpu.memref_slice %arg6[%dma_start3A_1813, %dma_start3A_1814] : memref<787968x48xf32, #tpu.memory_space<hbm>> -> memref<787968x48xf32, #tpu.memory_space<hbm>>
      tpu.enqueue_indirect_dma source(%dma_start3A_1815 : memref<787968x48xf32, #tpu.memory_space<hbm>>) target(%dma_start3A_1809 : memref<64x48xf32, #tpu.memory_space<vmem>>) offsets(%dma_start3A_1812 : memref<64xi32, #tpu.memory_space<vmem>>) semaphore(%arg16 : memref<!tpu.dma_semaphore, #tpu.memory_space<semaphore_mem>>)
      %dma_start3A_1816 = arith.constant 4 : i32
      %dma_start3A_1817 = arith.constant 256 : i32
      %dma_start3A_1818 = arith.constant 0 : i32
      %dma_start3A_1819 = tpu.memref_slice %arg14[%dma_start3A_1817, %dma_start3A_1818] : memref<1152x48xf32, #tpu.memory_space<vmem>> -> memref<64x48xf32, #tpu.memory_space<vmem>>
      %dma_start3A_1820 = arith.constant 0 : i32
      %dma_start3A_1821 = tpu.memref_slice %arg12[%dma_start3A_1816, %dma_start3A_1820] : memref<18x64xi32, #tpu.memory_space<vmem>> -> memref<1x64xi32, #tpu.memory_space<vmem>>
      %dma_start3A_1822 = tpu.memref_squeeze %dma_start3A_1821 : memref<1x64xi32, #tpu.memory_space<vmem>> -> memref<64xi32, #tpu.memory_space<vmem>>
      %dma_start3A_1823 = arith.constant 0 : i32
      %dma_start3A_1824 = arith.constant 0 : i32
      %dma_start3A_1825 = tpu.memref_slice %arg6[%dma_start3A_1823, %dma_start3A_1824] : memref<787968x48xf32, #tpu.memory_space<hbm>> -> memref<787968x48xf32, #tpu.memory_space<hbm>>
      tpu.enqueue_indirect_dma source(%dma_start3A_1825 : memref<787968x48xf32, #tpu.memory_space<hbm>>) target(%dma_start3A_1819 : memref<64x48xf32, #tpu.memory_space<vmem>>) offsets(%dma_start3A_1822 : memref<64xi32, #tpu.memory_space<vmem>>) semaphore(%arg16 : memref<!tpu.dma_semaphore, #tpu.memory_space<semaphore_mem>>)
      %dma_start3A_1826 = arith.constant 5 : i32
      %dma_start3A_1827 = arith.constant 320 : i32
      %dma_start3A_1828 = arith.constant 0 : i32
      %dma_start3A_1829 = tpu.memref_slice %arg14[%dma_start3A_1827, %dma_start3A_1828] : memref<1152x48xf32, #tpu.memory_space<vmem>> -> memref<64x48xf32, #tpu.memory_space<vmem>>
      %dma_start3A_1830 = arith.constant 0 : i32
      %dma_start3A_1831 = tpu.memref_slice %arg12[%dma_start3A_1826, %dma_start3A_1830] : memref<18x64xi32, #tpu.memory_space<vmem>> -> memref<1x64xi32, #tpu.memory_space<vmem>>
      %dma_start3A_1832 = tpu.memref_squeeze %dma_start3A_1831 : memref<1x64xi32, #tpu.memory_space<vmem>> -> memref<64xi32, #tpu.memory_space<vmem>>
      %dma_start3A_1833 = arith.constant 0 : i32
      %dma_start3A_1834 = arith.constant 0 : i32
      %dma_start3A_1835 = tpu.memref_slice %arg6[%dma_start3A_1833, %dma_start3A_1834] : memref<787968x48xf32, #tpu.memory_space<hbm>> -> memref<787968x48xf32, #tpu.memory_space<hbm>>
      tpu.enqueue_indirect_dma source(%dma_start3A_1835 : memref<787968x48xf32, #tpu.memory_space<hbm>>) target(%dma_start3A_1829 : memref<64x48xf32, #tpu.memory_space<vmem>>) offsets(%dma_start3A_1832 : memref<64xi32, #tpu.memory_space<vmem>>) semaphore(%arg16 : memref<!tpu.dma_semaphore, #tpu.memory_space<semaphore_mem>>)
      %dma_start3A_1836 = arith.constant 6 : i32
      %dma_start3A_1837 = arith.constant 384 : i32
      %dma_start3A_1838 = arith.constant 0 : i32
      %dma_start3A_1839 = tpu.memref_slice %arg14[%dma_start3A_1837, %dma_start3A_1838] : memref<1152x48xf32, #tpu.memory_space<vmem>> -> memref<64x48xf32, #tpu.memory_space<vmem>>
      %dma_start3A_1840 = arith.constant 0 : i32
      %dma_start3A_1841 = tpu.memref_slice %arg12[%dma_start3A_1836, %dma_start3A_1840] : memref<18x64xi32, #tpu.memory_space<vmem>> -> memref<1x64xi32, #tpu.memory_space<vmem>>
      %dma_start3A_1842 = tpu.memref_squeeze %dma_start3A_1841 : memref<1x64xi32, #tpu.memory_space<vmem>> -> memref<64xi32, #tpu.memory_space<vmem>>
      %dma_start3A_1843 = arith.constant 0 : i32
      %dma_start3A_1844 = arith.constant 0 : i32
      %dma_start3A_1845 = tpu.memref_slice %arg6[%dma_start3A_1843, %dma_start3A_1844] : memref<787968x48xf32, #tpu.memory_space<hbm>> -> memref<787968x48xf32, #tpu.memory_space<hbm>>
      tpu.enqueue_indirect_dma source(%dma_start3A_1845 : memref<787968x48xf32, #tpu.memory_space<hbm>>) target(%dma_start3A_1839 : memref<64x48xf32, #tpu.memory_space<vmem>>) offsets(%dma_start3A_1842 : memref<64xi32, #tpu.memory_space<vmem>>) semaphore(%arg16 : memref<!tpu.dma_semaphore, #tpu.memory_space<semaphore_mem>>)
      %dma_start3A_1846 = arith.constant 7 : i32
      %dma_start3A_1847 = arith.constant 448 : i32
      %dma_start3A_1848 = arith.constant 0 : i32
      %dma_start3A_1849 = tpu.memref_slice %arg14[%dma_start3A_1847, %dma_start3A_1848] : memref<1152x48xf32, #tpu.memory_space<vmem>> -> memref<64x48xf32, #tpu.memory_space<vmem>>
      %dma_start3A_1850 = arith.constant 0 : i32
      %dma_start3A_1851 = tpu.memref_slice %arg12[%dma_start3A_1846, %dma_start3A_1850] : memref<18x64xi32, #tpu.memory_space<vmem>> -> memref<1x64xi32, #tpu.memory_space<vmem>>
      %dma_start3A_1852 = tpu.memref_squeeze %dma_start3A_1851 : memref<1x64xi32, #tpu.memory_space<vmem>> -> memref<64xi32, #tpu.memory_space<vmem>>
      %dma_start3A_1853 = arith.constant 0 : i32
      %dma_start3A_1854 = arith.constant 0 : i32
      %dma_start3A_1855 = tpu.memref_slice %arg6[%dma_start3A_1853, %dma_start3A_1854] : memref<787968x48xf32, #tpu.memory_space<hbm>> -> memref<787968x48xf32, #tpu.memory_space<hbm>>
      tpu.enqueue_indirect_dma source(%dma_start3A_1855 : memref<787968x48xf32, #tpu.memory_space<hbm>>) target(%dma_start3A_1849 : memref<64x48xf32, #tpu.memory_space<vmem>>) offsets(%dma_start3A_1852 : memref<64xi32, #tpu.memory_space<vmem>>) semaphore(%arg16 : memref<!tpu.dma_semaphore, #tpu.memory_space<semaphore_mem>>)
      %dma_start3A_1856 = arith.constant 8 : i32
      %dma_start3A_1857 = arith.constant 512 : i32
      %dma_start3A_1858 = arith.constant 0 : i32
      %dma_start3A_1859 = tpu.memref_slice %arg14[%dma_start3A_1857, %dma_start3A_1858] : memref<1152x48xf32, #tpu.memory_space<vmem>> -> memref<64x48xf32, #tpu.memory_space<vmem>>
      %dma_start3A_1860 = arith.constant 0 : i32
      %dma_start3A_1861 = tpu.memref_slice %arg12[%dma_start3A_1856, %dma_start3A_1860] : memref<18x64xi32, #tpu.memory_space<vmem>> -> memref<1x64xi32, #tpu.memory_space<vmem>>
      %dma_start3A_1862 = tpu.memref_squeeze %dma_start3A_1861 : memref<1x64xi32, #tpu.memory_space<vmem>> -> memref<64xi32, #tpu.memory_space<vmem>>
      %dma_start3A_1863 = arith.constant 0 : i32
      %dma_start3A_1864 = arith.constant 0 : i32
      %dma_start3A_1865 = tpu.memref_slice %arg6[%dma_start3A_1863, %dma_start3A_1864] : memref<787968x48xf32, #tpu.memory_space<hbm>> -> memref<787968x48xf32, #tpu.memory_space<hbm>>
      tpu.enqueue_indirect_dma source(%dma_start3A_1865 : memref<787968x48xf32, #tpu.memory_space<hbm>>) target(%dma_start3A_1859 : memref<64x48xf32, #tpu.memory_space<vmem>>) offsets(%dma_start3A_1862 : memref<64xi32, #tpu.memory_space<vmem>>) semaphore(%arg16 : memref<!tpu.dma_semaphore, #tpu.memory_space<semaphore_mem>>)
      %dma_start3A_1866 = arith.constant 9 : i32
      %dma_start3A_1867 = arith.constant 576 : i32
      %dma_start3A_1868 = arith.constant 0 : i32
      %dma_start3A_1869 = tpu.memref_slice %arg14[%dma_start3A_1867, %dma_start3A_1868] : memref<1152x48xf32, #tpu.memory_space<vmem>> -> memref<64x48xf32, #tpu.memory_space<vmem>>
      %dma_start3A_1870 = arith.constant 0 : i32
      %dma_start3A_1871 = tpu.memref_slice %arg12[%dma_start3A_1866, %dma_start3A_1870] : memref<18x64xi32, #tpu.memory_space<vmem>> -> memref<1x64xi32, #tpu.memory_space<vmem>>
      %dma_start3A_1872 = tpu.memref_squeeze %dma_start3A_1871 : memref<1x64xi32, #tpu.memory_space<vmem>> -> memref<64xi32, #tpu.memory_space<vmem>>
      %dma_start3A_1873 = arith.constant 0 : i32
      %dma_start3A_1874 = arith.constant 0 : i32
      %dma_start3A_1875 = tpu.memref_slice %arg6[%dma_start3A_1873, %dma_start3A_1874] : memref<787968x48xf32, #tpu.memory_space<hbm>> -> memref<787968x48xf32, #tpu.memory_space<hbm>>
      tpu.enqueue_indirect_dma source(%dma_start3A_1875 : memref<787968x48xf32, #tpu.memory_space<hbm>>) target(%dma_start3A_1869 : memref<64x48xf32, #tpu.memory_space<vmem>>) offsets(%dma_start3A_1872 : memref<64xi32, #tpu.memory_space<vmem>>) semaphore(%arg16 : memref<!tpu.dma_semaphore, #tpu.memory_space<semaphore_mem>>)
      %dma_start3A_1876 = arith.constant 10 : i32
      %dma_start3A_1877 = arith.constant 640 : i32
      %dma_start3A_1878 = arith.constant 0 : i32
      %dma_start3A_1879 = tpu.memref_slice %arg14[%dma_start3A_1877, %dma_start3A_1878] : memref<1152x48xf32, #tpu.memory_space<vmem>> -> memref<64x48xf32, #tpu.memory_space<vmem>>
      %dma_start3A_1880 = arith.constant 0 : i32
      %dma_start3A_1881 = tpu.memref_slice %arg12[%dma_start3A_1876, %dma_start3A_1880] : memref<18x64xi32, #tpu.memory_space<vmem>> -> memref<1x64xi32, #tpu.memory_space<vmem>>
      %dma_start3A_1882 = tpu.memref_squeeze %dma_start3A_1881 : memref<1x64xi32, #tpu.memory_space<vmem>> -> memref<64xi32, #tpu.memory_space<vmem>>
      %dma_start3A_1883 = arith.constant 0 : i32
      %dma_start3A_1884 = arith.constant 0 : i32
      %dma_start3A_1885 = tpu.memref_slice %arg6[%dma_start3A_1883, %dma_start3A_1884] : memref<787968x48xf32, #tpu.memory_space<hbm>> -> memref<787968x48xf32, #tpu.memory_space<hbm>>
      tpu.enqueue_indirect_dma source(%dma_start3A_1885 : memref<787968x48xf32, #tpu.memory_space<hbm>>) target(%dma_start3A_1879 : memref<64x48xf32, #tpu.memory_space<vmem>>) offsets(%dma_start3A_1882 : memref<64xi32, #tpu.memory_space<vmem>>) semaphore(%arg16 : memref<!tpu.dma_semaphore, #tpu.memory_space<semaphore_mem>>)
      %dma_start3A_1886 = arith.constant 11 : i32
      %dma_start3A_1887 = arith.constant 704 : i32
      %dma_start3A_1888 = arith.constant 0 : i32
      %dma_start3A_1889 = tpu.memref_slice %arg14[%dma_start3A_1887, %dma_start3A_1888] : memref<1152x48xf32, #tpu.memory_space<vmem>> -> memref<64x48xf32, #tpu.memory_space<vmem>>
      %dma_start3A_1890 = arith.constant 0 : i32
      %dma_start3A_1891 = tpu.memref_slice %arg12[%dma_start3A_1886, %dma_start3A_1890] : memref<18x64xi32, #tpu.memory_space<vmem>> -> memref<1x64xi32, #tpu.memory_space<vmem>>
      %dma_start3A_1892 = tpu.memref_squeeze %dma_start3A_1891 : memref<1x64xi32, #tpu.memory_space<vmem>> -> memref<64xi32, #tpu.memory_space<vmem>>
      %dma_start3A_1893 = arith.constant 0 : i32
      %dma_start3A_1894 = arith.constant 0 : i32
      %dma_start3A_1895 = tpu.memref_slice %arg6[%dma_start3A_1893, %dma_start3A_1894] : memref<787968x48xf32, #tpu.memory_space<hbm>> -> memref<787968x48xf32, #tpu.memory_space<hbm>>
      tpu.enqueue_indirect_dma source(%dma_start3A_1895 : memref<787968x48xf32, #tpu.memory_space<hbm>>) target(%dma_start3A_1889 : memref<64x48xf32, #tpu.memory_space<vmem>>) offsets(%dma_start3A_1892 : memref<64xi32, #tpu.memory_space<vmem>>) semaphore(%arg16 : memref<!tpu.dma_semaphore, #tpu.memory_space<semaphore_mem>>)
      %dma_start3A_1896 = arith.constant 12 : i32
      %dma_start3A_1897 = arith.constant 768 : i32
      %dma_start3A_1898 = arith.constant 0 : i32
      %dma_start3A_1899 = tpu.memref_slice %arg14[%dma_start3A_1897, %dma_start3A_1898] : memref<1152x48xf32, #tpu.memory_space<vmem>> -> memref<64x48xf32, #tpu.memory_space<vmem>>
      %dma_start3A_1900 = arith.constant 0 : i32
      %dma_start3A_1901 = tpu.memref_slice %arg12[%dma_start3A_1896, %dma_start3A_1900] : memref<18x64xi32, #tpu.memory_space<vmem>> -> memref<1x64xi32, #tpu.memory_space<vmem>>
      %dma_start3A_1902 = tpu.memref_squeeze %dma_start3A_1901 : memref<1x64xi32, #tpu.memory_space<vmem>> -> memref<64xi32, #tpu.memory_space<vmem>>
      %dma_start3A_1903 = arith.constant 0 : i32
      %dma_start3A_1904 = arith.constant 0 : i32
      %dma_start3A_1905 = tpu.memref_slice %arg6[%dma_start3A_1903, %dma_start3A_1904] : memref<787968x48xf32, #tpu.memory_space<hbm>> -> memref<787968x48xf32, #tpu.memory_space<hbm>>
      tpu.enqueue_indirect_dma source(%dma_start3A_1905 : memref<787968x48xf32, #tpu.memory_space<hbm>>) target(%dma_start3A_1899 : memref<64x48xf32, #tpu.memory_space<vmem>>) offsets(%dma_start3A_1902 : memref<64xi32, #tpu.memory_space<vmem>>) semaphore(%arg16 : memref<!tpu.dma_semaphore, #tpu.memory_space<semaphore_mem>>)
      %dma_start3A_1906 = arith.constant 13 : i32
      %dma_start3A_1907 = arith.constant 832 : i32
      %dma_start3A_1908 = arith.constant 0 : i32
      %dma_start3A_1909 = tpu.memref_slice %arg14[%dma_start3A_1907, %dma_start3A_1908] : memref<1152x48xf32, #tpu.memory_space<vmem>> -> memref<64x48xf32, #tpu.memory_space<vmem>>
      %dma_start3A_1910 = arith.constant 0 : i32
      %dma_start3A_1911 = tpu.memref_slice %arg12[%dma_start3A_1906, %dma_start3A_1910] : memref<18x64xi32, #tpu.memory_space<vmem>> -> memref<1x64xi32, #tpu.memory_space<vmem>>
      %dma_start3A_1912 = tpu.memref_squeeze %dma_start3A_1911 : memref<1x64xi32, #tpu.memory_space<vmem>> -> memref<64xi32, #tpu.memory_space<vmem>>
      %dma_start3A_1913 = arith.constant 0 : i32
      %dma_start3A_1914 = arith.constant 0 : i32
      %dma_start3A_1915 = tpu.memref_slice %arg6[%dma_start3A_1913, %dma_start3A_1914] : memref<787968x48xf32, #tpu.memory_space<hbm>> -> memref<787968x48xf32, #tpu.memory_space<hbm>>
      tpu.enqueue_indirect_dma source(%dma_start3A_1915 : memref<787968x48xf32, #tpu.memory_space<hbm>>) target(%dma_start3A_1909 : memref<64x48xf32, #tpu.memory_space<vmem>>) offsets(%dma_start3A_1912 : memref<64xi32, #tpu.memory_space<vmem>>) semaphore(%arg16 : memref<!tpu.dma_semaphore, #tpu.memory_space<semaphore_mem>>)
      %dma_start3A_1916 = arith.constant 14 : i32
      %dma_start3A_1917 = arith.constant 896 : i32
      %dma_start3A_1918 = arith.constant 0 : i32
      %dma_start3A_1919 = tpu.memref_slice %arg14[%dma_start3A_1917, %dma_start3A_1918] : memref<1152x48xf32, #tpu.memory_space<vmem>> -> memref<64x48xf32, #tpu.memory_space<vmem>>
      %dma_start3A_1920 = arith.constant 0 : i32
      %dma_start3A_1921 = tpu.memref_slice %arg12[%dma_start3A_1916, %dma_start3A_1920] : memref<18x64xi32, #tpu.memory_space<vmem>> -> memref<1x64xi32, #tpu.memory_space<vmem>>
      %dma_start3A_1922 = tpu.memref_squeeze %dma_start3A_1921 : memref<1x64xi32, #tpu.memory_space<vmem>> -> memref<64xi32, #tpu.memory_space<vmem>>
      %dma_start3A_1923 = arith.constant 0 : i32
      %dma_start3A_1924 = arith.constant 0 : i32
      %dma_start3A_1925 = tpu.memref_slice %arg6[%dma_start3A_1923, %dma_start3A_1924] : memref<787968x48xf32, #tpu.memory_space<hbm>> -> memref<787968x48xf32, #tpu.memory_space<hbm>>
      tpu.enqueue_indirect_dma source(%dma_start3A_1925 : memref<787968x48xf32, #tpu.memory_space<hbm>>) target(%dma_start3A_1919 : memref<64x48xf32, #tpu.memory_space<vmem>>) offsets(%dma_start3A_1922 : memref<64xi32, #tpu.memory_space<vmem>>) semaphore(%arg16 : memref<!tpu.dma_semaphore, #tpu.memory_space<semaphore_mem>>)
      %dma_start3A_1926 = arith.constant 15 : i32
      %dma_start3A_1927 = arith.constant 960 : i32
      %dma_start3A_1928 = arith.constant 0 : i32
      %dma_start3A_1929 = tpu.memref_slice %arg14[%dma_start3A_1927, %dma_start3A_1928] : memref<1152x48xf32, #tpu.memory_space<vmem>> -> memref<64x48xf32, #tpu.memory_space<vmem>>
      %dma_start3A_1930 = arith.constant 0 : i32
      %dma_start3A_1931 = tpu.memref_slice %arg12[%dma_start3A_1926, %dma_start3A_1930] : memref<18x64xi32, #tpu.memory_space<vmem>> -> memref<1x64xi32, #tpu.memory_space<vmem>>
      %dma_start3A_1932 = tpu.memref_squeeze %dma_start3A_1931 : memref<1x64xi32, #tpu.memory_space<vmem>> -> memref<64xi32, #tpu.memory_space<vmem>>
      %dma_start3A_1933 = arith.constant 0 : i32
      %dma_start3A_1934 = arith.constant 0 : i32
      %dma_start3A_1935 = tpu.memref_slice %arg6[%dma_start3A_1933, %dma_start3A_1934] : memref<787968x48xf32, #tpu.memory_space<hbm>> -> memref<787968x48xf32, #tpu.memory_space<hbm>>
      tpu.enqueue_indirect_dma source(%dma_start3A_1935 : memref<787968x48xf32, #tpu.memory_space<hbm>>) target(%dma_start3A_1929 : memref<64x48xf32, #tpu.memory_space<vmem>>) offsets(%dma_start3A_1932 : memref<64xi32, #tpu.memory_space<vmem>>) semaphore(%arg16 : memref<!tpu.dma_semaphore, #tpu.memory_space<semaphore_mem>>)
      %dma_start3A_1936 = arith.constant 16 : i32
      %dma_start3A_1937 = arith.constant 1024 : i32
      %dma_start3A_1938 = arith.constant 0 : i32
      %dma_start3A_1939 = tpu.memref_slice %arg14[%dma_start3A_1937, %dma_start3A_1938] : memref<1152x48xf32, #tpu.memory_space<vmem>> -> memref<64x48xf32, #tpu.memory_space<vmem>>
      %dma_start3A_1940 = arith.constant 0 : i32
      %dma_start3A_1941 = tpu.memref_slice %arg12[%dma_start3A_1936, %dma_start3A_1940] : memref<18x64xi32, #tpu.memory_space<vmem>> -> memref<1x64xi32, #tpu.memory_space<vmem>>
      %dma_start3A_1942 = tpu.memref_squeeze %dma_start3A_1941 : memref<1x64xi32, #tpu.memory_space<vmem>> -> memref<64xi32, #tpu.memory_space<vmem>>
      %dma_start3A_1943 = arith.constant 0 : i32
      %dma_start3A_1944 = arith.constant 0 : i32
      %dma_start3A_1945 = tpu.memref_slice %arg6[%dma_start3A_1943, %dma_start3A_1944] : memref<787968x48xf32, #tpu.memory_space<hbm>> -> memref<787968x48xf32, #tpu.memory_space<hbm>>
      tpu.enqueue_indirect_dma source(%dma_start3A_1945 : memref<787968x48xf32, #tpu.memory_space<hbm>>) target(%dma_start3A_1939 : memref<64x48xf32, #tpu.memory_space<vmem>>) offsets(%dma_start3A_1942 : memref<64xi32, #tpu.memory_space<vmem>>) semaphore(%arg16 : memref<!tpu.dma_semaphore, #tpu.memory_space<semaphore_mem>>)
      %dma_start3A_1946 = arith.constant 17 : i32
      %dma_start3A_1947 = arith.constant 1088 : i32
      %dma_start3A_1948 = arith.constant 0 : i32
      %dma_start3A_1949 = tpu.memref_slice %arg14[%dma_start3A_1947, %dma_start3A_1948] : memref<1152x48xf32, #tpu.memory_space<vmem>> -> memref<64x48xf32, #tpu.memory_space<vmem>>
      %dma_start3A_1950 = arith.constant 0 : i32
      %dma_start3A_1951 = tpu.memref_slice %arg12[%dma_start3A_1946, %dma_start3A_1950] : memref<18x64xi32, #tpu.memory_space<vmem>> -> memref<1x64xi32, #tpu.memory_space<vmem>>
      %dma_start3A_1952 = tpu.memref_squeeze %dma_start3A_1951 : memref<1x64xi32, #tpu.memory_space<vmem>> -> memref<64xi32, #tpu.memory_space<vmem>>
      %dma_start3A_1953 = arith.constant 0 : i32
      %dma_start3A_1954 = arith.constant 0 : i32
      %dma_start3A_1955 = tpu.memref_slice %arg6[%dma_start3A_1953, %dma_start3A_1954] : memref<787968x48xf32, #tpu.memory_space<hbm>> -> memref<787968x48xf32, #tpu.memory_space<hbm>>
      tpu.enqueue_indirect_dma source(%dma_start3A_1955 : memref<787968x48xf32, #tpu.memory_space<hbm>>) target(%dma_start3A_1949 : memref<64x48xf32, #tpu.memory_space<vmem>>) offsets(%dma_start3A_1952 : memref<64xi32, #tpu.memory_space<vmem>>) semaphore(%arg16 : memref<!tpu.dma_semaphore, #tpu.memory_space<semaphore_mem>>)
      %dma_wait3A = arith.constant 0 : i32
      %dma_wait3A_1956 = arith.constant 0 : i32
      %dma_wait3A_1957 = arith.constant 0 : i32
      %dma_wait3A_1958 = tpu.memref_slice %arg14[%dma_wait3A_1956, %dma_wait3A_1957] : memref<1152x48xf32, #tpu.memory_space<vmem>> -> memref<64x48xf32, #tpu.memory_space<vmem>>
      %dma_wait3A_1959 = arith.constant 0 : i32
      %dma_wait3A_1960 = tpu.memref_slice %arg12[%dma_wait3A, %dma_wait3A_1959] : memref<18x64xi32, #tpu.memory_space<vmem>> -> memref<1x64xi32, #tpu.memory_space<vmem>>
      %dma_wait3A_1961 = tpu.memref_squeeze %dma_wait3A_1960 : memref<1x64xi32, #tpu.memory_space<vmem>> -> memref<64xi32, #tpu.memory_space<vmem>>
      %dma_wait3A_1962 = arith.constant 0 : i32
      %dma_wait3A_1963 = arith.constant 0 : i32
      %dma_wait3A_1964 = tpu.memref_slice %arg6[%dma_wait3A_1962, %dma_wait3A_1963] : memref<787968x48xf32, #tpu.memory_space<hbm>> -> memref<787968x48xf32, #tpu.memory_space<hbm>>
      tpu.wait_indirect_dma semaphore(%arg16 : memref<!tpu.dma_semaphore, #tpu.memory_space<semaphore_mem>>) src(%dma_wait3A_1964 : memref<787968x48xf32, #tpu.memory_space<hbm>>) dst(%dma_wait3A_1958 : memref<64x48xf32, #tpu.memory_space<vmem>>)
      %dma_wait3A_1965 = arith.constant 1 : i32
      %dma_wait3A_1966 = arith.constant 64 : i32
      %dma_wait3A_1967 = arith.constant 0 : i32
      %dma_wait3A_1968 = tpu.memref_slice %arg14[%dma_wait3A_1966, %dma_wait3A_1967] : memref<1152x48xf32, #tpu.memory_space<vmem>> -> memref<64x48xf32, #tpu.memory_space<vmem>>
      %dma_wait3A_1969 = arith.constant 0 : i32
      %dma_wait3A_1970 = tpu.memref_slice %arg12[%dma_wait3A_1965, %dma_wait3A_1969] : memref<18x64xi32, #tpu.memory_space<vmem>> -> memref<1x64xi32, #tpu.memory_space<vmem>>
      %dma_wait3A_1971 = tpu.memref_squeeze %dma_wait3A_1970 : memref<1x64xi32, #tpu.memory_space<vmem>> -> memref<64xi32, #tpu.memory_space<vmem>>
      %dma_wait3A_1972 = arith.constant 0 : i32
      %dma_wait3A_1973 = arith.constant 0 : i32
      %dma_wait3A_1974 = tpu.memref_slice %arg6[%dma_wait3A_1972, %dma_wait3A_1973] : memref<787968x48xf32, #tpu.memory_space<hbm>> -> memref<787968x48xf32, #tpu.memory_space<hbm>>
      tpu.wait_indirect_dma semaphore(%arg16 : memref<!tpu.dma_semaphore, #tpu.memory_space<semaphore_mem>>) src(%dma_wait3A_1974 : memref<787968x48xf32, #tpu.memory_space<hbm>>) dst(%dma_wait3A_1968 : memref<64x48xf32, #tpu.memory_space<vmem>>)
      %dma_wait3A_1975 = arith.constant 2 : i32
      %dma_wait3A_1976 = arith.constant 128 : i32
      %dma_wait3A_1977 = arith.constant 0 : i32
      %dma_wait3A_1978 = tpu.memref_slice %arg14[%dma_wait3A_1976, %dma_wait3A_1977] : memref<1152x48xf32, #tpu.memory_space<vmem>> -> memref<64x48xf32, #tpu.memory_space<vmem>>
      %dma_wait3A_1979 = arith.constant 0 : i32
      %dma_wait3A_1980 = tpu.memref_slice %arg12[%dma_wait3A_1975, %dma_wait3A_1979] : memref<18x64xi32, #tpu.memory_space<vmem>> -> memref<1x64xi32, #tpu.memory_space<vmem>>
      %dma_wait3A_1981 = tpu.memref_squeeze %dma_wait3A_1980 : memref<1x64xi32, #tpu.memory_space<vmem>> -> memref<64xi32, #tpu.memory_space<vmem>>
      %dma_wait3A_1982 = arith.constant 0 : i32
      %dma_wait3A_1983 = arith.constant 0 : i32
      %dma_wait3A_1984 = tpu.memref_slice %arg6[%dma_wait3A_1982, %dma_wait3A_1983] : memref<787968x48xf32, #tpu.memory_space<hbm>> -> memref<787968x48xf32, #tpu.memory_space<hbm>>
      tpu.wait_indirect_dma semaphore(%arg16 : memref<!tpu.dma_semaphore, #tpu.memory_space<semaphore_mem>>) src(%dma_wait3A_1984 : memref<787968x48xf32, #tpu.memory_space<hbm>>) dst(%dma_wait3A_1978 : memref<64x48xf32, #tpu.memory_space<vmem>>)
      %dma_wait3A_1985 = arith.constant 3 : i32
      %dma_wait3A_1986 = arith.constant 192 : i32
      %dma_wait3A_1987 = arith.constant 0 : i32
      %dma_wait3A_1988 = tpu.memref_slice %arg14[%dma_wait3A_1986, %dma_wait3A_1987] : memref<1152x48xf32, #tpu.memory_space<vmem>> -> memref<64x48xf32, #tpu.memory_space<vmem>>
      %dma_wait3A_1989 = arith.constant 0 : i32
      %dma_wait3A_1990 = tpu.memref_slice %arg12[%dma_wait3A_1985, %dma_wait3A_1989] : memref<18x64xi32, #tpu.memory_space<vmem>> -> memref<1x64xi32, #tpu.memory_space<vmem>>
      %dma_wait3A_1991 = tpu.memref_squeeze %dma_wait3A_1990 : memref<1x64xi32, #tpu.memory_space<vmem>> -> memref<64xi32, #tpu.memory_space<vmem>>
      %dma_wait3A_1992 = arith.constant 0 : i32
      %dma_wait3A_1993 = arith.constant 0 : i32
      %dma_wait3A_1994 = tpu.memref_slice %arg6[%dma_wait3A_1992, %dma_wait3A_1993] : memref<787968x48xf32, #tpu.memory_space<hbm>> -> memref<787968x48xf32, #tpu.memory_space<hbm>>
      tpu.wait_indirect_dma semaphore(%arg16 : memref<!tpu.dma_semaphore, #tpu.memory_space<semaphore_mem>>) src(%dma_wait3A_1994 : memref<787968x48xf32, #tpu.memory_space<hbm>>) dst(%dma_wait3A_1988 : memref<64x48xf32, #tpu.memory_space<vmem>>)
      %dma_wait3A_1995 = arith.constant 4 : i32
      %dma_wait3A_1996 = arith.constant 256 : i32
      %dma_wait3A_1997 = arith.constant 0 : i32
      %dma_wait3A_1998 = tpu.memref_slice %arg14[%dma_wait3A_1996, %dma_wait3A_1997] : memref<1152x48xf32, #tpu.memory_space<vmem>> -> memref<64x48xf32, #tpu.memory_space<vmem>>
      %dma_wait3A_1999 = arith.constant 0 : i32
      %dma_wait3A_2000 = tpu.memref_slice %arg12[%dma_wait3A_1995, %dma_wait3A_1999] : memref<18x64xi32, #tpu.memory_space<vmem>> -> memref<1x64xi32, #tpu.memory_space<vmem>>
      %dma_wait3A_2001 = tpu.memref_squeeze %dma_wait3A_2000 : memref<1x64xi32, #tpu.memory_space<vmem>> -> memref<64xi32, #tpu.memory_space<vmem>>
      %dma_wait3A_2002 = arith.constant 0 : i32
      %dma_wait3A_2003 = arith.constant 0 : i32
      %dma_wait3A_2004 = tpu.memref_slice %arg6[%dma_wait3A_2002, %dma_wait3A_2003] : memref<787968x48xf32, #tpu.memory_space<hbm>> -> memref<787968x48xf32, #tpu.memory_space<hbm>>
      tpu.wait_indirect_dma semaphore(%arg16 : memref<!tpu.dma_semaphore, #tpu.memory_space<semaphore_mem>>) src(%dma_wait3A_2004 : memref<787968x48xf32, #tpu.memory_space<hbm>>) dst(%dma_wait3A_1998 : memref<64x48xf32, #tpu.memory_space<vmem>>)
      %dma_wait3A_2005 = arith.constant 5 : i32
      %dma_wait3A_2006 = arith.constant 320 : i32
      %dma_wait3A_2007 = arith.constant 0 : i32
      %dma_wait3A_2008 = tpu.memref_slice %arg14[%dma_wait3A_2006, %dma_wait3A_2007] : memref<1152x48xf32, #tpu.memory_space<vmem>> -> memref<64x48xf32, #tpu.memory_space<vmem>>
      %dma_wait3A_2009 = arith.constant 0 : i32
      %dma_wait3A_2010 = tpu.memref_slice %arg12[%dma_wait3A_2005, %dma_wait3A_2009] : memref<18x64xi32, #tpu.memory_space<vmem>> -> memref<1x64xi32, #tpu.memory_space<vmem>>
      %dma_wait3A_2011 = tpu.memref_squeeze %dma_wait3A_2010 : memref<1x64xi32, #tpu.memory_space<vmem>> -> memref<64xi32, #tpu.memory_space<vmem>>
      %dma_wait3A_2012 = arith.constant 0 : i32
      %dma_wait3A_2013 = arith.constant 0 : i32
      %dma_wait3A_2014 = tpu.memref_slice %arg6[%dma_wait3A_2012, %dma_wait3A_2013] : memref<787968x48xf32, #tpu.memory_space<hbm>> -> memref<787968x48xf32, #tpu.memory_space<hbm>>
      tpu.wait_indirect_dma semaphore(%arg16 : memref<!tpu.dma_semaphore, #tpu.memory_space<semaphore_mem>>) src(%dma_wait3A_2014 : memref<787968x48xf32, #tpu.memory_space<hbm>>) dst(%dma_wait3A_2008 : memref<64x48xf32, #tpu.memory_space<vmem>>)
      %dma_wait3A_2015 = arith.constant 6 : i32
      %dma_wait3A_2016 = arith.constant 384 : i32
      %dma_wait3A_2017 = arith.constant 0 : i32
      %dma_wait3A_2018 = tpu.memref_slice %arg14[%dma_wait3A_2016, %dma_wait3A_2017] : memref<1152x48xf32, #tpu.memory_space<vmem>> -> memref<64x48xf32, #tpu.memory_space<vmem>>
      %dma_wait3A_2019 = arith.constant 0 : i32
      %dma_wait3A_2020 = tpu.memref_slice %arg12[%dma_wait3A_2015, %dma_wait3A_2019] : memref<18x64xi32, #tpu.memory_space<vmem>> -> memref<1x64xi32, #tpu.memory_space<vmem>>
      %dma_wait3A_2021 = tpu.memref_squeeze %dma_wait3A_2020 : memref<1x64xi32, #tpu.memory_space<vmem>> -> memref<64xi32, #tpu.memory_space<vmem>>
      %dma_wait3A_2022 = arith.constant 0 : i32
      %dma_wait3A_2023 = arith.constant 0 : i32
      %dma_wait3A_2024 = tpu.memref_slice %arg6[%dma_wait3A_2022, %dma_wait3A_2023] : memref<787968x48xf32, #tpu.memory_space<hbm>> -> memref<787968x48xf32, #tpu.memory_space<hbm>>
      tpu.wait_indirect_dma semaphore(%arg16 : memref<!tpu.dma_semaphore, #tpu.memory_space<semaphore_mem>>) src(%dma_wait3A_2024 : memref<787968x48xf32, #tpu.memory_space<hbm>>) dst(%dma_wait3A_2018 : memref<64x48xf32, #tpu.memory_space<vmem>>)
      %dma_wait3A_2025 = arith.constant 7 : i32
      %dma_wait3A_2026 = arith.constant 448 : i32
      %dma_wait3A_2027 = arith.constant 0 : i32
      %dma_wait3A_2028 = tpu.memref_slice %arg14[%dma_wait3A_2026, %dma_wait3A_2027] : memref<1152x48xf32, #tpu.memory_space<vmem>> -> memref<64x48xf32, #tpu.memory_space<vmem>>
      %dma_wait3A_2029 = arith.constant 0 : i32
      %dma_wait3A_2030 = tpu.memref_slice %arg12[%dma_wait3A_2025, %dma_wait3A_2029] : memref<18x64xi32, #tpu.memory_space<vmem>> -> memref<1x64xi32, #tpu.memory_space<vmem>>
      %dma_wait3A_2031 = tpu.memref_squeeze %dma_wait3A_2030 : memref<1x64xi32, #tpu.memory_space<vmem>> -> memref<64xi32, #tpu.memory_space<vmem>>
      %dma_wait3A_2032 = arith.constant 0 : i32
      %dma_wait3A_2033 = arith.constant 0 : i32
      %dma_wait3A_2034 = tpu.memref_slice %arg6[%dma_wait3A_2032, %dma_wait3A_2033] : memref<787968x48xf32, #tpu.memory_space<hbm>> -> memref<787968x48xf32, #tpu.memory_space<hbm>>
      tpu.wait_indirect_dma semaphore(%arg16 : memref<!tpu.dma_semaphore, #tpu.memory_space<semaphore_mem>>) src(%dma_wait3A_2034 : memref<787968x48xf32, #tpu.memory_space<hbm>>) dst(%dma_wait3A_2028 : memref<64x48xf32, #tpu.memory_space<vmem>>)
      %dma_wait3A_2035 = arith.constant 8 : i32
      %dma_wait3A_2036 = arith.constant 512 : i32
      %dma_wait3A_2037 = arith.constant 0 : i32
      %dma_wait3A_2038 = tpu.memref_slice %arg14[%dma_wait3A_2036, %dma_wait3A_2037] : memref<1152x48xf32, #tpu.memory_space<vmem>> -> memref<64x48xf32, #tpu.memory_space<vmem>>
      %dma_wait3A_2039 = arith.constant 0 : i32
      %dma_wait3A_2040 = tpu.memref_slice %arg12[%dma_wait3A_2035, %dma_wait3A_2039] : memref<18x64xi32, #tpu.memory_space<vmem>> -> memref<1x64xi32, #tpu.memory_space<vmem>>
      %dma_wait3A_2041 = tpu.memref_squeeze %dma_wait3A_2040 : memref<1x64xi32, #tpu.memory_space<vmem>> -> memref<64xi32, #tpu.memory_space<vmem>>
      %dma_wait3A_2042 = arith.constant 0 : i32
      %dma_wait3A_2043 = arith.constant 0 : i32
      %dma_wait3A_2044 = tpu.memref_slice %arg6[%dma_wait3A_2042, %dma_wait3A_2043] : memref<787968x48xf32, #tpu.memory_space<hbm>> -> memref<787968x48xf32, #tpu.memory_space<hbm>>
      tpu.wait_indirect_dma semaphore(%arg16 : memref<!tpu.dma_semaphore, #tpu.memory_space<semaphore_mem>>) src(%dma_wait3A_2044 : memref<787968x48xf32, #tpu.memory_space<hbm>>) dst(%dma_wait3A_2038 : memref<64x48xf32, #tpu.memory_space<vmem>>)
      %dma_wait3A_2045 = arith.constant 9 : i32
      %dma_wait3A_2046 = arith.constant 576 : i32
      %dma_wait3A_2047 = arith.constant 0 : i32
      %dma_wait3A_2048 = tpu.memref_slice %arg14[%dma_wait3A_2046, %dma_wait3A_2047] : memref<1152x48xf32, #tpu.memory_space<vmem>> -> memref<64x48xf32, #tpu.memory_space<vmem>>
      %dma_wait3A_2049 = arith.constant 0 : i32
      %dma_wait3A_2050 = tpu.memref_slice %arg12[%dma_wait3A_2045, %dma_wait3A_2049] : memref<18x64xi32, #tpu.memory_space<vmem>> -> memref<1x64xi32, #tpu.memory_space<vmem>>
      %dma_wait3A_2051 = tpu.memref_squeeze %dma_wait3A_2050 : memref<1x64xi32, #tpu.memory_space<vmem>> -> memref<64xi32, #tpu.memory_space<vmem>>
      %dma_wait3A_2052 = arith.constant 0 : i32
      %dma_wait3A_2053 = arith.constant 0 : i32
      %dma_wait3A_2054 = tpu.memref_slice %arg6[%dma_wait3A_2052, %dma_wait3A_2053] : memref<787968x48xf32, #tpu.memory_space<hbm>> -> memref<787968x48xf32, #tpu.memory_space<hbm>>
      tpu.wait_indirect_dma semaphore(%arg16 : memref<!tpu.dma_semaphore, #tpu.memory_space<semaphore_mem>>) src(%dma_wait3A_2054 : memref<787968x48xf32, #tpu.memory_space<hbm>>) dst(%dma_wait3A_2048 : memref<64x48xf32, #tpu.memory_space<vmem>>)
      %dma_wait3A_2055 = arith.constant 10 : i32
      %dma_wait3A_2056 = arith.constant 640 : i32
      %dma_wait3A_2057 = arith.constant 0 : i32
      %dma_wait3A_2058 = tpu.memref_slice %arg14[%dma_wait3A_2056, %dma_wait3A_2057] : memref<1152x48xf32, #tpu.memory_space<vmem>> -> memref<64x48xf32, #tpu.memory_space<vmem>>
      %dma_wait3A_2059 = arith.constant 0 : i32
      %dma_wait3A_2060 = tpu.memref_slice %arg12[%dma_wait3A_2055, %dma_wait3A_2059] : memref<18x64xi32, #tpu.memory_space<vmem>> -> memref<1x64xi32, #tpu.memory_space<vmem>>
      %dma_wait3A_2061 = tpu.memref_squeeze %dma_wait3A_2060 : memref<1x64xi32, #tpu.memory_space<vmem>> -> memref<64xi32, #tpu.memory_space<vmem>>
      %dma_wait3A_2062 = arith.constant 0 : i32
      %dma_wait3A_2063 = arith.constant 0 : i32
      %dma_wait3A_2064 = tpu.memref_slice %arg6[%dma_wait3A_2062, %dma_wait3A_2063] : memref<787968x48xf32, #tpu.memory_space<hbm>> -> memref<787968x48xf32, #tpu.memory_space<hbm>>
      tpu.wait_indirect_dma semaphore(%arg16 : memref<!tpu.dma_semaphore, #tpu.memory_space<semaphore_mem>>) src(%dma_wait3A_2064 : memref<787968x48xf32, #tpu.memory_space<hbm>>) dst(%dma_wait3A_2058 : memref<64x48xf32, #tpu.memory_space<vmem>>)
      %dma_wait3A_2065 = arith.constant 11 : i32
      %dma_wait3A_2066 = arith.constant 704 : i32
      %dma_wait3A_2067 = arith.constant 0 : i32
      %dma_wait3A_2068 = tpu.memref_slice %arg14[%dma_wait3A_2066, %dma_wait3A_2067] : memref<1152x48xf32, #tpu.memory_space<vmem>> -> memref<64x48xf32, #tpu.memory_space<vmem>>
      %dma_wait3A_2069 = arith.constant 0 : i32
      %dma_wait3A_2070 = tpu.memref_slice %arg12[%dma_wait3A_2065, %dma_wait3A_2069] : memref<18x64xi32, #tpu.memory_space<vmem>> -> memref<1x64xi32, #tpu.memory_space<vmem>>
      %dma_wait3A_2071 = tpu.memref_squeeze %dma_wait3A_2070 : memref<1x64xi32, #tpu.memory_space<vmem>> -> memref<64xi32, #tpu.memory_space<vmem>>
      %dma_wait3A_2072 = arith.constant 0 : i32
      %dma_wait3A_2073 = arith.constant 0 : i32
      %dma_wait3A_2074 = tpu.memref_slice %arg6[%dma_wait3A_2072, %dma_wait3A_2073] : memref<787968x48xf32, #tpu.memory_space<hbm>> -> memref<787968x48xf32, #tpu.memory_space<hbm>>
      tpu.wait_indirect_dma semaphore(%arg16 : memref<!tpu.dma_semaphore, #tpu.memory_space<semaphore_mem>>) src(%dma_wait3A_2074 : memref<787968x48xf32, #tpu.memory_space<hbm>>) dst(%dma_wait3A_2068 : memref<64x48xf32, #tpu.memory_space<vmem>>)
      %dma_wait3A_2075 = arith.constant 12 : i32
      %dma_wait3A_2076 = arith.constant 768 : i32
      %dma_wait3A_2077 = arith.constant 0 : i32
      %dma_wait3A_2078 = tpu.memref_slice %arg14[%dma_wait3A_2076, %dma_wait3A_2077] : memref<1152x48xf32, #tpu.memory_space<vmem>> -> memref<64x48xf32, #tpu.memory_space<vmem>>
      %dma_wait3A_2079 = arith.constant 0 : i32
      %dma_wait3A_2080 = tpu.memref_slice %arg12[%dma_wait3A_2075, %dma_wait3A_2079] : memref<18x64xi32, #tpu.memory_space<vmem>> -> memref<1x64xi32, #tpu.memory_space<vmem>>
      %dma_wait3A_2081 = tpu.memref_squeeze %dma_wait3A_2080 : memref<1x64xi32, #tpu.memory_space<vmem>> -> memref<64xi32, #tpu.memory_space<vmem>>
      %dma_wait3A_2082 = arith.constant 0 : i32
      %dma_wait3A_2083 = arith.constant 0 : i32
      %dma_wait3A_2084 = tpu.memref_slice %arg6[%dma_wait3A_2082, %dma_wait3A_2083] : memref<787968x48xf32, #tpu.memory_space<hbm>> -> memref<787968x48xf32, #tpu.memory_space<hbm>>
      tpu.wait_indirect_dma semaphore(%arg16 : memref<!tpu.dma_semaphore, #tpu.memory_space<semaphore_mem>>) src(%dma_wait3A_2084 : memref<787968x48xf32, #tpu.memory_space<hbm>>) dst(%dma_wait3A_2078 : memref<64x48xf32, #tpu.memory_space<vmem>>)
      %dma_wait3A_2085 = arith.constant 13 : i32
      %dma_wait3A_2086 = arith.constant 832 : i32
      %dma_wait3A_2087 = arith.constant 0 : i32
      %dma_wait3A_2088 = tpu.memref_slice %arg14[%dma_wait3A_2086, %dma_wait3A_2087] : memref<1152x48xf32, #tpu.memory_space<vmem>> -> memref<64x48xf32, #tpu.memory_space<vmem>>
      %dma_wait3A_2089 = arith.constant 0 : i32
      %dma_wait3A_2090 = tpu.memref_slice %arg12[%dma_wait3A_2085, %dma_wait3A_2089] : memref<18x64xi32, #tpu.memory_space<vmem>> -> memref<1x64xi32, #tpu.memory_space<vmem>>
      %dma_wait3A_2091 = tpu.memref_squeeze %dma_wait3A_2090 : memref<1x64xi32, #tpu.memory_space<vmem>> -> memref<64xi32, #tpu.memory_space<vmem>>
      %dma_wait3A_2092 = arith.constant 0 : i32
      %dma_wait3A_2093 = arith.constant 0 : i32
      %dma_wait3A_2094 = tpu.memref_slice %arg6[%dma_wait3A_2092, %dma_wait3A_2093] : memref<787968x48xf32, #tpu.memory_space<hbm>> -> memref<787968x48xf32, #tpu.memory_space<hbm>>
      tpu.wait_indirect_dma semaphore(%arg16 : memref<!tpu.dma_semaphore, #tpu.memory_space<semaphore_mem>>) src(%dma_wait3A_2094 : memref<787968x48xf32, #tpu.memory_space<hbm>>) dst(%dma_wait3A_2088 : memref<64x48xf32, #tpu.memory_space<vmem>>)
      %dma_wait3A_2095 = arith.constant 14 : i32
      %dma_wait3A_2096 = arith.constant 896 : i32
      %dma_wait3A_2097 = arith.constant 0 : i32
      %dma_wait3A_2098 = tpu.memref_slice %arg14[%dma_wait3A_2096, %dma_wait3A_2097] : memref<1152x48xf32, #tpu.memory_space<vmem>> -> memref<64x48xf32, #tpu.memory_space<vmem>>
      %dma_wait3A_2099 = arith.constant 0 : i32
      %dma_wait3A_2100 = tpu.memref_slice %arg12[%dma_wait3A_2095, %dma_wait3A_2099] : memref<18x64xi32, #tpu.memory_space<vmem>> -> memref<1x64xi32, #tpu.memory_space<vmem>>
      %dma_wait3A_2101 = tpu.memref_squeeze %dma_wait3A_2100 : memref<1x64xi32, #tpu.memory_space<vmem>> -> memref<64xi32, #tpu.memory_space<vmem>>
      %dma_wait3A_2102 = arith.constant 0 : i32
      %dma_wait3A_2103 = arith.constant 0 : i32
      %dma_wait3A_2104 = tpu.memref_slice %arg6[%dma_wait3A_2102, %dma_wait3A_2103] : memref<787968x48xf32, #tpu.memory_space<hbm>> -> memref<787968x48xf32, #tpu.memory_space<hbm>>
      tpu.wait_indirect_dma semaphore(%arg16 : memref<!tpu.dma_semaphore, #tpu.memory_space<semaphore_mem>>) src(%dma_wait3A_2104 : memref<787968x48xf32, #tpu.memory_space<hbm>>) dst(%dma_wait3A_2098 : memref<64x48xf32, #tpu.memory_space<vmem>>)
      %dma_wait3A_2105 = arith.constant 15 : i32
      %dma_wait3A_2106 = arith.constant 960 : i32
      %dma_wait3A_2107 = arith.constant 0 : i32
      %dma_wait3A_2108 = tpu.memref_slice %arg14[%dma_wait3A_2106, %dma_wait3A_2107] : memref<1152x48xf32, #tpu.memory_space<vmem>> -> memref<64x48xf32, #tpu.memory_space<vmem>>
      %dma_wait3A_2109 = arith.constant 0 : i32
      %dma_wait3A_2110 = tpu.memref_slice %arg12[%dma_wait3A_2105, %dma_wait3A_2109] : memref<18x64xi32, #tpu.memory_space<vmem>> -> memref<1x64xi32, #tpu.memory_space<vmem>>
      %dma_wait3A_2111 = tpu.memref_squeeze %dma_wait3A_2110 : memref<1x64xi32, #tpu.memory_space<vmem>> -> memref<64xi32, #tpu.memory_space<vmem>>
      %dma_wait3A_2112 = arith.constant 0 : i32
      %dma_wait3A_2113 = arith.constant 0 : i32
      %dma_wait3A_2114 = tpu.memref_slice %arg6[%dma_wait3A_2112, %dma_wait3A_2113] : memref<787968x48xf32, #tpu.memory_space<hbm>> -> memref<787968x48xf32, #tpu.memory_space<hbm>>
      tpu.wait_indirect_dma semaphore(%arg16 : memref<!tpu.dma_semaphore, #tpu.memory_space<semaphore_mem>>) src(%dma_wait3A_2114 : memref<787968x48xf32, #tpu.memory_space<hbm>>) dst(%dma_wait3A_2108 : memref<64x48xf32, #tpu.memory_space<vmem>>)
      %dma_wait3A_2115 = arith.constant 16 : i32
      %dma_wait3A_2116 = arith.constant 1024 : i32
      %dma_wait3A_2117 = arith.constant 0 : i32
      %dma_wait3A_2118 = tpu.memref_slice %arg14[%dma_wait3A_2116, %dma_wait3A_2117] : memref<1152x48xf32, #tpu.memory_space<vmem>> -> memref<64x48xf32, #tpu.memory_space<vmem>>
      %dma_wait3A_2119 = arith.constant 0 : i32
      %dma_wait3A_2120 = tpu.memref_slice %arg12[%dma_wait3A_2115, %dma_wait3A_2119] : memref<18x64xi32, #tpu.memory_space<vmem>> -> memref<1x64xi32, #tpu.memory_space<vmem>>
      %dma_wait3A_2121 = tpu.memref_squeeze %dma_wait3A_2120 : memref<1x64xi32, #tpu.memory_space<vmem>> -> memref<64xi32, #tpu.memory_space<vmem>>
      %dma_wait3A_2122 = arith.constant 0 : i32
      %dma_wait3A_2123 = arith.constant 0 : i32
      %dma_wait3A_2124 = tpu.memref_slice %arg6[%dma_wait3A_2122, %dma_wait3A_2123] : memref<787968x48xf32, #tpu.memory_space<hbm>> -> memref<787968x48xf32, #tpu.memory_space<hbm>>
      tpu.wait_indirect_dma semaphore(%arg16 : memref<!tpu.dma_semaphore, #tpu.memory_space<semaphore_mem>>) src(%dma_wait3A_2124 : memref<787968x48xf32, #tpu.memory_space<hbm>>) dst(%dma_wait3A_2118 : memref<64x48xf32, #tpu.memory_space<vmem>>)
      %dma_wait3A_2125 = arith.constant 17 : i32
      %dma_wait3A_2126 = arith.constant 1088 : i32
      %dma_wait3A_2127 = arith.constant 0 : i32
      %dma_wait3A_2128 = tpu.memref_slice %arg14[%dma_wait3A_2126, %dma_wait3A_2127] : memref<1152x48xf32, #tpu.memory_space<vmem>> -> memref<64x48xf32, #tpu.memory_space<vmem>>
      %dma_wait3A_2129 = arith.constant 0 : i32
      %dma_wait3A_2130 = tpu.memref_slice %arg12[%dma_wait3A_2125, %dma_wait3A_2129] : memref<18x64xi32, #tpu.memory_space<vmem>> -> memref<1x64xi32, #tpu.memory_space<vmem>>
      %dma_wait3A_2131 = tpu.memref_squeeze %dma_wait3A_2130 : memref<1x64xi32, #tpu.memory_space<vmem>> -> memref<64xi32, #tpu.memory_space<vmem>>
      %dma_wait3A_2132 = arith.constant 0 : i32
      %dma_wait3A_2133 = arith.constant 0 : i32
      %dma_wait3A_2134 = tpu.memref_slice %arg6[%dma_wait3A_2132, %dma_wait3A_2133] : memref<787968x48xf32, #tpu.memory_space<hbm>> -> memref<787968x48xf32, #tpu.memory_space<hbm>>
      tpu.wait_indirect_dma semaphore(%arg16 : memref<!tpu.dma_semaphore, #tpu.memory_space<semaphore_mem>>) src(%dma_wait3A_2134 : memref<787968x48xf32, #tpu.memory_space<hbm>>) dst(%dma_wait3A_2128 : memref<64x48xf32, #tpu.memory_space<vmem>>)
      %iota3A = tpu.iota {dimensions = array<i32: 0>} : vector<16xi32>
      %add3A_2135 = arith.constant 0 : i32
      %add3A_2136 = vector.broadcast %add3A_2135 : i32 to vector<16xi32>
      %add3A_2137 = arith.addi %iota3A, %add3A_2136 : vector<16xi32>
      %add3A_2138 = arith.constant 0 : i32
      %add3A_2139 = vector.broadcast %add3A_2138 : i32 to vector<16xi32>
      %add3A_2140 = arith.addi %add3A_2137, %add3A_2139 : vector<16xi32>
      %add3A_2141 = arith.constant 64 : i32
      %add3A_2142 = vector.broadcast %add3A_2141 : i32 to vector<16xi32>
      %add3A_2143 = arith.addi %add3A_2137, %add3A_2142 : vector<16xi32>
      %add3A_2144 = arith.constant 128 : i32
      %add3A_2145 = vector.broadcast %add3A_2144 : i32 to vector<16xi32>
      %add3A_2146 = arith.addi %add3A_2137, %add3A_2145 : vector<16xi32>
      %add3A_2147 = arith.constant 192 : i32
      %add3A_2148 = vector.broadcast %add3A_2147 : i32 to vector<16xi32>
      %add3A_2149 = arith.addi %add3A_2137, %add3A_2148 : vector<16xi32>
      %add3A_2150 = arith.constant 256 : i32
      %add3A_2151 = vector.broadcast %add3A_2150 : i32 to vector<16xi32>
      %add3A_2152 = arith.addi %add3A_2137, %add3A_2151 : vector<16xi32>
      %add3A_2153 = arith.constant 320 : i32
      %add3A_2154 = vector.broadcast %add3A_2153 : i32 to vector<16xi32>
      %add3A_2155 = arith.addi %add3A_2137, %add3A_2154 : vector<16xi32>
      %add3A_2156 = arith.constant 384 : i32
      %add3A_2157 = vector.broadcast %add3A_2156 : i32 to vector<16xi32>
      %add3A_2158 = arith.addi %add3A_2137, %add3A_2157 : vector<16xi32>
      %add3A_2159 = arith.constant 448 : i32
      %add3A_2160 = vector.broadcast %add3A_2159 : i32 to vector<16xi32>
      %add3A_2161 = arith.addi %add3A_2137, %add3A_2160 : vector<16xi32>
      %add3A_2162 = arith.constant 512 : i32
      %add3A_2163 = vector.broadcast %add3A_2162 : i32 to vector<16xi32>
      %add3A_2164 = arith.addi %add3A_2137, %add3A_2163 : vector<16xi32>
      %add3A_2165 = arith.constant 576 : i32
      %add3A_2166 = vector.broadcast %add3A_2165 : i32 to vector<16xi32>
      %add3A_2167 = arith.addi %add3A_2137, %add3A_2166 : vector<16xi32>
      %add3A_2168 = arith.constant 640 : i32
      %add3A_2169 = vector.broadcast %add3A_2168 : i32 to vector<16xi32>
      %add3A_2170 = arith.addi %add3A_2137, %add3A_2169 : vector<16xi32>
      %add3A_2171 = arith.constant 704 : i32
      %add3A_2172 = vector.broadcast %add3A_2171 : i32 to vector<16xi32>
      %add3A_2173 = arith.addi %add3A_2137, %add3A_2172 : vector<16xi32>
      %add3A_2174 = arith.constant 768 : i32
      %add3A_2175 = vector.broadcast %add3A_2174 : i32 to vector<16xi32>
      %add3A_2176 = arith.addi %add3A_2137, %add3A_2175 : vector<16xi32>
      %add3A_2177 = arith.constant 832 : i32
      %add3A_2178 = vector.broadcast %add3A_2177 : i32 to vector<16xi32>
      %add3A_2179 = arith.addi %add3A_2137, %add3A_2178 : vector<16xi32>
      %add3A_2180 = arith.constant 896 : i32
      %add3A_2181 = vector.broadcast %add3A_2180 : i32 to vector<16xi32>
      %add3A_2182 = arith.addi %add3A_2137, %add3A_2181 : vector<16xi32>
      %add3A_2183 = arith.constant 960 : i32
      %add3A_2184 = vector.broadcast %add3A_2183 : i32 to vector<16xi32>
      %add3A_2185 = arith.addi %add3A_2137, %add3A_2184 : vector<16xi32>
      %add3A_2186 = arith.constant 1024 : i32
      %add3A_2187 = vector.broadcast %add3A_2186 : i32 to vector<16xi32>
      %add3A_2188 = arith.addi %add3A_2137, %add3A_2187 : vector<16xi32>
      %add3A_2189 = arith.constant 1088 : i32
      %add3A_2190 = vector.broadcast %add3A_2189 : i32 to vector<16xi32>
      %add3A_2191 = arith.addi %add3A_2137, %add3A_2190 : vector<16xi32>
      %get3A_2192 = arith.constant 0 : i32
      %get3A_2193 = arith.index_cast %get3A_2192 : i32 to index
      %get3A_2194 = arith.constant 0 : index
      %get3A_2195 = tpu.vector_load %arg13[%get3A_2193, %get3A_2194] {strides = array<i32>} : memref<18x64xf32, #tpu.memory_space<vmem>>, vector<16xf32>,
      %get3A_2196 = arith.constant 1 : i32
      %get3A_2197 = arith.index_cast %get3A_2196 : i32 to index
      %get3A_2198 = arith.constant 0 : index
      %get3A_2199 = tpu.vector_load %arg13[%get3A_2197, %get3A_2198] {strides = array<i32>} : memref<18x64xf32, #tpu.memory_space<vmem>>, vector<16xf32>,
      %get3A_2200 = arith.constant 2 : i32
      %get3A_2201 = arith.index_cast %get3A_2200 : i32 to index
      %get3A_2202 = arith.constant 0 : index
      %get3A_2203 = tpu.vector_load %arg13[%get3A_2201, %get3A_2202] {strides = array<i32>} : memref<18x64xf32, #tpu.memory_space<vmem>>, vector<16xf32>,
      %get3A_2204 = arith.constant 3 : i32
      %get3A_2205 = arith.index_cast %get3A_2204 : i32 to index
      %get3A_2206 = arith.constant 0 : index
      %get3A_2207 = tpu.vector_load %arg13[%get3A_2205, %get3A_2206] {strides = array<i32>} : memref<18x64xf32, #tpu.memory_space<vmem>>, vector<16xf32>,
      %get3A_2208 = arith.constant 4 : i32
      %get3A_2209 = arith.index_cast %get3A_2208 : i32 to index
      %get3A_2210 = arith.constant 0 : index
      %get3A_2211 = tpu.vector_load %arg13[%get3A_2209, %get3A_2210] {strides = array<i32>} : memref<18x64xf32, #tpu.memory_space<vmem>>, vector<16xf32>,
      %get3A_2212 = arith.constant 5 : i32
      %get3A_2213 = arith.index_cast %get3A_2212 : i32 to index
      %get3A_2214 = arith.constant 0 : index
      %get3A_2215 = tpu.vector_load %arg13[%get3A_2213, %get3A_2214] {strides = array<i32>} : memref<18x64xf32, #tpu.memory_space<vmem>>, vector<16xf32>,
      %get3A_2216 = arith.constant 6 : i32
      %get3A_2217 = arith.index_cast %get3A_2216 : i32 to index
      %get3A_2218 = arith.constant 0 : index
      %get3A_2219 = tpu.vector_load %arg13[%get3A_2217, %get3A_2218] {strides = array<i32>} : memref<18x64xf32, #tpu.memory_space<vmem>>, vector<16xf32>,
      %get3A_2220 = arith.constant 7 : i32
      %get3A_2221 = arith.index_cast %get3A_2220 : i32 to index
      %get3A_2222 = arith.constant 0 : index
      %get3A_2223 = tpu.vector_load %arg13[%get3A_2221, %get3A_2222] {strides = array<i32>} : memref<18x64xf32, #tpu.memory_space<vmem>>, vector<16xf32>,
      %get3A_2224 = arith.constant 8 : i32
      %get3A_2225 = arith.index_cast %get3A_2224 : i32 to index
      %get3A_2226 = arith.constant 0 : index
      %get3A_2227 = tpu.vector_load %arg13[%get3A_2225, %get3A_2226] {strides = array<i32>} : memref<18x64xf32, #tpu.memory_space<vmem>>, vector<16xf32>,
      %get3A_2228 = arith.constant 9 : i32
      %get3A_2229 = arith.index_cast %get3A_2228 : i32 to index
      %get3A_2230 = arith.constant 0 : index
      %get3A_2231 = tpu.vector_load %arg13[%get3A_2229, %get3A_2230] {strides = array<i32>} : memref<18x64xf32, #tpu.memory_space<vmem>>, vector<16xf32>,
      %get3A_2232 = arith.constant 10 : i32
      %get3A_2233 = arith.index_cast %get3A_2232 : i32 to index
      %get3A_2234 = arith.constant 0 : index
      %get3A_2235 = tpu.vector_load %arg13[%get3A_2233, %get3A_2234] {strides = array<i32>} : memref<18x64xf32, #tpu.memory_space<vmem>>, vector<16xf32>,
      %get3A_2236 = arith.constant 11 : i32
      %get3A_2237 = arith.index_cast %get3A_2236 : i32 to index
      %get3A_2238 = arith.constant 0 : index
      %get3A_2239 = tpu.vector_load %arg13[%get3A_2237, %get3A_2238] {strides = array<i32>} : memref<18x64xf32, #tpu.memory_space<vmem>>, vector<16xf32>,
      %get3A_2240 = arith.constant 12 : i32
      %get3A_2241 = arith.index_cast %get3A_2240 : i32 to index
      %get3A_2242 = arith.constant 0 : index
      %get3A_2243 = tpu.vector_load %arg13[%get3A_2241, %get3A_2242] {strides = array<i32>} : memref<18x64xf32, #tpu.memory_space<vmem>>, vector<16xf32>,
      %get3A_2244 = arith.constant 13 : i32
      %get3A_2245 = arith.index_cast %get3A_2244 : i32 to index
      %get3A_2246 = arith.constant 0 : index
      %get3A_2247 = tpu.vector_load %arg13[%get3A_2245, %get3A_2246] {strides = array<i32>} : memref<18x64xf32, #tpu.memory_space<vmem>>, vector<16xf32>,
      %get3A_2248 = arith.constant 14 : i32
      %get3A_2249 = arith.index_cast %get3A_2248 : i32 to index
      %get3A_2250 = arith.constant 0 : index
      %get3A_2251 = tpu.vector_load %arg13[%get3A_2249, %get3A_2250] {strides = array<i32>} : memref<18x64xf32, #tpu.memory_space<vmem>>, vector<16xf32>,
      %get3A_2252 = arith.constant 15 : i32
      %get3A_2253 = arith.index_cast %get3A_2252 : i32 to index
      %get3A_2254 = arith.constant 0 : index
      %get3A_2255 = tpu.vector_load %arg13[%get3A_2253, %get3A_2254] {strides = array<i32>} : memref<18x64xf32, #tpu.memory_space<vmem>>, vector<16xf32>,
      %get3A_2256 = arith.constant 16 : i32
      %get3A_2257 = arith.index_cast %get3A_2256 : i32 to index
      %get3A_2258 = arith.constant 0 : index
      %get3A_2259 = tpu.vector_load %arg13[%get3A_2257, %get3A_2258] {strides = array<i32>} : memref<18x64xf32, #tpu.memory_space<vmem>>, vector<16xf32>,
      %get3A_2260 = arith.constant 17 : i32
      %get3A_2261 = arith.index_cast %get3A_2260 : i32 to index
      %get3A_2262 = arith.constant 0 : index
      %get3A_2263 = tpu.vector_load %arg13[%get3A_2261, %get3A_2262] {strides = array<i32>} : memref<18x64xf32, #tpu.memory_space<vmem>>, vector<16xf32>,
      %scan3A_2264 = arith.constant 0 : i32
      %scan3A_2265 = arith.constant 0 : i32
      %scan3A_2266 = arith.constant 48 : i32
      %scan3A_2267 = arith.addi %scan3A_2265, %scan3A_2266 : i32
      %scan3A_2268 = arith.constant 1 : i32
      scf.for %scan3A_2678 = %scan3A_2265 to %scan3A_2267 step %scan3A_2268  : i32 {
        %broadcast_in_dim3A = vector.broadcast %scan3A_2678 : i32 to vector<16xi32>
        %broadcast_in_dim3A_2679 = arith.constant 0.000000e+00 : f32
        %broadcast_in_dim3A_2680 = vector.broadcast %broadcast_in_dim3A_2679 : f32 to vector<16xf32>
        %gather3A = tpu.vector_load_idx %arg14[%add3A_2140, %broadcast_in_dim3A] : memref<1152x48xf32, #tpu.memory_space<vmem>>[vector<16xi32>, vector<16xi32>], vector<16xf32>,
        %mul3A_2681 = arith.mulf %get3A_2195, %gather3A : vector<16xf32>
        %gather3A_2682 = tpu.vector_load_idx %arg14[%add3A_2143, %broadcast_in_dim3A] : memref<1152x48xf32, #tpu.memory_space<vmem>>[vector<16xi32>, vector<16xi32>], vector<16xf32>,
        %mul3A_2683 = arith.mulf %get3A_2199, %gather3A_2682 : vector<16xf32>
        %add3A_2684 = arith.addf %mul3A_2681, %mul3A_2683 : vector<16xf32>
        %gather3A_2685 = tpu.vector_load_idx %arg14[%add3A_2146, %broadcast_in_dim3A] : memref<1152x48xf32, #tpu.memory_space<vmem>>[vector<16xi32>, vector<16xi32>], vector<16xf32>,
        %mul3A_2686 = arith.mulf %get3A_2203, %gather3A_2685 : vector<16xf32>
        %add3A_2687 = arith.addf %add3A_2684, %mul3A_2686 : vector<16xf32>
        %gather3A_2688 = tpu.vector_load_idx %arg14[%add3A_2149, %broadcast_in_dim3A] : memref<1152x48xf32, #tpu.memory_space<vmem>>[vector<16xi32>, vector<16xi32>], vector<16xf32>,
        %mul3A_2689 = arith.mulf %get3A_2207, %gather3A_2688 : vector<16xf32>
        %add3A_2690 = arith.addf %add3A_2687, %mul3A_2689 : vector<16xf32>
        %gather3A_2691 = tpu.vector_load_idx %arg14[%add3A_2176, %broadcast_in_dim3A] : memref<1152x48xf32, #tpu.memory_space<vmem>>[vector<16xi32>, vector<16xi32>], vector<16xf32>,
        %mul3A_2692 = arith.mulf %get3A_2243, %gather3A_2691 : vector<16xf32>
        %gather3A_2693 = tpu.vector_load_idx %arg14[%add3A_2179, %broadcast_in_dim3A] : memref<1152x48xf32, #tpu.memory_space<vmem>>[vector<16xi32>, vector<16xi32>], vector<16xf32>,
        %mul3A_2694 = arith.mulf %get3A_2247, %gather3A_2693 : vector<16xf32>
        %add3A_2695 = arith.addf %mul3A_2692, %mul3A_2694 : vector<16xf32>
        %mul3A_2696 = arith.mulf %add3A_2690, %add3A_2695 : vector<16xf32>
        %add3A_2697 = arith.addf %broadcast_in_dim3A_2680, %mul3A_2696 : vector<16xf32>
        %gather3A_2698 = tpu.vector_load_idx %arg14[%add3A_2152, %broadcast_in_dim3A] : memref<1152x48xf32, #tpu.memory_space<vmem>>[vector<16xi32>, vector<16xi32>], vector<16xf32>,
        %mul3A_2699 = arith.mulf %get3A_2211, %gather3A_2698 : vector<16xf32>
        %gather3A_2700 = tpu.vector_load_idx %arg14[%add3A_2155, %broadcast_in_dim3A] : memref<1152x48xf32, #tpu.memory_space<vmem>>[vector<16xi32>, vector<16xi32>], vector<16xf32>,
        %mul3A_2701 = arith.mulf %get3A_2215, %gather3A_2700 : vector<16xf32>
        %add3A_2702 = arith.addf %mul3A_2699, %mul3A_2701 : vector<16xf32>
        %gather3A_2703 = tpu.vector_load_idx %arg14[%add3A_2158, %broadcast_in_dim3A] : memref<1152x48xf32, #tpu.memory_space<vmem>>[vector<16xi32>, vector<16xi32>], vector<16xf32>,
        %mul3A_2704 = arith.mulf %get3A_2219, %gather3A_2703 : vector<16xf32>
        %add3A_2705 = arith.addf %add3A_2702, %mul3A_2704 : vector<16xf32>
        %gather3A_2706 = tpu.vector_load_idx %arg14[%add3A_2161, %broadcast_in_dim3A] : memref<1152x48xf32, #tpu.memory_space<vmem>>[vector<16xi32>, vector<16xi32>], vector<16xf32>,
        %mul3A_2707 = arith.mulf %get3A_2223, %gather3A_2706 : vector<16xf32>
        %add3A_2708 = arith.addf %add3A_2705, %mul3A_2707 : vector<16xf32>
        %gather3A_2709 = tpu.vector_load_idx %arg14[%add3A_2182, %broadcast_in_dim3A] : memref<1152x48xf32, #tpu.memory_space<vmem>>[vector<16xi32>, vector<16xi32>], vector<16xf32>,
        %mul3A_2710 = arith.mulf %get3A_2251, %gather3A_2709 : vector<16xf32>
        %gather3A_2711 = tpu.vector_load_idx %arg14[%add3A_2185, %broadcast_in_dim3A] : memref<1152x48xf32, #tpu.memory_space<vmem>>[vector<16xi32>, vector<16xi32>], vector<16xf32>,
        %mul3A_2712 = arith.mulf %get3A_2255, %gather3A_2711 : vector<16xf32>
        %add3A_2713 = arith.addf %mul3A_2710, %mul3A_2712 : vector<16xf32>
        %mul3A_2714 = arith.mulf %add3A_2708, %add3A_2713 : vector<16xf32>
        %add3A_2715 = arith.addf %add3A_2697, %mul3A_2714 : vector<16xf32>
        %gather3A_2716 = tpu.vector_load_idx %arg14[%add3A_2164, %broadcast_in_dim3A] : memref<1152x48xf32, #tpu.memory_space<vmem>>[vector<16xi32>, vector<16xi32>], vector<16xf32>,
        %mul3A_2717 = arith.mulf %get3A_2227, %gather3A_2716 : vector<16xf32>
        %gather3A_2718 = tpu.vector_load_idx %arg14[%add3A_2167, %broadcast_in_dim3A] : memref<1152x48xf32, #tpu.memory_space<vmem>>[vector<16xi32>, vector<16xi32>], vector<16xf32>,
        %mul3A_2719 = arith.mulf %get3A_2231, %gather3A_2718 : vector<16xf32>
        %add3A_2720 = arith.addf %mul3A_2717, %mul3A_2719 : vector<16xf32>
        %gather3A_2721 = tpu.vector_load_idx %arg14[%add3A_2170, %broadcast_in_dim3A] : memref<1152x48xf32, #tpu.memory_space<vmem>>[vector<16xi32>, vector<16xi32>], vector<16xf32>,
        %mul3A_2722 = arith.mulf %get3A_2235, %gather3A_2721 : vector<16xf32>
        %add3A_2723 = arith.addf %add3A_2720, %mul3A_2722 : vector<16xf32>
        %gather3A_2724 = tpu.vector_load_idx %arg14[%add3A_2173, %broadcast_in_dim3A] : memref<1152x48xf32, #tpu.memory_space<vmem>>[vector<16xi32>, vector<16xi32>], vector<16xf32>,
        %mul3A_2725 = arith.mulf %get3A_2239, %gather3A_2724 : vector<16xf32>
        %add3A_2726 = arith.addf %add3A_2723, %mul3A_2725 : vector<16xf32>
        %gather3A_2727 = tpu.vector_load_idx %arg14[%add3A_2188, %broadcast_in_dim3A] : memref<1152x48xf32, #tpu.memory_space<vmem>>[vector<16xi32>, vector<16xi32>], vector<16xf32>,
        %mul3A_2728 = arith.mulf %get3A_2259, %gather3A_2727 : vector<16xf32>
        %gather3A_2729 = tpu.vector_load_idx %arg14[%add3A_2191, %broadcast_in_dim3A] : memref<1152x48xf32, #tpu.memory_space<vmem>>[vector<16xi32>, vector<16xi32>], vector<16xf32>,
        %mul3A_2730 = arith.mulf %get3A_2263, %gather3A_2729 : vector<16xf32>
        %add3A_2731 = arith.addf %mul3A_2728, %mul3A_2730 : vector<16xf32>
        %mul3A_2732 = arith.mulf %add3A_2726, %add3A_2731 : vector<16xf32>
        %add3A_2733 = arith.addf %add3A_2715, %mul3A_2732 : vector<16xf32>
        tpu.vector_store_idx %arg15[%add3A_2137, %broadcast_in_dim3A], %add3A_2733 : memref<64x48xf32, #tpu.memory_space<vmem>>[vector<16xi32>, vector<16xi32>], vector<16xf32>,
      }
      %scan3A_2269 = arith.constant 48 : i32
      %iota3A_2270 = tpu.iota {dimensions = array<i32: 0>} : vector<16xi32>
      %add3A_2271 = arith.constant 16 : i32
      %add3A_2272 = vector.broadcast %add3A_2271 : i32 to vector<16xi32>
      %add3A_2273 = arith.addi %iota3A_2270, %add3A_2272 : vector<16xi32>
      %add3A_2274 = arith.constant 0 : i32
      %add3A_2275 = vector.broadcast %add3A_2274 : i32 to vector<16xi32>
      %add3A_2276 = arith.addi %add3A_2273, %add3A_2275 : vector<16xi32>
      %add3A_2277 = arith.constant 64 : i32
      %add3A_2278 = vector.broadcast %add3A_2277 : i32 to vector<16xi32>
      %add3A_2279 = arith.addi %add3A_2273, %add3A_2278 : vector<16xi32>
      %add3A_2280 = arith.constant 128 : i32
      %add3A_2281 = vector.broadcast %add3A_2280 : i32 to vector<16xi32>
      %add3A_2282 = arith.addi %add3A_2273, %add3A_2281 : vector<16xi32>
      %add3A_2283 = arith.constant 192 : i32
      %add3A_2284 = vector.broadcast %add3A_2283 : i32 to vector<16xi32>
      %add3A_2285 = arith.addi %add3A_2273, %add3A_2284 : vector<16xi32>
      %add3A_2286 = arith.constant 256 : i32
      %add3A_2287 = vector.broadcast %add3A_2286 : i32 to vector<16xi32>
      %add3A_2288 = arith.addi %add3A_2273, %add3A_2287 : vector<16xi32>
      %add3A_2289 = arith.constant 320 : i32
      %add3A_2290 = vector.broadcast %add3A_2289 : i32 to vector<16xi32>
      %add3A_2291 = arith.addi %add3A_2273, %add3A_2290 : vector<16xi32>
      %add3A_2292 = arith.constant 384 : i32
      %add3A_2293 = vector.broadcast %add3A_2292 : i32 to vector<16xi32>
      %add3A_2294 = arith.addi %add3A_2273, %add3A_2293 : vector<16xi32>
      %add3A_2295 = arith.constant 448 : i32
      %add3A_2296 = vector.broadcast %add3A_2295 : i32 to vector<16xi32>
      %add3A_2297 = arith.addi %add3A_2273, %add3A_2296 : vector<16xi32>
      %add3A_2298 = arith.constant 512 : i32
      %add3A_2299 = vector.broadcast %add3A_2298 : i32 to vector<16xi32>
      %add3A_2300 = arith.addi %add3A_2273, %add3A_2299 : vector<16xi32>
      %add3A_2301 = arith.constant 576 : i32
      %add3A_2302 = vector.broadcast %add3A_2301 : i32 to vector<16xi32>
      %add3A_2303 = arith.addi %add3A_2273, %add3A_2302 : vector<16xi32>
      %add3A_2304 = arith.constant 640 : i32
      %add3A_2305 = vector.broadcast %add3A_2304 : i32 to vector<16xi32>
      %add3A_2306 = arith.addi %add3A_2273, %add3A_2305 : vector<16xi32>
      %add3A_2307 = arith.constant 704 : i32
      %add3A_2308 = vector.broadcast %add3A_2307 : i32 to vector<16xi32>
      %add3A_2309 = arith.addi %add3A_2273, %add3A_2308 : vector<16xi32>
      %add3A_2310 = arith.constant 768 : i32
      %add3A_2311 = vector.broadcast %add3A_2310 : i32 to vector<16xi32>
      %add3A_2312 = arith.addi %add3A_2273, %add3A_2311 : vector<16xi32>
      %add3A_2313 = arith.constant 832 : i32
      %add3A_2314 = vector.broadcast %add3A_2313 : i32 to vector<16xi32>
      %add3A_2315 = arith.addi %add3A_2273, %add3A_2314 : vector<16xi32>
      %add3A_2316 = arith.constant 896 : i32
      %add3A_2317 = vector.broadcast %add3A_2316 : i32 to vector<16xi32>
      %add3A_2318 = arith.addi %add3A_2273, %add3A_2317 : vector<16xi32>
      %add3A_2319 = arith.constant 960 : i32
      %add3A_2320 = vector.broadcast %add3A_2319 : i32 to vector<16xi32>
      %add3A_2321 = arith.addi %add3A_2273, %add3A_2320 : vector<16xi32>
      %add3A_2322 = arith.constant 1024 : i32
      %add3A_2323 = vector.broadcast %add3A_2322 : i32 to vector<16xi32>
      %add3A_2324 = arith.addi %add3A_2273, %add3A_2323 : vector<16xi32>
      %add3A_2325 = arith.constant 1088 : i32
      %add3A_2326 = vector.broadcast %add3A_2325 : i32 to vector<16xi32>
      %add3A_2327 = arith.addi %add3A_2273, %add3A_2326 : vector<16xi32>
      %get3A_2328 = arith.constant 0 : i32
      %get3A_2329 = arith.index_cast %get3A_2328 : i32 to index
      %get3A_2330 = arith.constant 16 : index
      %get3A_2331 = tpu.vector_load %arg13[%get3A_2329, %get3A_2330] {strides = array<i32>} : memref<18x64xf32, #tpu.memory_space<vmem>>, vector<16xf32>,
      %get3A_2332 = arith.constant 1 : i32
      %get3A_2333 = arith.index_cast %get3A_2332 : i32 to index
      %get3A_2334 = arith.constant 16 : index
      %get3A_2335 = tpu.vector_load %arg13[%get3A_2333, %get3A_2334] {strides = array<i32>} : memref<18x64xf32, #tpu.memory_space<vmem>>, vector<16xf32>,
      %get3A_2336 = arith.constant 2 : i32
      %get3A_2337 = arith.index_cast %get3A_2336 : i32 to index
      %get3A_2338 = arith.constant 16 : index
      %get3A_2339 = tpu.vector_load %arg13[%get3A_2337, %get3A_2338] {strides = array<i32>} : memref<18x64xf32, #tpu.memory_space<vmem>>, vector<16xf32>,
      %get3A_2340 = arith.constant 3 : i32
      %get3A_2341 = arith.index_cast %get3A_2340 : i32 to index
      %get3A_2342 = arith.constant 16 : index
      %get3A_2343 = tpu.vector_load %arg13[%get3A_2341, %get3A_2342] {strides = array<i32>} : memref<18x64xf32, #tpu.memory_space<vmem>>, vector<16xf32>,
      %get3A_2344 = arith.constant 4 : i32
      %get3A_2345 = arith.index_cast %get3A_2344 : i32 to index
      %get3A_2346 = arith.constant 16 : index
      %get3A_2347 = tpu.vector_load %arg13[%get3A_2345, %get3A_2346] {strides = array<i32>} : memref<18x64xf32, #tpu.memory_space<vmem>>, vector<16xf32>,
      %get3A_2348 = arith.constant 5 : i32
      %get3A_2349 = arith.index_cast %get3A_2348 : i32 to index
      %get3A_2350 = arith.constant 16 : index
      %get3A_2351 = tpu.vector_load %arg13[%get3A_2349, %get3A_2350] {strides = array<i32>} : memref<18x64xf32, #tpu.memory_space<vmem>>, vector<16xf32>,
      %get3A_2352 = arith.constant 6 : i32
      %get3A_2353 = arith.index_cast %get3A_2352 : i32 to index
      %get3A_2354 = arith.constant 16 : index
      %get3A_2355 = tpu.vector_load %arg13[%get3A_2353, %get3A_2354] {strides = array<i32>} : memref<18x64xf32, #tpu.memory_space<vmem>>, vector<16xf32>,
      %get3A_2356 = arith.constant 7 : i32
      %get3A_2357 = arith.index_cast %get3A_2356 : i32 to index
      %get3A_2358 = arith.constant 16 : index
      %get3A_2359 = tpu.vector_load %arg13[%get3A_2357, %get3A_2358] {strides = array<i32>} : memref<18x64xf32, #tpu.memory_space<vmem>>, vector<16xf32>,
      %get3A_2360 = arith.constant 8 : i32
      %get3A_2361 = arith.index_cast %get3A_2360 : i32 to index
      %get3A_2362 = arith.constant 16 : index
      %get3A_2363 = tpu.vector_load %arg13[%get3A_2361, %get3A_2362] {strides = array<i32>} : memref<18x64xf32, #tpu.memory_space<vmem>>, vector<16xf32>,
      %get3A_2364 = arith.constant 9 : i32
      %get3A_2365 = arith.index_cast %get3A_2364 : i32 to index
      %get3A_2366 = arith.constant 16 : index
      %get3A_2367 = tpu.vector_load %arg13[%get3A_2365, %get3A_2366] {strides = array<i32>} : memref<18x64xf32, #tpu.memory_space<vmem>>, vector<16xf32>,
      %get3A_2368 = arith.constant 10 : i32
      %get3A_2369 = arith.index_cast %get3A_2368 : i32 to index
      %get3A_2370 = arith.constant 16 : index
      %get3A_2371 = tpu.vector_load %arg13[%get3A_2369, %get3A_2370] {strides = array<i32>} : memref<18x64xf32, #tpu.memory_space<vmem>>, vector<16xf32>,
      %get3A_2372 = arith.constant 11 : i32
      %get3A_2373 = arith.index_cast %get3A_2372 : i32 to index
      %get3A_2374 = arith.constant 16 : index
      %get3A_2375 = tpu.vector_load %arg13[%get3A_2373, %get3A_2374] {strides = array<i32>} : memref<18x64xf32, #tpu.memory_space<vmem>>, vector<16xf32>,
      %get3A_2376 = arith.constant 12 : i32
      %get3A_2377 = arith.index_cast %get3A_2376 : i32 to index
      %get3A_2378 = arith.constant 16 : index
      %get3A_2379 = tpu.vector_load %arg13[%get3A_2377, %get3A_2378] {strides = array<i32>} : memref<18x64xf32, #tpu.memory_space<vmem>>, vector<16xf32>,
      %get3A_2380 = arith.constant 13 : i32
      %get3A_2381 = arith.index_cast %get3A_2380 : i32 to index
      %get3A_2382 = arith.constant 16 : index
      %get3A_2383 = tpu.vector_load %arg13[%get3A_2381, %get3A_2382] {strides = array<i32>} : memref<18x64xf32, #tpu.memory_space<vmem>>, vector<16xf32>,
      %get3A_2384 = arith.constant 14 : i32
      %get3A_2385 = arith.index_cast %get3A_2384 : i32 to index
      %get3A_2386 = arith.constant 16 : index
      %get3A_2387 = tpu.vector_load %arg13[%get3A_2385, %get3A_2386] {strides = array<i32>} : memref<18x64xf32, #tpu.memory_space<vmem>>, vector<16xf32>,
      %get3A_2388 = arith.constant 15 : i32
      %get3A_2389 = arith.index_cast %get3A_2388 : i32 to index
      %get3A_2390 = arith.constant 16 : index
      %get3A_2391 = tpu.vector_load %arg13[%get3A_2389, %get3A_2390] {strides = array<i32>} : memref<18x64xf32, #tpu.memory_space<vmem>>, vector<16xf32>,
      %get3A_2392 = arith.constant 16 : i32
      %get3A_2393 = arith.index_cast %get3A_2392 : i32 to index
      %get3A_2394 = arith.constant 16 : index
      %get3A_2395 = tpu.vector_load %arg13[%get3A_2393, %get3A_2394] {strides = array<i32>} : memref<18x64xf32, #tpu.memory_space<vmem>>, vector<16xf32>,
      %get3A_2396 = arith.constant 17 : i32
      %get3A_2397 = arith.index_cast %get3A_2396 : i32 to index
      %get3A_2398 = arith.constant 16 : index
      %get3A_2399 = tpu.vector_load %arg13[%get3A_2397, %get3A_2398] {strides = array<i32>} : memref<18x64xf32, #tpu.memory_space<vmem>>, vector<16xf32>,
      %scan3A_2400 = arith.constant 0 : i32
      %scan3A_2401 = arith.constant 0 : i32
      %scan3A_2402 = arith.constant 48 : i32
      %scan3A_2403 = arith.addi %scan3A_2401, %scan3A_2402 : i32
      %scan3A_2404 = arith.constant 1 : i32
      scf.for %scan3A_2678 = %scan3A_2401 to %scan3A_2403 step %scan3A_2404  : i32 {
        %broadcast_in_dim3A = vector.broadcast %scan3A_2678 : i32 to vector<16xi32>
        %broadcast_in_dim3A_2679 = arith.constant 0.000000e+00 : f32
        %broadcast_in_dim3A_2680 = vector.broadcast %broadcast_in_dim3A_2679 : f32 to vector<16xf32>
        %gather3A = tpu.vector_load_idx %arg14[%add3A_2276, %broadcast_in_dim3A] : memref<1152x48xf32, #tpu.memory_space<vmem>>[vector<16xi32>, vector<16xi32>], vector<16xf32>,
        %mul3A_2681 = arith.mulf %get3A_2331, %gather3A : vector<16xf32>
        %gather3A_2682 = tpu.vector_load_idx %arg14[%add3A_2279, %broadcast_in_dim3A] : memref<1152x48xf32, #tpu.memory_space<vmem>>[vector<16xi32>, vector<16xi32>], vector<16xf32>,
        %mul3A_2683 = arith.mulf %get3A_2335, %gather3A_2682 : vector<16xf32>
        %add3A_2684 = arith.addf %mul3A_2681, %mul3A_2683 : vector<16xf32>
        %gather3A_2685 = tpu.vector_load_idx %arg14[%add3A_2282, %broadcast_in_dim3A] : memref<1152x48xf32, #tpu.memory_space<vmem>>[vector<16xi32>, vector<16xi32>], vector<16xf32>,
        %mul3A_2686 = arith.mulf %get3A_2339, %gather3A_2685 : vector<16xf32>
        %add3A_2687 = arith.addf %add3A_2684, %mul3A_2686 : vector<16xf32>
        %gather3A_2688 = tpu.vector_load_idx %arg14[%add3A_2285, %broadcast_in_dim3A] : memref<1152x48xf32, #tpu.memory_space<vmem>>[vector<16xi32>, vector<16xi32>], vector<16xf32>,
        %mul3A_2689 = arith.mulf %get3A_2343, %gather3A_2688 : vector<16xf32>
        %add3A_2690 = arith.addf %add3A_2687, %mul3A_2689 : vector<16xf32>
        %gather3A_2691 = tpu.vector_load_idx %arg14[%add3A_2312, %broadcast_in_dim3A] : memref<1152x48xf32, #tpu.memory_space<vmem>>[vector<16xi32>, vector<16xi32>], vector<16xf32>,
        %mul3A_2692 = arith.mulf %get3A_2379, %gather3A_2691 : vector<16xf32>
        %gather3A_2693 = tpu.vector_load_idx %arg14[%add3A_2315, %broadcast_in_dim3A] : memref<1152x48xf32, #tpu.memory_space<vmem>>[vector<16xi32>, vector<16xi32>], vector<16xf32>,
        %mul3A_2694 = arith.mulf %get3A_2383, %gather3A_2693 : vector<16xf32>
        %add3A_2695 = arith.addf %mul3A_2692, %mul3A_2694 : vector<16xf32>
        %mul3A_2696 = arith.mulf %add3A_2690, %add3A_2695 : vector<16xf32>
        %add3A_2697 = arith.addf %broadcast_in_dim3A_2680, %mul3A_2696 : vector<16xf32>
        %gather3A_2698 = tpu.vector_load_idx %arg14[%add3A_2288, %broadcast_in_dim3A] : memref<1152x48xf32, #tpu.memory_space<vmem>>[vector<16xi32>, vector<16xi32>], vector<16xf32>,
        %mul3A_2699 = arith.mulf %get3A_2347, %gather3A_2698 : vector<16xf32>
        %gather3A_2700 = tpu.vector_load_idx %arg14[%add3A_2291, %broadcast_in_dim3A] : memref<1152x48xf32, #tpu.memory_space<vmem>>[vector<16xi32>, vector<16xi32>], vector<16xf32>,
        %mul3A_2701 = arith.mulf %get3A_2351, %gather3A_2700 : vector<16xf32>
        %add3A_2702 = arith.addf %mul3A_2699, %mul3A_2701 : vector<16xf32>
        %gather3A_2703 = tpu.vector_load_idx %arg14[%add3A_2294, %broadcast_in_dim3A] : memref<1152x48xf32, #tpu.memory_space<vmem>>[vector<16xi32>, vector<16xi32>], vector<16xf32>,
        %mul3A_2704 = arith.mulf %get3A_2355, %gather3A_2703 : vector<16xf32>
        %add3A_2705 = arith.addf %add3A_2702, %mul3A_2704 : vector<16xf32>
        %gather3A_2706 = tpu.vector_load_idx %arg14[%add3A_2297, %broadcast_in_dim3A] : memref<1152x48xf32, #tpu.memory_space<vmem>>[vector<16xi32>, vector<16xi32>], vector<16xf32>,
        %mul3A_2707 = arith.mulf %get3A_2359, %gather3A_2706 : vector<16xf32>
        %add3A_2708 = arith.addf %add3A_2705, %mul3A_2707 : vector<16xf32>
        %gather3A_2709 = tpu.vector_load_idx %arg14[%add3A_2318, %broadcast_in_dim3A] : memref<1152x48xf32, #tpu.memory_space<vmem>>[vector<16xi32>, vector<16xi32>], vector<16xf32>,
        %mul3A_2710 = arith.mulf %get3A_2387, %gather3A_2709 : vector<16xf32>
        %gather3A_2711 = tpu.vector_load_idx %arg14[%add3A_2321, %broadcast_in_dim3A] : memref<1152x48xf32, #tpu.memory_space<vmem>>[vector<16xi32>, vector<16xi32>], vector<16xf32>,
        %mul3A_2712 = arith.mulf %get3A_2391, %gather3A_2711 : vector<16xf32>
        %add3A_2713 = arith.addf %mul3A_2710, %mul3A_2712 : vector<16xf32>
        %mul3A_2714 = arith.mulf %add3A_2708, %add3A_2713 : vector<16xf32>
        %add3A_2715 = arith.addf %add3A_2697, %mul3A_2714 : vector<16xf32>
        %gather3A_2716 = tpu.vector_load_idx %arg14[%add3A_2300, %broadcast_in_dim3A] : memref<1152x48xf32, #tpu.memory_space<vmem>>[vector<16xi32>, vector<16xi32>], vector<16xf32>,
        %mul3A_2717 = arith.mulf %get3A_2363, %gather3A_2716 : vector<16xf32>
        %gather3A_2718 = tpu.vector_load_idx %arg14[%add3A_2303, %broadcast_in_dim3A] : memref<1152x48xf32, #tpu.memory_space<vmem>>[vector<16xi32>, vector<16xi32>], vector<16xf32>,
        %mul3A_2719 = arith.mulf %get3A_2367, %gather3A_2718 : vector<16xf32>
        %add3A_2720 = arith.addf %mul3A_2717, %mul3A_2719 : vector<16xf32>
        %gather3A_2721 = tpu.vector_load_idx %arg14[%add3A_2306, %broadcast_in_dim3A] : memref<1152x48xf32, #tpu.memory_space<vmem>>[vector<16xi32>, vector<16xi32>], vector<16xf32>,
        %mul3A_2722 = arith.mulf %get3A_2371, %gather3A_2721 : vector<16xf32>
        %add3A_2723 = arith.addf %add3A_2720, %mul3A_2722 : vector<16xf32>
        %gather3A_2724 = tpu.vector_load_idx %arg14[%add3A_2309, %broadcast_in_dim3A] : memref<1152x48xf32, #tpu.memory_space<vmem>>[vector<16xi32>, vector<16xi32>], vector<16xf32>,
        %mul3A_2725 = arith.mulf %get3A_2375, %gather3A_2724 : vector<16xf32>
        %add3A_2726 = arith.addf %add3A_2723, %mul3A_2725 : vector<16xf32>
        %gather3A_2727 = tpu.vector_load_idx %arg14[%add3A_2324, %broadcast_in_dim3A] : memref<1152x48xf32, #tpu.memory_space<vmem>>[vector<16xi32>, vector<16xi32>], vector<16xf32>,
        %mul3A_2728 = arith.mulf %get3A_2395, %gather3A_2727 : vector<16xf32>
        %gather3A_2729 = tpu.vector_load_idx %arg14[%add3A_2327, %broadcast_in_dim3A] : memref<1152x48xf32, #tpu.memory_space<vmem>>[vector<16xi32>, vector<16xi32>], vector<16xf32>,
        %mul3A_2730 = arith.mulf %get3A_2399, %gather3A_2729 : vector<16xf32>
        %add3A_2731 = arith.addf %mul3A_2728, %mul3A_2730 : vector<16xf32>
        %mul3A_2732 = arith.mulf %add3A_2726, %add3A_2731 : vector<16xf32>
        %add3A_2733 = arith.addf %add3A_2715, %mul3A_2732 : vector<16xf32>
        tpu.vector_store_idx %arg15[%add3A_2273, %broadcast_in_dim3A], %add3A_2733 : memref<64x48xf32, #tpu.memory_space<vmem>>[vector<16xi32>, vector<16xi32>], vector<16xf32>,
      }
      %scan3A_2405 = arith.constant 48 : i32
      %iota3A_2406 = tpu.iota {dimensions = array<i32: 0>} : vector<16xi32>
      %add3A_2407 = arith.constant 32 : i32
      %add3A_2408 = vector.broadcast %add3A_2407 : i32 to vector<16xi32>
      %add3A_2409 = arith.addi %iota3A_2406, %add3A_2408 : vector<16xi32>
      %add3A_2410 = arith.constant 0 : i32
      %add3A_2411 = vector.broadcast %add3A_2410 : i32 to vector<16xi32>
      %add3A_2412 = arith.addi %add3A_2409, %add3A_2411 : vector<16xi32>
      %add3A_2413 = arith.constant 64 : i32
      %add3A_2414 = vector.broadcast %add3A_2413 : i32 to vector<16xi32>
      %add3A_2415 = arith.addi %add3A_2409, %add3A_2414 : vector<16xi32>
      %add3A_2416 = arith.constant 128 : i32
      %add3A_2417 = vector.broadcast %add3A_2416 : i32 to vector<16xi32>
      %add3A_2418 = arith.addi %add3A_2409, %add3A_2417 : vector<16xi32>
      %add3A_2419 = arith.constant 192 : i32
      %add3A_2420 = vector.broadcast %add3A_2419 : i32 to vector<16xi32>
      %add3A_2421 = arith.addi %add3A_2409, %add3A_2420 : vector<16xi32>
      %add3A_2422 = arith.constant 256 : i32
      %add3A_2423 = vector.broadcast %add3A_2422 : i32 to vector<16xi32>
      %add3A_2424 = arith.addi %add3A_2409, %add3A_2423 : vector<16xi32>
      %add3A_2425 = arith.constant 320 : i32
      %add3A_2426 = vector.broadcast %add3A_2425 : i32 to vector<16xi32>
      %add3A_2427 = arith.addi %add3A_2409, %add3A_2426 : vector<16xi32>
      %add3A_2428 = arith.constant 384 : i32
      %add3A_2429 = vector.broadcast %add3A_2428 : i32 to vector<16xi32>
      %add3A_2430 = arith.addi %add3A_2409, %add3A_2429 : vector<16xi32>
      %add3A_2431 = arith.constant 448 : i32
      %add3A_2432 = vector.broadcast %add3A_2431 : i32 to vector<16xi32>
      %add3A_2433 = arith.addi %add3A_2409, %add3A_2432 : vector<16xi32>
      %add3A_2434 = arith.constant 512 : i32
      %add3A_2435 = vector.broadcast %add3A_2434 : i32 to vector<16xi32>
      %add3A_2436 = arith.addi %add3A_2409, %add3A_2435 : vector<16xi32>
      %add3A_2437 = arith.constant 576 : i32
      %add3A_2438 = vector.broadcast %add3A_2437 : i32 to vector<16xi32>
      %add3A_2439 = arith.addi %add3A_2409, %add3A_2438 : vector<16xi32>
      %add3A_2440 = arith.constant 640 : i32
      %add3A_2441 = vector.broadcast %add3A_2440 : i32 to vector<16xi32>
      %add3A_2442 = arith.addi %add3A_2409, %add3A_2441 : vector<16xi32>
      %add3A_2443 = arith.constant 704 : i32
      %add3A_2444 = vector.broadcast %add3A_2443 : i32 to vector<16xi32>
      %add3A_2445 = arith.addi %add3A_2409, %add3A_2444 : vector<16xi32>
      %add3A_2446 = arith.constant 768 : i32
      %add3A_2447 = vector.broadcast %add3A_2446 : i32 to vector<16xi32>
      %add3A_2448 = arith.addi %add3A_2409, %add3A_2447 : vector<16xi32>
      %add3A_2449 = arith.constant 832 : i32
      %add3A_2450 = vector.broadcast %add3A_2449 : i32 to vector<16xi32>
      %add3A_2451 = arith.addi %add3A_2409, %add3A_2450 : vector<16xi32>
      %add3A_2452 = arith.constant 896 : i32
      %add3A_2453 = vector.broadcast %add3A_2452 : i32 to vector<16xi32>
      %add3A_2454 = arith.addi %add3A_2409, %add3A_2453 : vector<16xi32>
      %add3A_2455 = arith.constant 960 : i32
      %add3A_2456 = vector.broadcast %add3A_2455 : i32 to vector<16xi32>
      %add3A_2457 = arith.addi %add3A_2409, %add3A_2456 : vector<16xi32>
      %add3A_2458 = arith.constant 1024 : i32
      %add3A_2459 = vector.broadcast %add3A_2458 : i32 to vector<16xi32>
      %add3A_2460 = arith.addi %add3A_2409, %add3A_2459 : vector<16xi32>
      %add3A_2461 = arith.constant 1088 : i32
      %add3A_2462 = vector.broadcast %add3A_2461 : i32 to vector<16xi32>
      %add3A_2463 = arith.addi %add3A_2409, %add3A_2462 : vector<16xi32>
      %get3A_2464 = arith.constant 0 : i32
      %get3A_2465 = arith.index_cast %get3A_2464 : i32 to index
      %get3A_2466 = arith.constant 32 : index
      %get3A_2467 = tpu.vector_load %arg13[%get3A_2465, %get3A_2466] {strides = array<i32>} : memref<18x64xf32, #tpu.memory_space<vmem>>, vector<16xf32>,
      %get3A_2468 = arith.constant 1 : i32
      %get3A_2469 = arith.index_cast %get3A_2468 : i32 to index
      %get3A_2470 = arith.constant 32 : index
      %get3A_2471 = tpu.vector_load %arg13[%get3A_2469, %get3A_2470] {strides = array<i32>} : memref<18x64xf32, #tpu.memory_space<vmem>>, vector<16xf32>,
      %get3A_2472 = arith.constant 2 : i32
      %get3A_2473 = arith.index_cast %get3A_2472 : i32 to index
      %get3A_2474 = arith.constant 32 : index
      %get3A_2475 = tpu.vector_load %arg13[%get3A_2473, %get3A_2474] {strides = array<i32>} : memref<18x64xf32, #tpu.memory_space<vmem>>, vector<16xf32>,
      %get3A_2476 = arith.constant 3 : i32
      %get3A_2477 = arith.index_cast %get3A_2476 : i32 to index
      %get3A_2478 = arith.constant 32 : index
      %get3A_2479 = tpu.vector_load %arg13[%get3A_2477, %get3A_2478] {strides = array<i32>} : memref<18x64xf32, #tpu.memory_space<vmem>>, vector<16xf32>,
      %get3A_2480 = arith.constant 4 : i32
      %get3A_2481 = arith.index_cast %get3A_2480 : i32 to index
      %get3A_2482 = arith.constant 32 : index
      %get3A_2483 = tpu.vector_load %arg13[%get3A_2481, %get3A_2482] {strides = array<i32>} : memref<18x64xf32, #tpu.memory_space<vmem>>, vector<16xf32>,
      %get3A_2484 = arith.constant 5 : i32
      %get3A_2485 = arith.index_cast %get3A_2484 : i32 to index
      %get3A_2486 = arith.constant 32 : index
      %get3A_2487 = tpu.vector_load %arg13[%get3A_2485, %get3A_2486] {strides = array<i32>} : memref<18x64xf32, #tpu.memory_space<vmem>>, vector<16xf32>,
      %get3A_2488 = arith.constant 6 : i32
      %get3A_2489 = arith.index_cast %get3A_2488 : i32 to index
      %get3A_2490 = arith.constant 32 : index
      %get3A_2491 = tpu.vector_load %arg13[%get3A_2489, %get3A_2490] {strides = array<i32>} : memref<18x64xf32, #tpu.memory_space<vmem>>, vector<16xf32>,
      %get3A_2492 = arith.constant 7 : i32
      %get3A_2493 = arith.index_cast %get3A_2492 : i32 to index
      %get3A_2494 = arith.constant 32 : index
      %get3A_2495 = tpu.vector_load %arg13[%get3A_2493, %get3A_2494] {strides = array<i32>} : memref<18x64xf32, #tpu.memory_space<vmem>>, vector<16xf32>,
      %get3A_2496 = arith.constant 8 : i32
      %get3A_2497 = arith.index_cast %get3A_2496 : i32 to index
      %get3A_2498 = arith.constant 32 : index
      %get3A_2499 = tpu.vector_load %arg13[%get3A_2497, %get3A_2498] {strides = array<i32>} : memref<18x64xf32, #tpu.memory_space<vmem>>, vector<16xf32>,
      %get3A_2500 = arith.constant 9 : i32
      %get3A_2501 = arith.index_cast %get3A_2500 : i32 to index
      %get3A_2502 = arith.constant 32 : index
      %get3A_2503 = tpu.vector_load %arg13[%get3A_2501, %get3A_2502] {strides = array<i32>} : memref<18x64xf32, #tpu.memory_space<vmem>>, vector<16xf32>,
      %get3A_2504 = arith.constant 10 : i32
      %get3A_2505 = arith.index_cast %get3A_2504 : i32 to index
      %get3A_2506 = arith.constant 32 : index
      %get3A_2507 = tpu.vector_load %arg13[%get3A_2505, %get3A_2506] {strides = array<i32>} : memref<18x64xf32, #tpu.memory_space<vmem>>, vector<16xf32>,
      %get3A_2508 = arith.constant 11 : i32
      %get3A_2509 = arith.index_cast %get3A_2508 : i32 to index
      %get3A_2510 = arith.constant 32 : index
      %get3A_2511 = tpu.vector_load %arg13[%get3A_2509, %get3A_2510] {strides = array<i32>} : memref<18x64xf32, #tpu.memory_space<vmem>>, vector<16xf32>,
      %get3A_2512 = arith.constant 12 : i32
      %get3A_2513 = arith.index_cast %get3A_2512 : i32 to index
      %get3A_2514 = arith.constant 32 : index
      %get3A_2515 = tpu.vector_load %arg13[%get3A_2513, %get3A_2514] {strides = array<i32>} : memref<18x64xf32, #tpu.memory_space<vmem>>, vector<16xf32>,
      %get3A_2516 = arith.constant 13 : i32
      %get3A_2517 = arith.index_cast %get3A_2516 : i32 to index
      %get3A_2518 = arith.constant 32 : index
      %get3A_2519 = tpu.vector_load %arg13[%get3A_2517, %get3A_2518] {strides = array<i32>} : memref<18x64xf32, #tpu.memory_space<vmem>>, vector<16xf32>,
      %get3A_2520 = arith.constant 14 : i32
      %get3A_2521 = arith.index_cast %get3A_2520 : i32 to index
      %get3A_2522 = arith.constant 32 : index
      %get3A_2523 = tpu.vector_load %arg13[%get3A_2521, %get3A_2522] {strides = array<i32>} : memref<18x64xf32, #tpu.memory_space<vmem>>, vector<16xf32>,
      %get3A_2524 = arith.constant 15 : i32
      %get3A_2525 = arith.index_cast %get3A_2524 : i32 to index
      %get3A_2526 = arith.constant 32 : index
      %get3A_2527 = tpu.vector_load %arg13[%get3A_2525, %get3A_2526] {strides = array<i32>} : memref<18x64xf32, #tpu.memory_space<vmem>>, vector<16xf32>,
      %get3A_2528 = arith.constant 16 : i32
      %get3A_2529 = arith.index_cast %get3A_2528 : i32 to index
      %get3A_2530 = arith.constant 32 : index
      %get3A_2531 = tpu.vector_load %arg13[%get3A_2529, %get3A_2530] {strides = array<i32>} : memref<18x64xf32, #tpu.memory_space<vmem>>, vector<16xf32>,
      %get3A_2532 = arith.constant 17 : i32
      %get3A_2533 = arith.index_cast %get3A_2532 : i32 to index
      %get3A_2534 = arith.constant 32 : index
      %get3A_2535 = tpu.vector_load %arg13[%get3A_2533, %get3A_2534] {strides = array<i32>} : memref<18x64xf32, #tpu.memory_space<vmem>>, vector<16xf32>,
      %scan3A_2536 = arith.constant 0 : i32
      %scan3A_2537 = arith.constant 0 : i32
      %scan3A_2538 = arith.constant 48 : i32
      %scan3A_2539 = arith.addi %scan3A_2537, %scan3A_2538 : i32
      %scan3A_2540 = arith.constant 1 : i32
      scf.for %scan3A_2678 = %scan3A_2537 to %scan3A_2539 step %scan3A_2540  : i32 {
        %broadcast_in_dim3A = vector.broadcast %scan3A_2678 : i32 to vector<16xi32>
        %broadcast_in_dim3A_2679 = arith.constant 0.000000e+00 : f32
        %broadcast_in_dim3A_2680 = vector.broadcast %broadcast_in_dim3A_2679 : f32 to vector<16xf32>
        %gather3A = tpu.vector_load_idx %arg14[%add3A_2412, %broadcast_in_dim3A] : memref<1152x48xf32, #tpu.memory_space<vmem>>[vector<16xi32>, vector<16xi32>], vector<16xf32>,
        %mul3A_2681 = arith.mulf %get3A_2467, %gather3A : vector<16xf32>
        %gather3A_2682 = tpu.vector_load_idx %arg14[%add3A_2415, %broadcast_in_dim3A] : memref<1152x48xf32, #tpu.memory_space<vmem>>[vector<16xi32>, vector<16xi32>], vector<16xf32>,
        %mul3A_2683 = arith.mulf %get3A_2471, %gather3A_2682 : vector<16xf32>
        %add3A_2684 = arith.addf %mul3A_2681, %mul3A_2683 : vector<16xf32>
        %gather3A_2685 = tpu.vector_load_idx %arg14[%add3A_2418, %broadcast_in_dim3A] : memref<1152x48xf32, #tpu.memory_space<vmem>>[vector<16xi32>, vector<16xi32>], vector<16xf32>,
        %mul3A_2686 = arith.mulf %get3A_2475, %gather3A_2685 : vector<16xf32>
        %add3A_2687 = arith.addf %add3A_2684, %mul3A_2686 : vector<16xf32>
        %gather3A_2688 = tpu.vector_load_idx %arg14[%add3A_2421, %broadcast_in_dim3A] : memref<1152x48xf32, #tpu.memory_space<vmem>>[vector<16xi32>, vector<16xi32>], vector<16xf32>,
        %mul3A_2689 = arith.mulf %get3A_2479, %gather3A_2688 : vector<16xf32>
        %add3A_2690 = arith.addf %add3A_2687, %mul3A_2689 : vector<16xf32>
        %gather3A_2691 = tpu.vector_load_idx %arg14[%add3A_2448, %broadcast_in_dim3A] : memref<1152x48xf32, #tpu.memory_space<vmem>>[vector<16xi32>, vector<16xi32>], vector<16xf32>,
        %mul3A_2692 = arith.mulf %get3A_2515, %gather3A_2691 : vector<16xf32>
        %gather3A_2693 = tpu.vector_load_idx %arg14[%add3A_2451, %broadcast_in_dim3A] : memref<1152x48xf32, #tpu.memory_space<vmem>>[vector<16xi32>, vector<16xi32>], vector<16xf32>,
        %mul3A_2694 = arith.mulf %get3A_2519, %gather3A_2693 : vector<16xf32>
        %add3A_2695 = arith.addf %mul3A_2692, %mul3A_2694 : vector<16xf32>
        %mul3A_2696 = arith.mulf %add3A_2690, %add3A_2695 : vector<16xf32>
        %add3A_2697 = arith.addf %broadcast_in_dim3A_2680, %mul3A_2696 : vector<16xf32>
        %gather3A_2698 = tpu.vector_load_idx %arg14[%add3A_2424, %broadcast_in_dim3A] : memref<1152x48xf32, #tpu.memory_space<vmem>>[vector<16xi32>, vector<16xi32>], vector<16xf32>,
        %mul3A_2699 = arith.mulf %get3A_2483, %gather3A_2698 : vector<16xf32>
        %gather3A_2700 = tpu.vector_load_idx %arg14[%add3A_2427, %broadcast_in_dim3A] : memref<1152x48xf32, #tpu.memory_space<vmem>>[vector<16xi32>, vector<16xi32>], vector<16xf32>,
        %mul3A_2701 = arith.mulf %get3A_2487, %gather3A_2700 : vector<16xf32>
        %add3A_2702 = arith.addf %mul3A_2699, %mul3A_2701 : vector<16xf32>
        %gather3A_2703 = tpu.vector_load_idx %arg14[%add3A_2430, %broadcast_in_dim3A] : memref<1152x48xf32, #tpu.memory_space<vmem>>[vector<16xi32>, vector<16xi32>], vector<16xf32>,
        %mul3A_2704 = arith.mulf %get3A_2491, %gather3A_2703 : vector<16xf32>
        %add3A_2705 = arith.addf %add3A_2702, %mul3A_2704 : vector<16xf32>
        %gather3A_2706 = tpu.vector_load_idx %arg14[%add3A_2433, %broadcast_in_dim3A] : memref<1152x48xf32, #tpu.memory_space<vmem>>[vector<16xi32>, vector<16xi32>], vector<16xf32>,
        %mul3A_2707 = arith.mulf %get3A_2495, %gather3A_2706 : vector<16xf32>
        %add3A_2708 = arith.addf %add3A_2705, %mul3A_2707 : vector<16xf32>
        %gather3A_2709 = tpu.vector_load_idx %arg14[%add3A_2454, %broadcast_in_dim3A] : memref<1152x48xf32, #tpu.memory_space<vmem>>[vector<16xi32>, vector<16xi32>], vector<16xf32>,
        %mul3A_2710 = arith.mulf %get3A_2523, %gather3A_2709 : vector<16xf32>
        %gather3A_2711 = tpu.vector_load_idx %arg14[%add3A_2457, %broadcast_in_dim3A] : memref<1152x48xf32, #tpu.memory_space<vmem>>[vector<16xi32>, vector<16xi32>], vector<16xf32>,
        %mul3A_2712 = arith.mulf %get3A_2527, %gather3A_2711 : vector<16xf32>
        %add3A_2713 = arith.addf %mul3A_2710, %mul3A_2712 : vector<16xf32>
        %mul3A_2714 = arith.mulf %add3A_2708, %add3A_2713 : vector<16xf32>
        %add3A_2715 = arith.addf %add3A_2697, %mul3A_2714 : vector<16xf32>
        %gather3A_2716 = tpu.vector_load_idx %arg14[%add3A_2436, %broadcast_in_dim3A] : memref<1152x48xf32, #tpu.memory_space<vmem>>[vector<16xi32>, vector<16xi32>], vector<16xf32>,
        %mul3A_2717 = arith.mulf %get3A_2499, %gather3A_2716 : vector<16xf32>
        %gather3A_2718 = tpu.vector_load_idx %arg14[%add3A_2439, %broadcast_in_dim3A] : memref<1152x48xf32, #tpu.memory_space<vmem>>[vector<16xi32>, vector<16xi32>], vector<16xf32>,
        %mul3A_2719 = arith.mulf %get3A_2503, %gather3A_2718 : vector<16xf32>
        %add3A_2720 = arith.addf %mul3A_2717, %mul3A_2719 : vector<16xf32>
        %gather3A_2721 = tpu.vector_load_idx %arg14[%add3A_2442, %broadcast_in_dim3A] : memref<1152x48xf32, #tpu.memory_space<vmem>>[vector<16xi32>, vector<16xi32>], vector<16xf32>,
        %mul3A_2722 = arith.mulf %get3A_2507, %gather3A_2721 : vector<16xf32>
        %add3A_2723 = arith.addf %add3A_2720, %mul3A_2722 : vector<16xf32>
        %gather3A_2724 = tpu.vector_load_idx %arg14[%add3A_2445, %broadcast_in_dim3A] : memref<1152x48xf32, #tpu.memory_space<vmem>>[vector<16xi32>, vector<16xi32>], vector<16xf32>,
        %mul3A_2725 = arith.mulf %get3A_2511, %gather3A_2724 : vector<16xf32>
        %add3A_2726 = arith.addf %add3A_2723, %mul3A_2725 : vector<16xf32>
        %gather3A_2727 = tpu.vector_load_idx %arg14[%add3A_2460, %broadcast_in_dim3A] : memref<1152x48xf32, #tpu.memory_space<vmem>>[vector<16xi32>, vector<16xi32>], vector<16xf32>,
        %mul3A_2728 = arith.mulf %get3A_2531, %gather3A_2727 : vector<16xf32>
        %gather3A_2729 = tpu.vector_load_idx %arg14[%add3A_2463, %broadcast_in_dim3A] : memref<1152x48xf32, #tpu.memory_space<vmem>>[vector<16xi32>, vector<16xi32>], vector<16xf32>,
        %mul3A_2730 = arith.mulf %get3A_2535, %gather3A_2729 : vector<16xf32>
        %add3A_2731 = arith.addf %mul3A_2728, %mul3A_2730 : vector<16xf32>
        %mul3A_2732 = arith.mulf %add3A_2726, %add3A_2731 : vector<16xf32>
        %add3A_2733 = arith.addf %add3A_2715, %mul3A_2732 : vector<16xf32>
        tpu.vector_store_idx %arg15[%add3A_2409, %broadcast_in_dim3A], %add3A_2733 : memref<64x48xf32, #tpu.memory_space<vmem>>[vector<16xi32>, vector<16xi32>], vector<16xf32>,
      }
      %scan3A_2541 = arith.constant 48 : i32
      %iota3A_2542 = tpu.iota {dimensions = array<i32: 0>} : vector<16xi32>
      %add3A_2543 = arith.constant 48 : i32
      %add3A_2544 = vector.broadcast %add3A_2543 : i32 to vector<16xi32>
      %add3A_2545 = arith.addi %iota3A_2542, %add3A_2544 : vector<16xi32>
      %add3A_2546 = arith.constant 0 : i32
      %add3A_2547 = vector.broadcast %add3A_2546 : i32 to vector<16xi32>
      %add3A_2548 = arith.addi %add3A_2545, %add3A_2547 : vector<16xi32>
      %add3A_2549 = arith.constant 64 : i32
      %add3A_2550 = vector.broadcast %add3A_2549 : i32 to vector<16xi32>
      %add3A_2551 = arith.addi %add3A_2545, %add3A_2550 : vector<16xi32>
      %add3A_2552 = arith.constant 128 : i32
      %add3A_2553 = vector.broadcast %add3A_2552 : i32 to vector<16xi32>
      %add3A_2554 = arith.addi %add3A_2545, %add3A_2553 : vector<16xi32>
      %add3A_2555 = arith.constant 192 : i32
      %add3A_2556 = vector.broadcast %add3A_2555 : i32 to vector<16xi32>
      %add3A_2557 = arith.addi %add3A_2545, %add3A_2556 : vector<16xi32>
      %add3A_2558 = arith.constant 256 : i32
      %add3A_2559 = vector.broadcast %add3A_2558 : i32 to vector<16xi32>
      %add3A_2560 = arith.addi %add3A_2545, %add3A_2559 : vector<16xi32>
      %add3A_2561 = arith.constant 320 : i32
      %add3A_2562 = vector.broadcast %add3A_2561 : i32 to vector<16xi32>
      %add3A_2563 = arith.addi %add3A_2545, %add3A_2562 : vector<16xi32>
      %add3A_2564 = arith.constant 384 : i32
      %add3A_2565 = vector.broadcast %add3A_2564 : i32 to vector<16xi32>
      %add3A_2566 = arith.addi %add3A_2545, %add3A_2565 : vector<16xi32>
      %add3A_2567 = arith.constant 448 : i32
      %add3A_2568 = vector.broadcast %add3A_2567 : i32 to vector<16xi32>
      %add3A_2569 = arith.addi %add3A_2545, %add3A_2568 : vector<16xi32>
      %add3A_2570 = arith.constant 512 : i32
      %add3A_2571 = vector.broadcast %add3A_2570 : i32 to vector<16xi32>
      %add3A_2572 = arith.addi %add3A_2545, %add3A_2571 : vector<16xi32>
      %add3A_2573 = arith.constant 576 : i32
      %add3A_2574 = vector.broadcast %add3A_2573 : i32 to vector<16xi32>
      %add3A_2575 = arith.addi %add3A_2545, %add3A_2574 : vector<16xi32>
      %add3A_2576 = arith.constant 640 : i32
      %add3A_2577 = vector.broadcast %add3A_2576 : i32 to vector<16xi32>
      %add3A_2578 = arith.addi %add3A_2545, %add3A_2577 : vector<16xi32>
      %add3A_2579 = arith.constant 704 : i32
      %add3A_2580 = vector.broadcast %add3A_2579 : i32 to vector<16xi32>
      %add3A_2581 = arith.addi %add3A_2545, %add3A_2580 : vector<16xi32>
      %add3A_2582 = arith.constant 768 : i32
      %add3A_2583 = vector.broadcast %add3A_2582 : i32 to vector<16xi32>
      %add3A_2584 = arith.addi %add3A_2545, %add3A_2583 : vector<16xi32>
      %add3A_2585 = arith.constant 832 : i32
      %add3A_2586 = vector.broadcast %add3A_2585 : i32 to vector<16xi32>
      %add3A_2587 = arith.addi %add3A_2545, %add3A_2586 : vector<16xi32>
      %add3A_2588 = arith.constant 896 : i32
      %add3A_2589 = vector.broadcast %add3A_2588 : i32 to vector<16xi32>
      %add3A_2590 = arith.addi %add3A_2545, %add3A_2589 : vector<16xi32>
      %add3A_2591 = arith.constant 960 : i32
      %add3A_2592 = vector.broadcast %add3A_2591 : i32 to vector<16xi32>
      %add3A_2593 = arith.addi %add3A_2545, %add3A_2592 : vector<16xi32>
      %add3A_2594 = arith.constant 1024 : i32
      %add3A_2595 = vector.broadcast %add3A_2594 : i32 to vector<16xi32>
      %add3A_2596 = arith.addi %add3A_2545, %add3A_2595 : vector<16xi32>
      %add3A_2597 = arith.constant 1088 : i32
      %add3A_2598 = vector.broadcast %add3A_2597 : i32 to vector<16xi32>
      %add3A_2599 = arith.addi %add3A_2545, %add3A_2598 : vector<16xi32>
      %get3A_2600 = arith.constant 0 : i32
      %get3A_2601 = arith.index_cast %get3A_2600 : i32 to index
      %get3A_2602 = arith.constant 48 : index
      %get3A_2603 = tpu.vector_load %arg13[%get3A_2601, %get3A_2602] {strides = array<i32>} : memref<18x64xf32, #tpu.memory_space<vmem>>, vector<16xf32>,
      %get3A_2604 = arith.constant 1 : i32
      %get3A_2605 = arith.index_cast %get3A_2604 : i32 to index
      %get3A_2606 = arith.constant 48 : index
      %get3A_2607 = tpu.vector_load %arg13[%get3A_2605, %get3A_2606] {strides = array<i32>} : memref<18x64xf32, #tpu.memory_space<vmem>>, vector<16xf32>,
      %get3A_2608 = arith.constant 2 : i32
      %get3A_2609 = arith.index_cast %get3A_2608 : i32 to index
      %get3A_2610 = arith.constant 48 : index
      %get3A_2611 = tpu.vector_load %arg13[%get3A_2609, %get3A_2610] {strides = array<i32>} : memref<18x64xf32, #tpu.memory_space<vmem>>, vector<16xf32>,
      %get3A_2612 = arith.constant 3 : i32
      %get3A_2613 = arith.index_cast %get3A_2612 : i32 to index
      %get3A_2614 = arith.constant 48 : index
      %get3A_2615 = tpu.vector_load %arg13[%get3A_2613, %get3A_2614] {strides = array<i32>} : memref<18x64xf32, #tpu.memory_space<vmem>>, vector<16xf32>,
      %get3A_2616 = arith.constant 4 : i32
      %get3A_2617 = arith.index_cast %get3A_2616 : i32 to index
      %get3A_2618 = arith.constant 48 : index
      %get3A_2619 = tpu.vector_load %arg13[%get3A_2617, %get3A_2618] {strides = array<i32>} : memref<18x64xf32, #tpu.memory_space<vmem>>, vector<16xf32>,
      %get3A_2620 = arith.constant 5 : i32
      %get3A_2621 = arith.index_cast %get3A_2620 : i32 to index
      %get3A_2622 = arith.constant 48 : index
      %get3A_2623 = tpu.vector_load %arg13[%get3A_2621, %get3A_2622] {strides = array<i32>} : memref<18x64xf32, #tpu.memory_space<vmem>>, vector<16xf32>,
      %get3A_2624 = arith.constant 6 : i32
      %get3A_2625 = arith.index_cast %get3A_2624 : i32 to index
      %get3A_2626 = arith.constant 48 : index
      %get3A_2627 = tpu.vector_load %arg13[%get3A_2625, %get3A_2626] {strides = array<i32>} : memref<18x64xf32, #tpu.memory_space<vmem>>, vector<16xf32>,
      %get3A_2628 = arith.constant 7 : i32
      %get3A_2629 = arith.index_cast %get3A_2628 : i32 to index
      %get3A_2630 = arith.constant 48 : index
      %get3A_2631 = tpu.vector_load %arg13[%get3A_2629, %get3A_2630] {strides = array<i32>} : memref<18x64xf32, #tpu.memory_space<vmem>>, vector<16xf32>,
      %get3A_2632 = arith.constant 8 : i32
      %get3A_2633 = arith.index_cast %get3A_2632 : i32 to index
      %get3A_2634 = arith.constant 48 : index
      %get3A_2635 = tpu.vector_load %arg13[%get3A_2633, %get3A_2634] {strides = array<i32>} : memref<18x64xf32, #tpu.memory_space<vmem>>, vector<16xf32>,
      %get3A_2636 = arith.constant 9 : i32
      %get3A_2637 = arith.index_cast %get3A_2636 : i32 to index
      %get3A_2638 = arith.constant 48 : index
      %get3A_2639 = tpu.vector_load %arg13[%get3A_2637, %get3A_2638] {strides = array<i32>} : memref<18x64xf32, #tpu.memory_space<vmem>>, vector<16xf32>,
      %get3A_2640 = arith.constant 10 : i32
      %get3A_2641 = arith.index_cast %get3A_2640 : i32 to index
      %get3A_2642 = arith.constant 48 : index
      %get3A_2643 = tpu.vector_load %arg13[%get3A_2641, %get3A_2642] {strides = array<i32>} : memref<18x64xf32, #tpu.memory_space<vmem>>, vector<16xf32>,
      %get3A_2644 = arith.constant 11 : i32
      %get3A_2645 = arith.index_cast %get3A_2644 : i32 to index
      %get3A_2646 = arith.constant 48 : index
      %get3A_2647 = tpu.vector_load %arg13[%get3A_2645, %get3A_2646] {strides = array<i32>} : memref<18x64xf32, #tpu.memory_space<vmem>>, vector<16xf32>,
      %get3A_2648 = arith.constant 12 : i32
      %get3A_2649 = arith.index_cast %get3A_2648 : i32 to index
      %get3A_2650 = arith.constant 48 : index
      %get3A_2651 = tpu.vector_load %arg13[%get3A_2649, %get3A_2650] {strides = array<i32>} : memref<18x64xf32, #tpu.memory_space<vmem>>, vector<16xf32>,
      %get3A_2652 = arith.constant 13 : i32
      %get3A_2653 = arith.index_cast %get3A_2652 : i32 to index
      %get3A_2654 = arith.constant 48 : index
      %get3A_2655 = tpu.vector_load %arg13[%get3A_2653, %get3A_2654] {strides = array<i32>} : memref<18x64xf32, #tpu.memory_space<vmem>>, vector<16xf32>,
      %get3A_2656 = arith.constant 14 : i32
      %get3A_2657 = arith.index_cast %get3A_2656 : i32 to index
      %get3A_2658 = arith.constant 48 : index
      %get3A_2659 = tpu.vector_load %arg13[%get3A_2657, %get3A_2658] {strides = array<i32>} : memref<18x64xf32, #tpu.memory_space<vmem>>, vector<16xf32>,
      %get3A_2660 = arith.constant 15 : i32
      %get3A_2661 = arith.index_cast %get3A_2660 : i32 to index
      %get3A_2662 = arith.constant 48 : index
      %get3A_2663 = tpu.vector_load %arg13[%get3A_2661, %get3A_2662] {strides = array<i32>} : memref<18x64xf32, #tpu.memory_space<vmem>>, vector<16xf32>,
      %get3A_2664 = arith.constant 16 : i32
      %get3A_2665 = arith.index_cast %get3A_2664 : i32 to index
      %get3A_2666 = arith.constant 48 : index
      %get3A_2667 = tpu.vector_load %arg13[%get3A_2665, %get3A_2666] {strides = array<i32>} : memref<18x64xf32, #tpu.memory_space<vmem>>, vector<16xf32>,
      %get3A_2668 = arith.constant 17 : i32
      %get3A_2669 = arith.index_cast %get3A_2668 : i32 to index
      %get3A_2670 = arith.constant 48 : index
      %get3A_2671 = tpu.vector_load %arg13[%get3A_2669, %get3A_2670] {strides = array<i32>} : memref<18x64xf32, #tpu.memory_space<vmem>>, vector<16xf32>,
      %scan3A_2672 = arith.constant 0 : i32
      %scan3A_2673 = arith.constant 0 : i32
      %scan3A_2674 = arith.constant 48 : i32
      %scan3A_2675 = arith.addi %scan3A_2673, %scan3A_2674 : i32
      %scan3A_2676 = arith.constant 1 : i32
      scf.for %scan3A_2678 = %scan3A_2673 to %scan3A_2675 step %scan3A_2676  : i32 {
        %broadcast_in_dim3A = vector.broadcast %scan3A_2678 : i32 to vector<16xi32>
        %broadcast_in_dim3A_2679 = arith.constant 0.000000e+00 : f32
        %broadcast_in_dim3A_2680 = vector.broadcast %broadcast_in_dim3A_2679 : f32 to vector<16xf32>
        %gather3A = tpu.vector_load_idx %arg14[%add3A_2548, %broadcast_in_dim3A] : memref<1152x48xf32, #tpu.memory_space<vmem>>[vector<16xi32>, vector<16xi32>], vector<16xf32>,
        %mul3A_2681 = arith.mulf %get3A_2603, %gather3A : vector<16xf32>
        %gather3A_2682 = tpu.vector_load_idx %arg14[%add3A_2551, %broadcast_in_dim3A] : memref<1152x48xf32, #tpu.memory_space<vmem>>[vector<16xi32>, vector<16xi32>], vector<16xf32>,
        %mul3A_2683 = arith.mulf %get3A_2607, %gather3A_2682 : vector<16xf32>
        %add3A_2684 = arith.addf %mul3A_2681, %mul3A_2683 : vector<16xf32>
        %gather3A_2685 = tpu.vector_load_idx %arg14[%add3A_2554, %broadcast_in_dim3A] : memref<1152x48xf32, #tpu.memory_space<vmem>>[vector<16xi32>, vector<16xi32>], vector<16xf32>,
        %mul3A_2686 = arith.mulf %get3A_2611, %gather3A_2685 : vector<16xf32>
        %add3A_2687 = arith.addf %add3A_2684, %mul3A_2686 : vector<16xf32>
        %gather3A_2688 = tpu.vector_load_idx %arg14[%add3A_2557, %broadcast_in_dim3A] : memref<1152x48xf32, #tpu.memory_space<vmem>>[vector<16xi32>, vector<16xi32>], vector<16xf32>,
        %mul3A_2689 = arith.mulf %get3A_2615, %gather3A_2688 : vector<16xf32>
        %add3A_2690 = arith.addf %add3A_2687, %mul3A_2689 : vector<16xf32>
        %gather3A_2691 = tpu.vector_load_idx %arg14[%add3A_2584, %broadcast_in_dim3A] : memref<1152x48xf32, #tpu.memory_space<vmem>>[vector<16xi32>, vector<16xi32>], vector<16xf32>,
        %mul3A_2692 = arith.mulf %get3A_2651, %gather3A_2691 : vector<16xf32>
        %gather3A_2693 = tpu.vector_load_idx %arg14[%add3A_2587, %broadcast_in_dim3A] : memref<1152x48xf32, #tpu.memory_space<vmem>>[vector<16xi32>, vector<16xi32>], vector<16xf32>,
        %mul3A_2694 = arith.mulf %get3A_2655, %gather3A_2693 : vector<16xf32>
        %add3A_2695 = arith.addf %mul3A_2692, %mul3A_2694 : vector<16xf32>
        %mul3A_2696 = arith.mulf %add3A_2690, %add3A_2695 : vector<16xf32>
        %add3A_2697 = arith.addf %broadcast_in_dim3A_2680, %mul3A_2696 : vector<16xf32>
        %gather3A_2698 = tpu.vector_load_idx %arg14[%add3A_2560, %broadcast_in_dim3A] : memref<1152x48xf32, #tpu.memory_space<vmem>>[vector<16xi32>, vector<16xi32>], vector<16xf32>,
        %mul3A_2699 = arith.mulf %get3A_2619, %gather3A_2698 : vector<16xf32>
        %gather3A_2700 = tpu.vector_load_idx %arg14[%add3A_2563, %broadcast_in_dim3A] : memref<1152x48xf32, #tpu.memory_space<vmem>>[vector<16xi32>, vector<16xi32>], vector<16xf32>,
        %mul3A_2701 = arith.mulf %get3A_2623, %gather3A_2700 : vector<16xf32>
        %add3A_2702 = arith.addf %mul3A_2699, %mul3A_2701 : vector<16xf32>
        %gather3A_2703 = tpu.vector_load_idx %arg14[%add3A_2566, %broadcast_in_dim3A] : memref<1152x48xf32, #tpu.memory_space<vmem>>[vector<16xi32>, vector<16xi32>], vector<16xf32>,
        %mul3A_2704 = arith.mulf %get3A_2627, %gather3A_2703 : vector<16xf32>
        %add3A_2705 = arith.addf %add3A_2702, %mul3A_2704 : vector<16xf32>
        %gather3A_2706 = tpu.vector_load_idx %arg14[%add3A_2569, %broadcast_in_dim3A] : memref<1152x48xf32, #tpu.memory_space<vmem>>[vector<16xi32>, vector<16xi32>], vector<16xf32>,
        %mul3A_2707 = arith.mulf %get3A_2631, %gather3A_2706 : vector<16xf32>
        %add3A_2708 = arith.addf %add3A_2705, %mul3A_2707 : vector<16xf32>
        %gather3A_2709 = tpu.vector_load_idx %arg14[%add3A_2590, %broadcast_in_dim3A] : memref<1152x48xf32, #tpu.memory_space<vmem>>[vector<16xi32>, vector<16xi32>], vector<16xf32>,
        %mul3A_2710 = arith.mulf %get3A_2659, %gather3A_2709 : vector<16xf32>
        %gather3A_2711 = tpu.vector_load_idx %arg14[%add3A_2593, %broadcast_in_dim3A] : memref<1152x48xf32, #tpu.memory_space<vmem>>[vector<16xi32>, vector<16xi32>], vector<16xf32>,
        %mul3A_2712 = arith.mulf %get3A_2663, %gather3A_2711 : vector<16xf32>
        %add3A_2713 = arith.addf %mul3A_2710, %mul3A_2712 : vector<16xf32>
        %mul3A_2714 = arith.mulf %add3A_2708, %add3A_2713 : vector<16xf32>
        %add3A_2715 = arith.addf %add3A_2697, %mul3A_2714 : vector<16xf32>
        %gather3A_2716 = tpu.vector_load_idx %arg14[%add3A_2572, %broadcast_in_dim3A] : memref<1152x48xf32, #tpu.memory_space<vmem>>[vector<16xi32>, vector<16xi32>], vector<16xf32>,
        %mul3A_2717 = arith.mulf %get3A_2635, %gather3A_2716 : vector<16xf32>
        %gather3A_2718 = tpu.vector_load_idx %arg14[%add3A_2575, %broadcast_in_dim3A] : memref<1152x48xf32, #tpu.memory_space<vmem>>[vector<16xi32>, vector<16xi32>], vector<16xf32>,
        %mul3A_2719 = arith.mulf %get3A_2639, %gather3A_2718 : vector<16xf32>
        %add3A_2720 = arith.addf %mul3A_2717, %mul3A_2719 : vector<16xf32>
        %gather3A_2721 = tpu.vector_load_idx %arg14[%add3A_2578, %broadcast_in_dim3A] : memref<1152x48xf32, #tpu.memory_space<vmem>>[vector<16xi32>, vector<16xi32>], vector<16xf32>,
        %mul3A_2722 = arith.mulf %get3A_2643, %gather3A_2721 : vector<16xf32>
        %add3A_2723 = arith.addf %add3A_2720, %mul3A_2722 : vector<16xf32>
        %gather3A_2724 = tpu.vector_load_idx %arg14[%add3A_2581, %broadcast_in_dim3A] : memref<1152x48xf32, #tpu.memory_space<vmem>>[vector<16xi32>, vector<16xi32>], vector<16xf32>,
        %mul3A_2725 = arith.mulf %get3A_2647, %gather3A_2724 : vector<16xf32>
        %add3A_2726 = arith.addf %add3A_2723, %mul3A_2725 : vector<16xf32>
        %gather3A_2727 = tpu.vector_load_idx %arg14[%add3A_2596, %broadcast_in_dim3A] : memref<1152x48xf32, #tpu.memory_space<vmem>>[vector<16xi32>, vector<16xi32>], vector<16xf32>,
        %mul3A_2728 = arith.mulf %get3A_2667, %gather3A_2727 : vector<16xf32>
        %gather3A_2729 = tpu.vector_load_idx %arg14[%add3A_2599, %broadcast_in_dim3A] : memref<1152x48xf32, #tpu.memory_space<vmem>>[vector<16xi32>, vector<16xi32>], vector<16xf32>,
        %mul3A_2730 = arith.mulf %get3A_2671, %gather3A_2729 : vector<16xf32>
        %add3A_2731 = arith.addf %mul3A_2728, %mul3A_2730 : vector<16xf32>
        %mul3A_2732 = arith.mulf %add3A_2726, %add3A_2731 : vector<16xf32>
        %add3A_2733 = arith.addf %add3A_2715, %mul3A_2732 : vector<16xf32>
        tpu.vector_store_idx %arg15[%add3A_2545, %broadcast_in_dim3A], %add3A_2733 : memref<64x48xf32, #tpu.memory_space<vmem>>[vector<16xi32>, vector<16xi32>], vector<16xf32>,
      }
      %scan3A_2677 = arith.constant 48 : i32
      "tpu.region"() ({
        %run_scoped3A = tpu.sem_alloc : memref<!tpu.dma_semaphore, #tpu.memory_space<semaphore_mem>>
        %dma_start3A_2678 = arith.constant 0 : i32
        %dma_start3A_2679 = tpu.memref_slice %arg7[%add3A_34, %dma_start3A_2678] : memref<262144x48xf32, #tpu.memory_space<hbm>> -> memref<64x48xf32, #tpu.memory_space<hbm>>
        %dma_start3A_2680 = arith.constant 0 : i32
        %dma_start3A_2681 = tpu.memref_slice %arg7[%add3A_34, %dma_start3A_2680] : memref<262144x48xf32, #tpu.memory_space<hbm>> -> memref<64x48xf32, #tpu.memory_space<hbm>>
        tpu.enqueue_dma source(%arg15 : memref<64x48xf32, #tpu.memory_space<vmem>>) target(%dma_start3A_2681 : memref<64x48xf32, #tpu.memory_space<hbm>>) target_semaphore(%run_scoped3A : memref<!tpu.dma_semaphore, #tpu.memory_space<semaphore_mem>>)
        %dma_wait3A_2682 = arith.constant 0 : i32
        %dma_wait3A_2683 = tpu.memref_slice %arg7[%add3A_34, %dma_wait3A_2682] : memref<262144x48xf32, #tpu.memory_space<hbm>> -> memref<64x48xf32, #tpu.memory_space<hbm>>
        %dma_wait3A_2684 = arith.constant 0 : i32
        %dma_wait3A_2685 = tpu.memref_slice %arg7[%add3A_34, %dma_wait3A_2684] : memref<262144x48xf32, #tpu.memory_space<hbm>> -> memref<64x48xf32, #tpu.memory_space<hbm>>
        tpu.wait_dma2 semaphore(%run_scoped3A : memref<!tpu.dma_semaphore, #tpu.memory_space<semaphore_mem>>) src(%arg15 : memref<64x48xf32, #tpu.memory_space<vmem>>) dst(%dma_wait3A_2685 : memref<64x48xf32, #tpu.memory_space<hbm>>)
        tpu.yield
      }) : () -> ()
    }
    %scan3A_30 = arith.constant 128 : i32
    return
  }
}

module attributes {stable_mosaic.version = 14 : i64} {
  func.func @_proj_body(%arg0: i32, %arg1: memref<2048x48xf32, #tpu.memory_space<vmem>>, %arg2: memref<48x32xf32, #tpu.memory_space<vmem>>, %arg3: memref<1x32xf32, #tpu.memory_space<vmem>>, %arg4: memref<2048x32xf32, #tpu.memory_space<vmem>>) attributes {dimension_semantics = [#tpu.dimension_semantics<arbitrary>], iteration_bounds = array<i64: 128>, scalar_prefetch = 0 : i64, scratch_operands = 0 : i64, tpu.core_type = #tpu.core_type<tc>, window_params = [{transform_indices = @transform_0, window_bounds = array<i64: 2048, 48>}, {pipeline_mode = #tpu.pipeline_mode<synchronous>, transform_indices = @transform_1, window_bounds = array<i64: 48, 32>}, {pipeline_mode = #tpu.pipeline_mode<synchronous>, transform_indices = @transform_2, window_bounds = array<i64: 1, 32>}, {transform_indices = @transform_3, window_bounds = array<i64: 2048, 32>}]} {
    %get3A = arith.constant 0 : index
    %get3A_0 = arith.constant 0 : index
    %get3A_1 = vector.load %arg1[%get3A, %get3A_0] : memref<2048x48xf32, #tpu.memory_space<vmem>>, vector<2048x48xf32>
    %get3A_2 = arith.constant 0 : index
    %get3A_3 = arith.constant 0 : index
    %get3A_4 = vector.load %arg2[%get3A_2, %get3A_3] : memref<48x32xf32, #tpu.memory_space<vmem>>, vector<48x32xf32>
    %dot_general3A = arith.constant dense<0.000000e+00> : vector<2048x32xf32>
    %dot_general3A_5 = tpu.matmul %get3A_1, %get3A_4, %dot_general3A {dimension_numbers = #tpu.dot_dimension_numbers<[1], [0], [0], [1], [0, 0, 1, 1], [], []>, transpose_lhs_hint = false} : vector<2048x48xf32>, vector<48x32xf32>, vector<2048x32xf32> -> vector<2048x32xf32>
    %get3A_6 = arith.constant 0 : index
    %get3A_7 = arith.constant 0 : index
    %get3A_8 = vector.load %arg3[%get3A_6, %get3A_7] : memref<1x32xf32, #tpu.memory_space<vmem>>, vector<1x32xf32>
    %add3A = vector.broadcast %get3A_8 : vector<1x32xf32> to vector<2048x32xf32>
    %add3A_9 = arith.addf %dot_general3A_5, %add3A : vector<2048x32xf32>
    %swap3A = arith.constant 0 : index
    %swap3A_10 = arith.constant 0 : index
    %swap3A_11 = vector.load %arg4[%swap3A, %swap3A_10] : memref<2048x32xf32, #tpu.memory_space<vmem>>, vector<2048x32xf32>
    tpu.vector_store %arg4[%swap3A, %swap3A_10], %add3A_9 {strides = array<i32>} : memref<2048x32xf32, #tpu.memory_space<vmem>>, vector<2048x32xf32>,
    return
  }
  func.func @transform_0(%arg0: i32) -> (i32, i32) {
    %c0_i32 = arith.constant 0 : i32
    %c0_i32_0 = arith.constant 0 : i32
    return %arg0, %c0_i32 : i32, i32
  }
  func.func @transform_1(%arg0: i32) -> (i32, i32) {
    %c0_i32 = arith.constant 0 : i32
    %c0_i32_0 = arith.constant 0 : i32
    %c0_i32_1 = arith.constant 0 : i32
    return %c0_i32, %c0_i32_0 : i32, i32
  }
  func.func @transform_2(%arg0: i32) -> (i32, i32) {
    %c0_i32 = arith.constant 0 : i32
    %c0_i32_0 = arith.constant 0 : i32
    %c0_i32_1 = arith.constant 0 : i32
    return %c0_i32, %c0_i32_0 : i32, i32
  }
  func.func @transform_3(%arg0: i32) -> (i32, i32) {
    %c0_i32 = arith.constant 0 : i32
    %c0_i32_0 = arith.constant 0 : i32
    return %arg0, %c0_i32 : i32, i32
  }
}

</mosaic_0001>

<sc_bundles>
// kernel: kernel.4.cloned.1.call-start
scs
__scs_entry_jumppad:
0x0: {  	(pc) =	sbr.rel $0x88, $3  }
0x1: {  	(tag) =	ssettag $0x0;
	lr =	simm.s32 $0x1  }
0x2: {  	[smem:$0x3F97] =	sst lr;
	_ =	strace $0xD0000000  }
0x3: {  	_ = 	snop  }
0x4: {  	_ = 	snop  }
0x5: {  	_ = 	snop  }
0x6: {  	_ = 	snop  }
0x7: {  	_ = 	snop  }
__scs_overlays_trampoline_lowered:
0x8: {  	[smem:$0x3FA6] =	sst s0  }
0x9: {  	[smem:$0x3FA7] =	sst s1  }
0xa: {  	[smem:$0x3FA8] =	sst s2  }
0xb: {  	[smem:$0x3FA9] =	sst s3  }
0xc: {  	[smem:$0x3FAA] =	sst s4  }
0xd: {  	[smem:$0x3FAB] =	sst s5  }
0xe: {  	[smem:$0x3FAC] =	sst s6  }
0xf: {  	[smem:$0x3FAD] =	sst s7  }
0x10: {  	[smem:$0x3FAE] =	sst s8  }
0x11: {  	[smem:$0x3FAF] =	sst s9;
	s0 =	simm.s32 @!p0 $0x0  }
0x12: {  	s1 =	sld [smem:$0x3F95];
	s0 =	simm.s32 @p0 $0x1  }
0x13: {  	[smem:$0x3FB0] =	sst s0;
	s0 =	simm.s32 @!p1 $0x0  }
0x14: {  	s2 =	sld [smem:$0x3F94];
	s0 =	simm.s32 @p1 $0x1  }
0x15: {  	[smem:$0x3FB1] =	sst s0;
	s0 =	simm.s32 @!p2 $0x0  }
0x16: {  	s3 =	sld [smem:$0x3FDB];
	s0 =	simm.s32 @p2 $0x1  }
0x17: {  	s4 =	simm.s32 $0x1BF5;
	[smem:$0x3FB3] =	sst s0  }
0x18: {  	s0 =	sld [smem:$0x3F96];
	_ =	swait.ge [sflag:s4], $0x0  }
0x19: {  	s7 =	sld [smem:$0x3F97]  }
0x1a: {  	s8 =	sadd.s32 $0xFFFFE003, lr  }
0x1b: {  	s9 =	sadd.s32 $0xFFFFFEF7, lr;
	s5 =	simm.s32 $0xFFFFFFFF;
	p2 =	slt.u32 s8, $0xFFFFF086  }
0x1c: {  	p1 =	slt.u32 s9, $0xF7A;
	s5 =	simm.s32 @!p2 $0x0  }
0x1d: {  	s5 =	simm.s32 @p1 $0x1;
	p0 =	seq.s32 s7, s2  }
0x1e: {  	s7 =	smul.u32 @!p0 $0xF7A, s2;
	p2 =	seq.s32 @!p0 s5, $0x0  }
0x1f: {  	s9 =	smul.u32 $0xF7A, s1;
	s8 =	simm.s32 @!p0 $0x1BF5;
	p2 =	por !p2, p0  }
0x20: {  	[sflag:s8] =	ssyncset.s32 @!p0 $0xFFFFF086;
	s6 =	sadd.s32 @!p0 s3, s7;
	s7 =	simm.s32 @!p0 $0x108  }
0x21: {  	s3 =	sadd.s32 s3, s9;
	s6 =	sadd.s32 @!p0 $0x88, s6;
	s7 =	simm.s32 @p2 $0x1082  }
0x22: {  	[simem:s7], [sflag:s8] =	dma.local @!p0 [hbm:s6], $0xF7A  }
0x23: {  	s9 =	sor.u32 $0xD0000000, s2;
	s6 =	simm.s32 $0x108;
	_ =	swait.ge @!p0 [sflag:s8], $0x0  }
0x24: {  	s3 =	sadd.s32 $0x88, s3;
	s6 =	simm.s32 @!p1 $0x1082;
	[sflag:s4] =	ssyncset.s32 $0xFFFFF086  }
0x25: {  	[simem:s6], [sflag:s4] =	dma.local [hbm:s3], $0xF7A  }
0x26: {  	[smem:$0x3F97] =	sst s1;
	(tag) =	ssettag s2;
	_ =	strace s9  }
0x27: {  	s1 =	sld [smem:$0x3FA7]  }
0x28: {  	s2 =	sld [smem:$0x3FA8]  }
0x29: {  	s4 =	sld [smem:$0x3FAA]  }
0x2a: {  	p0 =	seq.s32 s5, $0x0;
	s5 =	sld [smem:$0x3FAB]  }
0x2b: {  	s6 =	sld [smem:$0x3FAC]  }
0x2c: {  	s7 =	sld [smem:$0x3FAD]  }
0x2d: {  	s3 =	simm.s32 $0x108;
	s8 =	sld [smem:$0x3FAE]  }
0x2e: {  	s3 =	simm.s32 @!p0 $0x1082;
	s9 =	sld [smem:$0x3FAF]  }
0x2f: {  	lr =	sadd.s32 s0, s3;
	s0 =	sld [smem:$0x3FA6]  }
0x30: {  	s3 =	sld [smem:$0x3FA9]  }
0x31: {  	[smem:$0x3FB2] =	sst s10  }
0x32: {  	s10 =	sld [smem:$0x3FB0];
	_ =	sdelay $0x3  }
0x33: {  	p0 =	seq.s32 s10, $0x1;
	s10 =	sld [smem:$0x3FB2];
	_ =	sdelay $0x3  }
0x34: {  	[smem:$0x3FB2] =	sst s10  }
0x35: {  	s10 =	sld [smem:$0x3FB1];
	_ =	sdelay $0x3  }
0x36: {  	p1 =	seq.s32 s10, $0x1;
	s10 =	sld [smem:$0x3FB2];
	_ =	sdelay $0x3  }
0x37: {  	[smem:$0x3FB2] =	sst s10  }
0x38: {  	s10 =	sld [smem:$0x3FB3]  }
0x39: {  	_ = 	snop;
	(pc) =	sbr.ind lr, $3  }
0x3a: {  	_ = 	snop  }
0x3b: {  	_ = 	snop  }
0x3c: {  	p2 =	seq.s32 s10, $0x1;
	s10 =	sld [smem:$0x3FB2]  }
0x3d: {  	_ =	shalt  }
0x3e: {  	_ =	shalt  }
0x3f: {  	_ =	shalt  }
0x40: {  	_ =	shalt  }
0x41: {  	_ =	shalt  }
0x42: {  	_ =	shalt  }
0x43: {  	_ =	shalt  }
0x44: {  	_ =	shalt  }
0x45: {  	_ =	shalt  }
0x46: {  	_ =	shalt  }
0x47: {  	_ =	shalt  }
0x48: {  	_ =	shalt  }
0x49: {  	_ =	shalt  }
0x4a: {  	_ =	shalt  }
0x4b: {  	_ =	shalt  }
0x4c: {  	_ =	shalt  }
0x4d: {  	_ =	shalt  }
0x4e: {  	_ =	shalt  }
0x4f: {  	_ =	shalt  }
0x50: {  	_ =	shalt  }
0x51: {  	_ =	shalt  }
0x52: {  	_ =	shalt  }
0x53: {  	_ =	shalt  }
0x54: {  	_ =	shalt  }
0x55: {  	_ =	shalt  }
0x56: {  	_ =	shalt  }
0x57: {  	_ =	shalt  }
0x58: {  	_ =	shalt  }
0x59: {  	_ =	shalt  }
0x5a: {  	_ =	shalt  }
0x5b: {  	_ =	shalt  }
0x5c: {  	_ =	shalt  }
0x5d: {  	_ =	shalt  }
0x5e: {  	_ =	shalt  }
0x5f: {  	_ =	shalt  }
0x60: {  	_ =	shalt  }
0x61: {  	_ =	shalt  }
0x62: {  	_ =	shalt  }
0x63: {  	_ =	shalt  }
0x64: {  	_ =	shalt  }
0x65: {  	_ =	shalt  }
0x66: {  	_ =	shalt  }
0x67: {  	_ =	shalt  }
0x68: {  	_ =	shalt  }
0x69: {  	_ =	shalt  }
0x6a: {  	_ =	shalt  }
0x6b: {  	_ =	shalt  }
0x6c: {  	_ =	shalt  }
0x6d: {  	_ =	shalt  }
0x6e: {  	_ =	shalt  }
0x6f: {  	_ =	shalt  }
0x70: {  	_ =	shalt  }
0x71: {  	_ =	shalt  }
0x72: {  	_ =	shalt  }
0x73: {  	_ =	shalt  }
0x74: {  	_ =	shalt  }
0x75: {  	_ =	shalt  }
0x76: {  	_ =	shalt  }
0x77: {  	_ =	shalt  }
0x78: {  	_ =	shalt  }
0x79: {  	_ =	shalt  }
0x7a: {  	_ =	shalt  }
0x7b: {  	_ =	shalt  }
0x7c: {  	_ =	shalt  }
0x7d: {  	_ =	shalt  }
0x7e: {  	_ =	shalt  }
0x7f: {  	_ =	shalt  }
0x80: {  	_ =	shalt  }
0x81: {  	_ =	shalt  }
0x82: {  	_ =	shalt  }
0x83: {  	_ =	shalt  }
0x84: {  	_ =	shalt  }
0x85: {  	_ =	shalt  }
0x86: {  	_ =	shalt  }
0x87: {  	_ =	shalt  }
.Lfunc_end0:
.L_simem_size_0:
called_computation.4_lowered:
.L_overlay_start_0:
0x88: {  	s2 =	sld [smem:$0x3FD9]  }
0x89: {  	s3 =	sld [smem:$0x3FFE];
	_ =	sdelay $0x1  }
0x8a: {  	s1 =	srdreg.scid  }
0x8b: {  	s0 =	sand.u32 $0x1, s1  }
0x8c: {  	s17 =	sshll.u32 s0, $0xA;
	s2 =	sadd.s32 s3, s2  }
0x8d: {  	s2 =	sadd.s32 s2, s17  }
0x8e: {  	[smem:$0x3FBE] =	sst s2  }
0x8f: {  	_ = 	snop  }
0x90: {  	s2 =	sld [smem:$0x3FD0];
	(tm) =	ssettm $0x1  }
0x91: {  	s18 =	sld [smem:$0x3FFB];
	_ =	sdelay $0x3  }
0x92: {  	_ =	strace s18  }
0x93: {  	s3 =	sld [smem:$0x3FFC];
	_ =	sdelay $0x3  }
0x94: {  	_ =	strace s3  }
0x95: {  	s3 =	sld [smem:$0x3FFD];
	_ =	sdelay $0x3  }
0x96: {  	_ =	strace s3  }
0x97: {  	_ =	strace $0x8FFFFFFF  }
0x98: {  	s19 =	sld [smem:$0x3FDB];
	_ =	sdelay $0x1  }
0x99: {  	s4 =	simm.s32 $_scs_section_size  }
0x9a: {  	s5 =	simm.s32 $_size__tile_overlayer_lowered;
	s6 =	simm.s32 $_tile_overlayer_lowered  }
0x9b: {  	s22 =	simm.s32 $0x1BFF;
	s21 =	sshll.u32 s6, $0x1;
	s3 =	sadd.s32 s4, s19  }
0x9c: {  	s7 =	simm.s32 $0x0;
	s20 =	sshll.u32 s5, $0x1;
	s5 =	sadd.s32 s21, s3  }
0x9d: {  	[timem:s7], [sflag:s22] =	dma.local [hbm:s5], s20  }
0x9e: {  	_ =	swait.ge [sflag:s22], s20  }
0x9f: {  	s4 =	ssub.s32 $0x0, s20;
	[sflag:s22] =	ssyncset.done $0x0  }
0xa0: {  	[sflag:s22] =	ssyncadd.s32 s4;
	_ =	sdelay $0x1  }
0xa1: {  	s23 =	simm.s32 $0x1B8B  }
0xa2: {  	_ =	swait.ge [sflag:s23], $0x1  }
0xa3: {  	[sflag:s23] =	ssyncset.done $0x0  }
0xa4: {  	s25 =	simm.s32 $0x1B8E;
	s24 =	sld [smem:$0x3FFE];
	[sflag:s23] =	ssyncadd.s32 $0xFFFFFFFF  }
0xa5: {  	s26 =	simm.s32 $execute0_lowered;
	[smem:$0x3FD2] =	sst s25  }
0xa6: {  	s5 =	sshll.u32 s26, $0x1;
	_ =	strace $0x80000052;
	[dreg:$0x1] =	wrdreg $0xFFFFFFFF  }
0xa7: {  	s28 =	simm.s32 $_size_execute0_lowered;
	s3 =	sadd.s32 s3, s5;
	[dreg:$0x0] =	wrdreg $0x0  }
0xa8: {  	s5 =	sshll.u32 s28, $0x1;
	[dreg:$0x2] =	wrdreg s3  }
0xa9: {  	[dreg:$0x3] =	wrdreg s5  }
0xaa: {  	[dreg:$0x4] =	wrdreg $0xC0  }
0xab: {  	_ =	task [dreg:s7], $0x5FFFF  }
0xac: {  	[dreg:$0x1] =	wrdreg $0xFFFFFFFF  }
0xad: {  	[dreg:$0x0] =	wrdreg $0x60  }
0xae: {  	[dreg:$0x2] =	wrdreg s24  }
0xaf: {  	[dreg:$0x3] =	wrdreg s2  }
0xb0: {  	[dreg:$0x4] =	wrdreg $0x9  }
0xb1: {  	_ =	task.clear_ibuf [dreg:s7], $0x5FFFF;
	_ =	strace $0x90000052  }
0xb2: {  	s29 =	simm.s32 $0x9;
	_ =	strace $0x80000054  }
0xb3: {  	_ =	swait.ge [sflag:s29], $0x1  }
0xb4: {  	[sflag:s29] =	ssyncadd.s32 $0xFFFFFFFF  }
0xb5: {  	_ =	strace $0x90000054  }
0xb6: {  	_ =	sfence  }
0xb7: {  	s30 =	sld [smem:$0x0];
	_ =	sdelay $0x2  }
0xb8: {  	s31 =	sshll.u32 s1, $0xD;
	s1 =	sshrl.u32 s1, $0x2  }
0xb9: {  	s3 =	sand.u32 $0x4000, s31;
	s1 =	sadd.s32 s1, s30  }
0xba: {  	s0 =	sor.u32 s3, s0;
	s1 =	sshll.u32 s1, $0x11  }
0xbb: {  	s0 =	sor.u32 s1, s0  }
0xbc: {  	s0 =	sadd.s32 $0x8F2B, s0  }
0xbd: {  	[sflag:s0] =	ssyncadd.remote.s32 $0x1  }
0xbe: {  	_ =	sfence.sel $0xFFFF  }
0xbf: {  	[dreg:$0x0] =	wrdreg $0xFFFFFFFF;
	(pc) =	sbr.abs _section_cstart, $3  }
0xc0: {  	[dreg:$0x1] =	wrdreg $0xFFFFFFFF  }
0xc1: {  	_ =	task.clear_ibuf [dreg:s7], $0x2FFFF;
	_ =	strace $0x9FFFFFFF  }
0xc2: {  	(tm) =	ssettm $0x7FFFFFFF  }
0xc3: {  	_ =	shalt  }
tec
execute0_lowered:
.L_overlay_start_1:
0x0: {  	(tag) =	ssettag $0x1  }
0x1: {  	s0 =	rddreg [dreg:$0x0];
	s2 =	simm.s32 $0x0;
	s1 =	srdreg.scid  }
0x2: {  	s6 =	stileid.u32;
	s12 =	simm.s32 $0x2;
	s13 =	simm.s32 $0x40  }
0x3: {  	s16 =	simm.s32 $0xA20;
	s14 =	simm.s32 $0x3E0;
	s15 =	simm.s32 $0x8E20  }
0x4: {  	s17 =	simm.s32 $0x420;
	s18 =	simm.s32 $0x9A20;
	s19 =	simm.s32 $0x460  }
0x5: {  	s20 =	simm.s32 $0xA620;
	s21 =	simm.s32 $0x4A0;
	s22 =	simm.s32 $0xB220  }
0x6: {  	s23 =	simm.s32 $0x4E0;
	s28 =	simm.s32 $0x560;
	s29 =	simm.s32 $0xD620  }
0x7: {  	s30 =	simm.s32 $0x1;
	s31 =	simm.s32 $0xE220;
	[smem:$0x7FF] =	sst s2  }
0x8: {  	s3 =	sadd.s32 $0xA600, s0;
	s4 =	sadd.s32 $0x2600, s0;
	s1 =	sand.u32 $0x1, s1  }
0x9: {  	s5 =	sadd.s32 $0x12600, s0;
	s7 =	sadd.s32 $0x12800, s0;
	s8 =	sadd.s32 $0x494C00, s0  }
0xa: {  	s26 =	sshll.u32 s6, $0xD;
	_ =	strace $0x80000053;
	s24 =	ssub.s32 $0x2, s1  }
0xb: {  	[dreg:$0x3] =	wrdreg s5;
	s1 =	sshll.u32 s1, $0x11;
	s25 =	sshrl.u32 s24, $0x1  }
0xc: {  	v0 =	vlaneseq.u32;
	s5 =	simm.s32 $0x0;
	s9 =	sor.u32 s26, s1;
	s0 =	ssub.s32 s24, s25  }
0xd: {  	v0 =	vmul.u32 $0x30, v0;
	s1 =	simm.s32 $0x8220;
	s26 =	simm.s32 $0xCA20;
	s0 =	smax.u32 s0, $0x1  }
0xe: {  	s24 =	simm.s32 $0xBE20;
	s25 =	simm.s32 $0x520;
	[dreg:$0x4] =	wrdreg s0  }
.LBB2_1:
0xf: {  	[dreg:$0x5] =	wrdreg s5  }
0x10: {  	s0 =	rddreg [dreg:$0x3];
	s11 =	simm.s32 $0xC0  }
0x11: {  	[tilespmem:s11], [sflag:$0x2] =	stream.linear.gather [hbm4b:s0+s2], $0x60, $0x38;
	[tilespmem:$0xEE20] =	vst v63  }
0x12: {  	_ =	swait.ge [sflag:s12], $0x60  }
0x13: {  	[sflag:s12] =	ssyncset.done $0x0  }
0x14: {  	[sflag:s12] =	ssyncadd.s32 $0xFFFFFFA0  }
0x15: {  	v1 =	vld [tilespmem:$0xC0];
	_ =	sdelay $0x4  }
0x16: {  	[tilespmem:$0x1FFA0] =	vst v1;
	v1 =	vld [tilespmem:$0xD0];
	_ =	sdelay $0x4  }
0x17: {  	[tilespmem:$0x1FFB0] =	vst v1;
	v1 =	vld [tilespmem:$0xE0];
	_ =	sdelay $0x4  }
0x18: {  	[tilespmem:$0x1FFC0] =	vst v1;
	v1 =	vld [tilespmem:$0xF0];
	_ =	sdelay $0x4  }
0x19: {  	[tilespmem:$0x1FFD0] =	vst v1;
	v1 =	vld [tilespmem:$0x100];
	_ =	sdelay $0x4  }
0x1a: {  	[tilespmem:$0x1FFE0] =	vst v1;
	v1 =	vld [tilespmem:$0x110];
	_ =	sdelay $0x4  }
0x1b: {  	s0 =	simm.s32 $0x0;
	[tilespmem:$0x1FFF0] =	vst v1  }
.LBB2_2:
0x1c: {  	s5 =	sshll.u32 s0, $0x6  }
0x1d: {  	s5 =	sadd.s32 s9, s5  }
0x1e: {  	s6 =	sshrl.u32 s5, $0x3  }
0x1f: {  	s11 =	simm.s32 $0x0;
	s10 =	sadd.s32 s3, s6  }
0x20: {  	[tilespmem:s11], [sflag:$0x2] =	stream.linear.gather [hbm4b:s10+s11], $0x40, $0x38;
	[tilespmem:$0xEE20] =	vst v63  }
0x21: {  	_ =	swait.ge [sflag:s12], $0x40  }
0x22: {  	[sflag:s12] =	ssyncset.done $0x0  }
0x23: {  	s10 =	sadd.s32 s4, s6;
	[sflag:s12] =	ssyncadd.s32 $0xFFFFFFC0  }
0x24: {  	[tilespmem:s13], [sflag:$0x2] =	stream.linear.gather [hbm4b:s10+s11], $0x40, $0x38;
	[tilespmem:$0xEE20] =	vst v63  }
0x25: {  	_ =	swait.ge [sflag:s12], $0x40  }
0x26: {  	[sflag:s12] =	ssyncset.done $0x0  }
0x27: {  	[sflag:s12] =	ssyncadd.s32 $0xFFFFFFC0  }
0x28: {  	s10 =	rddreg [dreg:$0x1]  }
0x29: {  	s6 =	sadd.s32 s10, s6;
	s10 =	simm.s32 $0x80  }
0x2a: {  	[tilespmem:s10], [sflag:$0x2] =	stream.linear.gather [hbm4b:s6+s11], $0x40, $0x38;
	[tilespmem:$0xEE20] =	vst v63  }
0x2b: {  	_ =	swait.ge [sflag:s12], $0x40  }
0x2c: {  	v1 =	vld [tilespmem:$0x1FFA0]  }
0x2d: {  	v2 =	vld [tilespmem:$0x1FFB0]  }
0x2e: {  	[sflag:s12] =	ssyncset.done $0x0;
	v3 =	vld [tilespmem:$0x1FFC0]  }
0x2f: {  	v4 =	vld [tilespmem:$0x1FFD0];
	[sflag:s12] =	ssyncadd.s32 $0xFFFFFFC0  }
0x30: {  	v7 =	vld [tilespmem:$0x0]  }
0x31: {  	v8 =	vld [tilespmem:$0x40]  }
0x32: {  	v9 =	vld [tilespmem:$0x80]  }
0x33: {  	v5 =	vld [tilespmem:$0x1FFE0]  }
0x34: {  	v6 =	vld [tilespmem:$0x1FFF0];
	_ =	sdelay $0x1  }
0x35: {  	v7 =	vsub.f32 v7, v1;
	v8 =	vsub.f32 v8, v2  }
0x36: {  	v9 =	vsub.f32 v9, v3  }
0x37: {  	v7 =	vmul.f32 v7, v4;
	v8 =	vmul.f32 v8, v5  }
0x38: {  	v9 =	vmul.f32 v9, v6  }
0x39: {  	v10 =	vand.u32 $0x7FFFFFFF, v7;
	v11 =	vand.u32 $0x7FFFFFFF, v8  }
0x3a: {  	v10 =	vmax.f32 v10, v11;
	v11 =	vand.u32 $0x7FFFFFFF, v9  }
0x3b: {  	v10 =	vmax.f32 v10, v11  }
0x3c: {  	v11 =	vmax.f32 v10, $1.000000000e+00  }
0x3d: {  	(erf) = vrcp.f32 v11;
	_ =	sdelay $0x8  }
0x3e: {  	v11 =	vpop (erf)  }
0x3f: {  	v12 =	vsub.f32 $2.000000000e+00, v11;
	_ =	sdelay $0x1  }
0x40: {  	v11 =	vmul.f32 v12, v11;
	_ =	sdelay $0x1  }
0x41: {  	v12 =	vmul.f32 v11, v7;
	v13 =	vmul.f32 v11, v8  }
0x42: {  	vm0 =	vgt.f32 v10, $1.000000000e+00  }
0x43: {  	v10 =	vld [tilespmem:$0x10];
	v7 =	vsel vm0, v12, v7;
	v8 =	vsel vm0, v13, v8  }
0x44: {  	v7 =	vmax.f32 v7, $-1.000000000e+00;
	v8 =	vmax.f32 v8, $-1.000000000e+00  }
0x45: {  	v7 =	vmin.f32 v7, $1.000000000e+00;
	v8 =	vmin.f32 v8, $1.000000000e+00  }
0x46: {  	v7 =	vadd.f32 $1.000000000e+00, v7;
	v8 =	vadd.f32 $1.000000000e+00, v8  }
0x47: {  	v11 =	vmul.f32 v11, v9;
	v12 =	vld [tilespmem:$0x50]  }
0x48: {  	v10 =	vsub.f32 v10, v1;
	v7 =	vmul.f32 $2.555000000e+02, v7;
	v13 =	vmul.f32 $2.555000000e+02, v8;
	v8 =	vld [tilespmem:$0x90];
	_ =	sdelay $0x1  }
0x49: {  	v10 =	vmul.f32 v10, v4;
	v9 =	vsel vm0, v11, v9;
	v14 =	vtrunc.f32 v7  }
0x4a: {  	v9 =	vmax.f32 v9, $-1.000000000e+00;
	v15 =	vtrunc.f32 v13;
	v14 =	vcvt.f32.s32 v14  }
0x4b: {  	v9 =	vmin.f32 v9, $1.000000000e+00;
	v11 =	vsub.f32 v12, v2;
	v15 =	vcvt.f32.s32 v15  }
0x4c: {  	v9 =	vadd.f32 $1.000000000e+00, v9;
	v12 =	vcvt.s32.f32 v14;
	v17 =	vsub.f32 v8, v3  }
0x4d: {  	v18 =	vmul.f32 v11, v5;
	v16 =	vcvt.s32.f32 v15  }
0x4e: {  	v9 =	vmul.f32 $2.555000000e+02, v9;
	v8 =	vsub.f32 v7, v12;
	v12 =	vmul.f32 v17, v6  }
0x4f: {  	v11 =	vand.u32 $0x7FFFFFFF, v10;
	v57 =	vsub.f32 v13, v16;
	v16 =	vand.u32 $0x7FFFFFFF, v18  }
0x50: {  	v13 =	vadd.s32 $0x1, v14;
	v16 =	vmax.f32 v11, v16;
	v17 =	vand.u32 $0x7FFFFFFF, v12  }
0x51: {  	v20 =	vshll.u32 v15, $0x9;
	vm13 =	vlt.s32 v13, $0x1FF;
	v16 =	vmax.f32 v16, v17  }
0x52: {  	v21 =	vsub.f32 $1.000000000e+00, v57;
	[tilespmem:$0x960] =	vst v57;
	v17 =	vadd.s32 $0x1, v15;
	v19 =	vmax.f32 v16, $1.000000000e+00  }
0x53: {  	v11 =	vsub.f32 $1.000000000e+00, v8;
	[tilespmem:$0x9E0] =	vst v8;
	vm14 =	vlt.s32 v17, $0x1FF;
	(erf) = vrcp.f32 v19  }
0x54: {  	v13 =	vnsel vm13, $0x1FF, v13;
	[tilespmem:$0x920] =	vst v21;
	v17 =	vnsel vm14, $0x1FF, v17;
	v19 =	vadd.s32 v14, v20  }
0x55: {  	v22 =	vshll.u32 v17, $0x9;
	[tilespmem:$0x120] =	vst v19;
	v19 =	vadd.s32 v20, v13;
	v20 =	vtrunc.f32 v9  }
0x56: {  	[tilespmem:$0x160] =	vst v19;
	v19 =	vadd.s32 v14, v22;
	v20 =	vcvt.f32.s32 v20  }
0x57: {  	[tilespmem:$0x1A0] =	vst v19;
	v19 =	vadd.s32 v13, v22;
	v22 =	vmul.f32 v11, v21  }
0x58: {  	[tilespmem:$0x1E0] =	vst v19;
	v19 =	vmul.f32 v21, v8;
	v23 =	vcvt.s32.f32 v20  }
0x59: {  	[tilespmem:$0x5A0] =	vst v22;
	v22 =	vmul.f32 v11, v57  }
0x5a: {  	v24 =	vadd.s32 $0x1, v20;
	[tilespmem:$0x5E0] =	vst v19;
	v19 =	vmul.f32 v8, v57  }
0x5b: {  	vm15 =	vlt.s32 v24, $0x1FF;
	[tilespmem:$0x620] =	vst v22  }
0x5c: {  	v22 =	vsub.f32 v9, v23;
	v9 =	vadd.s32 $0xC0000, v20;
	[tilespmem:$0x660] =	vst v19;
	v19 =	vnsel vm15, $0x1FF, v24;
	v23 =	vpop (erf)  }
0x5d: {  	[tilespmem:$0x420] =	vst v9;
	v9 =	vadd.s32 $0xC0000, v19;
	v25 =	vsub.f32 $2.000000000e+00, v23  }
0x5e: {  	vm4 =	vgt.f32 v16, $1.000000000e+00;
	v24 =	vsub.f32 $1.000000000e+00, v22;
	[tilespmem:$0x460] =	vst v9;
	v9 =	vshll.u32 v20, $0x9  }
0x5f: {  	[tilespmem:$0x9A0] =	vst v11;
	v19 =	vshll.u32 v19, $0x9;
	v20 =	vadd.s32 $0x40000, v9;
	v23 =	vmul.f32 v25, v23  }
0x60: {  	[tilespmem:$0x8E0] =	vst v22;
	v26 =	vadd.s32 $0x40000, v19;
	v16 =	vmul.f32 v11, v24;
	v25 =	vadd.s32 v14, v20  }
0x61: {  	v9 =	vadd.s32 $0x80000, v9;
	v20 =	vadd.s32 v13, v20;
	[tilespmem:$0x220] =	vst v25;
	v25 =	vmul.f32 v23, v10  }
0x62: {  	v27 =	vadd.s32 v17, v9;
	[tilespmem:$0x260] =	vst v20;
	v20 =	vadd.s32 v14, v26  }
0x63: {  	v26 =	vadd.s32 v13, v26;
	[tilespmem:$0x6A0] =	vst v16;
	v16 =	vmul.f32 v11, v22;
	v10 =	vsel vm4, v25, v10  }
0x64: {  	v14 =	vadd.s32 $0xC0400, v14;
	[tilespmem:$0x2A0] =	vst v20;
	v20 =	vmul.f32 v23, v18;
	v10 =	vmax.f32 v10, $-1.000000000e+00  }
0x65: {  	v23 =	vmul.f32 v23, v12;
	[tilespmem:$0x720] =	vst v16;
	v16 =	vadd.s32 $0xC0200, v15;
	v10 =	vmin.f32 v10, $1.000000000e+00  }
0x66: {  	[tilespmem:$0x2E0] =	vst v26;
	v25 =	vmul.f32 v24, v8;
	v18 =	vsel vm4, v20, v18;
	v10 =	vadd.f32 $1.000000000e+00, v10  }
0x67: {  	v29 =	vld [tilespmem:$0xA0];
	v20 =	vmul.f32 v8, v22;
	[tilespmem:$0x4A0] =	vst v16;
	v16 =	vadd.s32 $0x80000, v19;
	v19 =	vmul.f32 v21, v24  }
0x68: {  	v13 =	vadd.s32 $0xC0400, v13;
	v26 =	vld [tilespmem:$0x20];
	v21 =	vmul.f32 v21, v22;
	[tilespmem:$0x6E0] =	vst v25;
	v10 =	vmul.f32 $2.555000000e+02, v10  }
0x69: {  	v12 =	vsel vm4, v23, v12;
	v18 =	vmax.f32 v18, $-1.000000000e+00;
	v25 =	vadd.s32 $0xC0200, v17;
	[tilespmem:$0x760] =	vst v20  }
0x6a: {  	v18 =	vmin.f32 v18, $1.000000000e+00;
	v20 =	vmul.f32 v24, v57;
	[tilespmem:$0x4E0] =	vst v25;
	v25 =	vtrunc.f32 v10  }
0x6b: {  	[tilespmem:$0x8A0] =	vst v24;
	v24 =	vadd.s32 v15, v9;
	v18 =	vadd.f32 $1.000000000e+00, v18;
	v9 =	vcvt.f32.s32 v25;
	v25 =	vld [tilespmem:$0x60]  }
0x6c: {  	v12 =	vmax.f32 v12, $-1.000000000e+00;
	v15 =	vadd.s32 v15, v16;
	[tilespmem:$0x7A0] =	vst v19;
	v19 =	vsub.f32 v29, v3  }
0x6d: {  	v12 =	vmin.f32 v12, $1.000000000e+00;
	[tilespmem:$0x3A0] =	vst v15;
	v15 =	vsub.f32 v26, v1;
	v18 =	vmul.f32 $2.555000000e+02, v18  }
0x6e: {  	v22 =	vmul.f32 v57, v22;
	[tilespmem:$0x820] =	vst v21;
	v12 =	vadd.f32 $1.000000000e+00, v12;
	v19 =	vmul.f32 v19, v6  }
0x6f: {  	v16 =	vadd.s32 v17, v16;
	[tilespmem:$0x320] =	vst v24;
	v15 =	vmul.f32 v15, v4;
	v28 =	vtrunc.f32 v18  }
0x70: {  	[tilespmem:$0x3E0] =	vst v16;
	v12 =	vmul.f32 $2.555000000e+02, v12;
	v17 =	vcvt.f32.s32 v28;
	v16 =	vsub.f32 v25, v2  }
0x71: {  	[tilespmem:$0x7E0] =	vst v20;
	v21 =	vand.u32 $0x7FFFFFFF, v15;
	v24 =	vcvt.s32.f32 v9;
	v20 =	vadd.s32 $0x1, v9  }
0x72: {  	[tilespmem:$0x520] =	vst v14;
	v14 =	vadd.s32 $0x1, v17;
	vm5 =	vlt.s32 v20, $0x1FF;
	v16 =	vmul.f32 v16, v5  }
0x73: {  	[tilespmem:$0x360] =	vst v27;
	vm6 =	vlt.s32 v14, $0x1FF;
	v58 =	vsub.f32 v10, v24;
	v10 =	vcvt.s32.f32 v17  }
0x74: {  	[tilespmem:$0x860] =	vst v22;
	v11 =	vnsel vm6, $0x1FF, v14;
	v14 =	vshll.u32 v17, $0x9;
	v22 =	vand.u32 $0x7FFFFFFF, v16  }
0x75: {  	[tilespmem:$0x560] =	vst v13;
	v8 =	vadd.s32 v9, v14;
	v21 =	vmax.f32 v21, v22;
	v22 =	vand.u32 $0x7FFFFFFF, v19  }
0x76: {  	v20 =	vnsel vm5, $0x1FF, v20;
	v18 =	vsub.f32 v18, v10;
	[tilespmem:$0x130] =	vst v8;
	v13 =	vmax.f32 v21, v22  }
0x77: {  	v10 =	vsub.f32 $1.000000000e+00, v58;
	v8 =	vadd.s32 v14, v20;
	[tilespmem:$0x9F0] =	vst v58;
	v21 =	vmax.f32 v13, $1.000000000e+00  }
0x78: {  	[tilespmem:$0x170] =	vst v8;
	v22 =	vshll.u32 v11, $0x9;
	(erf) = vrcp.f32 v21;
	v21 =	vsub.f32 $1.000000000e+00, v18  }
0x79: {  	[tilespmem:$0x970] =	vst v18;
	v8 =	vadd.s32 v9, v22  }
0x7a: {  	v14 =	vtrunc.f32 v12;
	[tilespmem:$0x1B0] =	vst v8;
	v8 =	vadd.s32 v20, v22;
	v22 =	vmul.f32 v10, v21  }
0x7b: {  	v14 =	vcvt.f32.s32 v14;
	[tilespmem:$0x1F0] =	vst v8;
	v8 =	vmul.f32 v21, v58  }
0x7c: {  	[tilespmem:$0x5B0] =	vst v22;
	v22 =	vmul.f32 v10, v18  }
0x7d: {  	v23 =	vcvt.s32.f32 v14;
	v24 =	vadd.s32 $0x1, v14;
	[tilespmem:$0x5F0] =	vst v8;
	v8 =	vmul.f32 v58, v18  }
0x7e: {  	vm7 =	vlt.s32 v24, $0x1FF;
	[tilespmem:$0x630] =	vst v22  }
0x7f: {  	v22 =	vsub.f32 v12, v23;
	[tilespmem:$0x670] =	vst v8;
	v8 =	vadd.s32 $0xC0000, v14;
	v12 =	vnsel vm7, $0x1FF, v24  }
0x80: {  	[tilespmem:$0x430] =	vst v8;
	v8 =	vadd.s32 $0xC0000, v12  }
0x81: {  	v23 =	vsub.f32 $1.000000000e+00, v22;
	[tilespmem:$0x470] =	vst v8;
	v8 =	vshll.u32 v14, $0x9;
	v24 =	vpop (erf)  }
0x82: {  	[tilespmem:$0x9B0] =	vst v10;
	v25 =	vadd.s32 $0x40000, v8;
	v14 =	vsub.f32 $2.000000000e+00, v24  }
0x83: {  	v12 =	vshll.u32 v12, $0x9;
	[tilespmem:$0x8B0] =	vst v23;
	v26 =	vadd.s32 v9, v25  }
0x84: {  	v25 =	vadd.s32 v20, v25;
	[tilespmem:$0x230] =	vst v26;
	v14 =	vmul.f32 v14, v24;
	v24 =	vadd.s32 $0x40000, v12  }
0x85: {  	[tilespmem:$0x270] =	vst v25;
	v25 =	vadd.s32 v9, v24  }
0x86: {  	v24 =	vadd.s32 v20, v24;
	[tilespmem:$0x2B0] =	vst v25;
	v25 =	vmul.f32 v10, v23  }
0x87: {  	[tilespmem:$0x2F0] =	vst v24;
	v24 =	vmul.f32 v23, v58  }
0x88: {  	vm8 =	vgt.f32 v13, $1.000000000e+00;
	v13 =	vmul.f32 v14, v16;
	[tilespmem:$0x6B0] =	vst v25  }
0x89: {  	v26 =	vmul.f32 v14, v15;
	v25 =	vmul.f32 v10, v22;
	[tilespmem:$0x6F0] =	vst v24;
	v24 =	vadd.s32 $0xC0200, v17  }
0x8a: {  	v13 =	vsel vm8, v13, v16;
	v16 =	vmul.f32 v58, v22;
	[tilespmem:$0x4B0] =	vst v24  }
0x8b: {  	v8 =	vadd.s32 $0x80000, v8;
	v12 =	vadd.s32 $0x80000, v12;
	v15 =	vsel vm8, v26, v15;
	[tilespmem:$0x730] =	vst v25  }
0x8c: {  	v14 =	vmul.f32 v14, v19;
	v15 =	vmax.f32 v15, $-1.000000000e+00;
	[tilespmem:$0x770] =	vst v16;
	v16 =	vadd.s32 $0xC0200, v11  }
0x8d: {  	v13 =	vmax.f32 v13, $-1.000000000e+00;
	v15 =	vmin.f32 v15, $1.000000000e+00;
	v25 =	vadd.s32 v11, v8;
	[tilespmem:$0x4F0] =	vst v16  }
0x8e: {  	v13 =	vmin.f32 v13, $1.000000000e+00;
	v15 =	vadd.f32 $1.000000000e+00, v15;
	v16 =	vadd.s32 v17, v8;
	[tilespmem:$0x370] =	vst v25;
	v25 =	vld [tilespmem:$0x70]  }
0x8f: {  	v24 =	vmul.f32 v21, v23;
	v13 =	vadd.f32 $1.000000000e+00, v13;
	v17 =	vadd.s32 v17, v12;
	[tilespmem:$0x330] =	vst v16;
	v16 =	vld [tilespmem:$0x30]  }
0x90: {  	v23 =	vmul.f32 v23, v18;
	[tilespmem:$0x3B0] =	vst v17;
	v17 =	vadd.s32 $0xC0400, v20;
	v20 =	vld [tilespmem:$0xB0];
	v15 =	vmul.f32 $2.555000000e+02, v15  }
0x91: {  	[tilespmem:$0x930] =	vst v21;
	v14 =	vsel vm8, v14, v19;
	v21 =	vmul.f32 v21, v22;
	v13 =	vmul.f32 $2.555000000e+02, v13  }
0x92: {  	[tilespmem:$0x8F0] =	vst v22;
	v18 =	vmul.f32 v18, v22;
	v11 =	vadd.s32 v11, v12;
	v8 =	vtrunc.f32 v15  }
0x93: {  	v22 =	vadd.s32 $0xC0400, v9;
	[tilespmem:$0x3F0] =	vst v11;
	v26 =	vtrunc.f32 v13;
	v8 =	vcvt.f32.s32 v8  }
0x94: {  	v11 =	vmax.f32 v14, $-1.000000000e+00;
	[tilespmem:$0x830] =	vst v21;
	v12 =	vcvt.f32.s32 v26;
	v21 =	vsub.f32 v25, v2  }
0x95: {  	[tilespmem:$0x530] =	vst v22;
	v16 =	vsub.f32 v16, v1;
	v20 =	vsub.f32 v20, v3;
	v9 =	vcvt.s32.f32 v8  }
0x96: {  	[tilespmem:$0x7B0] =	vst v24;
	v19 =	vcvt.s32.f32 v12;
	v14 =	vadd.s32 $0x1, v8;
	v22 =	vshll.u32 v12, $0x9  }
0x97: {  	[tilespmem:$0x7F0] =	vst v23;
	v21 =	vmul.f32 v21, v5;
	v60 =	vadd.s32 $0xC0400, v8;
	vm9 =	vlt.s32 v14, $0x1FF  }
0x98: {  	[tilespmem:$0x870] =	vst v18;
	v16 =	vmul.f32 v16, v4;
	v20 =	vmul.f32 v20, v6;
	v10 =	vadd.s32 v8, v22  }
0x99: {  	[tilespmem:$0x570] =	vst v17;
	v9 =	vsub.f32 v15, v9;
	v15 =	vmin.f32 v11, $1.000000000e+00;
	v19 =	vsub.f32 v13, v19  }
0x9a: {  	[tilespmem:$0x540] =	vst v60;
	v13 =	vnsel vm9, $0x1FF, v14;
	v14 =	vadd.s32 $0x1, v12;
	v24 =	vand.u32 $0x7FFFFFFF, v21  }
0x9b: {  	[tilespmem:$0x140] =	vst v10;
	vm10 =	vlt.s32 v14, $0x1FF;
	v15 =	vadd.f32 $1.000000000e+00, v15;
	v10 =	vadd.s32 v22, v13  }
0x9c: {  	v23 =	vand.u32 $0x7FFFFFFF, v16;
	v11 =	vsub.f32 $1.000000000e+00, v9;
	v14 =	vnsel vm10, $0x1FF, v14;
	[tilespmem:$0x180] =	vst v10  }
0x9d: {  	v18 =	vsub.f32 $1.000000000e+00, v19;
	[tilespmem:$0x980] =	vst v19;
	v17 =	vshll.u32 v14, $0x9;
	v59 =	vmul.f32 $2.555000000e+02, v15  }
0x9e: {  	[tilespmem:$0xA00] =	vst v9;
	v15 =	vmax.f32 v23, v24;
	v23 =	vand.u32 $0x7FFFFFFF, v20;
	v22 =	vadd.s32 v8, v17  }
0x9f: {  	v15 =	vmax.f32 v15, v23;
	v10 =	vmul.f32 v11, v18;
	v17 =	vadd.s32 v13, v17;
	[tilespmem:$0x940] =	vst v18  }
0xa0: {  	v23 =	vtrunc.f32 v59;
	v24 =	vmax.f32 v15, $1.000000000e+00;
	[tilespmem:$0x200] =	vst v17;
	v17 =	vmul.f32 v18, v9  }
0xa1: {  	[tilespmem:$0x1C0] =	vst v22;
	v22 =	vcvt.f32.s32 v23;
	(erf) = vrcp.f32 v24  }
0xa2: {  	[tilespmem:$0x5C0] =	vst v10;
	v10 =	vmul.f32 v11, v19  }
0xa3: {  	[tilespmem:$0x600] =	vst v17;
	v17 =	vmul.f32 v9, v19;
	v24 =	vadd.s32 $0x1, v22  }
0xa4: {  	[tilespmem:$0x640] =	vst v10;
	vm11 =	vlt.s32 v24, $0x1FF  }
0xa5: {  	v23 =	vcvt.s32.f32 v22;
	v10 =	vadd.s32 $0xC0000, v22;
	[tilespmem:$0x680] =	vst v17;
	v17 =	vnsel vm11, $0x1FF, v24  }
0xa6: {  	[tilespmem:$0x440] =	vst v10;
	v10 =	vadd.s32 $0xC0000, v17  }
0xa7: {  	v7 =	vsub.f32 v59, v23;
	[tilespmem:$0x480] =	vst v10;
	v10 =	vshll.u32 v22, $0x9  }
0xa8: {  	[tilespmem:$0x9C0] =	vst v11;
	v22 =	vadd.s32 $0x40000, v10  }
0xa9: {  	v17 =	vshll.u32 v17, $0x9;
	[tilespmem:$0x900] =	vst v7;
	v24 =	vadd.s32 v8, v22  }
0xaa: {  	v23 =	vsub.f32 $1.000000000e+00, v7;
	v26 =	vadd.s32 $0x40000, v17;
	v22 =	vadd.s32 v13, v22;
	v25 =	vpop (erf);
	[tilespmem:$0x240] =	vst v24  }
0xab: {  	[tilespmem:$0x280] =	vst v22;
	v22 =	vadd.s32 v8, v26;
	v24 =	vsub.f32 $2.000000000e+00, v25  }
0xac: {  	[tilespmem:$0x2C0] =	vst v22;
	v22 =	vadd.s32 v13, v26;
	v26 =	vmul.f32 v11, v23  }
0xad: {  	[tilespmem:$0x300] =	vst v22;
	v22 =	vmul.f32 v23, v9;
	v24 =	vmul.f32 v24, v25  }
0xae: {  	[tilespmem:$0x6C0] =	vst v26  }
0xaf: {  	[tilespmem:$0x700] =	vst v22;
	v22 =	vmul.f32 v9, v7;
	v26 =	vmul.f32 v24, v16  }
0xb0: {  	vm12 =	vgt.f32 v15, $1.000000000e+00;
	v17 =	vadd.s32 $0x80000, v17;
	v10 =	vadd.s32 $0x80000, v10;
	[tilespmem:$0x8C0] =	vst v23  }
0xb1: {  	[tilespmem:$0x780] =	vst v22;
	v22 =	vadd.s32 $0xC0200, v12;
	v15 =	vsel vm12, v26, v16;
	v16 =	vmul.f32 v24, v21  }
0xb2: {  	v25 =	vmul.f32 v11, v7;
	[tilespmem:$0x4C0] =	vst v22;
	v22 =	vadd.s32 $0xC0200, v14;
	v15 =	vmax.f32 v15, $-1.000000000e+00  }
0xb3: {  	[tilespmem:$0x500] =	vst v22;
	v15 =	vmin.f32 v15, $1.000000000e+00;
	v16 =	vsel vm12, v16, v21;
	v21 =	vadd.s32 v12, v10  }
0xb4: {  	v10 =	vadd.s32 v14, v10;
	v16 =	vmax.f32 v16, $-1.000000000e+00;
	v15 =	vadd.f32 $1.000000000e+00, v15;
	[tilespmem:$0x340] =	vst v21  }
0xb5: {  	v22 =	vmul.f32 v23, v19;
	[tilespmem:$0x380] =	vst v10;
	v10 =	vadd.s32 v12, v17;
	v16 =	vmin.f32 v16, $1.000000000e+00  }
0xb6: {  	[tilespmem:$0x3C0] =	vst v10;
	v10 =	vadd.s32 v14, v17;
	v15 =	vmul.f32 $2.555000000e+02, v15;
	v16 =	vadd.f32 $1.000000000e+00, v16  }
0xb7: {  	v8 =	vadd.s32 $0xC0400, v13;
	v21 =	vmul.f32 v18, v23;
	[tilespmem:$0x400] =	vst v10;
	v10 =	vmul.f32 v24, v20  }
0xb8: {  	[tilespmem:$0x580] =	vst v8;
	v12 =	vmul.f32 $2.555000000e+02, v16;
	v16 =	vtrunc.f32 v15  }
0xb9: {  	[tilespmem:$0x740] =	vst v25;
	v14 =	vmul.f32 v18, v7;
	v16 =	vcvt.f32.s32 v16  }
0xba: {  	[tilespmem:$0x800] =	vst v22;
	v7 =	vmul.f32 v19, v7;
	v10 =	vsel vm12, v10, v20;
	v17 =	vtrunc.f32 v12  }
0xbb: {  	[tilespmem:$0x7C0] =	vst v21;
	v10 =	vmax.f32 v10, $-1.000000000e+00;
	v17 =	vcvt.f32.s32 v17;
	v13 =	vadd.s32 $0x1, v16  }
0xbc: {  	[tilespmem:$0x840] =	vst v14;
	v10 =	vmin.f32 v10, $1.000000000e+00;
	v18 =	vcvt.s32.f32 v16;
	vm13 =	vlt.s32 v13, $0x1FF  }
0xbd: {  	[tilespmem:$0x880] =	vst v7;
	v62 =	vadd.s32 $0xC0400, v16;
	v11 =	vnsel vm13, $0x1FF, v13;
	v13 =	vshll.u32 v17, $0x9  }
0xbe: {  	v10 =	vadd.f32 $1.000000000e+00, v10;
	[tilespmem:$0x550] =	vst v62;
	v9 =	vadd.s32 v16, v13  }
0xbf: {  	v14 =	vsub.f32 v15, v18;
	v15 =	vcvt.s32.f32 v17;
	v63 =	vadd.s32 $0xC0400, v11;
	[tilespmem:$0x150] =	vst v9  }
0xc0: {  	v8 =	vadd.s32 $0x1, v17;
	v10 =	vmul.f32 $2.555000000e+02, v10;
	[tilespmem:$0x590] =	vst v63  }
0xc1: {  	vm14 =	vlt.s32 v8, $0x1FF;
	v61 =	vsub.f32 v12, v15;
	v9 =	vadd.s32 v13, v11;
	[tilespmem:$0xA10] =	vst v14  }
0xc2: {  	v12 =	vsub.f32 $1.000000000e+00, v14;
	v8 =	vnsel vm14, $0x1FF, v8;
	[tilespmem:$0x190] =	vst v9  }
0xc3: {  	v13 =	vtrunc.f32 v10;
	v18 =	vshll.u32 v8, $0x9;
	[tilespmem:$0x990] =	vst v61  }
0xc4: {  	v13 =	vcvt.f32.s32 v13;
	v15 =	vsub.f32 $1.000000000e+00, v61;
	v9 =	vadd.s32 v16, v18;
	[tilespmem:$0x9D0] =	vst v12  }
0xc5: {  	[tilespmem:$0x1D0] =	vst v9;
	v9 =	vadd.s32 v11, v18  }
0xc6: {  	v19 =	vcvt.s32.f32 v13;
	v18 =	vmul.f32 v12, v15;
	[tilespmem:$0x210] =	vst v9  }
0xc7: {  	v9 =	vmul.f32 v15, v14;
	[tilespmem:$0x950] =	vst v15  }
0xc8: {  	v10 =	vsub.f32 v10, v19;
	[tilespmem:$0x5D0] =	vst v18  }
0xc9: {  	v18 =	vmul.f32 v12, v61;
	[tilespmem:$0x610] =	vst v9  }
0xca: {  	v20 =	vadd.s32 $0x1, v13;
	v9 =	vmul.f32 v14, v61;
	[tilespmem:$0x910] =	vst v10  }
0xcb: {  	vm15 =	vlt.s32 v20, $0x1FF;
	[tilespmem:$0x650] =	vst v18  }
0xcc: {  	[tilespmem:$0x690] =	vst v9;
	v9 =	vadd.s32 $0xC0000, v13;
	v18 =	vnsel vm15, $0x1FF, v20  }
0xcd: {  	v19 =	vsub.f32 $1.000000000e+00, v10;
	[tilespmem:$0x450] =	vst v9;
	v9 =	vadd.s32 $0xC0000, v18  }
0xce: {  	v7 =	vmul.f32 v61, v10;
	[tilespmem:$0x490] =	vst v9;
	v9 =	vshll.u32 v13, $0x9  }
0xcf: {  	[tilespmem:$0x8D0] =	vst v19;
	v13 =	vadd.s32 $0x40000, v9  }
0xd0: {  	v18 =	vshll.u32 v18, $0x9;
	[tilespmem:$0x890] =	vst v7;
	v20 =	vadd.s32 v16, v13  }
0xd1: {  	v21 =	vadd.s32 $0x40000, v18;
	v13 =	vadd.s32 v11, v13;
	[tilespmem:$0x250] =	vst v20  }
0xd2: {  	[tilespmem:$0x290] =	vst v13;
	v13 =	vadd.s32 v16, v21  }
0xd3: {  	v20 =	vmul.f32 v12, v19;
	[tilespmem:$0x2D0] =	vst v13;
	v13 =	vadd.s32 v11, v21  }
0xd4: {  	[tilespmem:$0x310] =	vst v13;
	v13 =	vmul.f32 v19, v14  }
0xd5: {  	[tilespmem:$0x6D0] =	vst v20;
	v20 =	vmul.f32 v12, v10  }
0xd6: {  	[tilespmem:$0x710] =	vst v13;
	v13 =	vmul.f32 v14, v10  }
0xd7: {  	[tilespmem:$0x750] =	vst v20  }
0xd8: {  	[tilespmem:$0x790] =	vst v13;
	v13 =	vadd.s32 $0xC0200, v17  }
0xd9: {  	v9 =	vadd.s32 $0x80000, v9;
	[tilespmem:$0x4D0] =	vst v13;
	v13 =	vadd.s32 $0xC0200, v8  }
0xda: {  	[tilespmem:$0x510] =	vst v13;
	v13 =	vadd.s32 v17, v9  }
0xdb: {  	v18 =	vadd.s32 $0x80000, v18;
	v9 =	vadd.s32 v8, v9;
	[tilespmem:$0x350] =	vst v13  }
0xdc: {  	[tilespmem:$0x390] =	vst v9;
	v9 =	vadd.s32 v17, v18  }
0xdd: {  	v8 =	vadd.s32 v8, v18;
	[tilespmem:$0x3D0] =	vst v9;
	v9 =	vmul.f32 v15, v19  }
0xde: {  	[tilespmem:$0x410] =	vst v8;
	v8 =	vmul.f32 v19, v61  }
0xdf: {  	[tilespmem:$0x7D0] =	vst v9;
	v9 =	vmul.f32 v15, v10  }
0xe0: {  	[tilespmem:$0x810] =	vst v8  }
0xe1: {  	s10 =	simm.s32 $0x120;
	[tilespmem:$0x850] =	vst v9  }
0xe2: {  	[tilespmem:s16], [sflag:$0x1] =	stream.indirect.gather [hbm4b:s7+s13], $0x30, s10, s13, $0xb8;
	[tilespmem:$0xEE20] =	vst v63  }
0xe3: {  	s6 =	simm.s32 $0x160;
	s10 =	simm.s32 $0x1620  }
0xe4: {  	[tilespmem:s10], [sflag:$0x1] =	stream.indirect.gather [hbm4b:s7+s13], $0x30, s6, s13, $0xb8;
	[tilespmem:$0xEE20] =	vst v63  }
0xe5: {  	s6 =	simm.s32 $0x1A0;
	s10 =	simm.s32 $0x2220  }
0xe6: {  	[tilespmem:s10], [sflag:$0x1] =	stream.indirect.gather [hbm4b:s7+s13], $0x30, s6, s13, $0xb8;
	[tilespmem:$0xEE20] =	vst v63  }
0xe7: {  	s6 =	simm.s32 $0x1E0;
	s10 =	simm.s32 $0x2E20  }
0xe8: {  	[tilespmem:s10], [sflag:$0x1] =	stream.indirect.gather [hbm4b:s7+s13], $0x30, s6, s13, $0xb8;
	[tilespmem:$0xEE20] =	vst v63  }
0xe9: {  	s6 =	simm.s32 $0x220;
	s10 =	simm.s32 $0x3A20  }
0xea: {  	[tilespmem:s10], [sflag:$0x1] =	stream.indirect.gather [hbm4b:s7+s13], $0x30, s6, s13, $0xb8;
	[tilespmem:$0xEE20] =	vst v63  }
0xeb: {  	s6 =	simm.s32 $0x260;
	s10 =	simm.s32 $0x4620  }
0xec: {  	[tilespmem:s10], [sflag:$0x1] =	stream.indirect.gather [hbm4b:s7+s13], $0x30, s6, s13, $0xb8;
	[tilespmem:$0xEE20] =	vst v63  }
0xed: {  	s6 =	simm.s32 $0x2A0;
	s10 =	simm.s32 $0x5220  }
0xee: {  	[tilespmem:s10], [sflag:$0x1] =	stream.indirect.gather [hbm4b:s7+s13], $0x30, s6, s13, $0xb8;
	[tilespmem:$0xEE20] =	vst v63  }
0xef: {  	s6 =	simm.s32 $0x2E0;
	s10 =	simm.s32 $0x5E20  }
0xf0: {  	[tilespmem:s10], [sflag:$0x1] =	stream.indirect.gather [hbm4b:s7+s13], $0x30, s6, s13, $0xb8;
	[tilespmem:$0xEE20] =	vst v63  }
0xf1: {  	s6 =	simm.s32 $0x320;
	s10 =	simm.s32 $0x6A20  }
0xf2: {  	[tilespmem:s10], [sflag:$0x1] =	stream.indirect.gather [hbm4b:s7+s13], $0x30, s6, s13, $0xb8;
	[tilespmem:$0xEE20] =	vst v63  }
0xf3: {  	s6 =	simm.s32 $0x360;
	s10 =	simm.s32 $0x7620  }
0xf4: {  	[tilespmem:s10], [sflag:$0x1] =	stream.indirect.gather [hbm4b:s7+s13], $0x30, s6, s13, $0xb8;
	[tilespmem:$0xEE20] =	vst v63  }
0xf5: {  	s10 =	simm.s32 $0x3A0  }
0xf6: {  	[tilespmem:s1], [sflag:$0x1] =	stream.indirect.gather [hbm4b:s7+s13], $0x30, s10, s13, $0xb8;
	[tilespmem:$0xEE20] =	vst v63  }
0xf7: {  	_ = 	snop  }
0xf8: {  	[tilespmem:s15], [sflag:$0x1] =	stream.indirect.gather [hbm4b:s7+s13], $0x30, s14, s13, $0xb8;
	[tilespmem:$0xEE20] =	vst v63  }
0xf9: {  	_ = 	snop  }
0xfa: {  	[tilespmem:s18], [sflag:$0x1] =	stream.indirect.gather [hbm4b:s7+s13], $0x30, s17, s13, $0xb8;
	[tilespmem:$0xEE20] =	vst v63  }
0xfb: {  	_ = 	snop  }
0xfc: {  	[tilespmem:s20], [sflag:$0x1] =	stream.indirect.gather [hbm4b:s7+s13], $0x30, s19, s13, $0xb8;
	[tilespmem:$0xEE20] =	vst v63  }
0xfd: {  	_ = 	snop  }
0xfe: {  	[tilespmem:s22], [sflag:$0x1] =	stream.indirect.gather [hbm4b:s7+s13], $0x30, s21, s13, $0xb8;
	[tilespmem:$0xEE20] =	vst v63  }
0xff: {  	_ = 	snop  }
0x100: {  	[tilespmem:s24], [sflag:$0x1] =	stream.indirect.gather [hbm4b:s7+s13], $0x30, s23, s13, $0xb8;
	[tilespmem:$0xEE20] =	vst v63  }
0x101: {  	_ = 	snop  }
0x102: {  	[tilespmem:s26], [sflag:$0x1] =	stream.indirect.gather [hbm4b:s7+s13], $0x30, s25, s13, $0xb8;
	[tilespmem:$0xEE20] =	vst v63  }
0x103: {  	_ = 	snop  }
0x104: {  	[tilespmem:s29], [sflag:$0x1] =	stream.indirect.gather [hbm4b:s7+s13], $0x30, s28, s13, $0xb8;
	[tilespmem:$0xEE20] =	vst v63  }
0x105: {  	_ =	swait.ge [sflag:s30], $0xC00  }
0x106: {  	[sflag:s30] =	ssyncset.done $0x0  }
0x107: {  	[sflag:s30] =	ssyncadd.s32 $0xFFFFF400  }
0x108: {  	_ =	swait.ge [sflag:s30], $0xC00  }
0x109: {  	[sflag:s30] =	ssyncset.done $0x0  }
0x10a: {  	[sflag:s30] =	ssyncadd.s32 $0xFFFFF400  }
0x10b: {  	_ =	swait.ge [sflag:s30], $0xC00  }
0x10c: {  	[sflag:s30] =	ssyncset.done $0x0  }
0x10d: {  	[sflag:s30] =	ssyncadd.s32 $0xFFFFF400  }
0x10e: {  	_ =	swait.ge [sflag:s30], $0xC00  }
0x10f: {  	[sflag:s30] =	ssyncset.done $0x0  }
0x110: {  	[sflag:s30] =	ssyncadd.s32 $0xFFFFF400  }
0x111: {  	_ =	swait.ge [sflag:s30], $0xC00  }
0x112: {  	[sflag:s30] =	ssyncset.done $0x0  }
0x113: {  	[sflag:s30] =	ssyncadd.s32 $0xFFFFF400  }
0x114: {  	_ =	swait.ge [sflag:s30], $0xC00  }
0x115: {  	[sflag:s30] =	ssyncset.done $0x0  }
0x116: {  	[sflag:s30] =	ssyncadd.s32 $0xFFFFF400  }
0x117: {  	_ =	swait.ge [sflag:s30], $0xC00  }
0x118: {  	[sflag:s30] =	ssyncset.done $0x0  }
0x119: {  	[sflag:s30] =	ssyncadd.s32 $0xFFFFF400  }
0x11a: {  	_ =	swait.ge [sflag:s30], $0xC00  }
0x11b: {  	[sflag:s30] =	ssyncset.done $0x0  }
0x11c: {  	[sflag:s30] =	ssyncadd.s32 $0xFFFFF400  }
0x11d: {  	_ =	swait.ge [sflag:s30], $0xC00  }
0x11e: {  	[sflag:s30] =	ssyncset.done $0x0  }
0x11f: {  	[sflag:s30] =	ssyncadd.s32 $0xFFFFF400  }
0x120: {  	_ =	swait.ge [sflag:s30], $0xC00  }
0x121: {  	[sflag:s30] =	ssyncset.done $0x0  }
0x122: {  	[sflag:s30] =	ssyncadd.s32 $0xFFFFF400  }
0x123: {  	_ =	swait.ge [sflag:s30], $0xC00  }
0x124: {  	[sflag:s30] =	ssyncset.done $0x0  }
0x125: {  	[sflag:s30] =	ssyncadd.s32 $0xFFFFF400  }
0x126: {  	_ =	swait.ge [sflag:s30], $0xC00  }
0x127: {  	[sflag:s30] =	ssyncset.done $0x0  }
0x128: {  	[sflag:s30] =	ssyncadd.s32 $0xFFFFF400  }
0x129: {  	_ =	swait.ge [sflag:s30], $0xC00  }
0x12a: {  	[sflag:s30] =	ssyncset.done $0x0  }
0x12b: {  	[sflag:s30] =	ssyncadd.s32 $0xFFFFF400  }
0x12c: {  	_ =	swait.ge [sflag:s30], $0xC00  }
0x12d: {  	[sflag:s30] =	ssyncset.done $0x0  }
0x12e: {  	[sflag:s30] =	ssyncadd.s32 $0xFFFFF400  }
0x12f: {  	_ =	swait.ge [sflag:s30], $0xC00  }
0x130: {  	[sflag:s30] =	ssyncset.done $0x0  }
0x131: {  	[sflag:s30] =	ssyncadd.s32 $0xFFFFF400  }
0x132: {  	_ =	swait.ge [sflag:s30], $0xC00  }
0x133: {  	[sflag:s30] =	ssyncset.done $0x0  }
0x134: {  	[sflag:s30] =	ssyncadd.s32 $0xFFFFF400  }
0x135: {  	_ =	swait.ge [sflag:s30], $0xC00  }
0x136: {  	[sflag:s30] =	ssyncset.done $0x0  }
0x137: {  	[sflag:s30] =	ssyncadd.s32 $0xFFFFF400  }
0x138: {  	_ =	swait.ge [sflag:s30], $0xC00  }
0x139: {  	[sflag:s30] =	ssyncset.done $0x0  }
0x13a: {  	[sflag:s30] =	ssyncadd.s32 $0xFFFFF400  }
0x13b: {  	v15 =	vld [tilespmem:$0x5A0]  }
0x13c: {  	v1 =	vld [tilespmem:$0x620]  }
0x13d: {  	v16 =	vld [tilespmem:$0x5E0]  }
0x13e: {  	v12 =	vld [tilespmem:$0x660]  }
0x13f: {  	v18 =	vld [tilespmem:$0x6A0]  }
0x140: {  	v20 =	vld [tilespmem:$0x6E0]  }
0x141: {  	[tilespmem:$0x1FF60] =	vst v1;
	v1 =	vld [tilespmem:$0x760]  }
0x142: {  	v17 =	vld [tilespmem:$0x720]  }
0x143: {  	v13 =	vld [tilespmem:$0x7A0]  }
0x144: {  	v30 =	vor.u32 $0x4800, v0;
	v14 =	vld [tilespmem:$0x7E0]  }
0x145: {  	v31 =	vor.u32 $0x9C00, v0;
	v32 =	vor.u32 $0xC00, v0;
	v34 =	vor.u32 $0x3C00, v0;
	v23 =	vld [tilespmem:$0x8A0]  }
0x146: {  	v35 =	vor.u32 $0xB400, v0;
	v36 =	vor.u32 $0x3000, v0;
	v11 =	vmov s11;
	[tilespmem:$0x1FF70] =	vst v1;
	v1 =	vld [tilespmem:$0x820]  }
0x147: {  	v38 =	vor.u32 $0x7800, v0;
	v40 =	vor.u32 $0x2400, v0;
	v33 =	vand.u32 $0x3F, v11;
	v25 =	vld [tilespmem:$0x8E0]  }
0x148: {  	v43 =	vor.u32 $0xA800, v0;
	v44 =	vor.u32 $0x1800, v0;
	v42 =	vadd.s32 v32, v33;
	v21 =	vld [tilespmem:$0x920]  }
0x149: {  	v45 =	vor.u32 $0x6C00, v0;
	v49 =	vor.u32 $0xC000, v0;
	v47 =	vadd.s32 v34, v33;
	v22 =	vld [tilespmem:$0x960]  }
0x14a: {  	v27 =	vor.u32 $0x6000, v0;
	v29 =	vor.u32 $0x9000, v0;
	v48 =	vadd.s32 v36, v33;
	v19 =	vld [tilespmem:$0x9A0]  }
0x14b: {  	v28 =	vor.u32 $0xCC00, v0;
	v26 =	vor.u32 $0x5400, v0;
	v11 =	vadd.s32 v0, v33;
	[tilespmem:$0x1FF80] =	vst v1;
	v1 =	vld [tilespmem:$0x860]  }
0x14c: {  	v50 =	vadd.s32 v29, v33;
	v46 =	vadd.s32 v30, v33;
	v39 =	vadd.s32 v27, v33;
	v24 =	vld [tilespmem:$0x9E0]  }
0x14d: {  	v51 =	vadd.s32 v31, v33;
	v41 =	vadd.s32 v26, v33;
	v37 =	vadd.s32 v35, v33;
	v56 =	vld.idx.msk [tilespmem:v42+s16+$0x0], $0xffff  }
0x14e: {  	v52 =	vadd.s32 v45, v33;
	v57 =	vadd.s32 v40, v33;
	v58 =	vadd.s32 v44, v33;
	v61 =	vld.idx.msk [tilespmem:v47+s16+$0x0], $0xffff  }
0x14f: {  	v55 =	vadd.s32 v43, v33;
	v53 =	vadd.s32 v49, v33;
	v59 =	vld.idx.msk [tilespmem:v48+s16+$0x0], $0xffff;
	v47 =	vor.u32 $0x8400, v0  }
0x150: {  	s11 =	simm.s32 $0x1;
	v42 =	vadd.s32 v38, v33;
	v60 =	vld.idx.msk [tilespmem:v11+s16+$0x0], $0xffff;
	v48 =	vmov v28;
	v54 =	vadd.s32 v47, v33;
	[tilespmem:$0x1FF90] =	vst v1  }
.LBB2_3:
0x151: {  	_ =	sdelay $0x2  }
0x152: {  	v57 =	vld.idx.msk [tilespmem:v57+s16+$0x0], $0xffff  }
0x153: {  	v51 =	vld.idx.msk [tilespmem:v51+s16+$0x0], $0xffff  }
0x154: {  	v62 =	vld.idx.msk [tilespmem:v50+s16+$0x0], $0xffff  }
0x155: {  	v1 =	vld.idx.msk [tilespmem:v46+s16+$0x0], $0xffff;
	v61 =	vmul.f32 v61, v20;
	v59 =	vmul.f32 v59, v18  }
0x156: {  	v58 =	vld.idx.msk [tilespmem:v58+s16+$0x0], $0xffff  }
0x157: {  	v10 =	vmul.f32 v57, v12;
	v57 =	vadd.f32 v61, v59;
	v61 =	vld [tilespmem:$0x1FF60]  }
0x158: {  	v52 =	vld.idx.msk [tilespmem:v52+s16+$0x0], $0xffff  }
0x159: {  	v6 =	vld.idx.msk [tilespmem:v39+s16+$0x0], $0xffff  }
0x15a: {  	v55 =	vld.idx.msk [tilespmem:v55+s16+$0x0], $0xffff  }
0x15b: {  	v9 =	vld.idx.msk [tilespmem:v42+s16+$0x0], $0xffff  }
0x15c: {  	v58 =	vmul.f32 v58, v61;
	v61 =	vld [tilespmem:$0x1FF80]  }
0x15d: {  	v63 =	vadd.s32 v48, v33;
	v8 =	vld.idx.msk [tilespmem:v41+s16+$0x0], $0xffff;
	v60 =	vmul.f32 v60, v15;
	v56 =	vmul.f32 v56, v16  }
0x15e: {  	v54 =	vld.idx.msk [tilespmem:v54+s16+$0x0], $0xffff;
	v7 =	vmul.f32 v51, v25;
	v62 =	vmul.f32 v62, v23  }
0x15f: {  	v53 =	vld.idx.msk [tilespmem:v53+s16+$0x0], $0xffff;
	v6 =	vmul.f32 v6, v13;
	v59 =	vmul.f32 v52, v14  }
0x160: {  	v7 =	vadd.f32 v7, v62;
	v62 =	vld [tilespmem:$0x1FF70]  }
0x161: {  	v56 =	vadd.f32 v56, v60;
	v60 =	vld.idx.msk [tilespmem:v37+s16+$0x0], $0xffff;
	v6 =	vadd.f32 v59, v6;
	v9 =	vmul.f32 v9, v61  }
0x162: {  	v63 =	vld.idx.msk [tilespmem:v63+s16+$0x0], $0xffff  }
0x163: {  	v1 =	vmul.f32 v1, v17;
	v6 =	vadd.f32 v9, v6;
	v9 =	vld [tilespmem:$0x1FF90]  }
0x164: {  	v56 =	vadd.f32 v58, v56  }
0x165: {  	v1 =	vadd.f32 v1, v57;
	v8 =	vmul.f32 v8, v62  }
0x166: {  	v55 =	vmul.f32 v55, v21;
	v60 =	vmul.f32 v60, v22;
	v10 =	vadd.f32 v10, v56  }
0x167: {  	v62 =	vmul.f32 v63, v24;
	v1 =	vadd.f32 v8, v1;
	v8 =	vmul.f32 v53, v19  }
0x168: {  	s6 =	smov.u32 s11;
	v63 =	vadd.f32 v60, v55;
	v7 =	vmul.f32 v7, v10;
	v9 =	vmul.f32 v54, v9  }
0x169: {  	v50 =	vmov s6;
	v8 =	vadd.f32 v62, v8  }
0x16a: {  	v1 =	vmul.f32 v63, v1;
	v7 =	vadd.f32 $0.0e+00, v7;
	v6 =	vadd.f32 v9, v6  }
0x16b: {  	v33 =	vand.u32 $0x3F, v50  }
0x16c: {  	v3 =	vadd.s32 v32, v33;
	v1 =	vadd.f32 v1, v7;
	v6 =	vmul.f32 v8, v6  }
0x16d: {  	v5 =	vadd.s32 v34, v33  }
0x16e: {  	v4 =	vadd.s32 v36, v33;
	v1 =	vadd.f32 v6, v1  }
0x16f: {  	p0 =	sne.s32 s11, $0x2F;
	v2 =	vadd.s32 v0, v33  }
.Ltmp0:
0x170: {  	v50 =	vadd.s32 v29, v33;
	v46 =	vadd.s32 v30, v33;
	[tilespmem:v11+s31+$0x0] =	vst.idx.msk $0xffff, v1;
	(pc) =	sbr.rel @p0 .LBB2_3-.Ltmp0, $4  }
0x171: {  	v39 =	vadd.s32 v27, v33;
	v41 =	vadd.s32 v26, v33;
	v42 =	vadd.s32 v38, v33;
	v56 =	vld.idx.msk [tilespmem:v3+s16+$0x0], $0xffff  }
0x172: {  	v51 =	vadd.s32 v31, v33;
	v37 =	vadd.s32 v35, v33;
	v52 =	vadd.s32 v45, v33;
	v61 =	vld.idx.msk [tilespmem:v5+s16+$0x0], $0xffff  }
0x173: {  	v57 =	vadd.s32 v40, v33;
	v58 =	vadd.s32 v44, v33;
	v55 =	vadd.s32 v43, v33;
	v59 =	vld.idx.msk [tilespmem:v4+s16+$0x0], $0xffff  }
0x174: {  	s11 =	sadd.s32 $0x1, s11;
	v48 =	vmovc v28;
	v53 =	vadd.s32 v49, v33;
	v54 =	vadd.s32 v47, v33;
	v11 =	vmov v2;
	v60 =	vld.idx.msk [tilespmem:v2+s16+$0x0], $0xffff  }
0x175: {  	_ =	sdelay $0x3  }
0x176: {  	v1 =	vld.idx.msk [tilespmem:v51+s16+$0x0], $0xffff  }
0x177: {  	v2 =	vld.idx.msk [tilespmem:v50+s16+$0x0], $0xffff  }
0x178: {  	v3 =	vld.idx.msk [tilespmem:v57+s16+$0x0], $0xffff  }
0x179: {  	v4 =	vld.idx.msk [tilespmem:v46+s16+$0x0], $0xffff  }
0x17a: {  	v5 =	vld.idx.msk [tilespmem:v58+s16+$0x0], $0xffff  }
0x17b: {  	v6 =	vld.idx.msk [tilespmem:v52+s16+$0x0], $0xffff  }
0x17c: {  	v8 =	vld.idx.msk [tilespmem:v39+s16+$0x0], $0xffff;
	v16 =	vmul.f32 v56, v16;
	v15 =	vmul.f32 v60, v15  }
0x17d: {  	v7 =	vadd.s32 v48, v33;
	v9 =	vld.idx.msk [tilespmem:v55+s16+$0x0], $0xffff  }
0x17e: {  	v15 =	vadd.f32 v16, v15;
	v16 =	vld [tilespmem:$0x1FF60]  }
0x17f: {  	v26 =	vld.idx.msk [tilespmem:v42+s16+$0x0], $0xffff  }
0x180: {  	v10 =	vmul.f32 v61, v20;
	v20 =	vld.idx.msk [tilespmem:v41+s16+$0x0], $0xffff  }
0x181: {  	v1 =	vmul.f32 v1, v25;
	v25 =	vld.idx.msk [tilespmem:v37+s16+$0x0], $0xffff  }
0x182: {  	v2 =	vmul.f32 v2, v23;
	v7 =	vld.idx.msk [tilespmem:v7+s16+$0x0], $0xffff  }
0x183: {  	v3 =	vmul.f32 v3, v12;
	v12 =	vld.idx.msk [tilespmem:v54+s16+$0x0], $0xffff;
	v5 =	vmul.f32 v5, v16  }
0x184: {  	v6 =	vmul.f32 v6, v14;
	v14 =	vld [tilespmem:$0x1FF80]  }
0x185: {  	v1 =	vadd.f32 v1, v2;
	v2 =	vmul.f32 v9, v21;
	v9 =	vld [tilespmem:$0x1FF70];
	v5 =	vadd.f32 v5, v15  }
0x186: {  	v18 =	vmul.f32 v59, v18;
	v8 =	vmul.f32 v8, v13;
	v13 =	vld.idx.msk [tilespmem:v53+s16+$0x0], $0xffff  }
0x187: {  	v3 =	vadd.f32 v3, v5;
	v5 =	vmul.f32 v7, v24;
	v7 =	vld [tilespmem:$0x1FF90]  }
0x188: {  	v4 =	vmul.f32 v4, v17;
	v10 =	vadd.f32 v10, v18  }
0x189: {  	v6 =	vadd.f32 v6, v8;
	v8 =	vmul.f32 v25, v22;
	v14 =	vmul.f32 v26, v14  }
0x18a: {  	v4 =	vadd.f32 v4, v10;
	v9 =	vmul.f32 v20, v9  }
0x18b: {  	v2 =	vadd.f32 v8, v2;
	v6 =	vadd.f32 v14, v6;
	v1 =	vmul.f32 v1, v3  }
0x18c: {  	v3 =	vadd.f32 v9, v4;
	v4 =	vmul.f32 v13, v19;
	v7 =	vmul.f32 v12, v7  }
0x18d: {  	v1 =	vadd.f32 $0.0e+00, v1  }
0x18e: {  	v2 =	vmul.f32 v2, v3;
	v3 =	vadd.f32 v5, v4;
	v6 =	vadd.f32 v7, v6;
	_ =	sdelay $0x1  }
0x18f: {  	v1 =	vadd.f32 v2, v1;
	v2 =	vmul.f32 v3, v6;
	_ =	sdelay $0x1  }
0x190: {  	v1 =	vadd.f32 v2, v1;
	_ =	sdelay $0x1  }
0x191: {  	[tilespmem:v11+s31+$0x0] =	vst.idx.msk $0xffff, v1  }
0x192: {  	v14 =	vld [tilespmem:$0x5B0]  }
0x193: {  	v15 =	vld [tilespmem:$0x5F0]  }
0x194: {  	v11 =	vld [tilespmem:$0x630]  }
0x195: {  	v17 =	vld [tilespmem:$0x670]  }
0x196: {  	v9 =	vld [tilespmem:$0x6B0]  }
0x197: {  	v10 =	vld [tilespmem:$0x6F0]  }
0x198: {  	v8 =	vld [tilespmem:$0x730]  }
0x199: {  	v20 =	vld [tilespmem:$0x770]  }
0x19a: {  	v12 =	vld [tilespmem:$0x7B0]  }
0x19b: {  	v13 =	vld [tilespmem:$0x7F0]  }
0x19c: {  	s6 =	simm.s32 $0x0;
	v7 =	vld [tilespmem:$0x830]  }
0x19d: {  	v1 =	vmov s6;
	v23 =	vld [tilespmem:$0x870]  }
0x19e: {  	v25 =	vadd.s32 $0x8700, v0;
	v22 =	vld [tilespmem:$0x8B0];
	v40 =	vand.u32 $0x3F, v1  }
0x19f: {  	v26 =	vadd.s32 $0xC300, v0;
	v21 =	vld [tilespmem:$0x8F0];
	v1 =	vadd.s32 v25, v40  }
0x1a0: {  	v28 =	vadd.s32 $0x5700, v0;
	v24 =	vld [tilespmem:$0x930];
	v2 =	vadd.s32 v26, v40  }
0x1a1: {  	v29 =	vadd.s32 $0xAB00, v0;
	v19 =	vld [tilespmem:$0x970];
	v3 =	vadd.s32 v28, v40  }
0x1a2: {  	v30 =	vadd.s32 $0x2700, v0;
	v16 =	vld [tilespmem:$0x9B0];
	v4 =	vadd.s32 v29, v40  }
0x1a3: {  	v31 =	vadd.s32 $0x9300, v0;
	v18 =	vld [tilespmem:$0x9F0];
	v49 =	vadd.s32 v30, v40  }
0x1a4: {  	v32 =	vadd.s32 $0x9F00, v0;
	v48 =	vadd.s32 v31, v40;
	v45 =	vld.idx.msk [tilespmem:v1+s16+$0x0], $0xffff  }
0x1a5: {  	v33 =	vadd.s32 $0x6300, v0;
	v50 =	vadd.s32 v32, v40;
	v27 =	vld.idx.msk [tilespmem:v2+s16+$0x0], $0xffff  }
0x1a6: {  	v34 =	vadd.s32 $0x1B00, v0;
	v51 =	vadd.s32 v33, v40;
	v46 =	vld.idx.msk [tilespmem:v3+s16+$0x0], $0xffff  }
0x1a7: {  	v35 =	vadd.s32 $0x300, v0;
	s11 =	simm.s32 $0x1;
	v52 =	vadd.s32 v34, v40;
	v47 =	vld.idx.msk [tilespmem:v4+s16+$0x0], $0xffff  }
.LBB2_5:
0x1a8: {  	p0 =	sne.s32 s11, $0x2F;
	v1 =	vadd.s32 v35, v40;
	v36 =	vadd.s32 $0xF00, v0;
	v2 =	vld.idx.msk [tilespmem:v49+s16+$0x0], $0xffff  }
0x1a9: {  	v37 =	vadd.s32 $0x3300, v0;
	v3 =	vadd.s32 v36, v40;
	v4 =	vld.idx.msk [tilespmem:v48+s16+$0x0], $0xffff  }
0x1aa: {  	v38 =	vadd.s32 $0x3F00, v0;
	v6 =	vadd.s32 v37, v40;
	v5 =	vld.idx.msk [tilespmem:v50+s16+$0x0], $0xffff  }
0x1ab: {  	v39 =	vadd.s32 $0x6F00, v0;
	v48 =	vadd.s32 v38, v40;
	v49 =	vld.idx.msk [tilespmem:v51+s16+$0x0], $0xffff  }
0x1ac: {  	v41 =	vadd.s32 $0x4B00, v0;
	v51 =	vadd.s32 v39, v40;
	v50 =	vld.idx.msk [tilespmem:v52+s16+$0x0], $0xffff  }
0x1ad: {  	v42 =	vadd.s32 $0xB700, v0;
	v53 =	vadd.s32 v41, v40;
	v52 =	vld.idx.msk [tilespmem:v1+s16+$0x0], $0xffff  }
0x1ae: {  	v43 =	vadd.s32 $0x7B00, v0;
	v54 =	vadd.s32 v42, v40;
	v3 =	vld.idx.msk [tilespmem:v3+s16+$0x0], $0xffff  }
0x1af: {  	v44 =	vadd.s32 $0xCF00, v0;
	v55 =	vadd.s32 v43, v40;
	v6 =	vld.idx.msk [tilespmem:v6+s16+$0x0], $0xffff  }
0x1b0: {  	v40 =	vadd.s32 v44, v40;
	v48 =	vld.idx.msk [tilespmem:v48+s16+$0x0], $0xffff  }
0x1b1: {  	v45 =	vmul.f32 v45, v23;
	v51 =	vld.idx.msk [tilespmem:v51+s16+$0x0], $0xffff  }
0x1b2: {  	v46 =	vmul.f32 v46, v20;
	v47 =	vmul.f32 v47, v24;
	v53 =	vld.idx.msk [tilespmem:v53+s16+$0x0], $0xffff  }
0x1b3: {  	v2 =	vmul.f32 v2, v17;
	v4 =	vmul.f32 v4, v22;
	v54 =	vld.idx.msk [tilespmem:v54+s16+$0x0], $0xffff  }
0x1b4: {  	v52 =	vmul.f32 v52, v14;
	v3 =	vmul.f32 v3, v15;
	v55 =	vld.idx.msk [tilespmem:v55+s16+$0x0], $0xffff  }
0x1b5: {  	v5 =	vmul.f32 v5, v21;
	v50 =	vmul.f32 v50, v11;
	v40 =	vld.idx.msk [tilespmem:v40+s16+$0x0], $0xffff  }
0x1b6: {  	v6 =	vmul.f32 v6, v9;
	v3 =	vadd.f32 v3, v52;
	v48 =	vmul.f32 v48, v10  }
0x1b7: {  	v49 =	vmul.f32 v49, v12;
	v51 =	vmul.f32 v51, v13  }
0x1b8: {  	v3 =	vadd.f32 v50, v3;
	v6 =	vadd.f32 v48, v6;
	v48 =	vmul.f32 v53, v8  }
0x1b9: {  	v4 =	vadd.f32 v5, v4;
	v5 =	vmul.f32 v54, v19;
	v49 =	vadd.f32 v51, v49  }
0x1ba: {  	v2 =	vadd.f32 v2, v3;
	v3 =	vadd.f32 v48, v6;
	v6 =	vmul.f32 v55, v7  }
0x1bb: {  	v27 =	vmul.f32 v27, v16;
	v5 =	vadd.f32 v5, v47;
	v40 =	vmul.f32 v40, v18  }
0x1bc: {  	v2 =	vmul.f32 v4, v2;
	v3 =	vadd.f32 v46, v3;
	v4 =	vadd.f32 v6, v49  }
0x1bd: {  	v6 =	vmov s11;
	v27 =	vadd.f32 v40, v27  }
0x1be: {  	v2 =	vadd.f32 $0.0e+00, v2;
	v3 =	vmul.f32 v5, v3;
	v4 =	vadd.f32 v45, v4  }
0x1bf: {  	v40 =	vand.u32 $0x3F, v6  }
0x1c0: {  	v5 =	vadd.s32 v25, v40;
	v2 =	vadd.f32 v3, v2;
	v3 =	vmul.f32 v27, v4  }
0x1c1: {  	v4 =	vadd.s32 v26, v40  }
0x1c2: {  	v6 =	vadd.s32 v28, v40;
	v2 =	vadd.f32 v3, v2  }
0x1c3: {  	v3 =	vadd.s32 v29, v40  }
.Ltmp1:
0x1c4: {  	v49 =	vadd.s32 v30, v40;
	[tilespmem:v1+s31+$0x0] =	vst.idx.msk $0xffff, v2;
	(pc) =	sbr.rel @p0 .LBB2_5-.Ltmp1, $4  }
0x1c5: {  	v48 =	vadd.s32 v31, v40;
	v45 =	vld.idx.msk [tilespmem:v5+s16+$0x0], $0xffff  }
0x1c6: {  	v50 =	vadd.s32 v32, v40;
	v27 =	vld.idx.msk [tilespmem:v4+s16+$0x0], $0xffff  }
0x1c7: {  	v51 =	vadd.s32 v33, v40;
	v46 =	vld.idx.msk [tilespmem:v6+s16+$0x0], $0xffff  }
0x1c8: {  	s11 =	sadd.s32 $0x1, s11;
	v52 =	vadd.s32 v34, v40;
	v47 =	vld.idx.msk [tilespmem:v3+s16+$0x0], $0xffff  }
0x1c9: {  	_ =	sdelay $0x3  }
0x1ca: {  	v1 =	vadd.s32 v35, v40;
	v2 =	vld.idx.msk [tilespmem:v49+s16+$0x0], $0xffff  }
0x1cb: {  	v3 =	vadd.s32 v36, v40;
	v4 =	vld.idx.msk [tilespmem:v48+s16+$0x0], $0xffff  }
0x1cc: {  	v5 =	vld.idx.msk [tilespmem:v50+s16+$0x0], $0xffff;
	v6 =	vadd.s32 v37, v40  }
0x1cd: {  	v25 =	vadd.s32 v38, v40;
	v26 =	vld.idx.msk [tilespmem:v51+s16+$0x0], $0xffff  }
0x1ce: {  	v28 =	vld.idx.msk [tilespmem:v52+s16+$0x0], $0xffff;
	v29 =	vadd.s32 v39, v40  }
0x1cf: {  	v31 =	vadd.s32 v41, v40;
	v30 =	vld.idx.msk [tilespmem:v1+s16+$0x0], $0xffff  }
0x1d0: {  	v32 =	vadd.s32 v42, v40;
	v3 =	vld.idx.msk [tilespmem:v3+s16+$0x0], $0xffff  }
0x1d1: {  	v33 =	vadd.s32 v43, v40;
	v6 =	vld.idx.msk [tilespmem:v6+s16+$0x0], $0xffff  }
0x1d2: {  	v34 =	vadd.s32 v44, v40;
	v23 =	vmul.f32 v45, v23;
	v25 =	vld.idx.msk [tilespmem:v25+s16+$0x0], $0xffff  }
0x1d3: {  	v20 =	vmul.f32 v46, v20;
	v24 =	vmul.f32 v47, v24;
	v29 =	vld.idx.msk [tilespmem:v29+s16+$0x0], $0xffff  }
0x1d4: {  	v31 =	vld.idx.msk [tilespmem:v31+s16+$0x0], $0xffff;
	v2 =	vmul.f32 v2, v17;
	v4 =	vmul.f32 v4, v22  }
0x1d5: {  	v17 =	vld.idx.msk [tilespmem:v32+s16+$0x0], $0xffff;
	v14 =	vmul.f32 v30, v14;
	v3 =	vmul.f32 v3, v15  }
0x1d6: {  	v11 =	vmul.f32 v28, v11;
	v5 =	vmul.f32 v5, v21;
	v15 =	vld.idx.msk [tilespmem:v33+s16+$0x0], $0xffff  }
0x1d7: {  	v21 =	vld.idx.msk [tilespmem:v34+s16+$0x0], $0xffff;
	v6 =	vmul.f32 v6, v9;
	v9 =	vmul.f32 v25, v10;
	v3 =	vadd.f32 v3, v14  }
0x1d8: {  	v10 =	vmul.f32 v26, v12;
	v12 =	vmul.f32 v29, v13  }
0x1d9: {  	v8 =	vmul.f32 v31, v8;
	v6 =	vadd.f32 v9, v6;
	v3 =	vadd.f32 v11, v3  }
0x1da: {  	v4 =	vadd.f32 v5, v4;
	v5 =	vmul.f32 v17, v19;
	v9 =	vadd.f32 v12, v10  }
0x1db: {  	v2 =	vadd.f32 v2, v3;
	v3 =	vadd.f32 v8, v6;
	v6 =	vmul.f32 v15, v7  }
0x1dc: {  	v5 =	vadd.f32 v5, v24;
	v7 =	vmul.f32 v27, v16;
	v8 =	vmul.f32 v21, v18  }
0x1dd: {  	v2 =	vmul.f32 v4, v2;
	v3 =	vadd.f32 v20, v3;
	v4 =	vadd.f32 v6, v9  }
0x1de: {  	v6 =	vadd.f32 v8, v7  }
0x1df: {  	v2 =	vadd.f32 $0.0e+00, v2;
	v3 =	vmul.f32 v5, v3;
	v4 =	vadd.f32 v23, v4;
	_ =	sdelay $0x1  }
0x1e0: {  	v2 =	vadd.f32 v3, v2;
	v3 =	vmul.f32 v6, v4;
	_ =	sdelay $0x1  }
0x1e1: {  	v2 =	vadd.f32 v3, v2;
	_ =	sdelay $0x1  }
0x1e2: {  	[tilespmem:v1+s31+$0x0] =	vst.idx.msk $0xffff, v2  }
0x1e3: {  	v14 =	vld [tilespmem:$0x5C0]  }
0x1e4: {  	v15 =	vld [tilespmem:$0x600]  }
0x1e5: {  	v11 =	vld [tilespmem:$0x640]  }
0x1e6: {  	v17 =	vld [tilespmem:$0x680]  }
0x1e7: {  	v9 =	vld [tilespmem:$0x6C0]  }
0x1e8: {  	v10 =	vld [tilespmem:$0x700]  }
0x1e9: {  	v8 =	vld [tilespmem:$0x740]  }
0x1ea: {  	v20 =	vld [tilespmem:$0x780]  }
0x1eb: {  	v12 =	vld [tilespmem:$0x7C0]  }
0x1ec: {  	v13 =	vld [tilespmem:$0x800]  }
0x1ed: {  	s6 =	simm.s32 $0x0;
	v7 =	vld [tilespmem:$0x840]  }
0x1ee: {  	v1 =	vmov s6;
	v23 =	vld [tilespmem:$0x880]  }
0x1ef: {  	v25 =	vadd.s32 $0x8A00, v0;
	v22 =	vld [tilespmem:$0x8C0];
	v40 =	vand.u32 $0x3F, v1  }
0x1f0: {  	v26 =	vadd.s32 $0xC600, v0;
	v21 =	vld [tilespmem:$0x900];
	v1 =	vadd.s32 v25, v40  }
0x1f1: {  	v28 =	vadd.s32 $0x5A00, v0;
	v24 =	vld [tilespmem:$0x940];
	v2 =	vadd.s32 v26, v40  }
0x1f2: {  	v29 =	vadd.s32 $0xAE00, v0;
	v19 =	vld [tilespmem:$0x980];
	v3 =	vadd.s32 v28, v40  }
0x1f3: {  	v30 =	vadd.s32 $0x2A00, v0;
	v16 =	vld [tilespmem:$0x9C0];
	v4 =	vadd.s32 v29, v40  }
0x1f4: {  	v31 =	vadd.s32 $0x9600, v0;
	v18 =	vld [tilespmem:$0xA00];
	v49 =	vadd.s32 v30, v40  }
0x1f5: {  	v32 =	vadd.s32 $0xA200, v0;
	v48 =	vadd.s32 v31, v40;
	v45 =	vld.idx.msk [tilespmem:v1+s16+$0x0], $0xffff  }
0x1f6: {  	v33 =	vadd.s32 $0x6600, v0;
	v50 =	vadd.s32 v32, v40;
	v27 =	vld.idx.msk [tilespmem:v2+s16+$0x0], $0xffff  }
0x1f7: {  	v34 =	vadd.s32 $0x1E00, v0;
	v51 =	vadd.s32 v33, v40;
	v46 =	vld.idx.msk [tilespmem:v3+s16+$0x0], $0xffff  }
0x1f8: {  	v35 =	vadd.s32 $0x600, v0;
	s11 =	simm.s32 $0x1;
	v52 =	vadd.s32 v34, v40;
	v47 =	vld.idx.msk [tilespmem:v4+s16+$0x0], $0xffff  }
.LBB2_7:
0x1f9: {  	p0 =	sne.s32 s11, $0x2F;
	v1 =	vadd.s32 v35, v40;
	v36 =	vadd.s32 $0x1200, v0;
	v2 =	vld.idx.msk [tilespmem:v49+s16+$0x0], $0xffff  }
0x1fa: {  	v37 =	vadd.s32 $0x3600, v0;
	v3 =	vadd.s32 v36, v40;
	v4 =	vld.idx.msk [tilespmem:v48+s16+$0x0], $0xffff  }
0x1fb: {  	v38 =	vadd.s32 $0x4200, v0;
	v6 =	vadd.s32 v37, v40;
	v5 =	vld.idx.msk [tilespmem:v50+s16+$0x0], $0xffff  }
0x1fc: {  	v39 =	vadd.s32 $0x7200, v0;
	v48 =	vadd.s32 v38, v40;
	v49 =	vld.idx.msk [tilespmem:v51+s16+$0x0], $0xffff  }
0x1fd: {  	v41 =	vadd.s32 $0x4E00, v0;
	v51 =	vadd.s32 v39, v40;
	v50 =	vld.idx.msk [tilespmem:v52+s16+$0x0], $0xffff  }
0x1fe: {  	v42 =	vadd.s32 $0xBA00, v0;
	v53 =	vadd.s32 v41, v40;
	v52 =	vld.idx.msk [tilespmem:v1+s16+$0x0], $0xffff  }
0x1ff: {  	v43 =	vadd.s32 $0x7E00, v0;
	v54 =	vadd.s32 v42, v40;
	v3 =	vld.idx.msk [tilespmem:v3+s16+$0x0], $0xffff  }
0x200: {  	v44 =	vadd.s32 $0xD200, v0;
	v55 =	vadd.s32 v43, v40;
	v6 =	vld.idx.msk [tilespmem:v6+s16+$0x0], $0xffff  }
0x201: {  	v40 =	vadd.s32 v44, v40;
	v48 =	vld.idx.msk [tilespmem:v48+s16+$0x0], $0xffff  }
0x202: {  	v45 =	vmul.f32 v45, v23;
	v51 =	vld.idx.msk [tilespmem:v51+s16+$0x0], $0xffff  }
0x203: {  	v46 =	vmul.f32 v46, v20;
	v47 =	vmul.f32 v47, v24;
	v53 =	vld.idx.msk [tilespmem:v53+s16+$0x0], $0xffff  }
0x204: {  	v2 =	vmul.f32 v2, v17;
	v4 =	vmul.f32 v4, v22;
	v54 =	vld.idx.msk [tilespmem:v54+s16+$0x0], $0xffff  }
0x205: {  	v52 =	vmul.f32 v52, v14;
	v3 =	vmul.f32 v3, v15;
	v55 =	vld.idx.msk [tilespmem:v55+s16+$0x0], $0xffff  }
0x206: {  	v5 =	vmul.f32 v5, v21;
	v50 =	vmul.f32 v50, v11;
	v40 =	vld.idx.msk [tilespmem:v40+s16+$0x0], $0xffff  }
0x207: {  	v6 =	vmul.f32 v6, v9;
	v3 =	vadd.f32 v3, v52;
	v48 =	vmul.f32 v48, v10  }
0x208: {  	v49 =	vmul.f32 v49, v12;
	v51 =	vmul.f32 v51, v13  }
0x209: {  	v3 =	vadd.f32 v50, v3;
	v6 =	vadd.f32 v48, v6;
	v48 =	vmul.f32 v53, v8  }
0x20a: {  	v4 =	vadd.f32 v5, v4;
	v5 =	vmul.f32 v54, v19;
	v49 =	vadd.f32 v51, v49  }
0x20b: {  	v2 =	vadd.f32 v2, v3;
	v3 =	vadd.f32 v48, v6;
	v6 =	vmul.f32 v55, v7  }
0x20c: {  	v27 =	vmul.f32 v27, v16;
	v5 =	vadd.f32 v5, v47;
	v40 =	vmul.f32 v40, v18  }
0x20d: {  	v2 =	vmul.f32 v4, v2;
	v3 =	vadd.f32 v46, v3;
	v4 =	vadd.f32 v6, v49  }
0x20e: {  	v6 =	vmov s11;
	v27 =	vadd.f32 v40, v27  }
0x20f: {  	v2 =	vadd.f32 $0.0e+00, v2;
	v3 =	vmul.f32 v5, v3;
	v4 =	vadd.f32 v45, v4  }
0x210: {  	v40 =	vand.u32 $0x3F, v6  }
0x211: {  	v5 =	vadd.s32 v25, v40;
	v2 =	vadd.f32 v3, v2;
	v3 =	vmul.f32 v27, v4  }
0x212: {  	v4 =	vadd.s32 v26, v40  }
0x213: {  	v6 =	vadd.s32 v28, v40;
	v2 =	vadd.f32 v3, v2  }
0x214: {  	v3 =	vadd.s32 v29, v40  }
.Ltmp2:
0x215: {  	v49 =	vadd.s32 v30, v40;
	[tilespmem:v1+s31+$0x0] =	vst.idx.msk $0xffff, v2;
	(pc) =	sbr.rel @p0 .LBB2_7-.Ltmp2, $4  }
0x216: {  	v48 =	vadd.s32 v31, v40;
	v45 =	vld.idx.msk [tilespmem:v5+s16+$0x0], $0xffff  }
0x217: {  	v50 =	vadd.s32 v32, v40;
	v27 =	vld.idx.msk [tilespmem:v4+s16+$0x0], $0xffff  }
0x218: {  	v51 =	vadd.s32 v33, v40;
	v46 =	vld.idx.msk [tilespmem:v6+s16+$0x0], $0xffff  }
0x219: {  	s11 =	sadd.s32 $0x1, s11;
	v52 =	vadd.s32 v34, v40;
	v47 =	vld.idx.msk [tilespmem:v3+s16+$0x0], $0xffff  }
0x21a: {  	_ =	sdelay $0x3  }
0x21b: {  	v1 =	vadd.s32 v35, v40;
	v2 =	vld.idx.msk [tilespmem:v49+s16+$0x0], $0xffff  }
0x21c: {  	v3 =	vadd.s32 v36, v40;
	v4 =	vld.idx.msk [tilespmem:v48+s16+$0x0], $0xffff  }
0x21d: {  	v5 =	vld.idx.msk [tilespmem:v50+s16+$0x0], $0xffff;
	v6 =	vadd.s32 v37, v40  }
0x21e: {  	v25 =	vadd.s32 v38, v40;
	v26 =	vld.idx.msk [tilespmem:v51+s16+$0x0], $0xffff  }
0x21f: {  	v28 =	vld.idx.msk [tilespmem:v52+s16+$0x0], $0xffff;
	v29 =	vadd.s32 v39, v40  }
0x220: {  	v31 =	vadd.s32 v41, v40;
	v30 =	vld.idx.msk [tilespmem:v1+s16+$0x0], $0xffff  }
0x221: {  	v32 =	vadd.s32 v42, v40;
	v3 =	vld.idx.msk [tilespmem:v3+s16+$0x0], $0xffff  }
0x222: {  	v33 =	vadd.s32 v43, v40;
	v6 =	vld.idx.msk [tilespmem:v6+s16+$0x0], $0xffff  }
0x223: {  	v34 =	vadd.s32 v44, v40;
	v23 =	vmul.f32 v45, v23;
	v25 =	vld.idx.msk [tilespmem:v25+s16+$0x0], $0xffff  }
0x224: {  	v20 =	vmul.f32 v46, v20;
	v24 =	vmul.f32 v47, v24;
	v29 =	vld.idx.msk [tilespmem:v29+s16+$0x0], $0xffff  }
0x225: {  	v31 =	vld.idx.msk [tilespmem:v31+s16+$0x0], $0xffff;
	v2 =	vmul.f32 v2, v17;
	v4 =	vmul.f32 v4, v22  }
0x226: {  	v17 =	vld.idx.msk [tilespmem:v32+s16+$0x0], $0xffff;
	v14 =	vmul.f32 v30, v14;
	v3 =	vmul.f32 v3, v15  }
0x227: {  	v11 =	vmul.f32 v28, v11;
	v5 =	vmul.f32 v5, v21;
	v15 =	vld.idx.msk [tilespmem:v33+s16+$0x0], $0xffff  }
0x228: {  	v21 =	vld.idx.msk [tilespmem:v34+s16+$0x0], $0xffff;
	v6 =	vmul.f32 v6, v9;
	v9 =	vmul.f32 v25, v10;
	v3 =	vadd.f32 v3, v14  }
0x229: {  	v10 =	vmul.f32 v26, v12;
	v12 =	vmul.f32 v29, v13  }
0x22a: {  	v8 =	vmul.f32 v31, v8;
	v6 =	vadd.f32 v9, v6;
	v3 =	vadd.f32 v11, v3  }
0x22b: {  	v4 =	vadd.f32 v5, v4;
	v5 =	vmul.f32 v17, v19;
	v9 =	vadd.f32 v12, v10  }
0x22c: {  	v2 =	vadd.f32 v2, v3;
	v3 =	vadd.f32 v8, v6;
	v6 =	vmul.f32 v15, v7  }
0x22d: {  	v5 =	vadd.f32 v5, v24;
	v7 =	vmul.f32 v27, v16;
	v8 =	vmul.f32 v21, v18  }
0x22e: {  	v2 =	vmul.f32 v4, v2;
	v3 =	vadd.f32 v20, v3;
	v4 =	vadd.f32 v6, v9  }
0x22f: {  	v6 =	vadd.f32 v8, v7  }
0x230: {  	v2 =	vadd.f32 $0.0e+00, v2;
	v3 =	vmul.f32 v5, v3;
	v4 =	vadd.f32 v23, v4;
	_ =	sdelay $0x1  }
0x231: {  	v2 =	vadd.f32 v3, v2;
	v3 =	vmul.f32 v6, v4;
	_ =	sdelay $0x1  }
0x232: {  	v2 =	vadd.f32 v3, v2;
	_ =	sdelay $0x1  }
0x233: {  	[tilespmem:v1+s31+$0x0] =	vst.idx.msk $0xffff, v2  }
0x234: {  	v14 =	vld [tilespmem:$0x5D0]  }
0x235: {  	v15 =	vld [tilespmem:$0x610]  }
0x236: {  	v11 =	vld [tilespmem:$0x650]  }
0x237: {  	v17 =	vld [tilespmem:$0x690]  }
0x238: {  	v9 =	vld [tilespmem:$0x6D0]  }
0x239: {  	v10 =	vld [tilespmem:$0x710]  }
0x23a: {  	v8 =	vld [tilespmem:$0x750]  }
0x23b: {  	v20 =	vld [tilespmem:$0x790]  }
0x23c: {  	v12 =	vld [tilespmem:$0x7D0]  }
0x23d: {  	v13 =	vld [tilespmem:$0x810]  }
0x23e: {  	s6 =	simm.s32 $0x0;
	v7 =	vld [tilespmem:$0x850]  }
0x23f: {  	v1 =	vmov s6;
	v23 =	vld [tilespmem:$0x890]  }
0x240: {  	v25 =	vadd.s32 $0x8D00, v0;
	v22 =	vld [tilespmem:$0x8D0];
	v40 =	vand.u32 $0x3F, v1  }
0x241: {  	v26 =	vadd.s32 $0xC900, v0;
	v21 =	vld [tilespmem:$0x910];
	v1 =	vadd.s32 v25, v40  }
0x242: {  	v28 =	vadd.s32 $0x5D00, v0;
	v24 =	vld [tilespmem:$0x950];
	v2 =	vadd.s32 v26, v40  }
0x243: {  	v29 =	vadd.s32 $0xB100, v0;
	v19 =	vld [tilespmem:$0x990];
	v3 =	vadd.s32 v28, v40  }
0x244: {  	v30 =	vadd.s32 $0x2D00, v0;
	v16 =	vld [tilespmem:$0x9D0];
	v4 =	vadd.s32 v29, v40  }
0x245: {  	v31 =	vadd.s32 $0x9900, v0;
	v18 =	vld [tilespmem:$0xA10];
	v49 =	vadd.s32 v30, v40  }
0x246: {  	v32 =	vadd.s32 $0xA500, v0;
	v48 =	vadd.s32 v31, v40;
	v45 =	vld.idx.msk [tilespmem:v1+s16+$0x0], $0xffff  }
0x247: {  	v33 =	vadd.s32 $0x6900, v0;
	v50 =	vadd.s32 v32, v40;
	v27 =	vld.idx.msk [tilespmem:v2+s16+$0x0], $0xffff  }
0x248: {  	v34 =	vadd.s32 $0x2100, v0;
	v51 =	vadd.s32 v33, v40;
	v46 =	vld.idx.msk [tilespmem:v3+s16+$0x0], $0xffff  }
0x249: {  	v35 =	vadd.s32 $0x900, v0;
	s11 =	simm.s32 $0x1;
	v52 =	vadd.s32 v34, v40;
	v47 =	vld.idx.msk [tilespmem:v4+s16+$0x0], $0xffff  }
.LBB2_9:
0x24a: {  	p0 =	sne.s32 s11, $0x2F;
	v1 =	vadd.s32 v35, v40;
	v36 =	vadd.s32 $0x1500, v0;
	v2 =	vld.idx.msk [tilespmem:v49+s16+$0x0], $0xffff  }
0x24b: {  	v37 =	vadd.s32 $0x3900, v0;
	v3 =	vadd.s32 v36, v40;
	v4 =	vld.idx.msk [tilespmem:v48+s16+$0x0], $0xffff  }
0x24c: {  	v38 =	vadd.s32 $0x4500, v0;
	v6 =	vadd.s32 v37, v40;
	v5 =	vld.idx.msk [tilespmem:v50+s16+$0x0], $0xffff  }
0x24d: {  	v39 =	vadd.s32 $0x7500, v0;
	v48 =	vadd.s32 v38, v40;
	v49 =	vld.idx.msk [tilespmem:v51+s16+$0x0], $0xffff  }
0x24e: {  	v41 =	vadd.s32 $0x5100, v0;
	v51 =	vadd.s32 v39, v40;
	v50 =	vld.idx.msk [tilespmem:v52+s16+$0x0], $0xffff  }
0x24f: {  	v42 =	vadd.s32 $0xBD00, v0;
	v53 =	vadd.s32 v41, v40;
	v52 =	vld.idx.msk [tilespmem:v1+s16+$0x0], $0xffff  }
0x250: {  	v43 =	vadd.s32 $0x8100, v0;
	v54 =	vadd.s32 v42, v40;
	v3 =	vld.idx.msk [tilespmem:v3+s16+$0x0], $0xffff  }
0x251: {  	v44 =	vadd.s32 $0xD500, v0;
	v55 =	vadd.s32 v43, v40;
	v6 =	vld.idx.msk [tilespmem:v6+s16+$0x0], $0xffff  }
0x252: {  	v40 =	vadd.s32 v44, v40;
	v48 =	vld.idx.msk [tilespmem:v48+s16+$0x0], $0xffff  }
0x253: {  	v45 =	vmul.f32 v45, v23;
	v51 =	vld.idx.msk [tilespmem:v51+s16+$0x0], $0xffff  }
0x254: {  	v46 =	vmul.f32 v46, v20;
	v47 =	vmul.f32 v47, v24;
	v53 =	vld.idx.msk [tilespmem:v53+s16+$0x0], $0xffff  }
0x255: {  	v2 =	vmul.f32 v2, v17;
	v4 =	vmul.f32 v4, v22;
	v54 =	vld.idx.msk [tilespmem:v54+s16+$0x0], $0xffff  }
0x256: {  	v52 =	vmul.f32 v52, v14;
	v3 =	vmul.f32 v3, v15;
	v55 =	vld.idx.msk [tilespmem:v55+s16+$0x0], $0xffff  }
0x257: {  	v5 =	vmul.f32 v5, v21;
	v50 =	vmul.f32 v50, v11;
	v40 =	vld.idx.msk [tilespmem:v40+s16+$0x0], $0xffff  }
0x258: {  	v6 =	vmul.f32 v6, v9;
	v3 =	vadd.f32 v3, v52;
	v48 =	vmul.f32 v48, v10  }
0x259: {  	v49 =	vmul.f32 v49, v12;
	v51 =	vmul.f32 v51, v13  }
0x25a: {  	v3 =	vadd.f32 v50, v3;
	v6 =	vadd.f32 v48, v6;
	v48 =	vmul.f32 v53, v8  }
0x25b: {  	v4 =	vadd.f32 v5, v4;
	v5 =	vmul.f32 v54, v19;
	v49 =	vadd.f32 v51, v49  }
0x25c: {  	v2 =	vadd.f32 v2, v3;
	v3 =	vadd.f32 v48, v6;
	v6 =	vmul.f32 v55, v7  }
0x25d: {  	v27 =	vmul.f32 v27, v16;
	v5 =	vadd.f32 v5, v47;
	v40 =	vmul.f32 v40, v18  }
0x25e: {  	v2 =	vmul.f32 v4, v2;
	v3 =	vadd.f32 v46, v3;
	v4 =	vadd.f32 v6, v49  }
0x25f: {  	v6 =	vmov s11;
	v27 =	vadd.f32 v40, v27  }
0x260: {  	v2 =	vadd.f32 $0.0e+00, v2;
	v3 =	vmul.f32 v5, v3;
	v4 =	vadd.f32 v45, v4  }
0x261: {  	v40 =	vand.u32 $0x3F, v6  }
0x262: {  	v5 =	vadd.s32 v25, v40;
	v2 =	vadd.f32 v3, v2;
	v3 =	vmul.f32 v27, v4  }
0x263: {  	v4 =	vadd.s32 v26, v40  }
0x264: {  	v6 =	vadd.s32 v28, v40;
	v2 =	vadd.f32 v3, v2  }
0x265: {  	v3 =	vadd.s32 v29, v40  }
.Ltmp3:
0x266: {  	v49 =	vadd.s32 v30, v40;
	[tilespmem:v1+s31+$0x0] =	vst.idx.msk $0xffff, v2;
	(pc) =	sbr.rel @p0 .LBB2_9-.Ltmp3, $4  }
0x267: {  	v48 =	vadd.s32 v31, v40;
	v45 =	vld.idx.msk [tilespmem:v5+s16+$0x0], $0xffff  }
0x268: {  	v50 =	vadd.s32 v32, v40;
	v27 =	vld.idx.msk [tilespmem:v4+s16+$0x0], $0xffff  }
0x269: {  	v51 =	vadd.s32 v33, v40;
	v46 =	vld.idx.msk [tilespmem:v6+s16+$0x0], $0xffff  }
0x26a: {  	s11 =	sadd.s32 $0x1, s11;
	v52 =	vadd.s32 v34, v40;
	v47 =	vld.idx.msk [tilespmem:v3+s16+$0x0], $0xffff  }
0x26b: {  	_ =	sdelay $0x3  }
0x26c: {  	v1 =	vadd.s32 v35, v40;
	v2 =	vld.idx.msk [tilespmem:v49+s16+$0x0], $0xffff  }
0x26d: {  	v3 =	vadd.s32 v36, v40;
	v4 =	vld.idx.msk [tilespmem:v48+s16+$0x0], $0xffff  }
0x26e: {  	v5 =	vld.idx.msk [tilespmem:v50+s16+$0x0], $0xffff;
	v6 =	vadd.s32 v37, v40  }
0x26f: {  	v25 =	vadd.s32 v38, v40;
	v26 =	vld.idx.msk [tilespmem:v51+s16+$0x0], $0xffff  }
0x270: {  	v28 =	vld.idx.msk [tilespmem:v52+s16+$0x0], $0xffff;
	v29 =	vadd.s32 v39, v40  }
0x271: {  	v31 =	vadd.s32 v41, v40;
	v30 =	vld.idx.msk [tilespmem:v1+s16+$0x0], $0xffff  }
0x272: {  	v32 =	vadd.s32 v42, v40;
	v3 =	vld.idx.msk [tilespmem:v3+s16+$0x0], $0xffff  }
0x273: {  	v33 =	vadd.s32 v43, v40;
	v6 =	vld.idx.msk [tilespmem:v6+s16+$0x0], $0xffff  }
0x274: {  	v34 =	vadd.s32 v44, v40;
	v23 =	vmul.f32 v45, v23;
	v25 =	vld.idx.msk [tilespmem:v25+s16+$0x0], $0xffff  }
0x275: {  	v20 =	vmul.f32 v46, v20;
	v24 =	vmul.f32 v47, v24;
	v29 =	vld.idx.msk [tilespmem:v29+s16+$0x0], $0xffff  }
0x276: {  	v31 =	vld.idx.msk [tilespmem:v31+s16+$0x0], $0xffff;
	v2 =	vmul.f32 v2, v17;
	v4 =	vmul.f32 v4, v22  }
0x277: {  	v51 =	vld.idx.msk [tilespmem:v32+s16+$0x0], $0xffff;
	v14 =	vmul.f32 v30, v14;
	v3 =	vmul.f32 v3, v15  }
0x278: {  	v52 =	vld.idx.msk [tilespmem:v33+s16+$0x0], $0xffff;
	v11 =	vmul.f32 v28, v11;
	v5 =	vmul.f32 v5, v21  }
0x279: {  	v53 =	vld.idx.msk [tilespmem:v34+s16+$0x0], $0xffff;
	v6 =	vmul.f32 v6, v9;
	v54 =	vmul.f32 v25, v10;
	v3 =	vadd.f32 v3, v14  }
0x27a: {  	v55 =	vmul.f32 v26, v12;
	v56 =	vmul.f32 v29, v13  }
0x27b: {  	v8 =	vmul.f32 v31, v8;
	v6 =	vadd.f32 v54, v6;
	v3 =	vadd.f32 v11, v3  }
0x27c: {  	v4 =	vadd.f32 v5, v4;
	v57 =	vmul.f32 v51, v19;
	v58 =	vadd.f32 v56, v55  }
0x27d: {  	v59 =	vmul.f32 v52, v7;
	v2 =	vadd.f32 v2, v3;
	v3 =	vadd.f32 v8, v6  }
0x27e: {  	v60 =	vmul.f32 v27, v16;
	v61 =	vmul.f32 v53, v18;
	v5 =	vadd.f32 v57, v24  }
0x27f: {  	v62 =	vadd.f32 v59, v58;
	v2 =	vmul.f32 v4, v2;
	v3 =	vadd.f32 v20, v3  }
0x280: {  	v63 =	vadd.f32 v61, v60  }
0x281: {  	v4 =	vadd.f32 v23, v62;
	v2 =	vadd.f32 $0.0e+00, v2;
	v3 =	vmul.f32 v5, v3;
	_ =	sdelay $0x1  }
0x282: {  	v2 =	vadd.f32 v3, v2;
	v3 =	vmul.f32 v63, v4;
	_ =	sdelay $0x1  }
0x283: {  	s5 =	smul.u32 $0x6, s5;
	s0 =	sadd.s32 $0x1, s0;
	v2 =	vadd.f32 v3, v2  }
0x284: {  	p0 =	sne.s32 s0, $0x80  }
.Ltmp4:
0x285: {  	s5 =	sadd.s32 s8, s5;
	[tilespmem:v1+s31+$0x0] =	vst.idx.msk $0xffff, v2;
	(pc) =	sbr.rel @p0 .LBB2_2-.Ltmp4, $4  }
0x286: {  	[hbm4b:s5+s2] =	stream.linear.scatter [tilespmem:s31], [sflag:$0x2], $0xC00, $0x38;
	[tilespmem:$0xEE20] =	vst v63  }
0x287: {  	_ =	swait.ge [sflag:s12], $0xC00  }
0x288: {  	[sflag:s12] =	ssyncset.done $0x0  }
0x289: {  	[sflag:s12] =	ssyncadd.s32 $0xFFFFF400  }
0x28a: {  	s5 =	rddreg [dreg:$0x5]  }
0x28b: {  	s0 =	rddreg [dreg:$0x4];
	s5 =	sadd.s32 $0x1, s5  }
0x28c: {  	p0 =	sne.s32 s5, s0  }
.Ltmp5:
0x28d: {  	_ = 	snop;
	(pc) =	sbr.rel @p0 .LBB2_1-.Ltmp5, $1  }
0x28e: {  	_ =	sdelay $0x3  }
0x28f: {  	_ =	sfence.sel $0x180000  }
0x290: {  	[bflag:$0x0] =	sbarrier.arrive $0xFFFF  }
0x291: {  	_ =	strace $0x90000053  }
0x292: {  	s0 =	stileid.u32;
	[bflag:$0x2] =	sbarrier.arrive $0xFFFF  }
0x293: {  	p0 =	sne.s32 s0, $0x0;
	s0 =	rddreg [dreg:$0x2]  }
0x294: {  	s0 =	sadd.s32 @!p0 $0x100000, s0  }
0x295: {  	[sflag:s0] =	ssyncadd.tile.s32 @!p0 $0x1;
	_ =	shalt  }
.Lfunc_end2:
_tile_overlayer_lowered:
.L_overlay_start_2:
0x296: {  	(tag) =	ssettag $0x2  }
0x297: {  	s0 =	rddreg [dreg:$0x0];
	s2 =	stileid.u32  }
0x298: {  	s1 =	rddreg [dreg:$0x1];
	p0 =	sne.s32 s2, $0x0  }
0x299: {  	s3 =	rddreg [dreg:$0x2];
	[bflag:$0x3] =	sbarrier.arrive $0xFFFF;
	s2 =	simm.s32 @!p0 $0x1C02  }
0x29a: {  	[timem:s3], [sflag:s2] =	dma.local @!p0 [hbm:s0], s1  }
0x29b: {  	s0 =	simm.s32 @!p0 $0x2  }
0x29c: {  	_ =	swait.ge @!p0 [sflag:s0], s1  }
0x29d: {  	s1 =	ssub.s32 @!p0 $0x0, s1;
	[sflag:s0] =	ssyncset.done @!p0 $0x0  }
0x29e: {  	[sflag:s0] =	ssyncadd.s32 @!p0 s1  }
0x29f: {  	[bflag:$0x3] =	sbarrier.arrive $0xFFFF  }
0x2a0: {  	_ =	shalt  }

// kernel: sparse-core-data-format-call.1.cloned.1.call-start
scs
called_computation.1_lowered:
.L_overlay_start_0:
0x0: {  	s2 =	sld [smem:$0x3FD9]  }
0x1: {  	s3 =	sld [smem:$0x3FFE];
	_ =	sdelay $0x1  }
0x2: {  	s1 =	srdreg.scid  }
0x3: {  	s0 =	sand.u32 $0x1, s1  }
0x4: {  	s18 =	sshll.u32 s0, $0xA;
	s2 =	sadd.s32 s3, s2  }
0x5: {  	s2 =	sadd.s32 s2, s18  }
0x6: {  	[smem:$0x3FBE] =	sst s2  }
0x7: {  	_ = 	snop  }
0x8: {  	s19 =	sld [smem:$0x3FC5];
	(tm) =	ssettm $0x1  }
0x9: {  	s20 =	sld [smem:$0x3FFB];
	_ =	sdelay $0x3  }
0xa: {  	_ =	strace s20  }
0xb: {  	s2 =	sld [smem:$0x3FFC];
	_ =	sdelay $0x3  }
0xc: {  	_ =	strace s2  }
0xd: {  	s2 =	sld [smem:$0x3FFD];
	_ =	sdelay $0x3  }
0xe: {  	_ =	strace s2  }
0xf: {  	_ =	strace $0x8FFFFFFF  }
0x10: {  	s21 =	sld [smem:$0x3FDB];
	_ =	sdelay $0x1  }
0x11: {  	s4 =	simm.s32 $_scs_section_size  }
0x12: {  	s5 =	simm.s32 $_size__tile_overlayer_lowered;
	s6 =	simm.s32 $_tile_overlayer_lowered  }
0x13: {  	s7 =	simm.s32 $0x1BFF;
	s22 =	sshll.u32 s6, $0x1;
	s4 =	sadd.s32 s4, s21  }
0x14: {  	s23 =	simm.s32 $0x0;
	s5 =	sshll.u32 s5, $0x1;
	s6 =	sadd.s32 s22, s4  }
0x15: {  	[timem:s23], [sflag:s7] =	dma.local [hbm:s6], s5  }
0x16: {  	_ =	swait.ge [sflag:s7], s5  }
0x17: {  	s5 =	ssub.s32 $0x0, s5;
	[sflag:s7] =	ssyncset.done $0x0  }
0x18: {  	[sflag:s7] =	ssyncadd.s32 s5;
	_ =	sdelay $0x1  }
0x19: {  	s24 =	simm.s32 $0x1B8B  }
0x1a: {  	_ =	swait.ge [sflag:s24], $0x1  }
0x1b: {  	[sflag:s24] =	ssyncset.done $0x0  }
0x1c: {  	[sflag:s24] =	ssyncadd.s32 $0xFFFFFFFF  }
0x1d: {  	s5 =	sld [smem:$0x0]  }
0x1e: {  	s6 =	sand.u32 $0xFFFFFFFE, s1  }
0x1f: {  	p0 =	sne.s32 s1, s6  }
0x20: {  	s6 =	sshll.u32 @p0 s6, $0xE  }
0x21: {  	s6 =	sadd.s32 @p0 $0x11B8D, s6;
	s7 =	sshll.u32 @p0 s5, $0x11  }
0x22: {  	s6 =	sor.u32 @p0 s7, s6  }
0x23: {  	[sflag:s6] =	ssyncadd.remote.s32 @p0 $0x1;
	_ =	sdelay $0x1  }
0x24: {  	s6 =	simm.s32 @p0 $0x1B8D  }
0x25: {  	_ =	swait.eq @p0 [sflag:s6], $0x1  }
0x26: {  	[sflag:s6] =	ssyncadd.s32 @p0 $0xFFFFFFFF  }
0x27: {  	s7 =	sshll.u32 @!p0 s1, $0xE  }
0x28: {  	s7 =	sor.u32 @!p0 $0x4000, s7;
	s6 =	simm.s32 @!p0 $0x1B8D  }
0x29: {  	s5 =	sshll.u32 @!p0 s5, $0x11;
	s7 =	sadd.s32 @!p0 $0x11B8D, s7;
	_ =	swait.eq @!p0 [sflag:s6], $0x1  }
0x2a: {  	s5 =	sor.u32 @!p0 s5, s7;
	[sflag:s6] =	ssyncadd.s32 @!p0 $0xFFFFFFFF  }
0x2b: {  	s26 =	simm.s32 $0x1B8E;
	s25 =	sld [smem:$0x3FFE];
	[sflag:s5] =	ssyncadd.remote.s32 @!p0 $0x1  }
0x2c: {  	s27 =	simm.s32 $execute0_lowered;
	[smem:$0x3FD2] =	sst s26  }
0x2d: {  	s6 =	sshll.u32 s27, $0x1;
	_ =	strace $0x8000004C;
	[dreg:$0x1] =	wrdreg $0xFFFFFFFF  }
0x2e: {  	s28 =	simm.s32 $_size_execute0_lowered;
	s4 =	sadd.s32 s4, s6;
	[dreg:$0x0] =	wrdreg $0x0  }
0x2f: {  	s6 =	sshll.u32 s28, $0x1;
	[dreg:$0x2] =	wrdreg s4  }
0x30: {  	[dreg:$0x3] =	wrdreg s6  }
0x31: {  	[dreg:$0x4] =	wrdreg $0xC0  }
0x32: {  	_ =	task [dreg:s23], $0x5FFFF  }
0x33: {  	[dreg:$0x1] =	wrdreg $0xFFFFFFFF  }
0x34: {  	[dreg:$0x0] =	wrdreg $0x60  }
0x35: {  	[dreg:$0x2] =	wrdreg s19  }
0x36: {  	[dreg:$0x3] =	wrdreg s25  }
0x37: {  	[dreg:$0x4] =	wrdreg $0x9  }
0x38: {  	_ =	task.clear_ibuf [dreg:s23], $0x5FFFF;
	_ =	strace $0x9000004C  }
0x39: {  	s29 =	simm.s32 $0x9;
	_ =	strace $0x8000004E  }
0x3a: {  	_ =	swait.ge [sflag:s29], $0x1  }
0x3b: {  	[sflag:s29] =	ssyncadd.s32 $0xFFFFFFFF  }
0x3c: {  	_ =	strace $0x9000004E  }
0x3d: {  	_ =	sfence  }
0x3e: {  	s30 =	sld [smem:$0x0];
	_ =	sdelay $0x2  }
0x3f: {  	s31 =	sshll.u32 s1, $0xD;
	s1 =	sshrl.u32 s1, $0x2  }
0x40: {  	s4 =	sand.u32 $0x4000, s31;
	s1 =	sadd.s32 s1, s30  }
0x41: {  	s0 =	sor.u32 s4, s0;
	s1 =	sshll.u32 s1, $0x11  }
0x42: {  	s0 =	sor.u32 s1, s0  }
0x43: {  	s0 =	sadd.s32 $0x8F2B, s0  }
0x44: {  	[sflag:s0] =	ssyncadd.remote.s32 $0x1  }
0x45: {  	_ =	sfence.sel $0xFFFF  }
0x46: {  	[dreg:$0x0] =	wrdreg $0xFFFFFFFF;
	(pc) =	sbr.abs _section_cstart, $3  }
0x47: {  	[dreg:$0x1] =	wrdreg $0xFFFFFFFF  }
0x48: {  	_ =	task.clear_ibuf [dreg:s23], $0x2FFFF;
	_ =	strace $0x9FFFFFFF  }
0x49: {  	(tm) =	ssettm $0x7FFFFFFF  }
tec
execute0_lowered:
.L_overlay_start_1:
0x0: {  	(tag) =	ssettag $0x1  }
0x1: {  	s0 =	stileid.u32;
	s3 =	rddreg [dreg:$0x0]  }
0x2: {  	s1 =	srdreg.scid;
	s6 =	rddreg [dreg:$0x1]  }
0x3: {  	s8 =	simm.s32 $0x2;
	s2 =	sshll.u32 s0, $0x4;
	s1 =	sshll.u32 s1, $0x8  }
0x4: {  	s16 =	simm.s32 $0x0;
	s9 =	simm.s32 $0x1000;
	s1 =	sor.u32 s2, s1  }
0x5: {  	s10 =	simm.s32 $0x0;
	s17 =	simm.s32 $0x0;
	s2 =	sand.u32 $0x180, s1  }
0x6: {  	s19 =	simm.s32 $0x0;
	s18 =	simm.s32 $0x0;
	s1 =	ssub.s32 $0x200, s2  }
0x7: {  	s11 =	simm.s32 $0x0;
	s14 =	simm.s32 $0x0;
	s4 =	sand.u32 $0x180, s1  }
0x8: {  	s15 =	simm.s32 $0x0;
	p0 =	sne.s32 s4, $0x0;
	s4 =	simm.s32 $0x1  }
.Ltmp0:
0x9: {  	s5 =	sshrl.u32 s1, $0x9;
	s4 =	simm.s32 @!p0 $0x0;
	(pc) =	sbr.rel .LBB1_1-.Ltmp0, $4  }
0xa: {  	s7 =	sand.u32 $0x7, s0;
	s1 =	rddreg [dreg:$0x2];
	s5 =	sadd.s32 s4, s5  }
0xb: {  	_ =	strace $0x8000004D;
	s4 =	simm.s32 $0x1;
	s5 =	smul.u32 $0x18, s5  }
0xc: {  	s6 =	sadd.s32 $0x302600, s6;
	s13 =	smov.u32 s7;
	[sflag:s4] =	ssyncpa.u1 $0x0  }
0xd: {  	s12 =	smov.u32 s2;
	[sflag:s8] =	ssyncpa.u1 $0x0;
	s8 =	sor.u32 $0x1, s5  }
.LBB1_4:
0xe: {  	_ =	sdelay $0x3  }
0xf: {  	[tilespmem:v0+s22+$0xFFFFFFA0 ss:$0x1] =	vst.idx.msk $0xffff, v6  }
0x10: {  	v56 =	vld.idx.msk [tilespmem:v1+s21+$0x30 ss:$0x1], $0xffff;
	[tilespmem:v0+s22+$0xFFFFFFB0 ss:$0x1] =	vst.idx.msk $0xffff, v4  }
0x11: {  	v57 =	vld.idx.msk [tilespmem:v1+s21+$0xFFFFFFC0 ss:$0x1], $0xffff;
	[tilespmem:v0+s22+$0xFFFFFFC0 ss:$0x1] =	vst.idx.msk $0xffff, v2  }
0x12: {  	v58 =	vld.idx.msk [tilespmem:v1+s21+$0xFFFFFFD0 ss:$0x1], $0xffff;
	[tilespmem:v0+s22+$0xFFFFFFD0 ss:$0x1] =	vst.idx.msk $0xffff, v3  }
0x13: {  	v59 =	vld.idx.msk [tilespmem:v1+s21+$0xFFFFFFE0 ss:$0x1], $0xffff;
	[tilespmem:v0+s22+$0xFFFFFFE0 ss:$0x1] =	vst.idx.msk $0xffff, v5  }
0x14: {  	v60 =	vld.idx.msk [tilespmem:v1+s21+$0xFFFFFFF0 ss:$0x1], $0xffff;
	[tilespmem:v0+s22+$0xFFFFFFF0 ss:$0x1] =	vst.idx.msk $0xffff, v7  }
0x15: {  	v61 =	vld.idx.msk [tilespmem:v1+s21+$0x0 ss:$0x1], $0xffff;
	[tilespmem:v0+s21+$0x0 ss:$0x1] =	vst.idx.msk $0xffff, v56  }
0x16: {  	v62 =	vld.idx.msk [tilespmem:v1+s21+$0x10 ss:$0x1], $0xffff;
	[tilespmem:v0+s21+$0xFFFFFF90 ss:$0x1] =	vst.idx.msk $0xffff, v57  }
0x17: {  	s19 =	sshll.u32 s19, $0x7;
	v63 =	vld.idx.msk [tilespmem:v1+s21+$0x20 ss:$0x1], $0xffff;
	s29 =	sand.u32 $0x78, s16;
	[tilespmem:v0+s21+$0xFFFFFFA0 ss:$0x1] =	vst.idx.msk $0xffff, v58  }
0x18: {  	s30 =	sshll.u32 s16, $0x3;
	s18 =	sshll.u32 s18, $0x12;
	s19 =	sand.u32 $0x380, s19;
	[tilespmem:v0+s21+$0xFFFFFFB0 ss:$0x1] =	vst.idx.msk $0xffff, v59  }
0x19: {  	s17 =	sshll.u32 s17, $0x9;
	s22 =	sand.u32 $0xC00, s30;
	s19 =	sor.u32 s29, s19;
	[tilespmem:v0+s21+$0xFFFFFFC0 ss:$0x1] =	vst.idx.msk $0xffff, v60  }
0x1a: {  	s31 =	sand.u32 $0x7, s16;
	s18 =	sadd.s32 s6, s18;
	s19 =	sor.u32 s22, s19;
	[tilespmem:v0+s21+$0xFFFFFFD0 ss:$0x1] =	vst.idx.msk $0xffff, v61  }
0x1b: {  	s16 =	sshll.u32 s31, $0x12;
	s17 =	sadd.s32 s17, s18;
	s19 =	sshrl.u32 s19, $0x3;
	[tilespmem:v0+s21+$0xFFFFFFE0 ss:$0x1] =	vst.idx.msk $0xffff, v62  }
0x1c: {  	s16 =	sor.u32 $0x80, s16;
	[tilespmem:v0+s21+$0xFFFFFFF0 ss:$0x1] =	vst.idx.msk $0xffff, v63;
	s17 =	sadd.s32 s19, s17  }
0x1d: {  	[hbm4b:s17+s16] =	stream.strided.scatter [tilespmem:s20], [sflag:$0x2], $0x4000, s9, s16, $0x38;
	[tilespmem:$0x10000] =	vst v63  }
.LBB1_5:
0x1e: {  	s20 =	sadd.s32 $0x80, s11  }
0x1f: {  	s16 =	sadd.s32 $0x200, s12;
	s21 =	smov.u32 s12;
	p1 =	sgt.s32 s20, $0x1FF  }
0x20: {  	s21 =	smov.u32 @p1 s16  }
0x21: {  	s22 =	smov.u32 s13;
	s16 =	sadd.s32 $0x8, s13;
	p2 =	sgt.s32 s21, $0x1FF  }
0x22: {  	s22 =	smov.u32 @p2 s16  }
0x23: {  	s16 =	simm.s32 $0x1;
	p3 =	sgt.s32 s22, $0x7  }
0x24: {  	s16 =	simm.s32 @!p3 $0x0  }
0x25: {  	p0 =	slt.u32 s15, $0x2;
	s24 =	sadd.s32 s16, s14  }
0x26: {  	s17 =	smov.u32 s12;
	s20 =	simm.s32 @p1 $0x0;
	p1 =	sgt.s32 s24, $0x5  }
0x27: {  	s23 =	simm.s32 @!p0 $0x2;
	s24 =	simm.s32 @p1 $0x0;
	p1 =	sne.s32 s15, s8  }
.Ltmp1:
0x28: {  	s19 =	smov.u32 s13;
	_ =	swait.ge @!p0 [sflag:s23], $0x4000;
	(pc) =	sbr.rel @!p1 .LBB1_6-.Ltmp1, $4  }
0x29: {  	s18 =	smov.u32 s14;
	[sflag:s23] =	ssyncset.done @!p0 $0x0;
	s21 =	smov.u32 @p2 s2  }
0x2a: {  	s10 =	sadd.s32 $0x4000, s10;
	[sflag:s23] =	ssyncadd.s32 @!p0 $0xFFFFC000;
	s12 =	smov.u32 s21  }
0x2b: {  	s22 =	smov.u32 @p3 s7;
	s16 =	smov.u32 s11;
	s11 =	smov.u32 s20  }
0x2c: {  	s13 =	smov.u32 s22;
	s15 =	sadd.s32 $0x1, s15;
	s14 =	smov.u32 s24  }
.LBB1_1:
0x2d: {  	p0 =	sge.u32 s15, s5;
	s31 =	sadd.s32 $0xFFFFFFFF, s15  }
0x2e: {  	s20 =	sxor.u32 @!p0 $0xFFFFFFFF, s15;
	s21 =	sand.u32 @!p0 $0x78, s11;
	s22 =	sshll.u32 @!p0 s12, $0x9  }
0x2f: {  	s23 =	sshll.u32 @!p0 s11, $0x3;
	s24 =	sshll.u32 @!p0 s12, $0x7;
	s20 =	sshll.u32 @!p0 s20, $0xE  }
0x30: {  	s22 =	sand.u32 @!p0 $0x3F000, s22;
	s23 =	sand.u32 @!p0 $0x3FC00, s23;
	s20 =	sand.u32 @!p0 $0x4000, s20  }
0x31: {  	s22 =	sadd.s32 @!p0 s22, s23;
	s23 =	sand.u32 @!p0 $0x200, s24;
	s24 =	sand.u32 @!p0 $0x180, s24  }
0x32: {  	s22 =	sor.u32 @!p0 s23, s22;
	s21 =	sor.u32 @!p0 s21, s24;
	s23 =	sshll.u32 @!p0 s14, $0x12  }
0x33: {  	s24 =	sshll.u32 @!p0 s13, $0xF;
	s22 =	sshrl.u32 @!p0 s22, $0x3;
	s23 =	sadd.s32 @!p0 s3, s23  }
0x34: {  	s21 =	sshrl.u32 @!p0 s21, $0x3;
	s23 =	sadd.s32 @!p0 s24, s23;
	s24 =	sand.u32 @!p0 $0x7, s11  }
0x35: {  	s22 =	sand.u32 @!p0 $0x7FC0, s22;
	s21 =	sadd.s32 @!p0 s21, s23;
	s23 =	sshll.u32 @!p0 s24, $0x12  }
0x36: {  	s21 =	sadd.s32 @!p0 s22, s21;
	s22 =	sor.u32 @!p0 $0x400, s23;
	s23 =	simm.s32 @!p0 $0x1000  }
0x37: {  	[tilespmem:s20], [sflag:$0x1] =	stream.strided.gather @!p0 [hbm4b:s21+s22], $0x4000, s23, s22, $0x38;
	[tilespmem:$0x10000] =	vst v63  }
0x38: {  	p0 =	sge.u32 s31, s5  }
.Ltmp2:
0x39: {  	_ = 	snop;
	(pc) =	sbr.rel @p0 .LBB1_5-.Ltmp2, $1  }
0x3a: {  	_ =	sdelay $0x3  }
0x3b: {  	s20 =	sand.u32 $0x4000, s10  }
0x3c: {  	s21 =	sor.u32 $0x40, s20  }
0x3d: {  	v1 =	vmov s21;
	_ =	sdelay $0x1  }
0x3e: {  	_ =	swait.ge [sflag:s4], $0x4000  }
0x3f: {  	[sflag:s4] =	ssyncset.done $0x0  }
0x40: {  	s22 =	simm.s32 $0x0;
	[sflag:s4] =	ssyncadd.s32 $0xFFFFC000  }
0x41: {  	s20 =	sor.u32 $0x8070, s20;
	v7 =	vld.idx.msk [tilespmem:v1+s22+$0x30 ss:$0x1], $0xffff  }
0x42: {  	v0 =	vmov s20;
	v8 =	vld.idx.msk [tilespmem:v1+s22+$0xFFFFFFC0 ss:$0x1], $0xffff  }
0x43: {  	v6 =	vld.idx.msk [tilespmem:v1+s22+$0xFFFFFFD0 ss:$0x1], $0xffff  }
0x44: {  	v4 =	vld.idx.msk [tilespmem:v1+s22+$0xFFFFFFE0 ss:$0x1], $0xffff  }
0x45: {  	v2 =	vld.idx.msk [tilespmem:v1+s22+$0xFFFFFFF0 ss:$0x1], $0xffff  }
0x46: {  	s31 =	sshll.u32 s15, $0xE;
	v3 =	vld.idx.msk [tilespmem:v1+s22+$0x0 ss:$0x1], $0xffff  }
0x47: {  	s20 =	sand.u32 $0x4000, s31;
	v5 =	vld.idx.msk [tilespmem:v1+s22+$0x10 ss:$0x1], $0xffff;
	[tilespmem:v0+s22+$0x0 ss:$0x1] =	vst.idx.msk $0xffff, v7  }
0x48: {  	s23 =	simm.s32 $0x400;
	s21 =	simm.s32 $0x80;
	s20 =	sor.u32 $0x8000, s20;
	[tilespmem:v0+s22+$0xFFFFFF90 ss:$0x1] =	vst.idx.msk $0xffff, v8;
	v7 =	vld.idx.msk [tilespmem:v1+s22+$0x20 ss:$0x1], $0xffff  }
.LBB1_3:
0x49: {  	p0 =	sne.s32 s23, $0xFE00;
	v8 =	vld.idx.msk [tilespmem:v1+s21+$0x30 ss:$0x1], $0xffff;
	[tilespmem:v0+s22+$0xFFFFFFA0 ss:$0x1] =	vst.idx.msk $0xffff, v6  }
0x4a: {  	v9 =	vld.idx.msk [tilespmem:v1+s21+$0xFFFFFFC0 ss:$0x1], $0xffff;
	[tilespmem:v0+s22+$0xFFFFFFB0 ss:$0x1] =	vst.idx.msk $0xffff, v4  }
0x4b: {  	v6 =	vld.idx.msk [tilespmem:v1+s21+$0xFFFFFFD0 ss:$0x1], $0xffff;
	[tilespmem:v0+s22+$0xFFFFFFC0 ss:$0x1] =	vst.idx.msk $0xffff, v2  }
.Ltmp3:
0x4c: {  	v4 =	vld.idx.msk [tilespmem:v1+s21+$0xFFFFFFE0 ss:$0x1], $0xffff;
	[tilespmem:v0+s22+$0xFFFFFFD0 ss:$0x1] =	vst.idx.msk $0xffff, v3;
	(pc) =	sbr.rel @p0 .LBB1_3-.Ltmp3, $4  }
0x4d: {  	v2 =	vld.idx.msk [tilespmem:v1+s21+$0xFFFFFFF0 ss:$0x1], $0xffff;
	[tilespmem:v0+s22+$0xFFFFFFE0 ss:$0x1] =	vst.idx.msk $0xffff, v5  }
0x4e: {  	v3 =	vld.idx.msk [tilespmem:v1+s21+$0x0 ss:$0x1], $0xffff;
	[tilespmem:v0+s22+$0xFFFFFFF0 ss:$0x1] =	vst.idx.msk $0xffff, v7;
	s22 =	smov.u32 s21  }
0x4f: {  	v5 =	vld.idx.msk [tilespmem:v1+s22+$0x10 ss:$0x1], $0xffff;
	[tilespmem:v0+s22+$0x0 ss:$0x1] =	vst.idx.msk $0xffff, v8  }
0x50: {  	s21 =	sshra.s32 s23, $0x2;
	s23 =	sadd.s32 $0x200, s23;
	[tilespmem:v0+s22+$0xFFFFFF90 ss:$0x1] =	vst.idx.msk $0xffff, v9;
	v7 =	vld.idx.msk [tilespmem:v1+s22+$0x20 ss:$0x1], $0xffff  }
.Ltmp4:
0x51: {  	_ = 	snop;
	(pc) =	sbr.rel .LBB1_4-.Ltmp4, $1  }
0x52: {  	_ =	sdelay $0x3  }
.LBB1_6:
0x53: {  	_ =	sfence.sel $0x180000  }
0x54: {  	s2 =	simm.s32 $0x1;
	[bflag:$0x0] =	sbarrier.arrive $0xFFFF  }
0x55: {  	s31 =	simm.s32 $0x2;
	[sflag:s2] =	ssyncpa.u1 $0x1  }
0x56: {  	[sflag:s31] =	ssyncpa.u1 $0x1  }
0x57: {  	p0 =	sne.s32 s0, $0x0;
	_ =	strace $0x9000004D  }
0x58: {  	s0 =	sadd.s32 @!p0 $0x100000, s1;
	[bflag:$0x2] =	sbarrier.arrive $0xFFFF  }
0x59: {  	[sflag:s0] =	ssyncadd.tile.s32 @!p0 $0x1;
	_ =	shalt  }
.Lfunc_end1:
_tile_overlayer_lowered:
.L_overlay_start_2:
0x5a: {  	(tag) =	ssettag $0x2  }
0x5b: {  	s0 =	rddreg [dreg:$0x0];
	s2 =	stileid.u32  }
0x5c: {  	s1 =	rddreg [dreg:$0x1];
	p0 =	sne.s32 s2, $0x0  }
0x5d: {  	s3 =	rddreg [dreg:$0x2];
	[bflag:$0x3] =	sbarrier.arrive $0xFFFF;
	s2 =	simm.s32 @!p0 $0x1C01  }
0x5e: {  	[timem:s3], [sflag:s2] =	dma.local @!p0 [hbm:s0], s1  }
0x5f: {  	s0 =	simm.s32 @!p0 $0x1  }
0x60: {  	_ =	swait.ge @!p0 [sflag:s0], s1  }
0x61: {  	s1 =	ssub.s32 @!p0 $0x0, s1;
	[sflag:s0] =	ssyncset.done @!p0 $0x0  }
0x62: {  	[sflag:s0] =	ssyncadd.s32 @!p0 s1  }
0x63: {  	[bflag:$0x3] =	sbarrier.arrive $0xFFFF  }
0x64: {  	_ =	shalt  }

// kernel: sparse-core-data-format-call.2.cloned.1.call-start
scs
called_computation.2_lowered:
.L_overlay_start_0:
0x0: {  	s2 =	sld [smem:$0x3FD9]  }
0x1: {  	s3 =	sld [smem:$0x3FFE];
	_ =	sdelay $0x1  }
0x2: {  	s1 =	srdreg.scid  }
0x3: {  	s0 =	sand.u32 $0x1, s1  }
0x4: {  	s18 =	sshll.u32 s0, $0xA;
	s2 =	sadd.s32 s3, s2  }
0x5: {  	s2 =	sadd.s32 s2, s18  }
0x6: {  	[smem:$0x3FBE] =	sst s2  }
0x7: {  	_ = 	snop  }
0x8: {  	s19 =	sld [smem:$0x3FC6];
	(tm) =	ssettm $0x1  }
0x9: {  	s20 =	sld [smem:$0x3FFB];
	_ =	sdelay $0x3  }
0xa: {  	_ =	strace s20  }
0xb: {  	s2 =	sld [smem:$0x3FFC];
	_ =	sdelay $0x3  }
0xc: {  	_ =	strace s2  }
0xd: {  	s2 =	sld [smem:$0x3FFD];
	_ =	sdelay $0x3  }
0xe: {  	_ =	strace s2  }
0xf: {  	_ =	strace $0x8FFFFFFF  }
0x10: {  	s21 =	sld [smem:$0x3FDB];
	_ =	sdelay $0x1  }
0x11: {  	s4 =	simm.s32 $_scs_section_size  }
0x12: {  	s5 =	simm.s32 $_size__tile_overlayer_lowered;
	s6 =	simm.s32 $_tile_overlayer_lowered  }
0x13: {  	s7 =	simm.s32 $0x1BFF;
	s22 =	sshll.u32 s6, $0x1;
	s4 =	sadd.s32 s4, s21  }
0x14: {  	s23 =	simm.s32 $0x0;
	s5 =	sshll.u32 s5, $0x1;
	s6 =	sadd.s32 s22, s4  }
0x15: {  	[timem:s23], [sflag:s7] =	dma.local [hbm:s6], s5  }
0x16: {  	_ =	swait.ge [sflag:s7], s5  }
0x17: {  	s5 =	ssub.s32 $0x0, s5;
	[sflag:s7] =	ssyncset.done $0x0  }
0x18: {  	[sflag:s7] =	ssyncadd.s32 s5;
	_ =	sdelay $0x1  }
0x19: {  	s24 =	simm.s32 $0x1B8B  }
0x1a: {  	_ =	swait.ge [sflag:s24], $0x1  }
0x1b: {  	[sflag:s24] =	ssyncset.done $0x0  }
0x1c: {  	[sflag:s24] =	ssyncadd.s32 $0xFFFFFFFF  }
0x1d: {  	s5 =	sld [smem:$0x0]  }
0x1e: {  	s6 =	sand.u32 $0xFFFFFFFE, s1  }
0x1f: {  	p0 =	sne.s32 s1, s6  }
0x20: {  	s6 =	sshll.u32 @p0 s6, $0xE  }
0x21: {  	s6 =	sadd.s32 @p0 $0x11B8D, s6;
	s7 =	sshll.u32 @p0 s5, $0x11  }
0x22: {  	s6 =	sor.u32 @p0 s7, s6  }
0x23: {  	[sflag:s6] =	ssyncadd.remote.s32 @p0 $0x1;
	_ =	sdelay $0x1  }
0x24: {  	s6 =	simm.s32 @p0 $0x1B8D  }
0x25: {  	_ =	swait.eq @p0 [sflag:s6], $0x1  }
0x26: {  	[sflag:s6] =	ssyncadd.s32 @p0 $0xFFFFFFFF  }
0x27: {  	s7 =	sshll.u32 @!p0 s1, $0xE  }
0x28: {  	s7 =	sor.u32 @!p0 $0x4000, s7;
	s6 =	simm.s32 @!p0 $0x1B8D  }
0x29: {  	s5 =	sshll.u32 @!p0 s5, $0x11;
	s7 =	sadd.s32 @!p0 $0x11B8D, s7;
	_ =	swait.eq @!p0 [sflag:s6], $0x1  }
0x2a: {  	s5 =	sor.u32 @!p0 s5, s7;
	[sflag:s6] =	ssyncadd.s32 @!p0 $0xFFFFFFFF  }
0x2b: {  	s26 =	simm.s32 $0x1B8E;
	s25 =	sld [smem:$0x3FFE];
	[sflag:s5] =	ssyncadd.remote.s32 @!p0 $0x1  }
0x2c: {  	s27 =	simm.s32 $execute0_lowered;
	[smem:$0x3FD2] =	sst s26  }
0x2d: {  	s6 =	sshll.u32 s27, $0x1;
	_ =	strace $0x80000049;
	[dreg:$0x1] =	wrdreg $0xFFFFFFFF  }
0x2e: {  	s28 =	simm.s32 $_size_execute0_lowered;
	s4 =	sadd.s32 s4, s6;
	[dreg:$0x0] =	wrdreg $0x0  }
0x2f: {  	s6 =	sshll.u32 s28, $0x1;
	[dreg:$0x2] =	wrdreg s4  }
0x30: {  	[dreg:$0x3] =	wrdreg s6  }
0x31: {  	[dreg:$0x4] =	wrdreg $0xC0  }
0x32: {  	_ =	task [dreg:s23], $0x5FFFF  }
0x33: {  	[dreg:$0x1] =	wrdreg $0xFFFFFFFF  }
0x34: {  	[dreg:$0x0] =	wrdreg $0x60  }
0x35: {  	[dreg:$0x2] =	wrdreg s19  }
0x36: {  	[dreg:$0x3] =	wrdreg s25  }
0x37: {  	[dreg:$0x4] =	wrdreg $0xA  }
0x38: {  	_ =	task.clear_ibuf [dreg:s23], $0x5FFFF;
	_ =	strace $0x90000049  }
0x39: {  	s29 =	simm.s32 $0xA;
	_ =	strace $0x8000004B  }
0x3a: {  	_ =	swait.ge [sflag:s29], $0x1  }
0x3b: {  	[sflag:s29] =	ssyncadd.s32 $0xFFFFFFFF  }
0x3c: {  	_ =	strace $0x9000004B  }
0x3d: {  	_ =	sfence  }
0x3e: {  	s30 =	sld [smem:$0x0];
	_ =	sdelay $0x2  }
0x3f: {  	s31 =	sshll.u32 s1, $0xD;
	s1 =	sshrl.u32 s1, $0x2  }
0x40: {  	s4 =	sand.u32 $0x4000, s31;
	s1 =	sadd.s32 s1, s30  }
0x41: {  	s0 =	sor.u32 s4, s0;
	s1 =	sshll.u32 s1, $0x11  }
0x42: {  	s0 =	sor.u32 s1, s0  }
0x43: {  	s0 =	sadd.s32 $0x8F2B, s0  }
0x44: {  	[sflag:s0] =	ssyncadd.remote.s32 $0x1  }
0x45: {  	_ =	sfence.sel $0xFFFF  }
0x46: {  	[dreg:$0x0] =	wrdreg $0xFFFFFFFF;
	(pc) =	sbr.abs _section_cstart, $3  }
0x47: {  	[dreg:$0x1] =	wrdreg $0xFFFFFFFF  }
0x48: {  	_ =	task.clear_ibuf [dreg:s23], $0x2FFFF;
	_ =	strace $0x9FFFFFFF  }
0x49: {  	(tm) =	ssettm $0x7FFFFFFF  }
tec
execute0_lowered:
.L_overlay_start_1:
0x0: {  	(tag) =	ssettag $0x1  }
0x1: {  	s0 =	stileid.u32;
	s3 =	rddreg [dreg:$0x0]  }
0x2: {  	s1 =	srdreg.scid;
	s6 =	rddreg [dreg:$0x1]  }
0x3: {  	s8 =	simm.s32 $0x2;
	s2 =	sshll.u32 s0, $0x4;
	s1 =	sshll.u32 s1, $0x8  }
0x4: {  	s16 =	simm.s32 $0x0;
	s9 =	simm.s32 $0x1000;
	s1 =	sor.u32 s2, s1  }
0x5: {  	s10 =	simm.s32 $0x0;
	s17 =	simm.s32 $0x0;
	s2 =	sand.u32 $0x180, s1  }
0x6: {  	s19 =	simm.s32 $0x0;
	s18 =	simm.s32 $0x0;
	s1 =	ssub.s32 $0x200, s2  }
0x7: {  	s11 =	simm.s32 $0x0;
	s14 =	simm.s32 $0x0;
	s4 =	sand.u32 $0x180, s1  }
0x8: {  	s15 =	simm.s32 $0x0;
	p0 =	sne.s32 s4, $0x0;
	s4 =	simm.s32 $0x1  }
.Ltmp0:
0x9: {  	s5 =	sshrl.u32 s1, $0x9;
	s4 =	simm.s32 @!p0 $0x0;
	(pc) =	sbr.rel .LBB1_1-.Ltmp0, $4  }
0xa: {  	s7 =	sand.u32 $0x7, s0;
	s1 =	rddreg [dreg:$0x2];
	s5 =	sadd.s32 s4, s5  }
0xb: {  	_ =	strace $0x8000004A;
	s4 =	simm.s32 $0x1;
	s5 =	smul.u32 $0x18, s5  }
0xc: {  	s6 =	sadd.s32 $0x182600, s6;
	s13 =	smov.u32 s7;
	[sflag:s4] =	ssyncpa.u1 $0x0  }
0xd: {  	s12 =	smov.u32 s2;
	[sflag:s8] =	ssyncpa.u1 $0x0;
	s8 =	sor.u32 $0x1, s5  }
.LBB1_4:
0xe: {  	_ =	sdelay $0x3  }
0xf: {  	[tilespmem:v0+s22+$0xFFFFFFA0 ss:$0x1] =	vst.idx.msk $0xffff, v6  }
0x10: {  	v56 =	vld.idx.msk [tilespmem:v1+s21+$0x30 ss:$0x1], $0xffff;
	[tilespmem:v0+s22+$0xFFFFFFB0 ss:$0x1] =	vst.idx.msk $0xffff, v4  }
0x11: {  	v57 =	vld.idx.msk [tilespmem:v1+s21+$0xFFFFFFC0 ss:$0x1], $0xffff;
	[tilespmem:v0+s22+$0xFFFFFFC0 ss:$0x1] =	vst.idx.msk $0xffff, v2  }
0x12: {  	v58 =	vld.idx.msk [tilespmem:v1+s21+$0xFFFFFFD0 ss:$0x1], $0xffff;
	[tilespmem:v0+s22+$0xFFFFFFD0 ss:$0x1] =	vst.idx.msk $0xffff, v3  }
0x13: {  	v59 =	vld.idx.msk [tilespmem:v1+s21+$0xFFFFFFE0 ss:$0x1], $0xffff;
	[tilespmem:v0+s22+$0xFFFFFFE0 ss:$0x1] =	vst.idx.msk $0xffff, v5  }
0x14: {  	v60 =	vld.idx.msk [tilespmem:v1+s21+$0xFFFFFFF0 ss:$0x1], $0xffff;
	[tilespmem:v0+s22+$0xFFFFFFF0 ss:$0x1] =	vst.idx.msk $0xffff, v7  }
0x15: {  	v61 =	vld.idx.msk [tilespmem:v1+s21+$0x0 ss:$0x1], $0xffff;
	[tilespmem:v0+s21+$0x0 ss:$0x1] =	vst.idx.msk $0xffff, v56  }
0x16: {  	v62 =	vld.idx.msk [tilespmem:v1+s21+$0x10 ss:$0x1], $0xffff;
	[tilespmem:v0+s21+$0xFFFFFF90 ss:$0x1] =	vst.idx.msk $0xffff, v57  }
0x17: {  	s19 =	sshll.u32 s19, $0x7;
	v63 =	vld.idx.msk [tilespmem:v1+s21+$0x20 ss:$0x1], $0xffff;
	s29 =	sand.u32 $0x78, s16;
	[tilespmem:v0+s21+$0xFFFFFFA0 ss:$0x1] =	vst.idx.msk $0xffff, v58  }
0x18: {  	s30 =	sshll.u32 s16, $0x3;
	s18 =	sshll.u32 s18, $0x12;
	s19 =	sand.u32 $0x380, s19;
	[tilespmem:v0+s21+$0xFFFFFFB0 ss:$0x1] =	vst.idx.msk $0xffff, v59  }
0x19: {  	s17 =	sshll.u32 s17, $0x9;
	s22 =	sand.u32 $0xC00, s30;
	s19 =	sor.u32 s29, s19;
	[tilespmem:v0+s21+$0xFFFFFFC0 ss:$0x1] =	vst.idx.msk $0xffff, v60  }
0x1a: {  	s31 =	sand.u32 $0x7, s16;
	s18 =	sadd.s32 s6, s18;
	s19 =	sor.u32 s22, s19;
	[tilespmem:v0+s21+$0xFFFFFFD0 ss:$0x1] =	vst.idx.msk $0xffff, v61  }
0x1b: {  	s16 =	sshll.u32 s31, $0x12;
	s17 =	sadd.s32 s17, s18;
	s19 =	sshrl.u32 s19, $0x3;
	[tilespmem:v0+s21+$0xFFFFFFE0 ss:$0x1] =	vst.idx.msk $0xffff, v62  }
0x1c: {  	s16 =	sor.u32 $0x80, s16;
	[tilespmem:v0+s21+$0xFFFFFFF0 ss:$0x1] =	vst.idx.msk $0xffff, v63;
	s17 =	sadd.s32 s19, s17  }
0x1d: {  	[hbm4b:s17+s16] =	stream.strided.scatter [tilespmem:s20], [sflag:$0x2], $0x4000, s9, s16, $0x38;
	[tilespmem:$0x10000] =	vst v63  }
.LBB1_5:
0x1e: {  	s20 =	sadd.s32 $0x80, s11  }
0x1f: {  	s16 =	sadd.s32 $0x200, s12;
	s21 =	smov.u32 s12;
	p1 =	sgt.s32 s20, $0x1FF  }
0x20: {  	s21 =	smov.u32 @p1 s16  }
0x21: {  	s22 =	smov.u32 s13;
	s16 =	sadd.s32 $0x8, s13;
	p2 =	sgt.s32 s21, $0x1FF  }
0x22: {  	s22 =	smov.u32 @p2 s16  }
0x23: {  	s16 =	simm.s32 $0x1;
	p3 =	sgt.s32 s22, $0x7  }
0x24: {  	s16 =	simm.s32 @!p3 $0x0  }
0x25: {  	p0 =	slt.u32 s15, $0x2;
	s24 =	sadd.s32 s16, s14  }
0x26: {  	s17 =	smov.u32 s12;
	s20 =	simm.s32 @p1 $0x0;
	p1 =	sgt.s32 s24, $0x5  }
0x27: {  	s23 =	simm.s32 @!p0 $0x2;
	s24 =	simm.s32 @p1 $0x0;
	p1 =	sne.s32 s15, s8  }
.Ltmp1:
0x28: {  	s19 =	smov.u32 s13;
	_ =	swait.ge @!p0 [sflag:s23], $0x4000;
	(pc) =	sbr.rel @!p1 .LBB1_6-.Ltmp1, $4  }
0x29: {  	s18 =	smov.u32 s14;
	[sflag:s23] =	ssyncset.done @!p0 $0x0;
	s21 =	smov.u32 @p2 s2  }
0x2a: {  	s10 =	sadd.s32 $0x4000, s10;
	[sflag:s23] =	ssyncadd.s32 @!p0 $0xFFFFC000;
	s12 =	smov.u32 s21  }
0x2b: {  	s22 =	smov.u32 @p3 s7;
	s16 =	smov.u32 s11;
	s11 =	smov.u32 s20  }
0x2c: {  	s13 =	smov.u32 s22;
	s15 =	sadd.s32 $0x1, s15;
	s14 =	smov.u32 s24  }
.LBB1_1:
0x2d: {  	p0 =	sge.u32 s15, s5;
	s31 =	sadd.s32 $0xFFFFFFFF, s15  }
0x2e: {  	s20 =	sxor.u32 @!p0 $0xFFFFFFFF, s15;
	s21 =	sand.u32 @!p0 $0x78, s11;
	s22 =	sshll.u32 @!p0 s12, $0x9  }
0x2f: {  	s23 =	sshll.u32 @!p0 s11, $0x3;
	s24 =	sshll.u32 @!p0 s12, $0x7;
	s20 =	sshll.u32 @!p0 s20, $0xE  }
0x30: {  	s22 =	sand.u32 @!p0 $0x3F000, s22;
	s23 =	sand.u32 @!p0 $0x3FC00, s23;
	s20 =	sand.u32 @!p0 $0x4000, s20  }
0x31: {  	s22 =	sadd.s32 @!p0 s22, s23;
	s23 =	sand.u32 @!p0 $0x200, s24;
	s24 =	sand.u32 @!p0 $0x180, s24  }
0x32: {  	s22 =	sor.u32 @!p0 s23, s22;
	s21 =	sor.u32 @!p0 s21, s24;
	s23 =	sshll.u32 @!p0 s14, $0x12  }
0x33: {  	s24 =	sshll.u32 @!p0 s13, $0xF;
	s22 =	sshrl.u32 @!p0 s22, $0x3;
	s23 =	sadd.s32 @!p0 s3, s23  }
0x34: {  	s21 =	sshrl.u32 @!p0 s21, $0x3;
	s23 =	sadd.s32 @!p0 s24, s23;
	s24 =	sand.u32 @!p0 $0x7, s11  }
0x35: {  	s22 =	sand.u32 @!p0 $0x7FC0, s22;
	s21 =	sadd.s32 @!p0 s21, s23;
	s23 =	sshll.u32 @!p0 s24, $0x12  }
0x36: {  	s21 =	sadd.s32 @!p0 s22, s21;
	s22 =	sor.u32 @!p0 $0x400, s23;
	s23 =	simm.s32 @!p0 $0x1000  }
0x37: {  	[tilespmem:s20], [sflag:$0x1] =	stream.strided.gather @!p0 [hbm4b:s21+s22], $0x4000, s23, s22, $0x38;
	[tilespmem:$0x10000] =	vst v63  }
0x38: {  	p0 =	sge.u32 s31, s5  }
.Ltmp2:
0x39: {  	_ = 	snop;
	(pc) =	sbr.rel @p0 .LBB1_5-.Ltmp2, $1  }
0x3a: {  	_ =	sdelay $0x3  }
0x3b: {  	s20 =	sand.u32 $0x4000, s10  }
0x3c: {  	s21 =	sor.u32 $0x40, s20  }
0x3d: {  	v1 =	vmov s21;
	_ =	sdelay $0x1  }
0x3e: {  	_ =	swait.ge [sflag:s4], $0x4000  }
0x3f: {  	[sflag:s4] =	ssyncset.done $0x0  }
0x40: {  	s22 =	simm.s32 $0x0;
	[sflag:s4] =	ssyncadd.s32 $0xFFFFC000  }
0x41: {  	s20 =	sor.u32 $0x8070, s20;
	v7 =	vld.idx.msk [tilespmem:v1+s22+$0x30 ss:$0x1], $0xffff  }
0x42: {  	v0 =	vmov s20;
	v8 =	vld.idx.msk [tilespmem:v1+s22+$0xFFFFFFC0 ss:$0x1], $0xffff  }
0x43: {  	v6 =	vld.idx.msk [tilespmem:v1+s22+$0xFFFFFFD0 ss:$0x1], $0xffff  }
0x44: {  	v4 =	vld.idx.msk [tilespmem:v1+s22+$0xFFFFFFE0 ss:$0x1], $0xffff  }
0x45: {  	v2 =	vld.idx.msk [tilespmem:v1+s22+$0xFFFFFFF0 ss:$0x1], $0xffff  }
0x46: {  	s31 =	sshll.u32 s15, $0xE;
	v3 =	vld.idx.msk [tilespmem:v1+s22+$0x0 ss:$0x1], $0xffff  }
0x47: {  	s20 =	sand.u32 $0x4000, s31;
	v5 =	vld.idx.msk [tilespmem:v1+s22+$0x10 ss:$0x1], $0xffff;
	[tilespmem:v0+s22+$0x0 ss:$0x1] =	vst.idx.msk $0xffff, v7  }
0x48: {  	s23 =	simm.s32 $0x400;
	s21 =	simm.s32 $0x80;
	s20 =	sor.u32 $0x8000, s20;
	[tilespmem:v0+s22+$0xFFFFFF90 ss:$0x1] =	vst.idx.msk $0xffff, v8;
	v7 =	vld.idx.msk [tilespmem:v1+s22+$0x20 ss:$0x1], $0xffff  }
.LBB1_3:
0x49: {  	p0 =	sne.s32 s23, $0xFE00;
	v8 =	vld.idx.msk [tilespmem:v1+s21+$0x30 ss:$0x1], $0xffff;
	[tilespmem:v0+s22+$0xFFFFFFA0 ss:$0x1] =	vst.idx.msk $0xffff, v6  }
0x4a: {  	v9 =	vld.idx.msk [tilespmem:v1+s21+$0xFFFFFFC0 ss:$0x1], $0xffff;
	[tilespmem:v0+s22+$0xFFFFFFB0 ss:$0x1] =	vst.idx.msk $0xffff, v4  }
0x4b: {  	v6 =	vld.idx.msk [tilespmem:v1+s21+$0xFFFFFFD0 ss:$0x1], $0xffff;
	[tilespmem:v0+s22+$0xFFFFFFC0 ss:$0x1] =	vst.idx.msk $0xffff, v2  }
.Ltmp3:
0x4c: {  	v4 =	vld.idx.msk [tilespmem:v1+s21+$0xFFFFFFE0 ss:$0x1], $0xffff;
	[tilespmem:v0+s22+$0xFFFFFFD0 ss:$0x1] =	vst.idx.msk $0xffff, v3;
	(pc) =	sbr.rel @p0 .LBB1_3-.Ltmp3, $4  }
0x4d: {  	v2 =	vld.idx.msk [tilespmem:v1+s21+$0xFFFFFFF0 ss:$0x1], $0xffff;
	[tilespmem:v0+s22+$0xFFFFFFE0 ss:$0x1] =	vst.idx.msk $0xffff, v5  }
0x4e: {  	v3 =	vld.idx.msk [tilespmem:v1+s21+$0x0 ss:$0x1], $0xffff;
	[tilespmem:v0+s22+$0xFFFFFFF0 ss:$0x1] =	vst.idx.msk $0xffff, v7;
	s22 =	smov.u32 s21  }
0x4f: {  	v5 =	vld.idx.msk [tilespmem:v1+s22+$0x10 ss:$0x1], $0xffff;
	[tilespmem:v0+s22+$0x0 ss:$0x1] =	vst.idx.msk $0xffff, v8  }
0x50: {  	s21 =	sshra.s32 s23, $0x2;
	s23 =	sadd.s32 $0x200, s23;
	[tilespmem:v0+s22+$0xFFFFFF90 ss:$0x1] =	vst.idx.msk $0xffff, v9;
	v7 =	vld.idx.msk [tilespmem:v1+s22+$0x20 ss:$0x1], $0xffff  }
.Ltmp4:
0x51: {  	_ = 	snop;
	(pc) =	sbr.rel .LBB1_4-.Ltmp4, $1  }
0x52: {  	_ =	sdelay $0x3  }
.LBB1_6:
0x53: {  	_ =	sfence.sel $0x180000  }
0x54: {  	s2 =	simm.s32 $0x1;
	[bflag:$0x0] =	sbarrier.arrive $0xFFFF  }
0x55: {  	s31 =	simm.s32 $0x2;
	[sflag:s2] =	ssyncpa.u1 $0x1  }
0x56: {  	[sflag:s31] =	ssyncpa.u1 $0x1  }
0x57: {  	p0 =	sne.s32 s0, $0x0;
	_ =	strace $0x9000004A  }
0x58: {  	s0 =	sadd.s32 @!p0 $0x100000, s1;
	[bflag:$0x2] =	sbarrier.arrive $0xFFFF  }
0x59: {  	[sflag:s0] =	ssyncadd.tile.s32 @!p0 $0x1;
	_ =	shalt  }
.Lfunc_end1:
_tile_overlayer_lowered:
.L_overlay_start_2:
0x5a: {  	(tag) =	ssettag $0x2  }
0x5b: {  	s0 =	rddreg [dreg:$0x0];
	s2 =	stileid.u32  }
0x5c: {  	s1 =	rddreg [dreg:$0x1];
	p0 =	sne.s32 s2, $0x0  }
0x5d: {  	s3 =	rddreg [dreg:$0x2];
	[bflag:$0x3] =	sbarrier.arrive $0xFFFF;
	s2 =	simm.s32 @!p0 $0x1C01  }
0x5e: {  	[timem:s3], [sflag:s2] =	dma.local @!p0 [hbm:s0], s1  }
0x5f: {  	s0 =	simm.s32 @!p0 $0x1  }
0x60: {  	_ =	swait.ge @!p0 [sflag:s0], s1  }
0x61: {  	s1 =	ssub.s32 @!p0 $0x0, s1;
	[sflag:s0] =	ssyncset.done @!p0 $0x0  }
0x62: {  	[sflag:s0] =	ssyncadd.s32 @!p0 s1  }
0x63: {  	[bflag:$0x3] =	sbarrier.arrive $0xFFFF  }
0x64: {  	_ =	shalt  }

// kernel: sparse-core-data-format-call.3.cloned.1.call-start
scs
called_computation.3_lowered:
.L_overlay_start_0:
0x0: {  	s2 =	sld [smem:$0x3FD9]  }
0x1: {  	s3 =	sld [smem:$0x3FFE];
	_ =	sdelay $0x1  }
0x2: {  	s1 =	srdreg.scid  }
0x3: {  	s0 =	sand.u32 $0x1, s1  }
0x4: {  	s18 =	sshll.u32 s0, $0xA;
	s2 =	sadd.s32 s3, s2  }
0x5: {  	s2 =	sadd.s32 s2, s18  }
0x6: {  	[smem:$0x3FBE] =	sst s2  }
0x7: {  	_ = 	snop  }
0x8: {  	s2 =	sld [smem:$0x3FC7];
	(tm) =	ssettm $0x1  }
0x9: {  	s19 =	sld [smem:$0x3FFB];
	_ =	sdelay $0x3  }
0xa: {  	_ =	strace s19  }
0xb: {  	s3 =	sld [smem:$0x3FFC];
	_ =	sdelay $0x3  }
0xc: {  	_ =	strace s3  }
0xd: {  	s3 =	sld [smem:$0x3FFD];
	_ =	sdelay $0x3  }
0xe: {  	_ =	strace s3  }
0xf: {  	_ =	strace $0x8FFFFFFF  }
0x10: {  	s20 =	sld [smem:$0x3FDB];
	_ =	sdelay $0x1  }
0x11: {  	s4 =	simm.s32 $_scs_section_size  }
0x12: {  	s5 =	simm.s32 $_size__tile_overlayer_lowered;
	s6 =	simm.s32 $_tile_overlayer_lowered  }
0x13: {  	s23 =	simm.s32 $0x1BFF;
	s22 =	sshll.u32 s6, $0x1;
	s3 =	sadd.s32 s4, s20  }
0x14: {  	s7 =	simm.s32 $0x0;
	s21 =	sshll.u32 s5, $0x1;
	s5 =	sadd.s32 s22, s3  }
0x15: {  	[timem:s7], [sflag:s23] =	dma.local [hbm:s5], s21  }
0x16: {  	_ =	swait.ge [sflag:s23], s21  }
0x17: {  	s4 =	ssub.s32 $0x0, s21;
	[sflag:s23] =	ssyncset.done $0x0  }
0x18: {  	[sflag:s23] =	ssyncadd.s32 s4;
	_ =	sdelay $0x1  }
0x19: {  	s24 =	simm.s32 $0x1B8B  }
0x1a: {  	_ =	swait.ge [sflag:s24], $0x1  }
0x1b: {  	[sflag:s24] =	ssyncset.done $0x0  }
0x1c: {  	s26 =	simm.s32 $0x1B8E;
	s25 =	sld [smem:$0x3FFE];
	[sflag:s24] =	ssyncadd.s32 $0xFFFFFFFF  }
0x1d: {  	s27 =	simm.s32 $execute0_lowered;
	[smem:$0x3FD2] =	sst s26  }
0x1e: {  	s5 =	sshll.u32 s27, $0x1;
	_ =	strace $0x80000046;
	[dreg:$0x1] =	wrdreg $0xFFFFFFFF  }
0x1f: {  	s28 =	simm.s32 $_size_execute0_lowered;
	s3 =	sadd.s32 s3, s5;
	[dreg:$0x0] =	wrdreg $0x0  }
0x20: {  	s5 =	sshll.u32 s28, $0x1;
	[dreg:$0x2] =	wrdreg s3  }
0x21: {  	[dreg:$0x3] =	wrdreg s5  }
0x22: {  	[dreg:$0x4] =	wrdreg $0xC0  }
0x23: {  	_ =	task [dreg:s7], $0x5FFFF  }
0x24: {  	[dreg:$0x1] =	wrdreg $0xFFFFFFFF  }
0x25: {  	[dreg:$0x0] =	wrdreg $0x60  }
0x26: {  	[dreg:$0x2] =	wrdreg s2  }
0x27: {  	[dreg:$0x3] =	wrdreg s25  }
0x28: {  	[dreg:$0x4] =	wrdreg $0xB  }
0x29: {  	_ =	task.clear_ibuf [dreg:s7], $0x5FFFF;
	_ =	strace $0x90000046  }
0x2a: {  	s29 =	simm.s32 $0xB;
	_ =	strace $0x80000048  }
0x2b: {  	_ =	swait.ge [sflag:s29], $0x1  }
0x2c: {  	[sflag:s29] =	ssyncadd.s32 $0xFFFFFFFF  }
0x2d: {  	_ =	strace $0x90000048  }
0x2e: {  	_ =	sfence  }
0x2f: {  	s30 =	sld [smem:$0x0];
	_ =	sdelay $0x2  }
0x30: {  	s31 =	sshll.u32 s1, $0xD;
	s1 =	sshrl.u32 s1, $0x2  }
0x31: {  	s3 =	sand.u32 $0x4000, s31;
	s1 =	sadd.s32 s1, s30  }
0x32: {  	s0 =	sor.u32 s3, s0;
	s1 =	sshll.u32 s1, $0x11  }
0x33: {  	s0 =	sor.u32 s1, s0  }
0x34: {  	s0 =	sadd.s32 $0x8F2B, s0  }
0x35: {  	[sflag:s0] =	ssyncadd.remote.s32 $0x1  }
0x36: {  	_ =	sfence.sel $0xFFFF  }
0x37: {  	[dreg:$0x0] =	wrdreg $0xFFFFFFFF;
	(pc) =	sbr.abs _section_cstart, $3  }
0x38: {  	[dreg:$0x1] =	wrdreg $0xFFFFFFFF  }
0x39: {  	_ =	task.clear_ibuf [dreg:s7], $0x2FFFF;
	_ =	strace $0x9FFFFFFF  }
0x3a: {  	(tm) =	ssettm $0x7FFFFFFF  }
0x3b: {  	_ =	shalt  }
tec
execute0_lowered:
.L_overlay_start_1:
0x0: {  	(tag) =	ssettag $0x1  }
0x1: {  	s0 =	stileid.u32;
	s3 =	rddreg [dreg:$0x0]  }
0x2: {  	s1 =	srdreg.scid;
	s6 =	rddreg [dreg:$0x1]  }
0x3: {  	s8 =	simm.s32 $0x2;
	s2 =	sshll.u32 s0, $0x4;
	s1 =	sshll.u32 s1, $0x8  }
0x4: {  	s16 =	simm.s32 $0x0;
	s9 =	simm.s32 $0x1000;
	s1 =	sor.u32 s2, s1  }
0x5: {  	s10 =	simm.s32 $0x0;
	s17 =	simm.s32 $0x0;
	s2 =	sand.u32 $0x180, s1  }
0x6: {  	s19 =	simm.s32 $0x0;
	s18 =	simm.s32 $0x0;
	s1 =	ssub.s32 $0x200, s2  }
0x7: {  	s11 =	simm.s32 $0x0;
	s14 =	simm.s32 $0x0;
	s4 =	sand.u32 $0x180, s1  }
0x8: {  	s15 =	simm.s32 $0x0;
	p0 =	sne.s32 s4, $0x0;
	s4 =	simm.s32 $0x1  }
.Ltmp0:
0x9: {  	s5 =	sshrl.u32 s1, $0x9;
	s4 =	simm.s32 @!p0 $0x0;
	(pc) =	sbr.rel .LBB1_1-.Ltmp0, $4  }
0xa: {  	s7 =	sand.u32 $0x7, s0;
	s1 =	rddreg [dreg:$0x2];
	s5 =	sadd.s32 s4, s5  }
0xb: {  	_ =	strace $0x80000047;
	s4 =	simm.s32 $0x1;
	s5 =	smul.u32 $0x18, s5  }
0xc: {  	s6 =	sadd.s32 $0x2600, s6;
	s13 =	smov.u32 s7;
	[sflag:s4] =	ssyncpa.u1 $0x0  }
0xd: {  	s12 =	smov.u32 s2;
	[sflag:s8] =	ssyncpa.u1 $0x0;
	s8 =	sor.u32 $0x1, s5  }
.LBB1_4:
0xe: {  	_ =	sdelay $0x3  }
0xf: {  	[tilespmem:v0+s22+$0xFFFFFFA0 ss:$0x1] =	vst.idx.msk $0xffff, v6  }
0x10: {  	v56 =	vld.idx.msk [tilespmem:v1+s21+$0x30 ss:$0x1], $0xffff;
	[tilespmem:v0+s22+$0xFFFFFFB0 ss:$0x1] =	vst.idx.msk $0xffff, v4  }
0x11: {  	v57 =	vld.idx.msk [tilespmem:v1+s21+$0xFFFFFFC0 ss:$0x1], $0xffff;
	[tilespmem:v0+s22+$0xFFFFFFC0 ss:$0x1] =	vst.idx.msk $0xffff, v2  }
0x12: {  	v58 =	vld.idx.msk [tilespmem:v1+s21+$0xFFFFFFD0 ss:$0x1], $0xffff;
	[tilespmem:v0+s22+$0xFFFFFFD0 ss:$0x1] =	vst.idx.msk $0xffff, v3  }
0x13: {  	v59 =	vld.idx.msk [tilespmem:v1+s21+$0xFFFFFFE0 ss:$0x1], $0xffff;
	[tilespmem:v0+s22+$0xFFFFFFE0 ss:$0x1] =	vst.idx.msk $0xffff, v5  }
0x14: {  	v60 =	vld.idx.msk [tilespmem:v1+s21+$0xFFFFFFF0 ss:$0x1], $0xffff;
	[tilespmem:v0+s22+$0xFFFFFFF0 ss:$0x1] =	vst.idx.msk $0xffff, v7  }
0x15: {  	v61 =	vld.idx.msk [tilespmem:v1+s21+$0x0 ss:$0x1], $0xffff;
	[tilespmem:v0+s21+$0x0 ss:$0x1] =	vst.idx.msk $0xffff, v56  }
0x16: {  	v62 =	vld.idx.msk [tilespmem:v1+s21+$0x10 ss:$0x1], $0xffff;
	[tilespmem:v0+s21+$0xFFFFFF90 ss:$0x1] =	vst.idx.msk $0xffff, v57  }
0x17: {  	s19 =	sshll.u32 s19, $0x7;
	v63 =	vld.idx.msk [tilespmem:v1+s21+$0x20 ss:$0x1], $0xffff;
	s29 =	sand.u32 $0x78, s16;
	[tilespmem:v0+s21+$0xFFFFFFA0 ss:$0x1] =	vst.idx.msk $0xffff, v58  }
0x18: {  	s30 =	sshll.u32 s16, $0x3;
	s18 =	sshll.u32 s18, $0x12;
	s19 =	sand.u32 $0x380, s19;
	[tilespmem:v0+s21+$0xFFFFFFB0 ss:$0x1] =	vst.idx.msk $0xffff, v59  }
0x19: {  	s17 =	sshll.u32 s17, $0x9;
	s22 =	sand.u32 $0xC00, s30;
	s19 =	sor.u32 s29, s19;
	[tilespmem:v0+s21+$0xFFFFFFC0 ss:$0x1] =	vst.idx.msk $0xffff, v60  }
0x1a: {  	s31 =	sand.u32 $0x7, s16;
	s18 =	sadd.s32 s6, s18;
	s19 =	sor.u32 s22, s19;
	[tilespmem:v0+s21+$0xFFFFFFD0 ss:$0x1] =	vst.idx.msk $0xffff, v61  }
0x1b: {  	s16 =	sshll.u32 s31, $0x12;
	s17 =	sadd.s32 s17, s18;
	s19 =	sshrl.u32 s19, $0x3;
	[tilespmem:v0+s21+$0xFFFFFFE0 ss:$0x1] =	vst.idx.msk $0xffff, v62  }
0x1c: {  	s16 =	sor.u32 $0x80, s16;
	[tilespmem:v0+s21+$0xFFFFFFF0 ss:$0x1] =	vst.idx.msk $0xffff, v63;
	s17 =	sadd.s32 s19, s17  }
0x1d: {  	[hbm4b:s17+s16] =	stream.strided.scatter [tilespmem:s20], [sflag:$0x2], $0x4000, s9, s16, $0x38;
	[tilespmem:$0x10000] =	vst v63  }
.LBB1_5:
0x1e: {  	s20 =	sadd.s32 $0x80, s11  }
0x1f: {  	s16 =	sadd.s32 $0x200, s12;
	s21 =	smov.u32 s12;
	p1 =	sgt.s32 s20, $0x1FF  }
0x20: {  	s21 =	smov.u32 @p1 s16  }
0x21: {  	s22 =	smov.u32 s13;
	s16 =	sadd.s32 $0x8, s13;
	p2 =	sgt.s32 s21, $0x1FF  }
0x22: {  	s22 =	smov.u32 @p2 s16  }
0x23: {  	s16 =	simm.s32 $0x1;
	p3 =	sgt.s32 s22, $0x7  }
0x24: {  	s16 =	simm.s32 @!p3 $0x0  }
0x25: {  	p0 =	slt.u32 s15, $0x2;
	s24 =	sadd.s32 s16, s14  }
0x26: {  	s17 =	smov.u32 s12;
	s20 =	simm.s32 @p1 $0x0;
	p1 =	sgt.s32 s24, $0x5  }
0x27: {  	s23 =	simm.s32 @!p0 $0x2;
	s24 =	simm.s32 @p1 $0x0;
	p1 =	sne.s32 s15, s8  }
.Ltmp1:
0x28: {  	s19 =	smov.u32 s13;
	_ =	swait.ge @!p0 [sflag:s23], $0x4000;
	(pc) =	sbr.rel @!p1 .LBB1_6-.Ltmp1, $4  }
0x29: {  	s18 =	smov.u32 s14;
	[sflag:s23] =	ssyncset.done @!p0 $0x0;
	s21 =	smov.u32 @p2 s2  }
0x2a: {  	s10 =	sadd.s32 $0x4000, s10;
	[sflag:s23] =	ssyncadd.s32 @!p0 $0xFFFFC000;
	s12 =	smov.u32 s21  }
0x2b: {  	s22 =	smov.u32 @p3 s7;
	s16 =	smov.u32 s11;
	s11 =	smov.u32 s20  }
0x2c: {  	s13 =	smov.u32 s22;
	s15 =	sadd.s32 $0x1, s15;
	s14 =	smov.u32 s24  }
.LBB1_1:
0x2d: {  	p0 =	sge.u32 s15, s5;
	s31 =	sadd.s32 $0xFFFFFFFF, s15  }
0x2e: {  	s20 =	sxor.u32 @!p0 $0xFFFFFFFF, s15;
	s21 =	sand.u32 @!p0 $0x78, s11;
	s22 =	sshll.u32 @!p0 s12, $0x9  }
0x2f: {  	s23 =	sshll.u32 @!p0 s11, $0x3;
	s24 =	sshll.u32 @!p0 s12, $0x7;
	s20 =	sshll.u32 @!p0 s20, $0xE  }
0x30: {  	s22 =	sand.u32 @!p0 $0x3F000, s22;
	s23 =	sand.u32 @!p0 $0x3FC00, s23;
	s20 =	sand.u32 @!p0 $0x4000, s20  }
0x31: {  	s22 =	sadd.s32 @!p0 s22, s23;
	s23 =	sand.u32 @!p0 $0x200, s24;
	s24 =	sand.u32 @!p0 $0x180, s24  }
0x32: {  	s22 =	sor.u32 @!p0 s23, s22;
	s21 =	sor.u32 @!p0 s21, s24;
	s23 =	sshll.u32 @!p0 s14, $0x12  }
0x33: {  	s24 =	sshll.u32 @!p0 s13, $0xF;
	s22 =	sshrl.u32 @!p0 s22, $0x3;
	s23 =	sadd.s32 @!p0 s3, s23  }
0x34: {  	s21 =	sshrl.u32 @!p0 s21, $0x3;
	s23 =	sadd.s32 @!p0 s24, s23;
	s24 =	sand.u32 @!p0 $0x7, s11  }
0x35: {  	s22 =	sand.u32 @!p0 $0x7FC0, s22;
	s21 =	sadd.s32 @!p0 s21, s23;
	s23 =	sshll.u32 @!p0 s24, $0x12  }
0x36: {  	s21 =	sadd.s32 @!p0 s22, s21;
	s22 =	sor.u32 @!p0 $0x400, s23;
	s23 =	simm.s32 @!p0 $0x1000  }
0x37: {  	[tilespmem:s20], [sflag:$0x1] =	stream.strided.gather @!p0 [hbm4b:s21+s22], $0x4000, s23, s22, $0x38;
	[tilespmem:$0x10000] =	vst v63  }
0x38: {  	p0 =	sge.u32 s31, s5  }
.Ltmp2:
0x39: {  	_ = 	snop;
	(pc) =	sbr.rel @p0 .LBB1_5-.Ltmp2, $1  }
0x3a: {  	_ =	sdelay $0x3  }
0x3b: {  	s20 =	sand.u32 $0x4000, s10  }
0x3c: {  	s21 =	sor.u32 $0x40, s20  }
0x3d: {  	v1 =	vmov s21;
	_ =	sdelay $0x1  }
0x3e: {  	_ =	swait.ge [sflag:s4], $0x4000  }
0x3f: {  	[sflag:s4] =	ssyncset.done $0x0  }
0x40: {  	s22 =	simm.s32 $0x0;
	[sflag:s4] =	ssyncadd.s32 $0xFFFFC000  }
0x41: {  	s20 =	sor.u32 $0x8070, s20;
	v7 =	vld.idx.msk [tilespmem:v1+s22+$0x30 ss:$0x1], $0xffff  }
0x42: {  	v0 =	vmov s20;
	v8 =	vld.idx.msk [tilespmem:v1+s22+$0xFFFFFFC0 ss:$0x1], $0xffff  }
0x43: {  	v6 =	vld.idx.msk [tilespmem:v1+s22+$0xFFFFFFD0 ss:$0x1], $0xffff  }
0x44: {  	v4 =	vld.idx.msk [tilespmem:v1+s22+$0xFFFFFFE0 ss:$0x1], $0xffff  }
0x45: {  	v2 =	vld.idx.msk [tilespmem:v1+s22+$0xFFFFFFF0 ss:$0x1], $0xffff  }
0x46: {  	s31 =	sshll.u32 s15, $0xE;
	v3 =	vld.idx.msk [tilespmem:v1+s22+$0x0 ss:$0x1], $0xffff  }
0x47: {  	s20 =	sand.u32 $0x4000, s31;
	v5 =	vld.idx.msk [tilespmem:v1+s22+$0x10 ss:$0x1], $0xffff;
	[tilespmem:v0+s22+$0x0 ss:$0x1] =	vst.idx.msk $0xffff, v7  }
0x48: {  	s23 =	simm.s32 $0x400;
	s21 =	simm.s32 $0x80;
	s20 =	sor.u32 $0x8000, s20;
	[tilespmem:v0+s22+$0xFFFFFF90 ss:$0x1] =	vst.idx.msk $0xffff, v8;
	v7 =	vld.idx.msk [tilespmem:v1+s22+$0x20 ss:$0x1], $0xffff  }
.LBB1_3:
0x49: {  	p0 =	sne.s32 s23, $0xFE00;
	v8 =	vld.idx.msk [tilespmem:v1+s21+$0x30 ss:$0x1], $0xffff;
	[tilespmem:v0+s22+$0xFFFFFFA0 ss:$0x1] =	vst.idx.msk $0xffff, v6  }
0x4a: {  	v9 =	vld.idx.msk [tilespmem:v1+s21+$0xFFFFFFC0 ss:$0x1], $0xffff;
	[tilespmem:v0+s22+$0xFFFFFFB0 ss:$0x1] =	vst.idx.msk $0xffff, v4  }
0x4b: {  	v6 =	vld.idx.msk [tilespmem:v1+s21+$0xFFFFFFD0 ss:$0x1], $0xffff;
	[tilespmem:v0+s22+$0xFFFFFFC0 ss:$0x1] =	vst.idx.msk $0xffff, v2  }
.Ltmp3:
0x4c: {  	v4 =	vld.idx.msk [tilespmem:v1+s21+$0xFFFFFFE0 ss:$0x1], $0xffff;
	[tilespmem:v0+s22+$0xFFFFFFD0 ss:$0x1] =	vst.idx.msk $0xffff, v3;
	(pc) =	sbr.rel @p0 .LBB1_3-.Ltmp3, $4  }
0x4d: {  	v2 =	vld.idx.msk [tilespmem:v1+s21+$0xFFFFFFF0 ss:$0x1], $0xffff;
	[tilespmem:v0+s22+$0xFFFFFFE0 ss:$0x1] =	vst.idx.msk $0xffff, v5  }
0x4e: {  	v3 =	vld.idx.msk [tilespmem:v1+s21+$0x0 ss:$0x1], $0xffff;
	[tilespmem:v0+s22+$0xFFFFFFF0 ss:$0x1] =	vst.idx.msk $0xffff, v7;
	s22 =	smov.u32 s21  }
0x4f: {  	v5 =	vld.idx.msk [tilespmem:v1+s22+$0x10 ss:$0x1], $0xffff;
	[tilespmem:v0+s22+$0x0 ss:$0x1] =	vst.idx.msk $0xffff, v8  }
0x50: {  	s21 =	sshra.s32 s23, $0x2;
	s23 =	sadd.s32 $0x200, s23;
	[tilespmem:v0+s22+$0xFFFFFF90 ss:$0x1] =	vst.idx.msk $0xffff, v9;
	v7 =	vld.idx.msk [tilespmem:v1+s22+$0x20 ss:$0x1], $0xffff  }
.Ltmp4:
0x51: {  	_ = 	snop;
	(pc) =	sbr.rel .LBB1_4-.Ltmp4, $1  }
0x52: {  	_ =	sdelay $0x3  }
.LBB1_6:
0x53: {  	_ =	sfence.sel $0x180000  }
0x54: {  	s2 =	simm.s32 $0x1;
	[bflag:$0x0] =	sbarrier.arrive $0xFFFF  }
0x55: {  	s31 =	simm.s32 $0x2;
	[sflag:s2] =	ssyncpa.u1 $0x1  }
0x56: {  	[sflag:s31] =	ssyncpa.u1 $0x1  }
0x57: {  	p0 =	sne.s32 s0, $0x0;
	_ =	strace $0x90000047  }
0x58: {  	s0 =	sadd.s32 @!p0 $0x100000, s1;
	[bflag:$0x2] =	sbarrier.arrive $0xFFFF  }
0x59: {  	[sflag:s0] =	ssyncadd.tile.s32 @!p0 $0x1;
	_ =	shalt  }
.Lfunc_end1:
_tile_overlayer_lowered:
.L_overlay_start_2:
0x5a: {  	(tag) =	ssettag $0x2  }
0x5b: {  	s0 =	rddreg [dreg:$0x0];
	s2 =	stileid.u32  }
0x5c: {  	s1 =	rddreg [dreg:$0x1];
	p0 =	sne.s32 s2, $0x0  }
0x5d: {  	s3 =	rddreg [dreg:$0x2];
	[bflag:$0x3] =	sbarrier.arrive $0xFFFF;
	s2 =	simm.s32 @!p0 $0x1C01  }
0x5e: {  	[timem:s3], [sflag:s2] =	dma.local @!p0 [hbm:s0], s1  }
0x5f: {  	s0 =	simm.s32 @!p0 $0x1  }
0x60: {  	_ =	swait.ge @!p0 [sflag:s0], s1  }
0x61: {  	s1 =	ssub.s32 @!p0 $0x0, s1;
	[sflag:s0] =	ssyncset.done @!p0 $0x0  }
0x62: {  	[sflag:s0] =	ssyncadd.s32 @!p0 s1  }
0x63: {  	[bflag:$0x3] =	sbarrier.arrive $0xFFFF  }
0x64: {  	_ =	shalt  }

// kernel: sparse-core-data-format-call.cloned.1.call-start
scs
called_computation_lowered:
.L_overlay_start_0:
0x0: {  	s1 =	sld [smem:$0x3FD9]  }
0x1: {  	s2 =	sld [smem:$0x3FFE];
	_ =	sdelay $0x1  }
0x2: {  	s3 =	srdreg.scid  }
0x3: {  	s0 =	sand.u32 $0x1, s3  }
0x4: {  	s17 =	sshll.u32 s0, $0xA;
	s1 =	sadd.s32 s2, s1  }
0x5: {  	s1 =	sadd.s32 s1, s17  }
0x6: {  	[smem:$0x3FBE] =	sst s1  }
0x7: {  	_ = 	snop  }
0x8: {  	(tm) =	ssettm $0x1  }
0x9: {  	s18 =	sld [smem:$0x3FFB];
	_ =	sdelay $0x3  }
0xa: {  	_ =	strace s18  }
0xb: {  	s1 =	sld [smem:$0x3FFC];
	_ =	sdelay $0x3  }
0xc: {  	_ =	strace s1  }
0xd: {  	s1 =	sld [smem:$0x3FFD];
	_ =	sdelay $0x3  }
0xe: {  	_ =	strace s1  }
0xf: {  	_ =	strace $0x8FFFFFFF  }
0x10: {  	s19 =	sld [smem:$0x3FDB];
	_ =	sdelay $0x1  }
0x11: {  	s20 =	simm.s32 $_scs_section_size  }
0x12: {  	s4 =	simm.s32 $_size__tile_overlayer_lowered;
	s5 =	simm.s32 $_tile_overlayer_lowered  }
0x13: {  	s23 =	simm.s32 $0x1BFF;
	s22 =	sshll.u32 s5, $0x1;
	s1 =	sadd.s32 s20, s19  }
0x14: {  	s6 =	simm.s32 $0x0;
	s21 =	sshll.u32 s4, $0x1;
	s4 =	sadd.s32 s22, s1  }
0x15: {  	[timem:s6], [sflag:s23] =	dma.local [hbm:s4], s21  }
0x16: {  	_ =	swait.ge [sflag:s23], s21  }
0x17: {  	s2 =	ssub.s32 $0x0, s21;
	[sflag:s23] =	ssyncset.done $0x0  }
0x18: {  	[sflag:s23] =	ssyncadd.s32 s2;
	_ =	sdelay $0x1  }
0x19: {  	s24 =	simm.s32 $0x1B8B  }
0x1a: {  	_ =	swait.ge [sflag:s24], $0x1  }
0x1b: {  	[sflag:s24] =	ssyncset.done $0x0  }
0x1c: {  	s26 =	simm.s32 $0x1B8E;
	s25 =	sld [smem:$0x3FFE];
	[sflag:s24] =	ssyncadd.s32 $0xFFFFFFFF  }
0x1d: {  	s27 =	simm.s32 $execute0_lowered;
	[smem:$0x3FD2] =	sst s26  }
0x1e: {  	s4 =	sshll.u32 s27, $0x1;
	_ =	strace $0x8000004F;
	[dreg:$0x1] =	wrdreg $0xFFFFFFFF  }
0x1f: {  	s28 =	simm.s32 $_size_execute0_lowered;
	s1 =	sadd.s32 s1, s4;
	[dreg:$0x0] =	wrdreg $0x0  }
0x20: {  	s4 =	sshll.u32 s28, $0x1;
	[dreg:$0x2] =	wrdreg s1  }
0x21: {  	[dreg:$0x3] =	wrdreg s4  }
0x22: {  	[dreg:$0x4] =	wrdreg $0xC0  }
0x23: {  	_ =	task [dreg:s6], $0x5FFFF  }
0x24: {  	[dreg:$0x1] =	wrdreg $0xFFFFFFFF  }
0x25: {  	[dreg:$0x0] =	wrdreg $0x60  }
0x26: {  	[dreg:$0x2] =	wrdreg s25  }
0x27: {  	[dreg:$0x3] =	wrdreg $0x9  }
0x28: {  	_ =	task.clear_ibuf [dreg:s6], $0x4FFFF;
	_ =	strace $0x9000004F  }
0x29: {  	s29 =	simm.s32 $0x9;
	_ =	strace $0x80000051  }
0x2a: {  	_ =	swait.ge [sflag:s29], $0x1  }
0x2b: {  	[sflag:s29] =	ssyncadd.s32 $0xFFFFFFFF  }
0x2c: {  	_ =	strace $0x90000051  }
0x2d: {  	_ =	sfence  }
0x2e: {  	s30 =	sld [smem:$0x0];
	_ =	sdelay $0x2  }
0x2f: {  	s31 =	sshll.u32 s3, $0xD;
	s3 =	sshrl.u32 s3, $0x2  }
0x30: {  	s2 =	sand.u32 $0x4000, s31;
	s1 =	sadd.s32 s3, s30  }
0x31: {  	s0 =	sor.u32 s2, s0;
	s1 =	sshll.u32 s1, $0x11  }
0x32: {  	s0 =	sor.u32 s1, s0  }
0x33: {  	s0 =	sadd.s32 $0x8F2B, s0  }
0x34: {  	[sflag:s0] =	ssyncadd.remote.s32 $0x1  }
0x35: {  	_ =	sfence.sel $0xFFFF  }
0x36: {  	[dreg:$0x0] =	wrdreg $0xFFFFFFFF;
	(pc) =	sbr.abs _section_cstart, $3  }
0x37: {  	[dreg:$0x1] =	wrdreg $0xFFFFFFFF  }
0x38: {  	_ =	task.clear_ibuf [dreg:s6], $0x2FFFF;
	_ =	strace $0x9FFFFFFF  }
0x39: {  	(tm) =	ssettm $0x7FFFFFFF  }
tec
execute0_lowered:
.L_overlay_start_1:
0x0: {  	(tag) =	ssettag $0x1  }
0x1: {  	s0 =	srdreg.scid  }
0x2: {  	s6 =	rddreg [dreg:$0x0];
	s7 =	simm.s32 $0x1;
	s1 =	sshll.u32 s0, $0x4  }
0x3: {  	s8 =	simm.s32 $0x2;
	s0 =	stileid.u32;
	s1 =	sand.u32 $0x10, s1  }
0x4: {  	s13 =	simm.s32 $0x0;
	s12 =	simm.s32 $0x0;
	s1 =	sor.u32 s0, s1  }
0x5: {  	s10 =	simm.s32 $0x0;
	s3 =	sadd.s32 $0x482600, s6;
	s2 =	sshll.u32 s1, $0x8  }
0x6: {  	s11 =	simm.s32 $0x0;
	s6 =	sadd.s32 $0x904A00, s6;
	s5 =	ssub.s32 $0xC0600, s2  }
.Ltmp0:
0x7: {  	s1 =	rddreg [dreg:$0x1];
	s4 =	sand.u32 $0x1F00, s5;
	(pc) =	sbr.rel .LBB1_1-.Ltmp0, $4  }
0x8: {  	_ =	strace $0x80000050;
	s9 =	smov.u32 s2;
	p0 =	sne.s32 s4, $0x0  }
0x9: {  	s5 =	sshrl.u32 s5, $0xD;
	s4 =	simm.s32 $0x1;
	s7 =	simm.s32 @!p0 $0x0  }
0xa: {  	[sflag:s4] =	ssyncpa.u1 $0x0;
	p0 =	por $0x0, $0x0;
	s5 =	sadd.s32 s7, s5  }
0xb: {  	[sflag:s8] =	ssyncpa.u1 $0x0;
	s8 =	simm.s32 $0x80;
	s7 =	sadd.s32 $0x1, s5  }
.LBB1_4:
0xc: {  	_ =	sdelay $0x3  }
0xd: {  	s21 =	sor.u32 s24, s23;
	v47 =	vld.idx.msk [tilespmem:v0+s16+$0x470 ss:$0x1], $0xffff  }
0xe: {  	v57 =	vld.idx.msk [tilespmem:v0+s21+$0x410 ss:$0x1], $0xffff  }
0xf: {  	v58 =	vld.idx.msk [tilespmem:v0+s21+$0x420 ss:$0x1], $0xffff  }
0x10: {  	[tilespmem:s18+$0x1860 ss:$0x41] =	vst.msk $0xffff, v8;
	v59 =	vld.idx.msk [tilespmem:v0+s21+$0x430 ss:$0x1], $0xffff  }
0x11: {  	[tilespmem:s18+$0x1C70 ss:$0x41] =	vst.msk $0xffff, v7;
	v60 =	vld.idx.msk [tilespmem:v0+s21+$0x440 ss:$0x1], $0xffff  }
0x12: {  	[tilespmem:s18+$0x2490 ss:$0x41] =	vst.msk $0xffff, v1;
	s22 =	sand.u32 $0x3B00, s21;
	v61 =	vld.idx.msk [tilespmem:v0+s21+$0x450 ss:$0x1], $0xffff  }
0x13: {  	s20 =	sand.u32 $0x80, s20;
	[tilespmem:s18+$0x28A0 ss:$0x41] =	vst.msk $0xffff, v2;
	v62 =	vld.idx.msk [tilespmem:v0+s21+$0x460 ss:$0x1], $0xffff;
	s15 =	sadd.s32 s22, s15  }
0x14: {  	[tilespmem:s18+$0x2CB0 ss:$0x41] =	vst.msk $0xffff, v3;
	v63 =	vld.idx.msk [tilespmem:v0+s21+$0x470 ss:$0x1], $0xffff;
	s15 =	sadd.s32 s20, s15  }
0x15: {  	[tilespmem:s18+$0x30C0 ss:$0x41] =	vst.msk $0xffff, v4;
	v48 =	vld [tilespmem:s15+$0x400]  }
0x16: {  	[tilespmem:s18+$0x34D0 ss:$0x41] =	vst.msk $0xffff, v5;
	v49 =	vld [tilespmem:s15+$0x0]  }
0x17: {  	s25 =	sshra.s32 s19, $0x2;
	[tilespmem:s18+$0x38E0 ss:$0x41] =	vst.msk $0xffff, v6;
	v50 =	vld [tilespmem:s15+$0x10]  }
0x18: {  	s16 =	sadd.s32 s25, s17;
	v51 =	vld [tilespmem:s15+$0x20];
	[tilespmem:s18+$0x3CF0 ss:$0x41] =	vst.msk $0xffff, v47  }
0x19: {  	v52 =	vld [tilespmem:s15+$0x30];
	[tilespmem:s16+$0x2490 ss:$0x41] =	vst.msk $0xffff, v57  }
0x1a: {  	v53 =	vld [tilespmem:s15+$0x40];
	[tilespmem:s16+$0x28A0 ss:$0x41] =	vst.msk $0xffff, v58  }
0x1b: {  	v54 =	vld [tilespmem:s15+$0x50];
	[tilespmem:s16+$0x2CB0 ss:$0x41] =	vst.msk $0xffff, v59  }
0x1c: {  	s13 =	sshll.u32 s13, $0x7;
	s26 =	sshll.u32 s12, $0x3;
	v55 =	vld [tilespmem:s15+$0x60];
	[tilespmem:s16+$0x30C0 ss:$0x41] =	vst.msk $0xffff, v60  }
0x1d: {  	s27 =	sand.u32 $0xFFFFFC00, s13;
	v56 =	vld [tilespmem:s15+$0x70];
	s15 =	sand.u32 $0xFFFFFC00, s26;
	[tilespmem:s16+$0x34D0 ss:$0x41] =	vst.msk $0xffff, v61  }
0x1e: {  	s13 =	sand.u32 $0x380, s13;
	s15 =	sadd.s32 s15, s27;
	[tilespmem:s16+$0x38E0 ss:$0x41] =	vst.msk $0xffff, v62  }
0x1f: {  	s13 =	sor.u32 s13, s15;
	[tilespmem:s16+$0x3CF0 ss:$0x41] =	vst.msk $0xffff, v63  }
0x20: {  	s13 =	sshrl.u32 s13, $0x7;
	[tilespmem:s16+$0x2080 ss:$0x41] =	vst.msk $0xffff, v48  }
0x21: {  	s28 =	smulhi.u32 $0x154AB, s13;
	[tilespmem:s16+$0x0 ss:$0x41] =	vst.msk $0xffff, v49  }
0x22: {  	[tilespmem:s16+$0x410 ss:$0x41] =	vst.msk $0xffff, v50  }
0x23: {  	[tilespmem:s16+$0x820 ss:$0x41] =	vst.msk $0xffff, v51;
	s15 =	sshrl.u32 s28, $0x4  }
0x24: {  	[tilespmem:s16+$0xC30 ss:$0x41] =	vst.msk $0xffff, v52;
	s15 =	smul.u32 $0xC0600, s15  }
0x25: {  	s29 =	sshrl.u32 s12, $0x3;
	[tilespmem:s16+$0x1040 ss:$0x41] =	vst.msk $0xffff, v53  }
0x26: {  	s31 =	sand.u32 $0x7, s12;
	s30 =	sand.u32 $0xF, s29;
	[tilespmem:s16+$0x1450 ss:$0x41] =	vst.msk $0xffff, v54;
	s13 =	ssub.s32 s13, s15  }
0x27: {  	s12 =	sshll.u32 s31, $0x12;
	[tilespmem:s16+$0x1860 ss:$0x41] =	vst.msk $0xffff, v55;
	s15 =	sadd.s32 s6, s30;
	s13 =	sshll.u32 s13, $0x4  }
0x28: {  	s12 =	sor.u32 $0x40, s12;
	[tilespmem:s16+$0x1C70 ss:$0x41] =	vst.msk $0xffff, v56;
	s13 =	sadd.s32 s13, s15  }
0x29: {  	[hbm4b:s13+s12] =	stream.strided.scatter [tilespmem:s14], [sflag:$0x2], $0x4000, s8, s12, $0x18;
	[tilespmem:$0x10200] =	vst v63  }
.LBB1_5:
0x2a: {  	s14 =	sadd.s32 $0x2000, s9  }
0x2b: {  	s12 =	sadd.s32 $0x40, s10;
	s16 =	smov.u32 s10;
	p2 =	sgt.s32 s14, $0xC05FF  }
0x2c: {  	s16 =	smov.u32 @p2 s12  }
0x2d: {  	s14 =	smov.u32 @p2 s2;
	p2 =	sgt.s32 s16, $0x2F  }
0x2e: {  	s16 =	simm.s32 @p2 $0x0;
	p2 =	sne.s32 s11, s7  }
.Ltmp1:
0x2f: {  	p1 =	slt.u32 s11, $0x2;
	(pc) =	sbr.rel @!p2 .LBB1_6-.Ltmp1, $4  }
0x30: {  	s15 =	simm.s32 @!p1 $0x2  }
0x31: {  	s13 =	smov.u32 s9;
	p0 =	por !p0, !p0;
	_ =	swait.ge @!p1 [sflag:s15], $0x4000  }
0x32: {  	s12 =	smov.u32 s10;
	[sflag:s15] =	ssyncset.done @!p1 $0x0;
	s9 =	smov.u32 s14  }
0x33: {  	s11 =	sadd.s32 $0x1, s11;
	[sflag:s15] =	ssyncadd.s32 @!p1 $0xFFFFC000;
	s10 =	smov.u32 s16  }
.LBB1_1:
0x34: {  	p1 =	sge.u32 s11, s5  }
0x35: {  	s14 =	sshrl.u32 @!p1 s10, $0x3  }
0x36: {  	s15 =	sshll.u32 @!p1 s9, $0x3;
	s14 =	smul.u32 @!p1 $0x603000, s14  }
0x37: {  	s16 =	sshll.u32 @!p1 s10, $0x7;
	s15 =	sand.u32 @!p1 $0xFFFFFC00, s15  }
0x38: {  	s19 =	smov.u32 s9;
	s14 =	sadd.s32 @!p1 s14, s15;
	s15 =	sand.u32 @!p1 $0x380, s16  }
0x39: {  	s31 =	sadd.s32 $0xFFFFFFFF, s11;
	s17 =	sand.u32 @!p1 $0x7F, s9;
	s14 =	sor.u32 @!p1 s15, s14  }
0x3a: {  	p2 =	sgt.s32 @!p1 s10, $0xFFFFFFF0;
	s18 =	sshra.s32 @!p1 s10, $0x1F;
	s15 =	smulhi.u32 @!p1 $0xAA557FEB, s14  }
0x3b: {  	s20 =	sshra.s32 @!p1 s9, $0x1F;
	p2 =	por !p2, p1;
	s18 =	sand.u32 @!p1 s18, s10  }
0x3c: {  	s14 =	sor.u32 @!p1 s17, s14;
	s17 =	smov.u32 s10;
	s15 =	sshrl.u32 @!p1 s15, $0x13  }
0x3d: {  	s17 =	simm.s32 @p2 $0xFFFFFFF0;
	p2 =	sgt.s32 @!p1 s9, $0xC0500;
	s16 =	smul.u32 @!p1 $0xAAB, s15  }
0x3e: {  	p2 =	por !p2, p1;
	s17 =	ssub.s32 @!p1 s17, s18;
	s18 =	sand.u32 @!p1 s20, s9  }
0x3f: {  	s20 =	smulhi.u32 @!p1 $0xAA557FEB, s14;
	s19 =	simm.s32 @p2 $0xC0500;
	s16 =	sshrl.u32 @!p1 s16, $0x11  }
0x40: {  	s18 =	ssub.s32 @!p1 s19, s18;
	s19 =	sadd.s32 @!p1 $0x10, s17;
	s16 =	smul.u32 @!p1 $0x30, s16  }
0x41: {  	s17 =	ssub.s32 @!p1 $0x30, s17;
	p2 =	sgt.s32 @!p1 s19, $0x3F;
	s19 =	sshrl.u32 @!p1 s20, $0x13  }
0x42: {  	p2 =	por !p2, p1;
	s15 =	ssub.s32 @!p1 s15, s16;
	s16 =	sadd.s32 @!p1 $0xFFF3FB00, s18  }
0x43: {  	s19 =	smul.u32 @!p1 $0xC0600, s19;
	s17 =	simm.s32 @!p2 $0x0;
	p3 =	sgt.s32 @!p1 s16, $0xFF  }
0x44: {  	s18 =	ssub.s32 @!p1 $0xC0600, s18;
	s15 =	sand.u32 @!p1 $0xFFFF, s15;
	p3 =	por !p3, p1  }
0x45: {  	s16 =	sxor.u32 @!p1 $0xFFFFFFFF, s11;
	s15 =	smul.u32 @!p1 $0x180C0, s15;
	s18 =	simm.s32 @!p3 $0x0  }
0x46: {  	s14 =	ssub.s32 @!p1 s14, s19;
	s16 =	sshll.u32 @!p1 s16, $0xE;
	s17 =	smul.u32 @!p1 s17, s18  }
0x47: {  	s16 =	sand.u32 @!p1 $0x4000, s16;
	s18 =	sshrl.u32 @!p1 s14, $0x3;
	s14 =	sand.u32 @!p1 $0x7, s14  }
0x48: {  	s18 =	sadd.s32 @!p1 s3, s18;
	s14 =	sshll.u32 @!p1 s14, $0x12;
	s17 =	sand.u32 @!p1 $0x3FFFFFFF, s17  }
0x49: {  	s15 =	sadd.s32 @!p1 s15, s18;
	s14 =	sor.u32 @!p1 $0x800, s14;
	s18 =	simm.s32 @!p1 $0x603000  }
0x4a: {  	[tilespmem:s16], [sflag:$0x1] =	stream.strided.gather @!p1 [hbm4b:s15+s14], s17, s18, s14, $0x38;
	[tilespmem:$0x10200] =	vst v63  }
0x4b: {  	p1 =	sge.u32 s31, s5  }
.Ltmp2:
0x4c: {  	_ = 	snop;
	(pc) =	sbr.rel @p1 .LBB1_5-.Ltmp2, $1  }
0x4d: {  	_ =	sdelay $0x3  }
0x4e: {  	p1 =	sgt.s32 s12, $0xFFFFFFF0  }
0x4f: {  	s14 =	smov.u32 s12;
	s15 =	sshra.s32 s12, $0x1F;
	s16 =	smov.u32 s13  }
0x50: {  	s17 =	sshra.s32 s13, $0x1F;
	s14 =	simm.s32 @!p1 $0xFFFFFFF0;
	p1 =	sgt.s32 s13, $0xC0500  }
0x51: {  	s15 =	sand.u32 s15, s12;
	s26 =	sand.u32 s17, s13;
	s16 =	simm.s32 @!p1 $0xC0500  }
0x52: {  	s14 =	ssub.s32 s14, s15;
	s15 =	ssub.s32 s16, s26  }
0x53: {  	s27 =	sadd.s32 $0x10, s14;
	s14 =	ssub.s32 $0x30, s14;
	s16 =	sadd.s32 $0xFFF3FB00, s15  }
0x54: {  	p1 =	sgt.s32 s27, $0x3F;
	s15 =	ssub.s32 $0xC0600, s15;
	p2 =	sgt.s32 s16, $0xFF  }
0x55: {  	s19 =	sand.u32 $0x1, s11;
	s14 =	simm.s32 @p1 $0x0;
	s15 =	simm.s32 @p2 $0x0  }
0x56: {  	s14 =	smul.u32 s14, s15;
	s15 =	sshll.u32 s19, $0xE  }
0x57: {  	v0 =	vmov s15  }
0x58: {  	s29 =	simm.s32 $0x0;
	s14 =	sand.u32 $0x3FFFFFFF, s14  }
0x59: {  	s30 =	sand.u32 $0x3800, s29;
	_ =	swait.ge [sflag:s4], s14  }
0x5a: {  	s18 =	sand.u32 $0x380, s29;
	s28 =	ssub.s32 $0x0, s14;
	[sflag:s4] =	ssyncset.done $0x0  }
0x5b: {  	s16 =	sor.u32 s18, s30;
	[sflag:s4] =	ssyncadd.s32 s28  }
0x5c: {  	s17 =	sand.u32 $0x3B00, s16;
	v1 =	vld.idx.msk [tilespmem:v0+s16+$0x410 ss:$0x1], $0xffff  }
0x5d: {  	s18 =	simm.s32 $0x1;
	s17 =	sadd.s32 s17, s15;
	s14 =	sand.u32 $0x80, s29;
	v2 =	vld.idx.msk [tilespmem:v0+s16+$0x420 ss:$0x1], $0xffff  }
0x5e: {  	s18 =	simm.s32 @!p0 $0x0;
	s14 =	sadd.s32 s14, s17;
	v3 =	vld.idx.msk [tilespmem:v0+s16+$0x430 ss:$0x1], $0xffff  }
0x5f: {  	s31 =	smul.u32 $0x10400, s18;
	v4 =	vld [tilespmem:s14+$0x400]  }
0x60: {  	v5 =	vld [tilespmem:s14+$0x0]  }
0x61: {  	s17 =	sshrl.u32 s31, $0x2;
	v6 =	vld [tilespmem:s14+$0x10]  }
0x62: {  	s17 =	sor.u32 $0x8000, s17;
	v7 =	vld [tilespmem:s14+$0x20]  }
0x63: {  	s18 =	sadd.s32 $0x0, s17;
	v9 =	vld [tilespmem:s14+$0x30]  }
0x64: {  	v10 =	vld [tilespmem:s14+$0x40];
	[tilespmem:s18+$0x2080 ss:$0x41] =	vst.msk $0xffff, v4  }
0x65: {  	v11 =	vld [tilespmem:s14+$0x50];
	[tilespmem:s18+$0x0 ss:$0x41] =	vst.msk $0xffff, v5  }
0x66: {  	v8 =	vld [tilespmem:s14+$0x60];
	[tilespmem:s18+$0x410 ss:$0x41] =	vst.msk $0xffff, v6  }
0x67: {  	s19 =	smul.u32 $0x10400, s19;
	[tilespmem:s18+$0x820 ss:$0x41] =	vst.msk $0xffff, v7;
	v7 =	vld [tilespmem:s14+$0x70]  }
0x68: {  	s20 =	simm.s32 $0x80;
	s21 =	simm.s32 $0x100;
	[tilespmem:s18+$0xC30 ss:$0x41] =	vst.msk $0xffff, v9;
	v4 =	vld.idx.msk [tilespmem:v0+s16+$0x440 ss:$0x1], $0xffff  }
0x69: {  	s22 =	simm.s32 $0x8;
	s23 =	sand.u32 $0x3800, s21;
	s19 =	sshrl.u32 s19, $0x2;
	[tilespmem:s18+$0x1040 ss:$0x41] =	vst.msk $0xffff, v10;
	v5 =	vld.idx.msk [tilespmem:v0+s16+$0x450 ss:$0x1], $0xffff  }
0x6a: {  	s24 =	sand.u32 $0x380, s20;
	s14 =	sor.u32 $0x8000, s19;
	s19 =	simm.s32 $0x4;
	[tilespmem:s18+$0x1450 ss:$0x41] =	vst.msk $0xffff, v11;
	v6 =	vld.idx.msk [tilespmem:v0+s16+$0x460 ss:$0x1], $0xffff  }
.LBB1_3:
0x6b: {  	p1 =	sne.s32 s22, $0xFC;
	[tilespmem:s18+$0x1860 ss:$0x41] =	vst.msk $0xffff, v8;
	v8 =	vld.idx.msk [tilespmem:v0+s16+$0x470 ss:$0x1], $0xffff;
	s16 =	sor.u32 s24, s23  }
0x6c: {  	s23 =	sand.u32 $0x3B00, s16;
	v9 =	vld.idx.msk [tilespmem:v0+s16+$0x410 ss:$0x1], $0xffff;
	[tilespmem:s18+$0x1C70 ss:$0x41] =	vst.msk $0xffff, v7  }
0x6d: {  	s24 =	sand.u32 $0x80, s20;
	s23 =	sadd.s32 s23, s15;
	v7 =	vld.idx.msk [tilespmem:v0+s16+$0x420 ss:$0x1], $0xffff;
	[tilespmem:s18+$0x2490 ss:$0x41] =	vst.msk $0xffff, v1  }
0x6e: {  	s23 =	sadd.s32 s24, s23;
	v10 =	vld.idx.msk [tilespmem:v0+s16+$0x430 ss:$0x1], $0xffff;
	[tilespmem:s18+$0x28A0 ss:$0x41] =	vst.msk $0xffff, v2  }
0x6f: {  	v11 =	vld [tilespmem:s23+$0x400];
	[tilespmem:s18+$0x2CB0 ss:$0x41] =	vst.msk $0xffff, v3  }
0x70: {  	v12 =	vld [tilespmem:s23+$0x0];
	[tilespmem:s18+$0x30C0 ss:$0x41] =	vst.msk $0xffff, v4  }
0x71: {  	v4 =	vld [tilespmem:s23+$0x10];
	[tilespmem:s18+$0x34D0 ss:$0x41] =	vst.msk $0xffff, v5  }
0x72: {  	s24 =	sshra.s32 s19, $0x2;
	s19 =	smov.u32 s22;
	v1 =	vmov v9;
	v5 =	vld [tilespmem:s23+$0x20];
	[tilespmem:s18+$0x38E0 ss:$0x41] =	vst.msk $0xffff, v6  }
0x73: {  	v2 =	vmov v7;
	v6 =	vld [tilespmem:s23+$0x30];
	[tilespmem:s18+$0x3CF0 ss:$0x41] =	vst.msk $0xffff, v8;
	s18 =	sadd.s32 s24, s17  }
0x74: {  	v3 =	vmov v10;
	v9 =	vld [tilespmem:s23+$0x40];
	[tilespmem:s18+$0x2080 ss:$0x41] =	vst.msk $0xffff, v11  }
0x75: {  	[tilespmem:s18+$0x0 ss:$0x41] =	vst.msk $0xffff, v12;
	v10 =	vld [tilespmem:s23+$0x50]  }
.Ltmp3:
0x76: {  	[tilespmem:s18+$0x410 ss:$0x41] =	vst.msk $0xffff, v4;
	v8 =	vld [tilespmem:s23+$0x60];
	(pc) =	sbr.rel @p1 .LBB1_3-.Ltmp3, $4  }
0x77: {  	[tilespmem:s18+$0x820 ss:$0x41] =	vst.msk $0xffff, v5;
	v7 =	vld [tilespmem:s23+$0x70]  }
0x78: {  	[tilespmem:s18+$0xC30 ss:$0x41] =	vst.msk $0xffff, v6;
	v4 =	vld.idx.msk [tilespmem:v0+s16+$0x440 ss:$0x1], $0xffff  }
0x79: {  	s20 =	sadd.s32 $0x80, s20;
	s21 =	sadd.s32 $0x100, s21;
	[tilespmem:s18+$0x1040 ss:$0x41] =	vst.msk $0xffff, v9;
	v5 =	vld.idx.msk [tilespmem:v0+s16+$0x450 ss:$0x1], $0xffff  }
0x7a: {  	s22 =	sadd.s32 $0x4, s22;
	s24 =	sand.u32 $0x380, s20;
	s23 =	sand.u32 $0x3800, s21;
	[tilespmem:s18+$0x1450 ss:$0x41] =	vst.msk $0xffff, v10;
	v6 =	vld.idx.msk [tilespmem:v0+s16+$0x460 ss:$0x1], $0xffff  }
.Ltmp4:
0x7b: {  	_ = 	snop;
	(pc) =	sbr.rel .LBB1_4-.Ltmp4, $1  }
0x7c: {  	_ =	sdelay $0x3  }
.LBB1_6:
0x7d: {  	_ =	sfence.sel $0x180000  }
0x7e: {  	s2 =	simm.s32 $0x1;
	[bflag:$0x0] =	sbarrier.arrive $0xFFFF  }
0x7f: {  	s31 =	simm.s32 $0x2;
	[sflag:s2] =	ssyncpa.u1 $0x1  }
0x80: {  	[sflag:s31] =	ssyncpa.u1 $0x1  }
0x81: {  	p0 =	sne.s32 s0, $0x0;
	_ =	strace $0x90000050  }
0x82: {  	s0 =	sadd.s32 @!p0 $0x100000, s1;
	[bflag:$0x2] =	sbarrier.arrive $0xFFFF  }
0x83: {  	[sflag:s0] =	ssyncadd.tile.s32 @!p0 $0x1;
	_ =	shalt  }
.Lfunc_end1:
_tile_overlayer_lowered:
.L_overlay_start_2:
0x84: {  	(tag) =	ssettag $0x2  }
0x85: {  	s0 =	rddreg [dreg:$0x0];
	s2 =	stileid.u32  }
0x86: {  	s1 =	rddreg [dreg:$0x1];
	p0 =	sne.s32 s2, $0x0  }
0x87: {  	s3 =	rddreg [dreg:$0x2];
	[bflag:$0x3] =	sbarrier.arrive $0xFFFF;
	s2 =	simm.s32 @!p0 $0x1C01  }
0x88: {  	[timem:s3], [sflag:s2] =	dma.local @!p0 [hbm:s0], s1  }
0x89: {  	s0 =	simm.s32 @!p0 $0x1  }
0x8a: {  	_ =	swait.ge @!p0 [sflag:s0], s1  }
0x8b: {  	s1 =	ssub.s32 @!p0 $0x0, s1;
	[sflag:s0] =	ssyncset.done @!p0 $0x0  }
0x8c: {  	[sflag:s0] =	ssyncadd.s32 @!p0 s1  }
0x8d: {  	[bflag:$0x3] =	sbarrier.arrive $0xFFFF  }
0x8e: {  	_ =	shalt  }

</sc_bundles>
